<compile_context>
chip_gen: v7x
topology: tpu7x:2x2x1
jax: 0.10.2.dev20260603
libtpu: 0.0.44.dev20260713+nightly
codegen_flags: <defaults>
</compile_context>

<pallas_src>
import jax
import jax.numpy as jnp
from jax import lax
from jax.experimental import pallas as pl
from jax.experimental.pallas import tpu as pltpu
from jax.experimental.pallas import tpu_sc as plsc

L = 16
NC = 2
NS = 16
NW = NC * NS
E = 512
QG = 512
NSTEP = 32768 // E


def _resample_body(table_hbm, grid_hbm, out_hbm,
                   xv0, yv0, zv0, idx0, rows0,
                   xv1, yv1, zv1, idx1, rows1,
                   out_v, sem0, sem1):
    wid = lax.axis_index("s") * NC + lax.axis_index("c")
    slab = wid * 32768

    iota = lax.iota(jnp.int32, L)
    half = jnp.where(iota >= 8, 1, 0)
    col = iota & 7

    def quant(q):
        tq = q.astype(jnp.int32)
        q0 = jnp.where(q < tq.astype(jnp.float32), tq - 1, tq)
        return jnp.clip(q0, 0, 31), jnp.clip(q0 + 1, 0, 31)

    def fire(s, xv, yv, zv, idx_v, rows_v, sem):
        vbase = s * E
        pltpu.sync_copy(grid_hbm.at[wid, 0, pl.ds(vbase, E)], xv)
        pltpu.sync_copy(grid_hbm.at[wid, 1, pl.ds(vbase, E)], yv)
        pltpu.sync_copy(grid_hbm.at[wid, 2, pl.ds(vbase, E)], zv)

        def phase_a(t, c_):
            sl = pl.ds(t * L, L)
            xq = ((xv[sl] + 1.0) * 30.0) * 0.5
            yq = ((yv[sl] + 1.0) * 30.0) * 0.5
            zq = ((zv[sl] + 1.0) * 30.0) * 0.5
            x0c, x1c = quant(xq)
            y0c, y1c = quant(yq)
            z0c, z1c = quant(zq)
            xv[sl] = xq - x0c.astype(jnp.float32)
            yv[sl] = y1c.astype(jnp.float32) - yq
            zv[sl] = zq - z0c.astype(jnp.float32)
            a0 = slab + y1c * 1024
            a1 = slab + y0c * 1024
            b0 = x0c * 32
            b1 = x1c * 32
            idx_v[0, sl] = a0 + b0 + z0c
            idx_v[1, sl] = a0 + b0 + z1c
            idx_v[2, sl] = a1 + b0 + z0c
            idx_v[3, sl] = a1 + b0 + z1c
            idx_v[4, sl] = a0 + b1 + z0c
            idx_v[5, sl] = a0 + b1 + z1c
            idx_v[6, sl] = a1 + b1 + z0c
            idx_v[7, sl] = a1 + b1 + z1c
            return c_

        lax.fori_loop(0, E // L, phase_a, 0)

        for q in range(E // QG):
            for c8 in range(8):
                pltpu.async_copy(
                    table_hbm.at[idx_v.at[c8, pl.ds(q * QG, QG)]],
                    rows_v.at[pl.ds(c8 * E + q * QG, QG), :], sem)

    def drain(rows_v, sem):
        pltpu.make_async_copy(table_hbm.at[pl.ds(0, 8 * E), :],
                              rows_v, sem).wait()

    def blend(s, xv, yv, zv, rows_v):
        vbase = s * E

        def pair_block(p):
            pr = 2 * p + half
            xd = plsc.load_gather(xv, [pr])
            yd = plsc.load_gather(yv, [pr])
            zd = plsc.load_gather(zv, [pr])
            a00 = (1.0 - yd) * (1.0 - zd)
            a01 = (1.0 - yd) * zd
            a10 = yd * (1.0 - zd)
            a11 = yd * zd
            u0 = 1.0 - xd
            r0 = plsc.load_gather(rows_v, [pr, col])
            r1 = plsc.load_gather(rows_v, [E + pr, col])
            r2 = plsc.load_gather(rows_v, [2 * E + pr, col])
            r3 = plsc.load_gather(rows_v, [3 * E + pr, col])
            r4 = plsc.load_gather(rows_v, [4 * E + pr, col])
            r5 = plsc.load_gather(rows_v, [5 * E + pr, col])
            r6 = plsc.load_gather(rows_v, [6 * E + pr, col])
            r7 = plsc.load_gather(rows_v, [7 * E + pr, col])
            t0 = (u0 * a00) * r0 + (u0 * a01) * r1
            t1 = (u0 * a10) * r2 + (u0 * a11) * r3
            t2 = (xd * a00) * r4 + (xd * a01) * r5
            t3 = (xd * a10) * r6 + (xd * a11) * r7
            out_v[pl.ds(p * L, L)] = (t0 + t1) + (t2 + t3)

        def phase_c(j, c_):
            pair_block(2 * j)
            pair_block(2 * j + 1)
            return c_

        lax.fori_loop(0, E // 4, phase_c, 0)
        pltpu.sync_copy(out_v, out_hbm.at[pl.ds((slab + vbase) * 8, E * 8)])

    fire(0, xv0, yv0, zv0, idx0, rows0, sem0)

    def outer(i, carry):
        ss = 2 * i
        fire(ss + 1, xv1, yv1, zv1, idx1, rows1, sem1)
        drain(rows0, sem0)
        blend(ss, xv0, yv0, zv0, rows0)
        fire(ss + 2, xv0, yv0, zv0, idx0, rows0, sem0)
        drain(rows1, sem1)
        blend(ss + 1, xv1, yv1, zv1, rows1)
        return carry

    lax.fori_loop(0, NSTEP // 2 - 1, outer, 0)

    fire(NSTEP - 1, xv1, yv1, zv1, idx1, rows1, sem1)
    drain(rows0, sem0)
    blend(NSTEP - 2, xv0, yv0, zv0, rows0)
    drain(rows1, sem1)
    blend(NSTEP - 1, xv1, yv1, zv1, rows1)


def kernel(input_fmap, theta):
    B, P, H, W, D, C = input_fmap.shape
    N = B * P * H * W * D
    table = input_fmap.reshape(N, C)

    theta_r = theta.reshape(B, P, 3, 4).astype(jnp.float32)
    x = jnp.linspace(-1.0, 1.0, W)
    y = jnp.linspace(-1.0, 1.0, H)
    z = jnp.linspace(-1.0, 1.0, D)
    x_t, y_t, z_t = jnp.meshgrid(x, y, z)
    ones = jnp.ones_like(x_t.reshape(-1))
    sampling_grid = jnp.stack(
        [x_t.reshape(-1), y_t.reshape(-1), z_t.reshape(-1), ones])
    sampling_grid = jnp.broadcast_to(
        sampling_grid[None, None],
        (B, P, 4, sampling_grid.shape[-1])).astype(jnp.float32)
    batch_grids = jnp.einsum('bpij,bpjn->bpin', theta_r, sampling_grid)
    grid = batch_grids.reshape(B * P, 3, H * W * D)

    mesh = plsc.VectorSubcoreMesh(core_axis_name="c", subcore_axis_name="s",
                                  num_cores=NC, num_subcores=NS)
    buf = lambda: [pltpu.VMEM((E,), jnp.float32),
                   pltpu.VMEM((E,), jnp.float32),
                   pltpu.VMEM((E,), jnp.float32),
                   pltpu.VMEM((8, E), jnp.int32),
                   pltpu.VMEM((8 * E, 8), jnp.float32)]
    out = pl.kernel(
        _resample_body,
        out_type=jax.ShapeDtypeStruct((N * C,), jnp.float32),
        mesh=mesh,
        compiler_params=pltpu.CompilerParams(needs_layout_passes=False,
                                             use_tc_tiling_on_sc=False),
        scratch_types=buf() + buf() + [
            pltpu.VMEM((E * 8,), jnp.float32),
            pltpu.SemaphoreType.DMA,
            pltpu.SemaphoreType.DMA,
        ],
    )(table, grid)
    return out.reshape(B, P, H, W, D, C)

# --- scband reference (transcript-rebuilt; emitter-appended) ---
"""Pipeline reference for scband-resampling-88854283419709 (READ-ONLY COPY).

The authoritative reference and input builder live on the scoring server;
editing this copy changes nothing except your own understanding.
"""

import jax, jax.numpy as jnp
import numpy as np


def setup_inputs(seed: int = 0) -> dict:
    key = jax.random.key(seed)
    k1, k2 = jax.random.split(key)
    input_fmap = jax.random.normal(k1, (4, 8, 32, 32, 32, 8), dtype=jnp.float32)
    theta = jax.random.normal(k2, (4, 96), dtype=jnp.float32)
    return {"input_fmap": input_fmap, "theta": theta}


def _affine_grid_generator(input_fmap, theta):
    B, P, H, W, D, C = input_fmap.shape
    theta = theta.reshape(B, P, 3, 4).astype(jnp.float32)
    x = jnp.linspace(-1.0, 1.0, W)
    y = jnp.linspace(-1.0, 1.0, H)
    z = jnp.linspace(-1.0, 1.0, D)
    x_t, y_t, z_t = jnp.meshgrid(x, y, z)  # 'xy' indexing, each (H, W, D)
    x_t_flat = x_t.reshape(-1)
    y_t_flat = y_t.reshape(-1)
    z_t_flat = z_t.reshape(-1)
    ones = jnp.ones_like(x_t_flat)
    sampling_grid = jnp.stack([x_t_flat, y_t_flat, z_t_flat, ones])  # (4, H*W*D)
    sampling_grid = jnp.broadcast_to(sampling_grid[None, None], (B, P, 4, sampling_grid.shape[-1])).astype(jnp.float32)
    batch_grids = jnp.einsum('bpij,bpjn->bpin', theta, sampling_grid)
    return batch_grids.reshape(B, P, 3, H, W, D)


def _get_voxel_value(input_fmap, x, y, z):
    # emulates tf.gather_nd(input_fmap, stack([y, x, z], -1), batch_dims=2)
    B, P, H, W, D, C = input_fmap.shape
    fm = input_fmap.reshape(B * P, H * W * D, C)
    lin = ((y * W + x) * D + z).reshape(B * P, H * W * D)
    out = jnp.take_along_axis(fm, lin[:, :, None], axis=1)
    return out.reshape(B, P, H, W, D, C)


def _trilinear_sampler(input_fmap, x, y, z):
    B, P, H, W, D, C = input_fmap.shape
    max_x = W - 1
    max_y = H - 1
    max_z = D - 1
    x = 0.5 * ((x + 1.0) * float(max_x - 1))
    y = 0.5 * ((y + 1.0) * float(max_y - 1))
    z = 0.5 * ((z + 1.0) * float(max_z - 1))
    x0 = jnp.floor(x).astype(jnp.int32)
    x1 = x0 + 1
    y0 = jnp.floor(y).astype(jnp.int32)
    y1 = y0 + 1
    z0 = jnp.floor(z).astype(jnp.int32)
    z1 = z0 + 1
    x0 = jnp.clip(x0, 0, max_x)
    x1 = jnp.clip(x1, 0, max_x)
    y0 = jnp.clip(y0, 0, max_y)
    y1 = jnp.clip(y1, 0, max_y)
    z0 = jnp.clip(z0, 0, max_z)
    z1 = jnp.clip(z1, 0, max_z)
    c000 = _get_voxel_value(input_fmap, x0, y1, z0)
    c001 = _get_voxel_value(input_fmap, x0, y1, z1)
    c010 = _get_voxel_value(input_fmap, x0, y0, z0)
    c011 = _get_voxel_value(input_fmap, x0, y0, z1)
    c100 = _get_voxel_value(input_fmap, x1, y1, z0)
    c101 = _get_voxel_value(input_fmap, x1, y1, z1)
    c110 = _get_voxel_value(input_fmap, x1, y0, z0)
    c111 = _get_voxel_value(input_fmap, x1, y0, z1)
    xd = (x - x0.astype(jnp.float32))[..., None]
    yd = (y1.astype(jnp.float32) - y)[..., None]
    zd = (z - z0.astype(jnp.float32))[..., None]
    out = (c000 * (1 - xd) * (1 - yd) * (1 - zd)
           + c100 * xd * (1 - yd) * (1 - zd)
           + c010 * (1 - xd) * yd * (1 - zd)
           + c001 * (1 - xd) * (1 - yd) * zd
           + c101 * xd * (1 - yd) * zd
           + c011 * (1 - xd) * yd * zd
           + c110 * xd * yd * (1 - zd)
           + c111 * xd * yd * zd)
    return out


def reference(input_fmap, theta):
    batch_grids = _affine_grid_generator(input_fmap, theta)
    x_s = batch_grids[:, :, 0, :, :, :]
    y_s = batch_grids[:, :, 1, :, :, :]
    z_s = batch_grids[:, :, 2, :, :, :]
    return _trilinear_sampler(input_fmap, x_s, y_s, z_s)

if __name__ == "__main__":
    import jax
    _d = setup_inputs()
    print(jax.jit(kernel)(*tuple(_d.values())))

</pallas_src>

<mosaic_0001>
#map = affine_map<(d0, d1) -> (0, 0)>
#map1 = affine_map<(d0, d1) -> (0, 0, 0)>
#map2 = affine_map<(d0, d1) -> (0)>
module attributes {stable_mosaic.version = 14 : i64} {
  func.func @_resample_body(%arg0: i32, %arg1: i32, %arg2: memref<1048576x8xf32, #tpu.memory_space<hbm>>, %arg3: memref<32x3x32768xf32, #tpu.memory_space<hbm>>, %arg4: memref<8388608xf32, #tpu.memory_space<hbm>>, %arg5: memref<512xf32, #tpu.memory_space<vmem>>, %arg6: memref<512xf32, #tpu.memory_space<vmem>>, %arg7: memref<512xf32, #tpu.memory_space<vmem>>, %arg8: memref<8x512xi32, #tpu.memory_space<vmem>>, %arg9: memref<4096x8xf32, #tpu.memory_space<vmem>>, %arg10: memref<512xf32, #tpu.memory_space<vmem>>, %arg11: memref<512xf32, #tpu.memory_space<vmem>>, %arg12: memref<512xf32, #tpu.memory_space<vmem>>, %arg13: memref<8x512xi32, #tpu.memory_space<vmem>>, %arg14: memref<4096x8xf32, #tpu.memory_space<vmem>>, %arg15: memref<4096xf32, #tpu.memory_space<vmem>>, %arg16: memref<!tpu.dma_semaphore, #tpu.memory_space<semaphore_mem>>, %arg17: memref<!tpu.dma_semaphore, #tpu.memory_space<semaphore_mem>>) attributes {dimension_semantics = [#tpu.dimension_semantics<core_parallel>, #tpu.dimension_semantics<subcore_parallel>], iteration_bounds = array<i64: 2, 16>, scalar_prefetch = 0 : i64, scratch_operands = 13 : i64, tpu.core_type = #tpu.core_type<sc_vector_subcore>, window_params = [{transform_indices = #map}, {transform_indices = #map1}, {transform_indices = #map2}]} {
    %mul3A = arith.constant 2 : i32
    %mul3A_0 = arith.muli %arg1, %mul3A : i32
    %add3A = arith.addi %mul3A_0, %arg0 : i32
    %mul3A_1 = arith.constant 32768 : i32
    %mul3A_2 = arith.muli %add3A, %mul3A_1 : i32
    %iota3A = tpu.iota {dimensions = array<i32: 0>} : vector<16xi32>
    %ge3A = arith.constant 8 : i32
    %ge3A_3 = vector.broadcast %ge3A : i32 to vector<16xi32>
    %ge3A_4 = arith.cmpi sge, %iota3A, %ge3A_3 : vector<16xi32>
    %jit3A = arith.constant 1 : i32
    %jit3A_5 = arith.constant 0 : i32
    %broadcast_in_dim3A = vector.broadcast %jit3A : i32 to vector<16xi32>
    %broadcast_in_dim3A_6 = vector.broadcast %jit3A_5 : i32 to vector<16xi32>
    %select_n3A = arith.select %ge3A_4, %broadcast_in_dim3A, %broadcast_in_dim3A_6 : vector<16xi1>, vector<16xi32>
    %and3A = arith.constant 7 : i32
    %and3A_7 = vector.broadcast %and3A : i32 to vector<16xi32>
    %and3A_8 = arith.andi %iota3A, %and3A_7 : vector<16xi32>
    %run_scoped3A = arith.constant 0 : i32
    "tpu.region"() ({
      %run_scoped3A_221 = tpu.sem_alloc : memref<!tpu.dma_semaphore, #tpu.memory_space<semaphore_mem>>
      %dma_start3A_222 = arith.constant 0 : i32
      %dma_start3A_223 = tpu.memref_slice %arg3[%add3A, %run_scoped3A, %dma_start3A_222] : memref<32x3x32768xf32, #tpu.memory_space<hbm>> -> memref<1x1x512xf32, #tpu.memory_space<hbm>>
      %dma_start3A_224 = tpu.memref_squeeze %dma_start3A_223 : memref<1x1x512xf32, #tpu.memory_space<hbm>> -> memref<512xf32, #tpu.memory_space<hbm>>
      %dma_start3A_225 = arith.constant 0 : i32
      %dma_start3A_226 = tpu.memref_slice %arg3[%add3A, %run_scoped3A, %dma_start3A_225] : memref<32x3x32768xf32, #tpu.memory_space<hbm>> -> memref<1x1x512xf32, #tpu.memory_space<hbm>>
      %dma_start3A_227 = tpu.memref_squeeze %dma_start3A_226 : memref<1x1x512xf32, #tpu.memory_space<hbm>> -> memref<512xf32, #tpu.memory_space<hbm>>
      tpu.enqueue_dma source(%dma_start3A_227 : memref<512xf32, #tpu.memory_space<hbm>>) target(%arg5 : memref<512xf32, #tpu.memory_space<vmem>>) target_semaphore(%run_scoped3A_221 : memref<!tpu.dma_semaphore, #tpu.memory_space<semaphore_mem>>)
      %dma_wait3A_228 = arith.constant 0 : i32
      %dma_wait3A_229 = tpu.memref_slice %arg3[%add3A, %run_scoped3A, %dma_wait3A_228] : memref<32x3x32768xf32, #tpu.memory_space<hbm>> -> memref<1x1x512xf32, #tpu.memory_space<hbm>>
      %dma_wait3A_230 = tpu.memref_squeeze %dma_wait3A_229 : memref<1x1x512xf32, #tpu.memory_space<hbm>> -> memref<512xf32, #tpu.memory_space<hbm>>
      %dma_wait3A_231 = arith.constant 0 : i32
      %dma_wait3A_232 = tpu.memref_slice %arg3[%add3A, %run_scoped3A, %dma_wait3A_231] : memref<32x3x32768xf32, #tpu.memory_space<hbm>> -> memref<1x1x512xf32, #tpu.memory_space<hbm>>
      %dma_wait3A_233 = tpu.memref_squeeze %dma_wait3A_232 : memref<1x1x512xf32, #tpu.memory_space<hbm>> -> memref<512xf32, #tpu.memory_space<hbm>>
      tpu.wait_dma2 semaphore(%run_scoped3A_221 : memref<!tpu.dma_semaphore, #tpu.memory_space<semaphore_mem>>) src(%dma_wait3A_233 : memref<512xf32, #tpu.memory_space<hbm>>) dst(%arg5 : memref<512xf32, #tpu.memory_space<vmem>>)
      tpu.yield
    }) : () -> ()
    %run_scoped3A_9 = arith.constant 1 : i32
    "tpu.region"() ({
      %run_scoped3A_221 = tpu.sem_alloc : memref<!tpu.dma_semaphore, #tpu.memory_space<semaphore_mem>>
      %dma_start3A_222 = arith.constant 0 : i32
      %dma_start3A_223 = tpu.memref_slice %arg3[%add3A, %run_scoped3A_9, %dma_start3A_222] : memref<32x3x32768xf32, #tpu.memory_space<hbm>> -> memref<1x1x512xf32, #tpu.memory_space<hbm>>
      %dma_start3A_224 = tpu.memref_squeeze %dma_start3A_223 : memref<1x1x512xf32, #tpu.memory_space<hbm>> -> memref<512xf32, #tpu.memory_space<hbm>>
      %dma_start3A_225 = arith.constant 0 : i32
      %dma_start3A_226 = tpu.memref_slice %arg3[%add3A, %run_scoped3A_9, %dma_start3A_225] : memref<32x3x32768xf32, #tpu.memory_space<hbm>> -> memref<1x1x512xf32, #tpu.memory_space<hbm>>
      %dma_start3A_227 = tpu.memref_squeeze %dma_start3A_226 : memref<1x1x512xf32, #tpu.memory_space<hbm>> -> memref<512xf32, #tpu.memory_space<hbm>>
      tpu.enqueue_dma source(%dma_start3A_227 : memref<512xf32, #tpu.memory_space<hbm>>) target(%arg6 : memref<512xf32, #tpu.memory_space<vmem>>) target_semaphore(%run_scoped3A_221 : memref<!tpu.dma_semaphore, #tpu.memory_space<semaphore_mem>>)
      %dma_wait3A_228 = arith.constant 0 : i32
      %dma_wait3A_229 = tpu.memref_slice %arg3[%add3A, %run_scoped3A_9, %dma_wait3A_228] : memref<32x3x32768xf32, #tpu.memory_space<hbm>> -> memref<1x1x512xf32, #tpu.memory_space<hbm>>
      %dma_wait3A_230 = tpu.memref_squeeze %dma_wait3A_229 : memref<1x1x512xf32, #tpu.memory_space<hbm>> -> memref<512xf32, #tpu.memory_space<hbm>>
      %dma_wait3A_231 = arith.constant 0 : i32
      %dma_wait3A_232 = tpu.memref_slice %arg3[%add3A, %run_scoped3A_9, %dma_wait3A_231] : memref<32x3x32768xf32, #tpu.memory_space<hbm>> -> memref<1x1x512xf32, #tpu.memory_space<hbm>>
      %dma_wait3A_233 = tpu.memref_squeeze %dma_wait3A_232 : memref<1x1x512xf32, #tpu.memory_space<hbm>> -> memref<512xf32, #tpu.memory_space<hbm>>
      tpu.wait_dma2 semaphore(%run_scoped3A_221 : memref<!tpu.dma_semaphore, #tpu.memory_space<semaphore_mem>>) src(%dma_wait3A_233 : memref<512xf32, #tpu.memory_space<hbm>>) dst(%arg6 : memref<512xf32, #tpu.memory_space<vmem>>)
      tpu.yield
    }) : () -> ()
    %run_scoped3A_10 = arith.constant 2 : i32
    "tpu.region"() ({
      %run_scoped3A_221 = tpu.sem_alloc : memref<!tpu.dma_semaphore, #tpu.memory_space<semaphore_mem>>
      %dma_start3A_222 = arith.constant 0 : i32
      %dma_start3A_223 = tpu.memref_slice %arg3[%add3A, %run_scoped3A_10, %dma_start3A_222] : memref<32x3x32768xf32, #tpu.memory_space<hbm>> -> memref<1x1x512xf32, #tpu.memory_space<hbm>>
      %dma_start3A_224 = tpu.memref_squeeze %dma_start3A_223 : memref<1x1x512xf32, #tpu.memory_space<hbm>> -> memref<512xf32, #tpu.memory_space<hbm>>
      %dma_start3A_225 = arith.constant 0 : i32
      %dma_start3A_226 = tpu.memref_slice %arg3[%add3A, %run_scoped3A_10, %dma_start3A_225] : memref<32x3x32768xf32, #tpu.memory_space<hbm>> -> memref<1x1x512xf32, #tpu.memory_space<hbm>>
      %dma_start3A_227 = tpu.memref_squeeze %dma_start3A_226 : memref<1x1x512xf32, #tpu.memory_space<hbm>> -> memref<512xf32, #tpu.memory_space<hbm>>
      tpu.enqueue_dma source(%dma_start3A_227 : memref<512xf32, #tpu.memory_space<hbm>>) target(%arg7 : memref<512xf32, #tpu.memory_space<vmem>>) target_semaphore(%run_scoped3A_221 : memref<!tpu.dma_semaphore, #tpu.memory_space<semaphore_mem>>)
      %dma_wait3A_228 = arith.constant 0 : i32
      %dma_wait3A_229 = tpu.memref_slice %arg3[%add3A, %run_scoped3A_10, %dma_wait3A_228] : memref<32x3x32768xf32, #tpu.memory_space<hbm>> -> memref<1x1x512xf32, #tpu.memory_space<hbm>>
      %dma_wait3A_230 = tpu.memref_squeeze %dma_wait3A_229 : memref<1x1x512xf32, #tpu.memory_space<hbm>> -> memref<512xf32, #tpu.memory_space<hbm>>
      %dma_wait3A_231 = arith.constant 0 : i32
      %dma_wait3A_232 = tpu.memref_slice %arg3[%add3A, %run_scoped3A_10, %dma_wait3A_231] : memref<32x3x32768xf32, #tpu.memory_space<hbm>> -> memref<1x1x512xf32, #tpu.memory_space<hbm>>
      %dma_wait3A_233 = tpu.memref_squeeze %dma_wait3A_232 : memref<1x1x512xf32, #tpu.memory_space<hbm>> -> memref<512xf32, #tpu.memory_space<hbm>>
      tpu.wait_dma2 semaphore(%run_scoped3A_221 : memref<!tpu.dma_semaphore, #tpu.memory_space<semaphore_mem>>) src(%dma_wait3A_233 : memref<512xf32, #tpu.memory_space<hbm>>) dst(%arg7 : memref<512xf32, #tpu.memory_space<vmem>>)
      tpu.yield
    }) : () -> ()
    %scan3A = arith.constant 0 : i32
    %scan3A_11 = arith.constant 0 : i32
    %scan3A_12 = arith.constant 32 : i32
    %scan3A_13 = arith.addi %scan3A_11, %scan3A_12 : i32
    %scan3A_14 = arith.constant 1 : i32
    scf.for %scan3A_221 = %scan3A_11 to %scan3A_13 step %scan3A_14  : i32 {
      %mul3A_222 = arith.constant 16 : i32
      %mul3A_223 = arith.muli %scan3A_221, %mul3A_222 : i32
      %get3A = arith.index_cast %mul3A_223 : i32 to index
      %get3A_224 = tpu.vector_load %arg5[%get3A] {strides = array<i32>} : memref<512xf32, #tpu.memory_space<vmem>>, vector<16xf32>,
      %add3A_225 = arith.constant 1.000000e+00 : f32
      %add3A_226 = vector.broadcast %add3A_225 : f32 to vector<16xf32>
      %add3A_227 = arith.addf %get3A_224, %add3A_226 : vector<16xf32>
      %mul3A_228 = arith.constant 3.000000e+01 : f32
      %mul3A_229 = vector.broadcast %mul3A_228 : f32 to vector<16xf32>
      %mul3A_230 = arith.mulf %add3A_227, %mul3A_229 : vector<16xf32>
      %mul3A_231 = arith.constant 5.000000e-01 : f32
      %mul3A_232 = vector.broadcast %mul3A_231 : f32 to vector<16xf32>
      %mul3A_233 = arith.mulf %mul3A_230, %mul3A_232 : vector<16xf32>
      %get3A_234 = arith.index_cast %mul3A_223 : i32 to index
      %get3A_235 = tpu.vector_load %arg6[%get3A_234] {strides = array<i32>} : memref<512xf32, #tpu.memory_space<vmem>>, vector<16xf32>,
      %add3A_236 = arith.constant 1.000000e+00 : f32
      %add3A_237 = vector.broadcast %add3A_236 : f32 to vector<16xf32>
      %add3A_238 = arith.addf %get3A_235, %add3A_237 : vector<16xf32>
      %mul3A_239 = arith.constant 3.000000e+01 : f32
      %mul3A_240 = vector.broadcast %mul3A_239 : f32 to vector<16xf32>
      %mul3A_241 = arith.mulf %add3A_238, %mul3A_240 : vector<16xf32>
      %mul3A_242 = arith.constant 5.000000e-01 : f32
      %mul3A_243 = vector.broadcast %mul3A_242 : f32 to vector<16xf32>
      %mul3A_244 = arith.mulf %mul3A_241, %mul3A_243 : vector<16xf32>
      %get3A_245 = arith.index_cast %mul3A_223 : i32 to index
      %get3A_246 = tpu.vector_load %arg7[%get3A_245] {strides = array<i32>} : memref<512xf32, #tpu.memory_space<vmem>>, vector<16xf32>,
      %add3A_247 = arith.constant 1.000000e+00 : f32
      %add3A_248 = vector.broadcast %add3A_247 : f32 to vector<16xf32>
      %add3A_249 = arith.addf %get3A_246, %add3A_248 : vector<16xf32>
      %mul3A_250 = arith.constant 3.000000e+01 : f32
      %mul3A_251 = vector.broadcast %mul3A_250 : f32 to vector<16xf32>
      %mul3A_252 = arith.mulf %add3A_249, %mul3A_251 : vector<16xf32>
      %mul3A_253 = arith.constant 5.000000e-01 : f32
      %mul3A_254 = vector.broadcast %mul3A_253 : f32 to vector<16xf32>
      %mul3A_255 = arith.mulf %mul3A_252, %mul3A_254 : vector<16xf32>
      %convert_element_type3A = arith.fptosi %mul3A_233 : vector<16xf32> to vector<16xi32>
      %convert_element_type3A_256 = arith.sitofp %convert_element_type3A : vector<16xi32> to vector<16xf32>
      %lt3A = arith.cmpf olt, %mul3A_233, %convert_element_type3A_256 : vector<16xf32>
      %sub3A = arith.constant 1 : i32
      %sub3A_257 = vector.broadcast %sub3A : i32 to vector<16xi32>
      %sub3A_258 = arith.subi %convert_element_type3A, %sub3A_257 : vector<16xi32>
      %select_n3A_259 = arith.select %lt3A, %sub3A_258, %convert_element_type3A : vector<16xi1>, vector<16xi32>
      %jit3A_260 = arith.constant 0 : i32
      %jit3A_261 = arith.constant 31 : i32
      %max3A = vector.broadcast %jit3A_260 : i32 to vector<16xi32>
      %max3A_262 = arith.maxsi %max3A, %select_n3A_259 : vector<16xi32>
      %min3A = vector.broadcast %jit3A_261 : i32 to vector<16xi32>
      %min3A_263 = arith.minsi %min3A, %max3A_262 : vector<16xi32>
      %add3A_264 = arith.constant 1 : i32
      %add3A_265 = vector.broadcast %add3A_264 : i32 to vector<16xi32>
      %add3A_266 = arith.addi %select_n3A_259, %add3A_265 : vector<16xi32>
      %jit3A_267 = arith.constant 0 : i32
      %jit3A_268 = arith.constant 31 : i32
      %max3A_269 = vector.broadcast %jit3A_267 : i32 to vector<16xi32>
      %max3A_270 = arith.maxsi %max3A_269, %add3A_266 : vector<16xi32>
      %min3A_271 = vector.broadcast %jit3A_268 : i32 to vector<16xi32>
      %min3A_272 = arith.minsi %min3A_271, %max3A_270 : vector<16xi32>
      %convert_element_type3A_273 = arith.fptosi %mul3A_244 : vector<16xf32> to vector<16xi32>
      %convert_element_type3A_274 = arith.sitofp %convert_element_type3A_273 : vector<16xi32> to vector<16xf32>
      %lt3A_275 = arith.cmpf olt, %mul3A_244, %convert_element_type3A_274 : vector<16xf32>
      %sub3A_276 = arith.constant 1 : i32
      %sub3A_277 = vector.broadcast %sub3A_276 : i32 to vector<16xi32>
      %sub3A_278 = arith.subi %convert_element_type3A_273, %sub3A_277 : vector<16xi32>
      %select_n3A_279 = arith.select %lt3A_275, %sub3A_278, %convert_element_type3A_273 : vector<16xi1>, vector<16xi32>
      %jit3A_280 = arith.constant 0 : i32
      %jit3A_281 = arith.constant 31 : i32
      %max3A_282 = vector.broadcast %jit3A_280 : i32 to vector<16xi32>
      %max3A_283 = arith.maxsi %max3A_282, %select_n3A_279 : vector<16xi32>
      %min3A_284 = vector.broadcast %jit3A_281 : i32 to vector<16xi32>
      %min3A_285 = arith.minsi %min3A_284, %max3A_283 : vector<16xi32>
      %add3A_286 = arith.constant 1 : i32
      %add3A_287 = vector.broadcast %add3A_286 : i32 to vector<16xi32>
      %add3A_288 = arith.addi %select_n3A_279, %add3A_287 : vector<16xi32>
      %jit3A_289 = arith.constant 0 : i32
      %jit3A_290 = arith.constant 31 : i32
      %max3A_291 = vector.broadcast %jit3A_289 : i32 to vector<16xi32>
      %max3A_292 = arith.maxsi %max3A_291, %add3A_288 : vector<16xi32>
      %min3A_293 = vector.broadcast %jit3A_290 : i32 to vector<16xi32>
      %min3A_294 = arith.minsi %min3A_293, %max3A_292 : vector<16xi32>
      %convert_element_type3A_295 = arith.fptosi %mul3A_255 : vector<16xf32> to vector<16xi32>
      %convert_element_type3A_296 = arith.sitofp %convert_element_type3A_295 : vector<16xi32> to vector<16xf32>
      %lt3A_297 = arith.cmpf olt, %mul3A_255, %convert_element_type3A_296 : vector<16xf32>
      %sub3A_298 = arith.constant 1 : i32
      %sub3A_299 = vector.broadcast %sub3A_298 : i32 to vector<16xi32>
      %sub3A_300 = arith.subi %convert_element_type3A_295, %sub3A_299 : vector<16xi32>
      %select_n3A_301 = arith.select %lt3A_297, %sub3A_300, %convert_element_type3A_295 : vector<16xi1>, vector<16xi32>
      %jit3A_302 = arith.constant 0 : i32
      %jit3A_303 = arith.constant 31 : i32
      %max3A_304 = vector.broadcast %jit3A_302 : i32 to vector<16xi32>
      %max3A_305 = arith.maxsi %max3A_304, %select_n3A_301 : vector<16xi32>
      %min3A_306 = vector.broadcast %jit3A_303 : i32 to vector<16xi32>
      %min3A_307 = arith.minsi %min3A_306, %max3A_305 : vector<16xi32>
      %add3A_308 = arith.constant 1 : i32
      %add3A_309 = vector.broadcast %add3A_308 : i32 to vector<16xi32>
      %add3A_310 = arith.addi %select_n3A_301, %add3A_309 : vector<16xi32>
      %jit3A_311 = arith.constant 0 : i32
      %jit3A_312 = arith.constant 31 : i32
      %max3A_313 = vector.broadcast %jit3A_311 : i32 to vector<16xi32>
      %max3A_314 = arith.maxsi %max3A_313, %add3A_310 : vector<16xi32>
      %min3A_315 = vector.broadcast %jit3A_312 : i32 to vector<16xi32>
      %min3A_316 = arith.minsi %min3A_315, %max3A_314 : vector<16xi32>
      %convert_element_type3A_317 = arith.sitofp %min3A_263 : vector<16xi32> to vector<16xf32>
      %sub3A_318 = arith.subf %mul3A_233, %convert_element_type3A_317 : vector<16xf32>
      %swap3A = arith.index_cast %mul3A_223 : i32 to index
      %swap3A_319 = tpu.vector_load %arg5[%swap3A] {strides = array<i32>} : memref<512xf32, #tpu.memory_space<vmem>>, vector<16xf32>,
      tpu.vector_store %arg5[%swap3A], %sub3A_318 {strides = array<i32>} : memref<512xf32, #tpu.memory_space<vmem>>, vector<16xf32>,
      %convert_element_type3A_320 = arith.sitofp %min3A_294 : vector<16xi32> to vector<16xf32>
      %sub3A_321 = arith.subf %convert_element_type3A_320, %mul3A_244 : vector<16xf32>
      %swap3A_322 = arith.index_cast %mul3A_223 : i32 to index
      %swap3A_323 = tpu.vector_load %arg6[%swap3A_322] {strides = array<i32>} : memref<512xf32, #tpu.memory_space<vmem>>, vector<16xf32>,
      tpu.vector_store %arg6[%swap3A_322], %sub3A_321 {strides = array<i32>} : memref<512xf32, #tpu.memory_space<vmem>>, vector<16xf32>,
      %convert_element_type3A_324 = arith.sitofp %min3A_307 : vector<16xi32> to vector<16xf32>
      %sub3A_325 = arith.subf %mul3A_255, %convert_element_type3A_324 : vector<16xf32>
      %swap3A_326 = arith.index_cast %mul3A_223 : i32 to index
      %swap3A_327 = tpu.vector_load %arg7[%swap3A_326] {strides = array<i32>} : memref<512xf32, #tpu.memory_space<vmem>>, vector<16xf32>,
      tpu.vector_store %arg7[%swap3A_326], %sub3A_325 {strides = array<i32>} : memref<512xf32, #tpu.memory_space<vmem>>, vector<16xf32>,
      %mul3A_328 = arith.constant 1024 : i32
      %mul3A_329 = vector.broadcast %mul3A_328 : i32 to vector<16xi32>
      %mul3A_330 = arith.muli %min3A_294, %mul3A_329 : vector<16xi32>
      %add3A_331 = vector.broadcast %mul3A_2 : i32 to vector<16xi32>
      %add3A_332 = arith.addi %add3A_331, %mul3A_330 : vector<16xi32>
      %mul3A_333 = arith.constant 1024 : i32
      %mul3A_334 = vector.broadcast %mul3A_333 : i32 to vector<16xi32>
      %mul3A_335 = arith.muli %min3A_285, %mul3A_334 : vector<16xi32>
      %add3A_336 = vector.broadcast %mul3A_2 : i32 to vector<16xi32>
      %add3A_337 = arith.addi %add3A_336, %mul3A_335 : vector<16xi32>
      %mul3A_338 = arith.constant 32 : i32
      %mul3A_339 = vector.broadcast %mul3A_338 : i32 to vector<16xi32>
      %mul3A_340 = arith.muli %min3A_263, %mul3A_339 : vector<16xi32>
      %mul3A_341 = arith.constant 32 : i32
      %mul3A_342 = vector.broadcast %mul3A_341 : i32 to vector<16xi32>
      %mul3A_343 = arith.muli %min3A_272, %mul3A_342 : vector<16xi32>
      %add3A_344 = arith.addi %add3A_332, %mul3A_340 : vector<16xi32>
      %add3A_345 = arith.addi %add3A_344, %min3A_307 : vector<16xi32>
      %swap3A_346 = arith.constant 0 : i32
      %swap3A_347 = arith.index_cast %swap3A_346 : i32 to index
      %swap3A_348 = arith.index_cast %mul3A_223 : i32 to index
      %swap3A_349 = tpu.vector_load %arg8[%swap3A_347, %swap3A_348] {strides = array<i32>} : memref<8x512xi32, #tpu.memory_space<vmem>>, vector<16xi32>,
      tpu.vector_store %arg8[%swap3A_347, %swap3A_348], %add3A_345 {strides = array<i32>} : memref<8x512xi32, #tpu.memory_space<vmem>>, vector<16xi32>,
      %add3A_350 = arith.addi %add3A_332, %mul3A_340 : vector<16xi32>
      %add3A_351 = arith.addi %add3A_350, %min3A_316 : vector<16xi32>
      %swap3A_352 = arith.constant 1 : i32
      %swap3A_353 = arith.index_cast %swap3A_352 : i32 to index
      %swap3A_354 = arith.index_cast %mul3A_223 : i32 to index
      %swap3A_355 = tpu.vector_load %arg8[%swap3A_353, %swap3A_354] {strides = array<i32>} : memref<8x512xi32, #tpu.memory_space<vmem>>, vector<16xi32>,
      tpu.vector_store %arg8[%swap3A_353, %swap3A_354], %add3A_351 {strides = array<i32>} : memref<8x512xi32, #tpu.memory_space<vmem>>, vector<16xi32>,
      %add3A_356 = arith.addi %add3A_337, %mul3A_340 : vector<16xi32>
      %add3A_357 = arith.addi %add3A_356, %min3A_307 : vector<16xi32>
      %swap3A_358 = arith.constant 2 : i32
      %swap3A_359 = arith.index_cast %swap3A_358 : i32 to index
      %swap3A_360 = arith.index_cast %mul3A_223 : i32 to index
      %swap3A_361 = tpu.vector_load %arg8[%swap3A_359, %swap3A_360] {strides = array<i32>} : memref<8x512xi32, #tpu.memory_space<vmem>>, vector<16xi32>,
      tpu.vector_store %arg8[%swap3A_359, %swap3A_360], %add3A_357 {strides = array<i32>} : memref<8x512xi32, #tpu.memory_space<vmem>>, vector<16xi32>,
      %add3A_362 = arith.addi %add3A_337, %mul3A_340 : vector<16xi32>
      %add3A_363 = arith.addi %add3A_362, %min3A_316 : vector<16xi32>
      %swap3A_364 = arith.constant 3 : i32
      %swap3A_365 = arith.index_cast %swap3A_364 : i32 to index
      %swap3A_366 = arith.index_cast %mul3A_223 : i32 to index
      %swap3A_367 = tpu.vector_load %arg8[%swap3A_365, %swap3A_366] {strides = array<i32>} : memref<8x512xi32, #tpu.memory_space<vmem>>, vector<16xi32>,
      tpu.vector_store %arg8[%swap3A_365, %swap3A_366], %add3A_363 {strides = array<i32>} : memref<8x512xi32, #tpu.memory_space<vmem>>, vector<16xi32>,
      %add3A_368 = arith.addi %add3A_332, %mul3A_343 : vector<16xi32>
      %add3A_369 = arith.addi %add3A_368, %min3A_307 : vector<16xi32>
      %swap3A_370 = arith.constant 4 : i32
      %swap3A_371 = arith.index_cast %swap3A_370 : i32 to index
      %swap3A_372 = arith.index_cast %mul3A_223 : i32 to index
      %swap3A_373 = tpu.vector_load %arg8[%swap3A_371, %swap3A_372] {strides = array<i32>} : memref<8x512xi32, #tpu.memory_space<vmem>>, vector<16xi32>,
      tpu.vector_store %arg8[%swap3A_371, %swap3A_372], %add3A_369 {strides = array<i32>} : memref<8x512xi32, #tpu.memory_space<vmem>>, vector<16xi32>,
      %add3A_374 = arith.addi %add3A_332, %mul3A_343 : vector<16xi32>
      %add3A_375 = arith.addi %add3A_374, %min3A_316 : vector<16xi32>
      %swap3A_376 = arith.constant 5 : i32
      %swap3A_377 = arith.index_cast %swap3A_376 : i32 to index
      %swap3A_378 = arith.index_cast %mul3A_223 : i32 to index
      %swap3A_379 = tpu.vector_load %arg8[%swap3A_377, %swap3A_378] {strides = array<i32>} : memref<8x512xi32, #tpu.memory_space<vmem>>, vector<16xi32>,
      tpu.vector_store %arg8[%swap3A_377, %swap3A_378], %add3A_375 {strides = array<i32>} : memref<8x512xi32, #tpu.memory_space<vmem>>, vector<16xi32>,
      %add3A_380 = arith.addi %add3A_337, %mul3A_343 : vector<16xi32>
      %add3A_381 = arith.addi %add3A_380, %min3A_307 : vector<16xi32>
      %swap3A_382 = arith.constant 6 : i32
      %swap3A_383 = arith.index_cast %swap3A_382 : i32 to index
      %swap3A_384 = arith.index_cast %mul3A_223 : i32 to index
      %swap3A_385 = tpu.vector_load %arg8[%swap3A_383, %swap3A_384] {strides = array<i32>} : memref<8x512xi32, #tpu.memory_space<vmem>>, vector<16xi32>,
      tpu.vector_store %arg8[%swap3A_383, %swap3A_384], %add3A_381 {strides = array<i32>} : memref<8x512xi32, #tpu.memory_space<vmem>>, vector<16xi32>,
      %add3A_386 = arith.addi %add3A_337, %mul3A_343 : vector<16xi32>
      %add3A_387 = arith.addi %add3A_386, %min3A_316 : vector<16xi32>
      %swap3A_388 = arith.constant 7 : i32
      %swap3A_389 = arith.index_cast %swap3A_388 : i32 to index
      %swap3A_390 = arith.index_cast %mul3A_223 : i32 to index
      %swap3A_391 = tpu.vector_load %arg8[%swap3A_389, %swap3A_390] {strides = array<i32>} : memref<8x512xi32, #tpu.memory_space<vmem>>, vector<16xi32>,
      tpu.vector_store %arg8[%swap3A_389, %swap3A_390], %add3A_387 {strides = array<i32>} : memref<8x512xi32, #tpu.memory_space<vmem>>, vector<16xi32>,
    }
    %scan3A_15 = arith.constant 32 : i32
    %dma_start3A = arith.constant 0 : i32
    %dma_start3A_16 = arith.constant 0 : i32
    %dma_start3A_17 = arith.constant 0 : i32
    %dma_start3A_18 = tpu.memref_slice %arg9[%dma_start3A_16, %dma_start3A_17] : memref<4096x8xf32, #tpu.memory_space<vmem>> -> memref<512x8xf32, #tpu.memory_space<vmem>>
    %dma_start3A_19 = arith.constant 0 : i32
    %dma_start3A_20 = tpu.memref_slice %arg8[%dma_start3A, %dma_start3A_19] : memref<8x512xi32, #tpu.memory_space<vmem>> -> memref<1x512xi32, #tpu.memory_space<vmem>>
    %dma_start3A_21 = tpu.memref_squeeze %dma_start3A_20 : memref<1x512xi32, #tpu.memory_space<vmem>> -> memref<512xi32, #tpu.memory_space<vmem>>
    %dma_start3A_22 = arith.constant 0 : i32
    %dma_start3A_23 = arith.constant 0 : i32
    %dma_start3A_24 = tpu.memref_slice %arg2[%dma_start3A_22, %dma_start3A_23] : memref<1048576x8xf32, #tpu.memory_space<hbm>> -> memref<1048576x8xf32, #tpu.memory_space<hbm>>
    tpu.enqueue_indirect_dma source(%dma_start3A_24 : memref<1048576x8xf32, #tpu.memory_space<hbm>>) target(%dma_start3A_18 : memref<512x8xf32, #tpu.memory_space<vmem>>) offsets(%dma_start3A_21 : memref<512xi32, #tpu.memory_space<vmem>>) semaphore(%arg16 : memref<!tpu.dma_semaphore, #tpu.memory_space<semaphore_mem>>)
    %dma_start3A_25 = arith.constant 1 : i32
    %dma_start3A_26 = arith.constant 512 : i32
    %dma_start3A_27 = arith.constant 0 : i32
    %dma_start3A_28 = tpu.memref_slice %arg9[%dma_start3A_26, %dma_start3A_27] : memref<4096x8xf32, #tpu.memory_space<vmem>> -> memref<512x8xf32, #tpu.memory_space<vmem>>
    %dma_start3A_29 = arith.constant 0 : i32
    %dma_start3A_30 = tpu.memref_slice %arg8[%dma_start3A_25, %dma_start3A_29] : memref<8x512xi32, #tpu.memory_space<vmem>> -> memref<1x512xi32, #tpu.memory_space<vmem>>
    %dma_start3A_31 = tpu.memref_squeeze %dma_start3A_30 : memref<1x512xi32, #tpu.memory_space<vmem>> -> memref<512xi32, #tpu.memory_space<vmem>>
    %dma_start3A_32 = arith.constant 0 : i32
    %dma_start3A_33 = arith.constant 0 : i32
    %dma_start3A_34 = tpu.memref_slice %arg2[%dma_start3A_32, %dma_start3A_33] : memref<1048576x8xf32, #tpu.memory_space<hbm>> -> memref<1048576x8xf32, #tpu.memory_space<hbm>>
    tpu.enqueue_indirect_dma source(%dma_start3A_34 : memref<1048576x8xf32, #tpu.memory_space<hbm>>) target(%dma_start3A_28 : memref<512x8xf32, #tpu.memory_space<vmem>>) offsets(%dma_start3A_31 : memref<512xi32, #tpu.memory_space<vmem>>) semaphore(%arg16 : memref<!tpu.dma_semaphore, #tpu.memory_space<semaphore_mem>>)
    %dma_start3A_35 = arith.constant 2 : i32
    %dma_start3A_36 = arith.constant 1024 : i32
    %dma_start3A_37 = arith.constant 0 : i32
    %dma_start3A_38 = tpu.memref_slice %arg9[%dma_start3A_36, %dma_start3A_37] : memref<4096x8xf32, #tpu.memory_space<vmem>> -> memref<512x8xf32, #tpu.memory_space<vmem>>
    %dma_start3A_39 = arith.constant 0 : i32
    %dma_start3A_40 = tpu.memref_slice %arg8[%dma_start3A_35, %dma_start3A_39] : memref<8x512xi32, #tpu.memory_space<vmem>> -> memref<1x512xi32, #tpu.memory_space<vmem>>
    %dma_start3A_41 = tpu.memref_squeeze %dma_start3A_40 : memref<1x512xi32, #tpu.memory_space<vmem>> -> memref<512xi32, #tpu.memory_space<vmem>>
    %dma_start3A_42 = arith.constant 0 : i32
    %dma_start3A_43 = arith.constant 0 : i32
    %dma_start3A_44 = tpu.memref_slice %arg2[%dma_start3A_42, %dma_start3A_43] : memref<1048576x8xf32, #tpu.memory_space<hbm>> -> memref<1048576x8xf32, #tpu.memory_space<hbm>>
    tpu.enqueue_indirect_dma source(%dma_start3A_44 : memref<1048576x8xf32, #tpu.memory_space<hbm>>) target(%dma_start3A_38 : memref<512x8xf32, #tpu.memory_space<vmem>>) offsets(%dma_start3A_41 : memref<512xi32, #tpu.memory_space<vmem>>) semaphore(%arg16 : memref<!tpu.dma_semaphore, #tpu.memory_space<semaphore_mem>>)
    %dma_start3A_45 = arith.constant 3 : i32
    %dma_start3A_46 = arith.constant 1536 : i32
    %dma_start3A_47 = arith.constant 0 : i32
    %dma_start3A_48 = tpu.memref_slice %arg9[%dma_start3A_46, %dma_start3A_47] : memref<4096x8xf32, #tpu.memory_space<vmem>> -> memref<512x8xf32, #tpu.memory_space<vmem>>
    %dma_start3A_49 = arith.constant 0 : i32
    %dma_start3A_50 = tpu.memref_slice %arg8[%dma_start3A_45, %dma_start3A_49] : memref<8x512xi32, #tpu.memory_space<vmem>> -> memref<1x512xi32, #tpu.memory_space<vmem>>
    %dma_start3A_51 = tpu.memref_squeeze %dma_start3A_50 : memref<1x512xi32, #tpu.memory_space<vmem>> -> memref<512xi32, #tpu.memory_space<vmem>>
    %dma_start3A_52 = arith.constant 0 : i32
    %dma_start3A_53 = arith.constant 0 : i32
    %dma_start3A_54 = tpu.memref_slice %arg2[%dma_start3A_52, %dma_start3A_53] : memref<1048576x8xf32, #tpu.memory_space<hbm>> -> memref<1048576x8xf32, #tpu.memory_space<hbm>>
    tpu.enqueue_indirect_dma source(%dma_start3A_54 : memref<1048576x8xf32, #tpu.memory_space<hbm>>) target(%dma_start3A_48 : memref<512x8xf32, #tpu.memory_space<vmem>>) offsets(%dma_start3A_51 : memref<512xi32, #tpu.memory_space<vmem>>) semaphore(%arg16 : memref<!tpu.dma_semaphore, #tpu.memory_space<semaphore_mem>>)
    %dma_start3A_55 = arith.constant 4 : i32
    %dma_start3A_56 = arith.constant 2048 : i32
    %dma_start3A_57 = arith.constant 0 : i32
    %dma_start3A_58 = tpu.memref_slice %arg9[%dma_start3A_56, %dma_start3A_57] : memref<4096x8xf32, #tpu.memory_space<vmem>> -> memref<512x8xf32, #tpu.memory_space<vmem>>
    %dma_start3A_59 = arith.constant 0 : i32
    %dma_start3A_60 = tpu.memref_slice %arg8[%dma_start3A_55, %dma_start3A_59] : memref<8x512xi32, #tpu.memory_space<vmem>> -> memref<1x512xi32, #tpu.memory_space<vmem>>
    %dma_start3A_61 = tpu.memref_squeeze %dma_start3A_60 : memref<1x512xi32, #tpu.memory_space<vmem>> -> memref<512xi32, #tpu.memory_space<vmem>>
    %dma_start3A_62 = arith.constant 0 : i32
    %dma_start3A_63 = arith.constant 0 : i32
    %dma_start3A_64 = tpu.memref_slice %arg2[%dma_start3A_62, %dma_start3A_63] : memref<1048576x8xf32, #tpu.memory_space<hbm>> -> memref<1048576x8xf32, #tpu.memory_space<hbm>>
    tpu.enqueue_indirect_dma source(%dma_start3A_64 : memref<1048576x8xf32, #tpu.memory_space<hbm>>) target(%dma_start3A_58 : memref<512x8xf32, #tpu.memory_space<vmem>>) offsets(%dma_start3A_61 : memref<512xi32, #tpu.memory_space<vmem>>) semaphore(%arg16 : memref<!tpu.dma_semaphore, #tpu.memory_space<semaphore_mem>>)
    %dma_start3A_65 = arith.constant 5 : i32
    %dma_start3A_66 = arith.constant 2560 : i32
    %dma_start3A_67 = arith.constant 0 : i32
    %dma_start3A_68 = tpu.memref_slice %arg9[%dma_start3A_66, %dma_start3A_67] : memref<4096x8xf32, #tpu.memory_space<vmem>> -> memref<512x8xf32, #tpu.memory_space<vmem>>
    %dma_start3A_69 = arith.constant 0 : i32
    %dma_start3A_70 = tpu.memref_slice %arg8[%dma_start3A_65, %dma_start3A_69] : memref<8x512xi32, #tpu.memory_space<vmem>> -> memref<1x512xi32, #tpu.memory_space<vmem>>
    %dma_start3A_71 = tpu.memref_squeeze %dma_start3A_70 : memref<1x512xi32, #tpu.memory_space<vmem>> -> memref<512xi32, #tpu.memory_space<vmem>>
    %dma_start3A_72 = arith.constant 0 : i32
    %dma_start3A_73 = arith.constant 0 : i32
    %dma_start3A_74 = tpu.memref_slice %arg2[%dma_start3A_72, %dma_start3A_73] : memref<1048576x8xf32, #tpu.memory_space<hbm>> -> memref<1048576x8xf32, #tpu.memory_space<hbm>>
    tpu.enqueue_indirect_dma source(%dma_start3A_74 : memref<1048576x8xf32, #tpu.memory_space<hbm>>) target(%dma_start3A_68 : memref<512x8xf32, #tpu.memory_space<vmem>>) offsets(%dma_start3A_71 : memref<512xi32, #tpu.memory_space<vmem>>) semaphore(%arg16 : memref<!tpu.dma_semaphore, #tpu.memory_space<semaphore_mem>>)
    %dma_start3A_75 = arith.constant 6 : i32
    %dma_start3A_76 = arith.constant 3072 : i32
    %dma_start3A_77 = arith.constant 0 : i32
    %dma_start3A_78 = tpu.memref_slice %arg9[%dma_start3A_76, %dma_start3A_77] : memref<4096x8xf32, #tpu.memory_space<vmem>> -> memref<512x8xf32, #tpu.memory_space<vmem>>
    %dma_start3A_79 = arith.constant 0 : i32
    %dma_start3A_80 = tpu.memref_slice %arg8[%dma_start3A_75, %dma_start3A_79] : memref<8x512xi32, #tpu.memory_space<vmem>> -> memref<1x512xi32, #tpu.memory_space<vmem>>
    %dma_start3A_81 = tpu.memref_squeeze %dma_start3A_80 : memref<1x512xi32, #tpu.memory_space<vmem>> -> memref<512xi32, #tpu.memory_space<vmem>>
    %dma_start3A_82 = arith.constant 0 : i32
    %dma_start3A_83 = arith.constant 0 : i32
    %dma_start3A_84 = tpu.memref_slice %arg2[%dma_start3A_82, %dma_start3A_83] : memref<1048576x8xf32, #tpu.memory_space<hbm>> -> memref<1048576x8xf32, #tpu.memory_space<hbm>>
    tpu.enqueue_indirect_dma source(%dma_start3A_84 : memref<1048576x8xf32, #tpu.memory_space<hbm>>) target(%dma_start3A_78 : memref<512x8xf32, #tpu.memory_space<vmem>>) offsets(%dma_start3A_81 : memref<512xi32, #tpu.memory_space<vmem>>) semaphore(%arg16 : memref<!tpu.dma_semaphore, #tpu.memory_space<semaphore_mem>>)
    %dma_start3A_85 = arith.constant 7 : i32
    %dma_start3A_86 = arith.constant 3584 : i32
    %dma_start3A_87 = arith.constant 0 : i32
    %dma_start3A_88 = tpu.memref_slice %arg9[%dma_start3A_86, %dma_start3A_87] : memref<4096x8xf32, #tpu.memory_space<vmem>> -> memref<512x8xf32, #tpu.memory_space<vmem>>
    %dma_start3A_89 = arith.constant 0 : i32
    %dma_start3A_90 = tpu.memref_slice %arg8[%dma_start3A_85, %dma_start3A_89] : memref<8x512xi32, #tpu.memory_space<vmem>> -> memref<1x512xi32, #tpu.memory_space<vmem>>
    %dma_start3A_91 = tpu.memref_squeeze %dma_start3A_90 : memref<1x512xi32, #tpu.memory_space<vmem>> -> memref<512xi32, #tpu.memory_space<vmem>>
    %dma_start3A_92 = arith.constant 0 : i32
    %dma_start3A_93 = arith.constant 0 : i32
    %dma_start3A_94 = tpu.memref_slice %arg2[%dma_start3A_92, %dma_start3A_93] : memref<1048576x8xf32, #tpu.memory_space<hbm>> -> memref<1048576x8xf32, #tpu.memory_space<hbm>>
    tpu.enqueue_indirect_dma source(%dma_start3A_94 : memref<1048576x8xf32, #tpu.memory_space<hbm>>) target(%dma_start3A_88 : memref<512x8xf32, #tpu.memory_space<vmem>>) offsets(%dma_start3A_91 : memref<512xi32, #tpu.memory_space<vmem>>) semaphore(%arg16 : memref<!tpu.dma_semaphore, #tpu.memory_space<semaphore_mem>>)
    %scan3A_95 = arith.constant 0 : i32
    %scan3A_96 = arith.constant 0 : i32
    %scan3A_97 = arith.constant 31 : i32
    %scan3A_98 = arith.addi %scan3A_96, %scan3A_97 : i32
    %scan3A_99 = arith.constant 1 : i32
    scf.for %scan3A_221 = %scan3A_96 to %scan3A_98 step %scan3A_99  : i32 {
      %mul3A_222 = arith.constant 2 : i32
      %mul3A_223 = arith.muli %mul3A_222, %scan3A_221 : i32
      %add3A_224 = arith.constant 1 : i32
      %add3A_225 = arith.addi %mul3A_223, %add3A_224 : i32
      %mul3A_226 = arith.constant 512 : i32
      %mul3A_227 = arith.muli %add3A_225, %mul3A_226 : i32
      %run_scoped3A_228 = arith.constant 0 : i32
      "tpu.region"() ({
        %run_scoped3A_446 = tpu.sem_alloc : memref<!tpu.dma_semaphore, #tpu.memory_space<semaphore_mem>>
        %dma_start3A_447 = tpu.memref_slice %arg3[%add3A, %run_scoped3A_228, %mul3A_227] : memref<32x3x32768xf32, #tpu.memory_space<hbm>> -> memref<1x1x512xf32, #tpu.memory_space<hbm>>
        %dma_start3A_448 = tpu.memref_squeeze %dma_start3A_447 : memref<1x1x512xf32, #tpu.memory_space<hbm>> -> memref<512xf32, #tpu.memory_space<hbm>>
        %dma_start3A_449 = tpu.memref_slice %arg3[%add3A, %run_scoped3A_228, %mul3A_227] : memref<32x3x32768xf32, #tpu.memory_space<hbm>> -> memref<1x1x512xf32, #tpu.memory_space<hbm>>
        %dma_start3A_450 = tpu.memref_squeeze %dma_start3A_449 : memref<1x1x512xf32, #tpu.memory_space<hbm>> -> memref<512xf32, #tpu.memory_space<hbm>>
        tpu.enqueue_dma source(%dma_start3A_450 : memref<512xf32, #tpu.memory_space<hbm>>) target(%arg10 : memref<512xf32, #tpu.memory_space<vmem>>) target_semaphore(%run_scoped3A_446 : memref<!tpu.dma_semaphore, #tpu.memory_space<semaphore_mem>>)
        %dma_wait3A_451 = tpu.memref_slice %arg3[%add3A, %run_scoped3A_228, %mul3A_227] : memref<32x3x32768xf32, #tpu.memory_space<hbm>> -> memref<1x1x512xf32, #tpu.memory_space<hbm>>
        %dma_wait3A_452 = tpu.memref_squeeze %dma_wait3A_451 : memref<1x1x512xf32, #tpu.memory_space<hbm>> -> memref<512xf32, #tpu.memory_space<hbm>>
        %dma_wait3A_453 = tpu.memref_slice %arg3[%add3A, %run_scoped3A_228, %mul3A_227] : memref<32x3x32768xf32, #tpu.memory_space<hbm>> -> memref<1x1x512xf32, #tpu.memory_space<hbm>>
        %dma_wait3A_454 = tpu.memref_squeeze %dma_wait3A_453 : memref<1x1x512xf32, #tpu.memory_space<hbm>> -> memref<512xf32, #tpu.memory_space<hbm>>
        tpu.wait_dma2 semaphore(%run_scoped3A_446 : memref<!tpu.dma_semaphore, #tpu.memory_space<semaphore_mem>>) src(%dma_wait3A_454 : memref<512xf32, #tpu.memory_space<hbm>>) dst(%arg10 : memref<512xf32, #tpu.memory_space<vmem>>)
        tpu.yield
      }) : () -> ()
      %run_scoped3A_229 = arith.constant 1 : i32
      "tpu.region"() ({
        %run_scoped3A_446 = tpu.sem_alloc : memref<!tpu.dma_semaphore, #tpu.memory_space<semaphore_mem>>
        %dma_start3A_447 = tpu.memref_slice %arg3[%add3A, %run_scoped3A_229, %mul3A_227] : memref<32x3x32768xf32, #tpu.memory_space<hbm>> -> memref<1x1x512xf32, #tpu.memory_space<hbm>>
        %dma_start3A_448 = tpu.memref_squeeze %dma_start3A_447 : memref<1x1x512xf32, #tpu.memory_space<hbm>> -> memref<512xf32, #tpu.memory_space<hbm>>
        %dma_start3A_449 = tpu.memref_slice %arg3[%add3A, %run_scoped3A_229, %mul3A_227] : memref<32x3x32768xf32, #tpu.memory_space<hbm>> -> memref<1x1x512xf32, #tpu.memory_space<hbm>>
        %dma_start3A_450 = tpu.memref_squeeze %dma_start3A_449 : memref<1x1x512xf32, #tpu.memory_space<hbm>> -> memref<512xf32, #tpu.memory_space<hbm>>
        tpu.enqueue_dma source(%dma_start3A_450 : memref<512xf32, #tpu.memory_space<hbm>>) target(%arg11 : memref<512xf32, #tpu.memory_space<vmem>>) target_semaphore(%run_scoped3A_446 : memref<!tpu.dma_semaphore, #tpu.memory_space<semaphore_mem>>)
        %dma_wait3A_451 = tpu.memref_slice %arg3[%add3A, %run_scoped3A_229, %mul3A_227] : memref<32x3x32768xf32, #tpu.memory_space<hbm>> -> memref<1x1x512xf32, #tpu.memory_space<hbm>>
        %dma_wait3A_452 = tpu.memref_squeeze %dma_wait3A_451 : memref<1x1x512xf32, #tpu.memory_space<hbm>> -> memref<512xf32, #tpu.memory_space<hbm>>
        %dma_wait3A_453 = tpu.memref_slice %arg3[%add3A, %run_scoped3A_229, %mul3A_227] : memref<32x3x32768xf32, #tpu.memory_space<hbm>> -> memref<1x1x512xf32, #tpu.memory_space<hbm>>
        %dma_wait3A_454 = tpu.memref_squeeze %dma_wait3A_453 : memref<1x1x512xf32, #tpu.memory_space<hbm>> -> memref<512xf32, #tpu.memory_space<hbm>>
        tpu.wait_dma2 semaphore(%run_scoped3A_446 : memref<!tpu.dma_semaphore, #tpu.memory_space<semaphore_mem>>) src(%dma_wait3A_454 : memref<512xf32, #tpu.memory_space<hbm>>) dst(%arg11 : memref<512xf32, #tpu.memory_space<vmem>>)
        tpu.yield
      }) : () -> ()
      %run_scoped3A_230 = arith.constant 2 : i32
      "tpu.region"() ({
        %run_scoped3A_446 = tpu.sem_alloc : memref<!tpu.dma_semaphore, #tpu.memory_space<semaphore_mem>>
        %dma_start3A_447 = tpu.memref_slice %arg3[%add3A, %run_scoped3A_230, %mul3A_227] : memref<32x3x32768xf32, #tpu.memory_space<hbm>> -> memref<1x1x512xf32, #tpu.memory_space<hbm>>
        %dma_start3A_448 = tpu.memref_squeeze %dma_start3A_447 : memref<1x1x512xf32, #tpu.memory_space<hbm>> -> memref<512xf32, #tpu.memory_space<hbm>>
        %dma_start3A_449 = tpu.memref_slice %arg3[%add3A, %run_scoped3A_230, %mul3A_227] : memref<32x3x32768xf32, #tpu.memory_space<hbm>> -> memref<1x1x512xf32, #tpu.memory_space<hbm>>
        %dma_start3A_450 = tpu.memref_squeeze %dma_start3A_449 : memref<1x1x512xf32, #tpu.memory_space<hbm>> -> memref<512xf32, #tpu.memory_space<hbm>>
        tpu.enqueue_dma source(%dma_start3A_450 : memref<512xf32, #tpu.memory_space<hbm>>) target(%arg12 : memref<512xf32, #tpu.memory_space<vmem>>) target_semaphore(%run_scoped3A_446 : memref<!tpu.dma_semaphore, #tpu.memory_space<semaphore_mem>>)
        %dma_wait3A_451 = tpu.memref_slice %arg3[%add3A, %run_scoped3A_230, %mul3A_227] : memref<32x3x32768xf32, #tpu.memory_space<hbm>> -> memref<1x1x512xf32, #tpu.memory_space<hbm>>
        %dma_wait3A_452 = tpu.memref_squeeze %dma_wait3A_451 : memref<1x1x512xf32, #tpu.memory_space<hbm>> -> memref<512xf32, #tpu.memory_space<hbm>>
        %dma_wait3A_453 = tpu.memref_slice %arg3[%add3A, %run_scoped3A_230, %mul3A_227] : memref<32x3x32768xf32, #tpu.memory_space<hbm>> -> memref<1x1x512xf32, #tpu.memory_space<hbm>>
        %dma_wait3A_454 = tpu.memref_squeeze %dma_wait3A_453 : memref<1x1x512xf32, #tpu.memory_space<hbm>> -> memref<512xf32, #tpu.memory_space<hbm>>
        tpu.wait_dma2 semaphore(%run_scoped3A_446 : memref<!tpu.dma_semaphore, #tpu.memory_space<semaphore_mem>>) src(%dma_wait3A_454 : memref<512xf32, #tpu.memory_space<hbm>>) dst(%arg12 : memref<512xf32, #tpu.memory_space<vmem>>)
        tpu.yield
      }) : () -> ()
      %scan3A_231 = arith.constant 0 : i32
      %scan3A_232 = arith.constant 0 : i32
      %scan3A_233 = arith.constant 32 : i32
      %scan3A_234 = arith.addi %scan3A_232, %scan3A_233 : i32
      %scan3A_235 = arith.constant 1 : i32
      scf.for %scan3A_446 = %scan3A_232 to %scan3A_234 step %scan3A_235  : i32 {
        %mul3A_447 = arith.constant 16 : i32
        %mul3A_448 = arith.muli %scan3A_446, %mul3A_447 : i32
        %get3A = arith.index_cast %mul3A_448 : i32 to index
        %get3A_449 = tpu.vector_load %arg10[%get3A] {strides = array<i32>} : memref<512xf32, #tpu.memory_space<vmem>>, vector<16xf32>,
        %add3A_450 = arith.constant 1.000000e+00 : f32
        %add3A_451 = vector.broadcast %add3A_450 : f32 to vector<16xf32>
        %add3A_452 = arith.addf %get3A_449, %add3A_451 : vector<16xf32>
        %mul3A_453 = arith.constant 3.000000e+01 : f32
        %mul3A_454 = vector.broadcast %mul3A_453 : f32 to vector<16xf32>
        %mul3A_455 = arith.mulf %add3A_452, %mul3A_454 : vector<16xf32>
        %mul3A_456 = arith.constant 5.000000e-01 : f32
        %mul3A_457 = vector.broadcast %mul3A_456 : f32 to vector<16xf32>
        %mul3A_458 = arith.mulf %mul3A_455, %mul3A_457 : vector<16xf32>
        %get3A_459 = arith.index_cast %mul3A_448 : i32 to index
        %get3A_460 = tpu.vector_load %arg11[%get3A_459] {strides = array<i32>} : memref<512xf32, #tpu.memory_space<vmem>>, vector<16xf32>,
        %add3A_461 = arith.constant 1.000000e+00 : f32
        %add3A_462 = vector.broadcast %add3A_461 : f32 to vector<16xf32>
        %add3A_463 = arith.addf %get3A_460, %add3A_462 : vector<16xf32>
        %mul3A_464 = arith.constant 3.000000e+01 : f32
        %mul3A_465 = vector.broadcast %mul3A_464 : f32 to vector<16xf32>
        %mul3A_466 = arith.mulf %add3A_463, %mul3A_465 : vector<16xf32>
        %mul3A_467 = arith.constant 5.000000e-01 : f32
        %mul3A_468 = vector.broadcast %mul3A_467 : f32 to vector<16xf32>
        %mul3A_469 = arith.mulf %mul3A_466, %mul3A_468 : vector<16xf32>
        %get3A_470 = arith.index_cast %mul3A_448 : i32 to index
        %get3A_471 = tpu.vector_load %arg12[%get3A_470] {strides = array<i32>} : memref<512xf32, #tpu.memory_space<vmem>>, vector<16xf32>,
        %add3A_472 = arith.constant 1.000000e+00 : f32
        %add3A_473 = vector.broadcast %add3A_472 : f32 to vector<16xf32>
        %add3A_474 = arith.addf %get3A_471, %add3A_473 : vector<16xf32>
        %mul3A_475 = arith.constant 3.000000e+01 : f32
        %mul3A_476 = vector.broadcast %mul3A_475 : f32 to vector<16xf32>
        %mul3A_477 = arith.mulf %add3A_474, %mul3A_476 : vector<16xf32>
        %mul3A_478 = arith.constant 5.000000e-01 : f32
        %mul3A_479 = vector.broadcast %mul3A_478 : f32 to vector<16xf32>
        %mul3A_480 = arith.mulf %mul3A_477, %mul3A_479 : vector<16xf32>
        %convert_element_type3A = arith.fptosi %mul3A_458 : vector<16xf32> to vector<16xi32>
        %convert_element_type3A_481 = arith.sitofp %convert_element_type3A : vector<16xi32> to vector<16xf32>
        %lt3A = arith.cmpf olt, %mul3A_458, %convert_element_type3A_481 : vector<16xf32>
        %sub3A = arith.constant 1 : i32
        %sub3A_482 = vector.broadcast %sub3A : i32 to vector<16xi32>
        %sub3A_483 = arith.subi %convert_element_type3A, %sub3A_482 : vector<16xi32>
        %select_n3A_484 = arith.select %lt3A, %sub3A_483, %convert_element_type3A : vector<16xi1>, vector<16xi32>
        %jit3A_485 = arith.constant 0 : i32
        %jit3A_486 = arith.constant 31 : i32
        %max3A = vector.broadcast %jit3A_485 : i32 to vector<16xi32>
        %max3A_487 = arith.maxsi %max3A, %select_n3A_484 : vector<16xi32>
        %min3A = vector.broadcast %jit3A_486 : i32 to vector<16xi32>
        %min3A_488 = arith.minsi %min3A, %max3A_487 : vector<16xi32>
        %add3A_489 = arith.constant 1 : i32
        %add3A_490 = vector.broadcast %add3A_489 : i32 to vector<16xi32>
        %add3A_491 = arith.addi %select_n3A_484, %add3A_490 : vector<16xi32>
        %jit3A_492 = arith.constant 0 : i32
        %jit3A_493 = arith.constant 31 : i32
        %max3A_494 = vector.broadcast %jit3A_492 : i32 to vector<16xi32>
        %max3A_495 = arith.maxsi %max3A_494, %add3A_491 : vector<16xi32>
        %min3A_496 = vector.broadcast %jit3A_493 : i32 to vector<16xi32>
        %min3A_497 = arith.minsi %min3A_496, %max3A_495 : vector<16xi32>
        %convert_element_type3A_498 = arith.fptosi %mul3A_469 : vector<16xf32> to vector<16xi32>
        %convert_element_type3A_499 = arith.sitofp %convert_element_type3A_498 : vector<16xi32> to vector<16xf32>
        %lt3A_500 = arith.cmpf olt, %mul3A_469, %convert_element_type3A_499 : vector<16xf32>
        %sub3A_501 = arith.constant 1 : i32
        %sub3A_502 = vector.broadcast %sub3A_501 : i32 to vector<16xi32>
        %sub3A_503 = arith.subi %convert_element_type3A_498, %sub3A_502 : vector<16xi32>
        %select_n3A_504 = arith.select %lt3A_500, %sub3A_503, %convert_element_type3A_498 : vector<16xi1>, vector<16xi32>
        %jit3A_505 = arith.constant 0 : i32
        %jit3A_506 = arith.constant 31 : i32
        %max3A_507 = vector.broadcast %jit3A_505 : i32 to vector<16xi32>
        %max3A_508 = arith.maxsi %max3A_507, %select_n3A_504 : vector<16xi32>
        %min3A_509 = vector.broadcast %jit3A_506 : i32 to vector<16xi32>
        %min3A_510 = arith.minsi %min3A_509, %max3A_508 : vector<16xi32>
        %add3A_511 = arith.constant 1 : i32
        %add3A_512 = vector.broadcast %add3A_511 : i32 to vector<16xi32>
        %add3A_513 = arith.addi %select_n3A_504, %add3A_512 : vector<16xi32>
        %jit3A_514 = arith.constant 0 : i32
        %jit3A_515 = arith.constant 31 : i32
        %max3A_516 = vector.broadcast %jit3A_514 : i32 to vector<16xi32>
        %max3A_517 = arith.maxsi %max3A_516, %add3A_513 : vector<16xi32>
        %min3A_518 = vector.broadcast %jit3A_515 : i32 to vector<16xi32>
        %min3A_519 = arith.minsi %min3A_518, %max3A_517 : vector<16xi32>
        %convert_element_type3A_520 = arith.fptosi %mul3A_480 : vector<16xf32> to vector<16xi32>
        %convert_element_type3A_521 = arith.sitofp %convert_element_type3A_520 : vector<16xi32> to vector<16xf32>
        %lt3A_522 = arith.cmpf olt, %mul3A_480, %convert_element_type3A_521 : vector<16xf32>
        %sub3A_523 = arith.constant 1 : i32
        %sub3A_524 = vector.broadcast %sub3A_523 : i32 to vector<16xi32>
        %sub3A_525 = arith.subi %convert_element_type3A_520, %sub3A_524 : vector<16xi32>
        %select_n3A_526 = arith.select %lt3A_522, %sub3A_525, %convert_element_type3A_520 : vector<16xi1>, vector<16xi32>
        %jit3A_527 = arith.constant 0 : i32
        %jit3A_528 = arith.constant 31 : i32
        %max3A_529 = vector.broadcast %jit3A_527 : i32 to vector<16xi32>
        %max3A_530 = arith.maxsi %max3A_529, %select_n3A_526 : vector<16xi32>
        %min3A_531 = vector.broadcast %jit3A_528 : i32 to vector<16xi32>
        %min3A_532 = arith.minsi %min3A_531, %max3A_530 : vector<16xi32>
        %add3A_533 = arith.constant 1 : i32
        %add3A_534 = vector.broadcast %add3A_533 : i32 to vector<16xi32>
        %add3A_535 = arith.addi %select_n3A_526, %add3A_534 : vector<16xi32>
        %jit3A_536 = arith.constant 0 : i32
        %jit3A_537 = arith.constant 31 : i32
        %max3A_538 = vector.broadcast %jit3A_536 : i32 to vector<16xi32>
        %max3A_539 = arith.maxsi %max3A_538, %add3A_535 : vector<16xi32>
        %min3A_540 = vector.broadcast %jit3A_537 : i32 to vector<16xi32>
        %min3A_541 = arith.minsi %min3A_540, %max3A_539 : vector<16xi32>
        %convert_element_type3A_542 = arith.sitofp %min3A_488 : vector<16xi32> to vector<16xf32>
        %sub3A_543 = arith.subf %mul3A_458, %convert_element_type3A_542 : vector<16xf32>
        %swap3A = arith.index_cast %mul3A_448 : i32 to index
        %swap3A_544 = tpu.vector_load %arg10[%swap3A] {strides = array<i32>} : memref<512xf32, #tpu.memory_space<vmem>>, vector<16xf32>,
        tpu.vector_store %arg10[%swap3A], %sub3A_543 {strides = array<i32>} : memref<512xf32, #tpu.memory_space<vmem>>, vector<16xf32>,
        %convert_element_type3A_545 = arith.sitofp %min3A_519 : vector<16xi32> to vector<16xf32>
        %sub3A_546 = arith.subf %convert_element_type3A_545, %mul3A_469 : vector<16xf32>
        %swap3A_547 = arith.index_cast %mul3A_448 : i32 to index
        %swap3A_548 = tpu.vector_load %arg11[%swap3A_547] {strides = array<i32>} : memref<512xf32, #tpu.memory_space<vmem>>, vector<16xf32>,
        tpu.vector_store %arg11[%swap3A_547], %sub3A_546 {strides = array<i32>} : memref<512xf32, #tpu.memory_space<vmem>>, vector<16xf32>,
        %convert_element_type3A_549 = arith.sitofp %min3A_532 : vector<16xi32> to vector<16xf32>
        %sub3A_550 = arith.subf %mul3A_480, %convert_element_type3A_549 : vector<16xf32>
        %swap3A_551 = arith.index_cast %mul3A_448 : i32 to index
        %swap3A_552 = tpu.vector_load %arg12[%swap3A_551] {strides = array<i32>} : memref<512xf32, #tpu.memory_space<vmem>>, vector<16xf32>,
        tpu.vector_store %arg12[%swap3A_551], %sub3A_550 {strides = array<i32>} : memref<512xf32, #tpu.memory_space<vmem>>, vector<16xf32>,
        %mul3A_553 = arith.constant 1024 : i32
        %mul3A_554 = vector.broadcast %mul3A_553 : i32 to vector<16xi32>
        %mul3A_555 = arith.muli %min3A_519, %mul3A_554 : vector<16xi32>
        %add3A_556 = vector.broadcast %mul3A_2 : i32 to vector<16xi32>
        %add3A_557 = arith.addi %add3A_556, %mul3A_555 : vector<16xi32>
        %mul3A_558 = arith.constant 1024 : i32
        %mul3A_559 = vector.broadcast %mul3A_558 : i32 to vector<16xi32>
        %mul3A_560 = arith.muli %min3A_510, %mul3A_559 : vector<16xi32>
        %add3A_561 = vector.broadcast %mul3A_2 : i32 to vector<16xi32>
        %add3A_562 = arith.addi %add3A_561, %mul3A_560 : vector<16xi32>
        %mul3A_563 = arith.constant 32 : i32
        %mul3A_564 = vector.broadcast %mul3A_563 : i32 to vector<16xi32>
        %mul3A_565 = arith.muli %min3A_488, %mul3A_564 : vector<16xi32>
        %mul3A_566 = arith.constant 32 : i32
        %mul3A_567 = vector.broadcast %mul3A_566 : i32 to vector<16xi32>
        %mul3A_568 = arith.muli %min3A_497, %mul3A_567 : vector<16xi32>
        %add3A_569 = arith.addi %add3A_557, %mul3A_565 : vector<16xi32>
        %add3A_570 = arith.addi %add3A_569, %min3A_532 : vector<16xi32>
        %swap3A_571 = arith.constant 0 : i32
        %swap3A_572 = arith.index_cast %swap3A_571 : i32 to index
        %swap3A_573 = arith.index_cast %mul3A_448 : i32 to index
        %swap3A_574 = tpu.vector_load %arg13[%swap3A_572, %swap3A_573] {strides = array<i32>} : memref<8x512xi32, #tpu.memory_space<vmem>>, vector<16xi32>,
        tpu.vector_store %arg13[%swap3A_572, %swap3A_573], %add3A_570 {strides = array<i32>} : memref<8x512xi32, #tpu.memory_space<vmem>>, vector<16xi32>,
        %add3A_575 = arith.addi %add3A_557, %mul3A_565 : vector<16xi32>
        %add3A_576 = arith.addi %add3A_575, %min3A_541 : vector<16xi32>
        %swap3A_577 = arith.constant 1 : i32
        %swap3A_578 = arith.index_cast %swap3A_577 : i32 to index
        %swap3A_579 = arith.index_cast %mul3A_448 : i32 to index
        %swap3A_580 = tpu.vector_load %arg13[%swap3A_578, %swap3A_579] {strides = array<i32>} : memref<8x512xi32, #tpu.memory_space<vmem>>, vector<16xi32>,
        tpu.vector_store %arg13[%swap3A_578, %swap3A_579], %add3A_576 {strides = array<i32>} : memref<8x512xi32, #tpu.memory_space<vmem>>, vector<16xi32>,
        %add3A_581 = arith.addi %add3A_562, %mul3A_565 : vector<16xi32>
        %add3A_582 = arith.addi %add3A_581, %min3A_532 : vector<16xi32>
        %swap3A_583 = arith.constant 2 : i32
        %swap3A_584 = arith.index_cast %swap3A_583 : i32 to index
        %swap3A_585 = arith.index_cast %mul3A_448 : i32 to index
        %swap3A_586 = tpu.vector_load %arg13[%swap3A_584, %swap3A_585] {strides = array<i32>} : memref<8x512xi32, #tpu.memory_space<vmem>>, vector<16xi32>,
        tpu.vector_store %arg13[%swap3A_584, %swap3A_585], %add3A_582 {strides = array<i32>} : memref<8x512xi32, #tpu.memory_space<vmem>>, vector<16xi32>,
        %add3A_587 = arith.addi %add3A_562, %mul3A_565 : vector<16xi32>
        %add3A_588 = arith.addi %add3A_587, %min3A_541 : vector<16xi32>
        %swap3A_589 = arith.constant 3 : i32
        %swap3A_590 = arith.index_cast %swap3A_589 : i32 to index
        %swap3A_591 = arith.index_cast %mul3A_448 : i32 to index
        %swap3A_592 = tpu.vector_load %arg13[%swap3A_590, %swap3A_591] {strides = array<i32>} : memref<8x512xi32, #tpu.memory_space<vmem>>, vector<16xi32>,
        tpu.vector_store %arg13[%swap3A_590, %swap3A_591], %add3A_588 {strides = array<i32>} : memref<8x512xi32, #tpu.memory_space<vmem>>, vector<16xi32>,
        %add3A_593 = arith.addi %add3A_557, %mul3A_568 : vector<16xi32>
        %add3A_594 = arith.addi %add3A_593, %min3A_532 : vector<16xi32>
        %swap3A_595 = arith.constant 4 : i32
        %swap3A_596 = arith.index_cast %swap3A_595 : i32 to index
        %swap3A_597 = arith.index_cast %mul3A_448 : i32 to index
        %swap3A_598 = tpu.vector_load %arg13[%swap3A_596, %swap3A_597] {strides = array<i32>} : memref<8x512xi32, #tpu.memory_space<vmem>>, vector<16xi32>,
        tpu.vector_store %arg13[%swap3A_596, %swap3A_597], %add3A_594 {strides = array<i32>} : memref<8x512xi32, #tpu.memory_space<vmem>>, vector<16xi32>,
        %add3A_599 = arith.addi %add3A_557, %mul3A_568 : vector<16xi32>
        %add3A_600 = arith.addi %add3A_599, %min3A_541 : vector<16xi32>
        %swap3A_601 = arith.constant 5 : i32
        %swap3A_602 = arith.index_cast %swap3A_601 : i32 to index
        %swap3A_603 = arith.index_cast %mul3A_448 : i32 to index
        %swap3A_604 = tpu.vector_load %arg13[%swap3A_602, %swap3A_603] {strides = array<i32>} : memref<8x512xi32, #tpu.memory_space<vmem>>, vector<16xi32>,
        tpu.vector_store %arg13[%swap3A_602, %swap3A_603], %add3A_600 {strides = array<i32>} : memref<8x512xi32, #tpu.memory_space<vmem>>, vector<16xi32>,
        %add3A_605 = arith.addi %add3A_562, %mul3A_568 : vector<16xi32>
        %add3A_606 = arith.addi %add3A_605, %min3A_532 : vector<16xi32>
        %swap3A_607 = arith.constant 6 : i32
        %swap3A_608 = arith.index_cast %swap3A_607 : i32 to index
        %swap3A_609 = arith.index_cast %mul3A_448 : i32 to index
        %swap3A_610 = tpu.vector_load %arg13[%swap3A_608, %swap3A_609] {strides = array<i32>} : memref<8x512xi32, #tpu.memory_space<vmem>>, vector<16xi32>,
        tpu.vector_store %arg13[%swap3A_608, %swap3A_609], %add3A_606 {strides = array<i32>} : memref<8x512xi32, #tpu.memory_space<vmem>>, vector<16xi32>,
        %add3A_611 = arith.addi %add3A_562, %mul3A_568 : vector<16xi32>
        %add3A_612 = arith.addi %add3A_611, %min3A_541 : vector<16xi32>
        %swap3A_613 = arith.constant 7 : i32
        %swap3A_614 = arith.index_cast %swap3A_613 : i32 to index
        %swap3A_615 = arith.index_cast %mul3A_448 : i32 to index
        %swap3A_616 = tpu.vector_load %arg13[%swap3A_614, %swap3A_615] {strides = array<i32>} : memref<8x512xi32, #tpu.memory_space<vmem>>, vector<16xi32>,
        tpu.vector_store %arg13[%swap3A_614, %swap3A_615], %add3A_612 {strides = array<i32>} : memref<8x512xi32, #tpu.memory_space<vmem>>, vector<16xi32>,
      }
      %scan3A_236 = arith.constant 32 : i32
      %dma_start3A_237 = arith.constant 0 : i32
      %dma_start3A_238 = arith.constant 0 : i32
      %dma_start3A_239 = arith.constant 0 : i32
      %dma_start3A_240 = tpu.memref_slice %arg14[%dma_start3A_238, %dma_start3A_239] : memref<4096x8xf32, #tpu.memory_space<vmem>> -> memref<512x8xf32, #tpu.memory_space<vmem>>
      %dma_start3A_241 = arith.constant 0 : i32
      %dma_start3A_242 = tpu.memref_slice %arg13[%dma_start3A_237, %dma_start3A_241] : memref<8x512xi32, #tpu.memory_space<vmem>> -> memref<1x512xi32, #tpu.memory_space<vmem>>
      %dma_start3A_243 = tpu.memref_squeeze %dma_start3A_242 : memref<1x512xi32, #tpu.memory_space<vmem>> -> memref<512xi32, #tpu.memory_space<vmem>>
      %dma_start3A_244 = arith.constant 0 : i32
      %dma_start3A_245 = arith.constant 0 : i32
      %dma_start3A_246 = tpu.memref_slice %arg2[%dma_start3A_244, %dma_start3A_245] : memref<1048576x8xf32, #tpu.memory_space<hbm>> -> memref<1048576x8xf32, #tpu.memory_space<hbm>>
      tpu.enqueue_indirect_dma source(%dma_start3A_246 : memref<1048576x8xf32, #tpu.memory_space<hbm>>) target(%dma_start3A_240 : memref<512x8xf32, #tpu.memory_space<vmem>>) offsets(%dma_start3A_243 : memref<512xi32, #tpu.memory_space<vmem>>) semaphore(%arg17 : memref<!tpu.dma_semaphore, #tpu.memory_space<semaphore_mem>>)
      %dma_start3A_247 = arith.constant 1 : i32
      %dma_start3A_248 = arith.constant 512 : i32
      %dma_start3A_249 = arith.constant 0 : i32
      %dma_start3A_250 = tpu.memref_slice %arg14[%dma_start3A_248, %dma_start3A_249] : memref<4096x8xf32, #tpu.memory_space<vmem>> -> memref<512x8xf32, #tpu.memory_space<vmem>>
      %dma_start3A_251 = arith.constant 0 : i32
      %dma_start3A_252 = tpu.memref_slice %arg13[%dma_start3A_247, %dma_start3A_251] : memref<8x512xi32, #tpu.memory_space<vmem>> -> memref<1x512xi32, #tpu.memory_space<vmem>>
      %dma_start3A_253 = tpu.memref_squeeze %dma_start3A_252 : memref<1x512xi32, #tpu.memory_space<vmem>> -> memref<512xi32, #tpu.memory_space<vmem>>
      %dma_start3A_254 = arith.constant 0 : i32
      %dma_start3A_255 = arith.constant 0 : i32
      %dma_start3A_256 = tpu.memref_slice %arg2[%dma_start3A_254, %dma_start3A_255] : memref<1048576x8xf32, #tpu.memory_space<hbm>> -> memref<1048576x8xf32, #tpu.memory_space<hbm>>
      tpu.enqueue_indirect_dma source(%dma_start3A_256 : memref<1048576x8xf32, #tpu.memory_space<hbm>>) target(%dma_start3A_250 : memref<512x8xf32, #tpu.memory_space<vmem>>) offsets(%dma_start3A_253 : memref<512xi32, #tpu.memory_space<vmem>>) semaphore(%arg17 : memref<!tpu.dma_semaphore, #tpu.memory_space<semaphore_mem>>)
      %dma_start3A_257 = arith.constant 2 : i32
      %dma_start3A_258 = arith.constant 1024 : i32
      %dma_start3A_259 = arith.constant 0 : i32
      %dma_start3A_260 = tpu.memref_slice %arg14[%dma_start3A_258, %dma_start3A_259] : memref<4096x8xf32, #tpu.memory_space<vmem>> -> memref<512x8xf32, #tpu.memory_space<vmem>>
      %dma_start3A_261 = arith.constant 0 : i32
      %dma_start3A_262 = tpu.memref_slice %arg13[%dma_start3A_257, %dma_start3A_261] : memref<8x512xi32, #tpu.memory_space<vmem>> -> memref<1x512xi32, #tpu.memory_space<vmem>>
      %dma_start3A_263 = tpu.memref_squeeze %dma_start3A_262 : memref<1x512xi32, #tpu.memory_space<vmem>> -> memref<512xi32, #tpu.memory_space<vmem>>
      %dma_start3A_264 = arith.constant 0 : i32
      %dma_start3A_265 = arith.constant 0 : i32
      %dma_start3A_266 = tpu.memref_slice %arg2[%dma_start3A_264, %dma_start3A_265] : memref<1048576x8xf32, #tpu.memory_space<hbm>> -> memref<1048576x8xf32, #tpu.memory_space<hbm>>
      tpu.enqueue_indirect_dma source(%dma_start3A_266 : memref<1048576x8xf32, #tpu.memory_space<hbm>>) target(%dma_start3A_260 : memref<512x8xf32, #tpu.memory_space<vmem>>) offsets(%dma_start3A_263 : memref<512xi32, #tpu.memory_space<vmem>>) semaphore(%arg17 : memref<!tpu.dma_semaphore, #tpu.memory_space<semaphore_mem>>)
      %dma_start3A_267 = arith.constant 3 : i32
      %dma_start3A_268 = arith.constant 1536 : i32
      %dma_start3A_269 = arith.constant 0 : i32
      %dma_start3A_270 = tpu.memref_slice %arg14[%dma_start3A_268, %dma_start3A_269] : memref<4096x8xf32, #tpu.memory_space<vmem>> -> memref<512x8xf32, #tpu.memory_space<vmem>>
      %dma_start3A_271 = arith.constant 0 : i32
      %dma_start3A_272 = tpu.memref_slice %arg13[%dma_start3A_267, %dma_start3A_271] : memref<8x512xi32, #tpu.memory_space<vmem>> -> memref<1x512xi32, #tpu.memory_space<vmem>>
      %dma_start3A_273 = tpu.memref_squeeze %dma_start3A_272 : memref<1x512xi32, #tpu.memory_space<vmem>> -> memref<512xi32, #tpu.memory_space<vmem>>
      %dma_start3A_274 = arith.constant 0 : i32
      %dma_start3A_275 = arith.constant 0 : i32
      %dma_start3A_276 = tpu.memref_slice %arg2[%dma_start3A_274, %dma_start3A_275] : memref<1048576x8xf32, #tpu.memory_space<hbm>> -> memref<1048576x8xf32, #tpu.memory_space<hbm>>
      tpu.enqueue_indirect_dma source(%dma_start3A_276 : memref<1048576x8xf32, #tpu.memory_space<hbm>>) target(%dma_start3A_270 : memref<512x8xf32, #tpu.memory_space<vmem>>) offsets(%dma_start3A_273 : memref<512xi32, #tpu.memory_space<vmem>>) semaphore(%arg17 : memref<!tpu.dma_semaphore, #tpu.memory_space<semaphore_mem>>)
      %dma_start3A_277 = arith.constant 4 : i32
      %dma_start3A_278 = arith.constant 2048 : i32
      %dma_start3A_279 = arith.constant 0 : i32
      %dma_start3A_280 = tpu.memref_slice %arg14[%dma_start3A_278, %dma_start3A_279] : memref<4096x8xf32, #tpu.memory_space<vmem>> -> memref<512x8xf32, #tpu.memory_space<vmem>>
      %dma_start3A_281 = arith.constant 0 : i32
      %dma_start3A_282 = tpu.memref_slice %arg13[%dma_start3A_277, %dma_start3A_281] : memref<8x512xi32, #tpu.memory_space<vmem>> -> memref<1x512xi32, #tpu.memory_space<vmem>>
      %dma_start3A_283 = tpu.memref_squeeze %dma_start3A_282 : memref<1x512xi32, #tpu.memory_space<vmem>> -> memref<512xi32, #tpu.memory_space<vmem>>
      %dma_start3A_284 = arith.constant 0 : i32
      %dma_start3A_285 = arith.constant 0 : i32
      %dma_start3A_286 = tpu.memref_slice %arg2[%dma_start3A_284, %dma_start3A_285] : memref<1048576x8xf32, #tpu.memory_space<hbm>> -> memref<1048576x8xf32, #tpu.memory_space<hbm>>
      tpu.enqueue_indirect_dma source(%dma_start3A_286 : memref<1048576x8xf32, #tpu.memory_space<hbm>>) target(%dma_start3A_280 : memref<512x8xf32, #tpu.memory_space<vmem>>) offsets(%dma_start3A_283 : memref<512xi32, #tpu.memory_space<vmem>>) semaphore(%arg17 : memref<!tpu.dma_semaphore, #tpu.memory_space<semaphore_mem>>)
      %dma_start3A_287 = arith.constant 5 : i32
      %dma_start3A_288 = arith.constant 2560 : i32
      %dma_start3A_289 = arith.constant 0 : i32
      %dma_start3A_290 = tpu.memref_slice %arg14[%dma_start3A_288, %dma_start3A_289] : memref<4096x8xf32, #tpu.memory_space<vmem>> -> memref<512x8xf32, #tpu.memory_space<vmem>>
      %dma_start3A_291 = arith.constant 0 : i32
      %dma_start3A_292 = tpu.memref_slice %arg13[%dma_start3A_287, %dma_start3A_291] : memref<8x512xi32, #tpu.memory_space<vmem>> -> memref<1x512xi32, #tpu.memory_space<vmem>>
      %dma_start3A_293 = tpu.memref_squeeze %dma_start3A_292 : memref<1x512xi32, #tpu.memory_space<vmem>> -> memref<512xi32, #tpu.memory_space<vmem>>
      %dma_start3A_294 = arith.constant 0 : i32
      %dma_start3A_295 = arith.constant 0 : i32
      %dma_start3A_296 = tpu.memref_slice %arg2[%dma_start3A_294, %dma_start3A_295] : memref<1048576x8xf32, #tpu.memory_space<hbm>> -> memref<1048576x8xf32, #tpu.memory_space<hbm>>
      tpu.enqueue_indirect_dma source(%dma_start3A_296 : memref<1048576x8xf32, #tpu.memory_space<hbm>>) target(%dma_start3A_290 : memref<512x8xf32, #tpu.memory_space<vmem>>) offsets(%dma_start3A_293 : memref<512xi32, #tpu.memory_space<vmem>>) semaphore(%arg17 : memref<!tpu.dma_semaphore, #tpu.memory_space<semaphore_mem>>)
      %dma_start3A_297 = arith.constant 6 : i32
      %dma_start3A_298 = arith.constant 3072 : i32
      %dma_start3A_299 = arith.constant 0 : i32
      %dma_start3A_300 = tpu.memref_slice %arg14[%dma_start3A_298, %dma_start3A_299] : memref<4096x8xf32, #tpu.memory_space<vmem>> -> memref<512x8xf32, #tpu.memory_space<vmem>>
      %dma_start3A_301 = arith.constant 0 : i32
      %dma_start3A_302 = tpu.memref_slice %arg13[%dma_start3A_297, %dma_start3A_301] : memref<8x512xi32, #tpu.memory_space<vmem>> -> memref<1x512xi32, #tpu.memory_space<vmem>>
      %dma_start3A_303 = tpu.memref_squeeze %dma_start3A_302 : memref<1x512xi32, #tpu.memory_space<vmem>> -> memref<512xi32, #tpu.memory_space<vmem>>
      %dma_start3A_304 = arith.constant 0 : i32
      %dma_start3A_305 = arith.constant 0 : i32
      %dma_start3A_306 = tpu.memref_slice %arg2[%dma_start3A_304, %dma_start3A_305] : memref<1048576x8xf32, #tpu.memory_space<hbm>> -> memref<1048576x8xf32, #tpu.memory_space<hbm>>
      tpu.enqueue_indirect_dma source(%dma_start3A_306 : memref<1048576x8xf32, #tpu.memory_space<hbm>>) target(%dma_start3A_300 : memref<512x8xf32, #tpu.memory_space<vmem>>) offsets(%dma_start3A_303 : memref<512xi32, #tpu.memory_space<vmem>>) semaphore(%arg17 : memref<!tpu.dma_semaphore, #tpu.memory_space<semaphore_mem>>)
      %dma_start3A_307 = arith.constant 7 : i32
      %dma_start3A_308 = arith.constant 3584 : i32
      %dma_start3A_309 = arith.constant 0 : i32
      %dma_start3A_310 = tpu.memref_slice %arg14[%dma_start3A_308, %dma_start3A_309] : memref<4096x8xf32, #tpu.memory_space<vmem>> -> memref<512x8xf32, #tpu.memory_space<vmem>>
      %dma_start3A_311 = arith.constant 0 : i32
      %dma_start3A_312 = tpu.memref_slice %arg13[%dma_start3A_307, %dma_start3A_311] : memref<8x512xi32, #tpu.memory_space<vmem>> -> memref<1x512xi32, #tpu.memory_space<vmem>>
      %dma_start3A_313 = tpu.memref_squeeze %dma_start3A_312 : memref<1x512xi32, #tpu.memory_space<vmem>> -> memref<512xi32, #tpu.memory_space<vmem>>
      %dma_start3A_314 = arith.constant 0 : i32
      %dma_start3A_315 = arith.constant 0 : i32
      %dma_start3A_316 = tpu.memref_slice %arg2[%dma_start3A_314, %dma_start3A_315] : memref<1048576x8xf32, #tpu.memory_space<hbm>> -> memref<1048576x8xf32, #tpu.memory_space<hbm>>
      tpu.enqueue_indirect_dma source(%dma_start3A_316 : memref<1048576x8xf32, #tpu.memory_space<hbm>>) target(%dma_start3A_310 : memref<512x8xf32, #tpu.memory_space<vmem>>) offsets(%dma_start3A_313 : memref<512xi32, #tpu.memory_space<vmem>>) semaphore(%arg17 : memref<!tpu.dma_semaphore, #tpu.memory_space<semaphore_mem>>)
      %dma_wait3A_317 = arith.constant 0 : i32
      %dma_wait3A_318 = arith.constant 0 : i32
      %dma_wait3A_319 = tpu.memref_slice %arg2[%dma_wait3A_317, %dma_wait3A_318] : memref<1048576x8xf32, #tpu.memory_space<hbm>> -> memref<4096x8xf32, #tpu.memory_space<hbm>>
      %dma_wait3A_320 = arith.constant 0 : i32
      %dma_wait3A_321 = arith.constant 0 : i32
      %dma_wait3A_322 = tpu.memref_slice %arg2[%dma_wait3A_320, %dma_wait3A_321] : memref<1048576x8xf32, #tpu.memory_space<hbm>> -> memref<4096x8xf32, #tpu.memory_space<hbm>>
      tpu.wait_dma2 semaphore(%arg16 : memref<!tpu.dma_semaphore, #tpu.memory_space<semaphore_mem>>) src(%dma_wait3A_322 : memref<4096x8xf32, #tpu.memory_space<hbm>>) dst(%arg9 : memref<4096x8xf32, #tpu.memory_space<vmem>>)
      %mul3A_323 = arith.constant 512 : i32
      %mul3A_324 = arith.muli %mul3A_223, %mul3A_323 : i32
      %scan3A_325 = arith.constant 0 : i32
      %scan3A_326 = arith.constant 0 : i32
      %scan3A_327 = arith.constant 128 : i32
      %scan3A_328 = arith.addi %scan3A_326, %scan3A_327 : i32
      %scan3A_329 = arith.constant 1 : i32
      scf.for %scan3A_446 = %scan3A_326 to %scan3A_328 step %scan3A_329  : i32 {
        %mul3A_447 = arith.constant 2 : i32
        %mul3A_448 = arith.muli %mul3A_447, %scan3A_446 : i32
        %mul3A_449 = arith.constant 2 : i32
        %mul3A_450 = arith.muli %mul3A_449, %mul3A_448 : i32
        %add3A_451 = vector.broadcast %mul3A_450 : i32 to vector<16xi32>
        %add3A_452 = arith.addi %add3A_451, %select_n3A : vector<16xi32>
        %gather3A = tpu.vector_load_idx %arg5[%add3A_452] : memref<512xf32, #tpu.memory_space<vmem>>[vector<16xi32>], vector<16xf32>,
        %gather3A_453 = tpu.vector_load_idx %arg6[%add3A_452] : memref<512xf32, #tpu.memory_space<vmem>>[vector<16xi32>], vector<16xf32>,
        %gather3A_454 = tpu.vector_load_idx %arg7[%add3A_452] : memref<512xf32, #tpu.memory_space<vmem>>[vector<16xi32>], vector<16xf32>,
        %sub3A = arith.constant 1.000000e+00 : f32
        %sub3A_455 = vector.broadcast %sub3A : f32 to vector<16xf32>
        %sub3A_456 = arith.subf %sub3A_455, %gather3A_453 : vector<16xf32>
        %sub3A_457 = arith.constant 1.000000e+00 : f32
        %sub3A_458 = vector.broadcast %sub3A_457 : f32 to vector<16xf32>
        %sub3A_459 = arith.subf %sub3A_458, %gather3A_454 : vector<16xf32>
        %mul3A_460 = arith.mulf %sub3A_456, %sub3A_459 : vector<16xf32>
        %sub3A_461 = arith.constant 1.000000e+00 : f32
        %sub3A_462 = vector.broadcast %sub3A_461 : f32 to vector<16xf32>
        %sub3A_463 = arith.subf %sub3A_462, %gather3A_453 : vector<16xf32>
        %mul3A_464 = arith.mulf %sub3A_463, %gather3A_454 : vector<16xf32>
        %sub3A_465 = arith.constant 1.000000e+00 : f32
        %sub3A_466 = vector.broadcast %sub3A_465 : f32 to vector<16xf32>
        %sub3A_467 = arith.subf %sub3A_466, %gather3A_454 : vector<16xf32>
        %mul3A_468 = arith.mulf %gather3A_453, %sub3A_467 : vector<16xf32>
        %mul3A_469 = arith.mulf %gather3A_453, %gather3A_454 : vector<16xf32>
        %sub3A_470 = arith.constant 1.000000e+00 : f32
        %sub3A_471 = vector.broadcast %sub3A_470 : f32 to vector<16xf32>
        %sub3A_472 = arith.subf %sub3A_471, %gather3A : vector<16xf32>
        %gather3A_473 = tpu.vector_load_idx %arg9[%add3A_452, %and3A_8] : memref<4096x8xf32, #tpu.memory_space<vmem>>[vector<16xi32>, vector<16xi32>], vector<16xf32>,
        %add3A_474 = arith.constant 512 : i32
        %add3A_475 = vector.broadcast %add3A_474 : i32 to vector<16xi32>
        %add3A_476 = arith.addi %add3A_475, %add3A_452 : vector<16xi32>
        %gather3A_477 = tpu.vector_load_idx %arg9[%add3A_476, %and3A_8] : memref<4096x8xf32, #tpu.memory_space<vmem>>[vector<16xi32>, vector<16xi32>], vector<16xf32>,
        %add3A_478 = arith.constant 1024 : i32
        %add3A_479 = vector.broadcast %add3A_478 : i32 to vector<16xi32>
        %add3A_480 = arith.addi %add3A_479, %add3A_452 : vector<16xi32>
        %gather3A_481 = tpu.vector_load_idx %arg9[%add3A_480, %and3A_8] : memref<4096x8xf32, #tpu.memory_space<vmem>>[vector<16xi32>, vector<16xi32>], vector<16xf32>,
        %add3A_482 = arith.constant 1536 : i32
        %add3A_483 = vector.broadcast %add3A_482 : i32 to vector<16xi32>
        %add3A_484 = arith.addi %add3A_483, %add3A_452 : vector<16xi32>
        %gather3A_485 = tpu.vector_load_idx %arg9[%add3A_484, %and3A_8] : memref<4096x8xf32, #tpu.memory_space<vmem>>[vector<16xi32>, vector<16xi32>], vector<16xf32>,
        %add3A_486 = arith.constant 2048 : i32
        %add3A_487 = vector.broadcast %add3A_486 : i32 to vector<16xi32>
        %add3A_488 = arith.addi %add3A_487, %add3A_452 : vector<16xi32>
        %gather3A_489 = tpu.vector_load_idx %arg9[%add3A_488, %and3A_8] : memref<4096x8xf32, #tpu.memory_space<vmem>>[vector<16xi32>, vector<16xi32>], vector<16xf32>,
        %add3A_490 = arith.constant 2560 : i32
        %add3A_491 = vector.broadcast %add3A_490 : i32 to vector<16xi32>
        %add3A_492 = arith.addi %add3A_491, %add3A_452 : vector<16xi32>
        %gather3A_493 = tpu.vector_load_idx %arg9[%add3A_492, %and3A_8] : memref<4096x8xf32, #tpu.memory_space<vmem>>[vector<16xi32>, vector<16xi32>], vector<16xf32>,
        %add3A_494 = arith.constant 3072 : i32
        %add3A_495 = vector.broadcast %add3A_494 : i32 to vector<16xi32>
        %add3A_496 = arith.addi %add3A_495, %add3A_452 : vector<16xi32>
        %gather3A_497 = tpu.vector_load_idx %arg9[%add3A_496, %and3A_8] : memref<4096x8xf32, #tpu.memory_space<vmem>>[vector<16xi32>, vector<16xi32>], vector<16xf32>,
        %add3A_498 = arith.constant 3584 : i32
        %add3A_499 = vector.broadcast %add3A_498 : i32 to vector<16xi32>
        %add3A_500 = arith.addi %add3A_499, %add3A_452 : vector<16xi32>
        %gather3A_501 = tpu.vector_load_idx %arg9[%add3A_500, %and3A_8] : memref<4096x8xf32, #tpu.memory_space<vmem>>[vector<16xi32>, vector<16xi32>], vector<16xf32>,
        %mul3A_502 = arith.mulf %sub3A_472, %mul3A_460 : vector<16xf32>
        %mul3A_503 = arith.mulf %mul3A_502, %gather3A_473 : vector<16xf32>
        %mul3A_504 = arith.mulf %sub3A_472, %mul3A_464 : vector<16xf32>
        %mul3A_505 = arith.mulf %mul3A_504, %gather3A_477 : vector<16xf32>
        %add3A_506 = arith.addf %mul3A_503, %mul3A_505 : vector<16xf32>
        %mul3A_507 = arith.mulf %sub3A_472, %mul3A_468 : vector<16xf32>
        %mul3A_508 = arith.mulf %mul3A_507, %gather3A_481 : vector<16xf32>
        %mul3A_509 = arith.mulf %sub3A_472, %mul3A_469 : vector<16xf32>
        %mul3A_510 = arith.mulf %mul3A_509, %gather3A_485 : vector<16xf32>
        %add3A_511 = arith.addf %mul3A_508, %mul3A_510 : vector<16xf32>
        %mul3A_512 = arith.mulf %gather3A, %mul3A_460 : vector<16xf32>
        %mul3A_513 = arith.mulf %mul3A_512, %gather3A_489 : vector<16xf32>
        %mul3A_514 = arith.mulf %gather3A, %mul3A_464 : vector<16xf32>
        %mul3A_515 = arith.mulf %mul3A_514, %gather3A_493 : vector<16xf32>
        %add3A_516 = arith.addf %mul3A_513, %mul3A_515 : vector<16xf32>
        %mul3A_517 = arith.mulf %gather3A, %mul3A_468 : vector<16xf32>
        %mul3A_518 = arith.mulf %mul3A_517, %gather3A_497 : vector<16xf32>
        %mul3A_519 = arith.mulf %gather3A, %mul3A_469 : vector<16xf32>
        %mul3A_520 = arith.mulf %mul3A_519, %gather3A_501 : vector<16xf32>
        %add3A_521 = arith.addf %mul3A_518, %mul3A_520 : vector<16xf32>
        %add3A_522 = arith.addf %add3A_506, %add3A_511 : vector<16xf32>
        %add3A_523 = arith.addf %add3A_516, %add3A_521 : vector<16xf32>
        %add3A_524 = arith.addf %add3A_522, %add3A_523 : vector<16xf32>
        %mul3A_525 = arith.constant 16 : i32
        %mul3A_526 = arith.muli %mul3A_448, %mul3A_525 : i32
        %swap3A = arith.index_cast %mul3A_526 : i32 to index
        %swap3A_527 = tpu.vector_load %arg15[%swap3A] {strides = array<i32>} : memref<4096xf32, #tpu.memory_space<vmem>>, vector<16xf32>,
        tpu.vector_store %arg15[%swap3A], %add3A_524 {strides = array<i32>} : memref<4096xf32, #tpu.memory_space<vmem>>, vector<16xf32>,
        %mul3A_528 = arith.constant 2 : i32
        %mul3A_529 = arith.muli %mul3A_528, %scan3A_446 : i32
        %add3A_530 = arith.constant 1 : i32
        %add3A_531 = arith.addi %mul3A_529, %add3A_530 : i32
        %mul3A_532 = arith.constant 2 : i32
        %mul3A_533 = arith.muli %mul3A_532, %add3A_531 : i32
        %add3A_534 = vector.broadcast %mul3A_533 : i32 to vector<16xi32>
        %add3A_535 = arith.addi %add3A_534, %select_n3A : vector<16xi32>
        %gather3A_536 = tpu.vector_load_idx %arg5[%add3A_535] : memref<512xf32, #tpu.memory_space<vmem>>[vector<16xi32>], vector<16xf32>,
        %gather3A_537 = tpu.vector_load_idx %arg6[%add3A_535] : memref<512xf32, #tpu.memory_space<vmem>>[vector<16xi32>], vector<16xf32>,
        %gather3A_538 = tpu.vector_load_idx %arg7[%add3A_535] : memref<512xf32, #tpu.memory_space<vmem>>[vector<16xi32>], vector<16xf32>,
        %sub3A_539 = arith.constant 1.000000e+00 : f32
        %sub3A_540 = vector.broadcast %sub3A_539 : f32 to vector<16xf32>
        %sub3A_541 = arith.subf %sub3A_540, %gather3A_537 : vector<16xf32>
        %sub3A_542 = arith.constant 1.000000e+00 : f32
        %sub3A_543 = vector.broadcast %sub3A_542 : f32 to vector<16xf32>
        %sub3A_544 = arith.subf %sub3A_543, %gather3A_538 : vector<16xf32>
        %mul3A_545 = arith.mulf %sub3A_541, %sub3A_544 : vector<16xf32>
        %sub3A_546 = arith.constant 1.000000e+00 : f32
        %sub3A_547 = vector.broadcast %sub3A_546 : f32 to vector<16xf32>
        %sub3A_548 = arith.subf %sub3A_547, %gather3A_537 : vector<16xf32>
        %mul3A_549 = arith.mulf %sub3A_548, %gather3A_538 : vector<16xf32>
        %sub3A_550 = arith.constant 1.000000e+00 : f32
        %sub3A_551 = vector.broadcast %sub3A_550 : f32 to vector<16xf32>
        %sub3A_552 = arith.subf %sub3A_551, %gather3A_538 : vector<16xf32>
        %mul3A_553 = arith.mulf %gather3A_537, %sub3A_552 : vector<16xf32>
        %mul3A_554 = arith.mulf %gather3A_537, %gather3A_538 : vector<16xf32>
        %sub3A_555 = arith.constant 1.000000e+00 : f32
        %sub3A_556 = vector.broadcast %sub3A_555 : f32 to vector<16xf32>
        %sub3A_557 = arith.subf %sub3A_556, %gather3A_536 : vector<16xf32>
        %gather3A_558 = tpu.vector_load_idx %arg9[%add3A_535, %and3A_8] : memref<4096x8xf32, #tpu.memory_space<vmem>>[vector<16xi32>, vector<16xi32>], vector<16xf32>,
        %add3A_559 = arith.constant 512 : i32
        %add3A_560 = vector.broadcast %add3A_559 : i32 to vector<16xi32>
        %add3A_561 = arith.addi %add3A_560, %add3A_535 : vector<16xi32>
        %gather3A_562 = tpu.vector_load_idx %arg9[%add3A_561, %and3A_8] : memref<4096x8xf32, #tpu.memory_space<vmem>>[vector<16xi32>, vector<16xi32>], vector<16xf32>,
        %add3A_563 = arith.constant 1024 : i32
        %add3A_564 = vector.broadcast %add3A_563 : i32 to vector<16xi32>
        %add3A_565 = arith.addi %add3A_564, %add3A_535 : vector<16xi32>
        %gather3A_566 = tpu.vector_load_idx %arg9[%add3A_565, %and3A_8] : memref<4096x8xf32, #tpu.memory_space<vmem>>[vector<16xi32>, vector<16xi32>], vector<16xf32>,
        %add3A_567 = arith.constant 1536 : i32
        %add3A_568 = vector.broadcast %add3A_567 : i32 to vector<16xi32>
        %add3A_569 = arith.addi %add3A_568, %add3A_535 : vector<16xi32>
        %gather3A_570 = tpu.vector_load_idx %arg9[%add3A_569, %and3A_8] : memref<4096x8xf32, #tpu.memory_space<vmem>>[vector<16xi32>, vector<16xi32>], vector<16xf32>,
        %add3A_571 = arith.constant 2048 : i32
        %add3A_572 = vector.broadcast %add3A_571 : i32 to vector<16xi32>
        %add3A_573 = arith.addi %add3A_572, %add3A_535 : vector<16xi32>
        %gather3A_574 = tpu.vector_load_idx %arg9[%add3A_573, %and3A_8] : memref<4096x8xf32, #tpu.memory_space<vmem>>[vector<16xi32>, vector<16xi32>], vector<16xf32>,
        %add3A_575 = arith.constant 2560 : i32
        %add3A_576 = vector.broadcast %add3A_575 : i32 to vector<16xi32>
        %add3A_577 = arith.addi %add3A_576, %add3A_535 : vector<16xi32>
        %gather3A_578 = tpu.vector_load_idx %arg9[%add3A_577, %and3A_8] : memref<4096x8xf32, #tpu.memory_space<vmem>>[vector<16xi32>, vector<16xi32>], vector<16xf32>,
        %add3A_579 = arith.constant 3072 : i32
        %add3A_580 = vector.broadcast %add3A_579 : i32 to vector<16xi32>
        %add3A_581 = arith.addi %add3A_580, %add3A_535 : vector<16xi32>
        %gather3A_582 = tpu.vector_load_idx %arg9[%add3A_581, %and3A_8] : memref<4096x8xf32, #tpu.memory_space<vmem>>[vector<16xi32>, vector<16xi32>], vector<16xf32>,
        %add3A_583 = arith.constant 3584 : i32
        %add3A_584 = vector.broadcast %add3A_583 : i32 to vector<16xi32>
        %add3A_585 = arith.addi %add3A_584, %add3A_535 : vector<16xi32>
        %gather3A_586 = tpu.vector_load_idx %arg9[%add3A_585, %and3A_8] : memref<4096x8xf32, #tpu.memory_space<vmem>>[vector<16xi32>, vector<16xi32>], vector<16xf32>,
        %mul3A_587 = arith.mulf %sub3A_557, %mul3A_545 : vector<16xf32>
        %mul3A_588 = arith.mulf %mul3A_587, %gather3A_558 : vector<16xf32>
        %mul3A_589 = arith.mulf %sub3A_557, %mul3A_549 : vector<16xf32>
        %mul3A_590 = arith.mulf %mul3A_589, %gather3A_562 : vector<16xf32>
        %add3A_591 = arith.addf %mul3A_588, %mul3A_590 : vector<16xf32>
        %mul3A_592 = arith.mulf %sub3A_557, %mul3A_553 : vector<16xf32>
        %mul3A_593 = arith.mulf %mul3A_592, %gather3A_566 : vector<16xf32>
        %mul3A_594 = arith.mulf %sub3A_557, %mul3A_554 : vector<16xf32>
        %mul3A_595 = arith.mulf %mul3A_594, %gather3A_570 : vector<16xf32>
        %add3A_596 = arith.addf %mul3A_593, %mul3A_595 : vector<16xf32>
        %mul3A_597 = arith.mulf %gather3A_536, %mul3A_545 : vector<16xf32>
        %mul3A_598 = arith.mulf %mul3A_597, %gather3A_574 : vector<16xf32>
        %mul3A_599 = arith.mulf %gather3A_536, %mul3A_549 : vector<16xf32>
        %mul3A_600 = arith.mulf %mul3A_599, %gather3A_578 : vector<16xf32>
        %add3A_601 = arith.addf %mul3A_598, %mul3A_600 : vector<16xf32>
        %mul3A_602 = arith.mulf %gather3A_536, %mul3A_553 : vector<16xf32>
        %mul3A_603 = arith.mulf %mul3A_602, %gather3A_582 : vector<16xf32>
        %mul3A_604 = arith.mulf %gather3A_536, %mul3A_554 : vector<16xf32>
        %mul3A_605 = arith.mulf %mul3A_604, %gather3A_586 : vector<16xf32>
        %add3A_606 = arith.addf %mul3A_603, %mul3A_605 : vector<16xf32>
        %add3A_607 = arith.addf %add3A_591, %add3A_596 : vector<16xf32>
        %add3A_608 = arith.addf %add3A_601, %add3A_606 : vector<16xf32>
        %add3A_609 = arith.addf %add3A_607, %add3A_608 : vector<16xf32>
        %mul3A_610 = arith.constant 16 : i32
        %mul3A_611 = arith.muli %add3A_531, %mul3A_610 : i32
        %swap3A_612 = arith.index_cast %mul3A_611 : i32 to index
        %swap3A_613 = tpu.vector_load %arg15[%swap3A_612] {strides = array<i32>} : memref<4096xf32, #tpu.memory_space<vmem>>, vector<16xf32>,
        tpu.vector_store %arg15[%swap3A_612], %add3A_609 {strides = array<i32>} : memref<4096xf32, #tpu.memory_space<vmem>>, vector<16xf32>,
      }
      %scan3A_330 = arith.constant 128 : i32
      %add3A_331 = arith.addi %mul3A_2, %mul3A_324 : i32
      %mul3A_332 = arith.constant 8 : i32
      %mul3A_333 = arith.muli %add3A_331, %mul3A_332 : i32
      "tpu.region"() ({
        %run_scoped3A_446 = tpu.sem_alloc : memref<!tpu.dma_semaphore, #tpu.memory_space<semaphore_mem>>
        %dma_start3A_447 = tpu.memref_slice %arg4[%mul3A_333] : memref<8388608xf32, #tpu.memory_space<hbm>> -> memref<4096xf32, #tpu.memory_space<hbm>>
        %dma_start3A_448 = tpu.memref_slice %arg4[%mul3A_333] : memref<8388608xf32, #tpu.memory_space<hbm>> -> memref<4096xf32, #tpu.memory_space<hbm>>
        tpu.enqueue_dma source(%arg15 : memref<4096xf32, #tpu.memory_space<vmem>>) target(%dma_start3A_448 : memref<4096xf32, #tpu.memory_space<hbm>>) target_semaphore(%run_scoped3A_446 : memref<!tpu.dma_semaphore, #tpu.memory_space<semaphore_mem>>)
        %dma_wait3A_449 = tpu.memref_slice %arg4[%mul3A_333] : memref<8388608xf32, #tpu.memory_space<hbm>> -> memref<4096xf32, #tpu.memory_space<hbm>>
        %dma_wait3A_450 = tpu.memref_slice %arg4[%mul3A_333] : memref<8388608xf32, #tpu.memory_space<hbm>> -> memref<4096xf32, #tpu.memory_space<hbm>>
        tpu.wait_dma2 semaphore(%run_scoped3A_446 : memref<!tpu.dma_semaphore, #tpu.memory_space<semaphore_mem>>) src(%arg15 : memref<4096xf32, #tpu.memory_space<vmem>>) dst(%dma_wait3A_450 : memref<4096xf32, #tpu.memory_space<hbm>>)
        tpu.yield
      }) : () -> ()
      %add3A_334 = arith.constant 2 : i32
      %add3A_335 = arith.addi %mul3A_223, %add3A_334 : i32
      %mul3A_336 = arith.constant 512 : i32
      %mul3A_337 = arith.muli %add3A_335, %mul3A_336 : i32
      %run_scoped3A_338 = arith.constant 0 : i32
      "tpu.region"() ({
        %run_scoped3A_446 = tpu.sem_alloc : memref<!tpu.dma_semaphore, #tpu.memory_space<semaphore_mem>>
        %dma_start3A_447 = tpu.memref_slice %arg3[%add3A, %run_scoped3A_338, %mul3A_337] : memref<32x3x32768xf32, #tpu.memory_space<hbm>> -> memref<1x1x512xf32, #tpu.memory_space<hbm>>
        %dma_start3A_448 = tpu.memref_squeeze %dma_start3A_447 : memref<1x1x512xf32, #tpu.memory_space<hbm>> -> memref<512xf32, #tpu.memory_space<hbm>>
        %dma_start3A_449 = tpu.memref_slice %arg3[%add3A, %run_scoped3A_338, %mul3A_337] : memref<32x3x32768xf32, #tpu.memory_space<hbm>> -> memref<1x1x512xf32, #tpu.memory_space<hbm>>
        %dma_start3A_450 = tpu.memref_squeeze %dma_start3A_449 : memref<1x1x512xf32, #tpu.memory_space<hbm>> -> memref<512xf32, #tpu.memory_space<hbm>>
        tpu.enqueue_dma source(%dma_start3A_450 : memref<512xf32, #tpu.memory_space<hbm>>) target(%arg5 : memref<512xf32, #tpu.memory_space<vmem>>) target_semaphore(%run_scoped3A_446 : memref<!tpu.dma_semaphore, #tpu.memory_space<semaphore_mem>>)
        %dma_wait3A_451 = tpu.memref_slice %arg3[%add3A, %run_scoped3A_338, %mul3A_337] : memref<32x3x32768xf32, #tpu.memory_space<hbm>> -> memref<1x1x512xf32, #tpu.memory_space<hbm>>
        %dma_wait3A_452 = tpu.memref_squeeze %dma_wait3A_451 : memref<1x1x512xf32, #tpu.memory_space<hbm>> -> memref<512xf32, #tpu.memory_space<hbm>>
        %dma_wait3A_453 = tpu.memref_slice %arg3[%add3A, %run_scoped3A_338, %mul3A_337] : memref<32x3x32768xf32, #tpu.memory_space<hbm>> -> memref<1x1x512xf32, #tpu.memory_space<hbm>>
        %dma_wait3A_454 = tpu.memref_squeeze %dma_wait3A_453 : memref<1x1x512xf32, #tpu.memory_space<hbm>> -> memref<512xf32, #tpu.memory_space<hbm>>
        tpu.wait_dma2 semaphore(%run_scoped3A_446 : memref<!tpu.dma_semaphore, #tpu.memory_space<semaphore_mem>>) src(%dma_wait3A_454 : memref<512xf32, #tpu.memory_space<hbm>>) dst(%arg5 : memref<512xf32, #tpu.memory_space<vmem>>)
        tpu.yield
      }) : () -> ()
      %run_scoped3A_339 = arith.constant 1 : i32
      "tpu.region"() ({
        %run_scoped3A_446 = tpu.sem_alloc : memref<!tpu.dma_semaphore, #tpu.memory_space<semaphore_mem>>
        %dma_start3A_447 = tpu.memref_slice %arg3[%add3A, %run_scoped3A_339, %mul3A_337] : memref<32x3x32768xf32, #tpu.memory_space<hbm>> -> memref<1x1x512xf32, #tpu.memory_space<hbm>>
        %dma_start3A_448 = tpu.memref_squeeze %dma_start3A_447 : memref<1x1x512xf32, #tpu.memory_space<hbm>> -> memref<512xf32, #tpu.memory_space<hbm>>
        %dma_start3A_449 = tpu.memref_slice %arg3[%add3A, %run_scoped3A_339, %mul3A_337] : memref<32x3x32768xf32, #tpu.memory_space<hbm>> -> memref<1x1x512xf32, #tpu.memory_space<hbm>>
        %dma_start3A_450 = tpu.memref_squeeze %dma_start3A_449 : memref<1x1x512xf32, #tpu.memory_space<hbm>> -> memref<512xf32, #tpu.memory_space<hbm>>
        tpu.enqueue_dma source(%dma_start3A_450 : memref<512xf32, #tpu.memory_space<hbm>>) target(%arg6 : memref<512xf32, #tpu.memory_space<vmem>>) target_semaphore(%run_scoped3A_446 : memref<!tpu.dma_semaphore, #tpu.memory_space<semaphore_mem>>)
        %dma_wait3A_451 = tpu.memref_slice %arg3[%add3A, %run_scoped3A_339, %mul3A_337] : memref<32x3x32768xf32, #tpu.memory_space<hbm>> -> memref<1x1x512xf32, #tpu.memory_space<hbm>>
        %dma_wait3A_452 = tpu.memref_squeeze %dma_wait3A_451 : memref<1x1x512xf32, #tpu.memory_space<hbm>> -> memref<512xf32, #tpu.memory_space<hbm>>
        %dma_wait3A_453 = tpu.memref_slice %arg3[%add3A, %run_scoped3A_339, %mul3A_337] : memref<32x3x32768xf32, #tpu.memory_space<hbm>> -> memref<1x1x512xf32, #tpu.memory_space<hbm>>
        %dma_wait3A_454 = tpu.memref_squeeze %dma_wait3A_453 : memref<1x1x512xf32, #tpu.memory_space<hbm>> -> memref<512xf32, #tpu.memory_space<hbm>>
        tpu.wait_dma2 semaphore(%run_scoped3A_446 : memref<!tpu.dma_semaphore, #tpu.memory_space<semaphore_mem>>) src(%dma_wait3A_454 : memref<512xf32, #tpu.memory_space<hbm>>) dst(%arg6 : memref<512xf32, #tpu.memory_space<vmem>>)
        tpu.yield
      }) : () -> ()
      %run_scoped3A_340 = arith.constant 2 : i32
      "tpu.region"() ({
        %run_scoped3A_446 = tpu.sem_alloc : memref<!tpu.dma_semaphore, #tpu.memory_space<semaphore_mem>>
        %dma_start3A_447 = tpu.memref_slice %arg3[%add3A, %run_scoped3A_340, %mul3A_337] : memref<32x3x32768xf32, #tpu.memory_space<hbm>> -> memref<1x1x512xf32, #tpu.memory_space<hbm>>
        %dma_start3A_448 = tpu.memref_squeeze %dma_start3A_447 : memref<1x1x512xf32, #tpu.memory_space<hbm>> -> memref<512xf32, #tpu.memory_space<hbm>>
        %dma_start3A_449 = tpu.memref_slice %arg3[%add3A, %run_scoped3A_340, %mul3A_337] : memref<32x3x32768xf32, #tpu.memory_space<hbm>> -> memref<1x1x512xf32, #tpu.memory_space<hbm>>
        %dma_start3A_450 = tpu.memref_squeeze %dma_start3A_449 : memref<1x1x512xf32, #tpu.memory_space<hbm>> -> memref<512xf32, #tpu.memory_space<hbm>>
        tpu.enqueue_dma source(%dma_start3A_450 : memref<512xf32, #tpu.memory_space<hbm>>) target(%arg7 : memref<512xf32, #tpu.memory_space<vmem>>) target_semaphore(%run_scoped3A_446 : memref<!tpu.dma_semaphore, #tpu.memory_space<semaphore_mem>>)
        %dma_wait3A_451 = tpu.memref_slice %arg3[%add3A, %run_scoped3A_340, %mul3A_337] : memref<32x3x32768xf32, #tpu.memory_space<hbm>> -> memref<1x1x512xf32, #tpu.memory_space<hbm>>
        %dma_wait3A_452 = tpu.memref_squeeze %dma_wait3A_451 : memref<1x1x512xf32, #tpu.memory_space<hbm>> -> memref<512xf32, #tpu.memory_space<hbm>>
        %dma_wait3A_453 = tpu.memref_slice %arg3[%add3A, %run_scoped3A_340, %mul3A_337] : memref<32x3x32768xf32, #tpu.memory_space<hbm>> -> memref<1x1x512xf32, #tpu.memory_space<hbm>>
        %dma_wait3A_454 = tpu.memref_squeeze %dma_wait3A_453 : memref<1x1x512xf32, #tpu.memory_space<hbm>> -> memref<512xf32, #tpu.memory_space<hbm>>
        tpu.wait_dma2 semaphore(%run_scoped3A_446 : memref<!tpu.dma_semaphore, #tpu.memory_space<semaphore_mem>>) src(%dma_wait3A_454 : memref<512xf32, #tpu.memory_space<hbm>>) dst(%arg7 : memref<512xf32, #tpu.memory_space<vmem>>)
        tpu.yield
      }) : () -> ()
      %scan3A_341 = arith.constant 0 : i32
      %scan3A_342 = arith.constant 0 : i32
      %scan3A_343 = arith.constant 32 : i32
      %scan3A_344 = arith.addi %scan3A_342, %scan3A_343 : i32
      %scan3A_345 = arith.constant 1 : i32
      scf.for %scan3A_446 = %scan3A_342 to %scan3A_344 step %scan3A_345  : i32 {
        %mul3A_447 = arith.constant 16 : i32
        %mul3A_448 = arith.muli %scan3A_446, %mul3A_447 : i32
        %get3A = arith.index_cast %mul3A_448 : i32 to index
        %get3A_449 = tpu.vector_load %arg5[%get3A] {strides = array<i32>} : memref<512xf32, #tpu.memory_space<vmem>>, vector<16xf32>,
        %add3A_450 = arith.constant 1.000000e+00 : f32
        %add3A_451 = vector.broadcast %add3A_450 : f32 to vector<16xf32>
        %add3A_452 = arith.addf %get3A_449, %add3A_451 : vector<16xf32>
        %mul3A_453 = arith.constant 3.000000e+01 : f32
        %mul3A_454 = vector.broadcast %mul3A_453 : f32 to vector<16xf32>
        %mul3A_455 = arith.mulf %add3A_452, %mul3A_454 : vector<16xf32>
        %mul3A_456 = arith.constant 5.000000e-01 : f32
        %mul3A_457 = vector.broadcast %mul3A_456 : f32 to vector<16xf32>
        %mul3A_458 = arith.mulf %mul3A_455, %mul3A_457 : vector<16xf32>
        %get3A_459 = arith.index_cast %mul3A_448 : i32 to index
        %get3A_460 = tpu.vector_load %arg6[%get3A_459] {strides = array<i32>} : memref<512xf32, #tpu.memory_space<vmem>>, vector<16xf32>,
        %add3A_461 = arith.constant 1.000000e+00 : f32
        %add3A_462 = vector.broadcast %add3A_461 : f32 to vector<16xf32>
        %add3A_463 = arith.addf %get3A_460, %add3A_462 : vector<16xf32>
        %mul3A_464 = arith.constant 3.000000e+01 : f32
        %mul3A_465 = vector.broadcast %mul3A_464 : f32 to vector<16xf32>
        %mul3A_466 = arith.mulf %add3A_463, %mul3A_465 : vector<16xf32>
        %mul3A_467 = arith.constant 5.000000e-01 : f32
        %mul3A_468 = vector.broadcast %mul3A_467 : f32 to vector<16xf32>
        %mul3A_469 = arith.mulf %mul3A_466, %mul3A_468 : vector<16xf32>
        %get3A_470 = arith.index_cast %mul3A_448 : i32 to index
        %get3A_471 = tpu.vector_load %arg7[%get3A_470] {strides = array<i32>} : memref<512xf32, #tpu.memory_space<vmem>>, vector<16xf32>,
        %add3A_472 = arith.constant 1.000000e+00 : f32
        %add3A_473 = vector.broadcast %add3A_472 : f32 to vector<16xf32>
        %add3A_474 = arith.addf %get3A_471, %add3A_473 : vector<16xf32>
        %mul3A_475 = arith.constant 3.000000e+01 : f32
        %mul3A_476 = vector.broadcast %mul3A_475 : f32 to vector<16xf32>
        %mul3A_477 = arith.mulf %add3A_474, %mul3A_476 : vector<16xf32>
        %mul3A_478 = arith.constant 5.000000e-01 : f32
        %mul3A_479 = vector.broadcast %mul3A_478 : f32 to vector<16xf32>
        %mul3A_480 = arith.mulf %mul3A_477, %mul3A_479 : vector<16xf32>
        %convert_element_type3A = arith.fptosi %mul3A_458 : vector<16xf32> to vector<16xi32>
        %convert_element_type3A_481 = arith.sitofp %convert_element_type3A : vector<16xi32> to vector<16xf32>
        %lt3A = arith.cmpf olt, %mul3A_458, %convert_element_type3A_481 : vector<16xf32>
        %sub3A = arith.constant 1 : i32
        %sub3A_482 = vector.broadcast %sub3A : i32 to vector<16xi32>
        %sub3A_483 = arith.subi %convert_element_type3A, %sub3A_482 : vector<16xi32>
        %select_n3A_484 = arith.select %lt3A, %sub3A_483, %convert_element_type3A : vector<16xi1>, vector<16xi32>
        %jit3A_485 = arith.constant 0 : i32
        %jit3A_486 = arith.constant 31 : i32
        %max3A = vector.broadcast %jit3A_485 : i32 to vector<16xi32>
        %max3A_487 = arith.maxsi %max3A, %select_n3A_484 : vector<16xi32>
        %min3A = vector.broadcast %jit3A_486 : i32 to vector<16xi32>
        %min3A_488 = arith.minsi %min3A, %max3A_487 : vector<16xi32>
        %add3A_489 = arith.constant 1 : i32
        %add3A_490 = vector.broadcast %add3A_489 : i32 to vector<16xi32>
        %add3A_491 = arith.addi %select_n3A_484, %add3A_490 : vector<16xi32>
        %jit3A_492 = arith.constant 0 : i32
        %jit3A_493 = arith.constant 31 : i32
        %max3A_494 = vector.broadcast %jit3A_492 : i32 to vector<16xi32>
        %max3A_495 = arith.maxsi %max3A_494, %add3A_491 : vector<16xi32>
        %min3A_496 = vector.broadcast %jit3A_493 : i32 to vector<16xi32>
        %min3A_497 = arith.minsi %min3A_496, %max3A_495 : vector<16xi32>
        %convert_element_type3A_498 = arith.fptosi %mul3A_469 : vector<16xf32> to vector<16xi32>
        %convert_element_type3A_499 = arith.sitofp %convert_element_type3A_498 : vector<16xi32> to vector<16xf32>
        %lt3A_500 = arith.cmpf olt, %mul3A_469, %convert_element_type3A_499 : vector<16xf32>
        %sub3A_501 = arith.constant 1 : i32
        %sub3A_502 = vector.broadcast %sub3A_501 : i32 to vector<16xi32>
        %sub3A_503 = arith.subi %convert_element_type3A_498, %sub3A_502 : vector<16xi32>
        %select_n3A_504 = arith.select %lt3A_500, %sub3A_503, %convert_element_type3A_498 : vector<16xi1>, vector<16xi32>
        %jit3A_505 = arith.constant 0 : i32
        %jit3A_506 = arith.constant 31 : i32
        %max3A_507 = vector.broadcast %jit3A_505 : i32 to vector<16xi32>
        %max3A_508 = arith.maxsi %max3A_507, %select_n3A_504 : vector<16xi32>
        %min3A_509 = vector.broadcast %jit3A_506 : i32 to vector<16xi32>
        %min3A_510 = arith.minsi %min3A_509, %max3A_508 : vector<16xi32>
        %add3A_511 = arith.constant 1 : i32
        %add3A_512 = vector.broadcast %add3A_511 : i32 to vector<16xi32>
        %add3A_513 = arith.addi %select_n3A_504, %add3A_512 : vector<16xi32>
        %jit3A_514 = arith.constant 0 : i32
        %jit3A_515 = arith.constant 31 : i32
        %max3A_516 = vector.broadcast %jit3A_514 : i32 to vector<16xi32>
        %max3A_517 = arith.maxsi %max3A_516, %add3A_513 : vector<16xi32>
        %min3A_518 = vector.broadcast %jit3A_515 : i32 to vector<16xi32>
        %min3A_519 = arith.minsi %min3A_518, %max3A_517 : vector<16xi32>
        %convert_element_type3A_520 = arith.fptosi %mul3A_480 : vector<16xf32> to vector<16xi32>
        %convert_element_type3A_521 = arith.sitofp %convert_element_type3A_520 : vector<16xi32> to vector<16xf32>
        %lt3A_522 = arith.cmpf olt, %mul3A_480, %convert_element_type3A_521 : vector<16xf32>
        %sub3A_523 = arith.constant 1 : i32
        %sub3A_524 = vector.broadcast %sub3A_523 : i32 to vector<16xi32>
        %sub3A_525 = arith.subi %convert_element_type3A_520, %sub3A_524 : vector<16xi32>
        %select_n3A_526 = arith.select %lt3A_522, %sub3A_525, %convert_element_type3A_520 : vector<16xi1>, vector<16xi32>
        %jit3A_527 = arith.constant 0 : i32
        %jit3A_528 = arith.constant 31 : i32
        %max3A_529 = vector.broadcast %jit3A_527 : i32 to vector<16xi32>
        %max3A_530 = arith.maxsi %max3A_529, %select_n3A_526 : vector<16xi32>
        %min3A_531 = vector.broadcast %jit3A_528 : i32 to vector<16xi32>
        %min3A_532 = arith.minsi %min3A_531, %max3A_530 : vector<16xi32>
        %add3A_533 = arith.constant 1 : i32
        %add3A_534 = vector.broadcast %add3A_533 : i32 to vector<16xi32>
        %add3A_535 = arith.addi %select_n3A_526, %add3A_534 : vector<16xi32>
        %jit3A_536 = arith.constant 0 : i32
        %jit3A_537 = arith.constant 31 : i32
        %max3A_538 = vector.broadcast %jit3A_536 : i32 to vector<16xi32>
        %max3A_539 = arith.maxsi %max3A_538, %add3A_535 : vector<16xi32>
        %min3A_540 = vector.broadcast %jit3A_537 : i32 to vector<16xi32>
        %min3A_541 = arith.minsi %min3A_540, %max3A_539 : vector<16xi32>
        %convert_element_type3A_542 = arith.sitofp %min3A_488 : vector<16xi32> to vector<16xf32>
        %sub3A_543 = arith.subf %mul3A_458, %convert_element_type3A_542 : vector<16xf32>
        %swap3A = arith.index_cast %mul3A_448 : i32 to index
        %swap3A_544 = tpu.vector_load %arg5[%swap3A] {strides = array<i32>} : memref<512xf32, #tpu.memory_space<vmem>>, vector<16xf32>,
        tpu.vector_store %arg5[%swap3A], %sub3A_543 {strides = array<i32>} : memref<512xf32, #tpu.memory_space<vmem>>, vector<16xf32>,
        %convert_element_type3A_545 = arith.sitofp %min3A_519 : vector<16xi32> to vector<16xf32>
        %sub3A_546 = arith.subf %convert_element_type3A_545, %mul3A_469 : vector<16xf32>
        %swap3A_547 = arith.index_cast %mul3A_448 : i32 to index
        %swap3A_548 = tpu.vector_load %arg6[%swap3A_547] {strides = array<i32>} : memref<512xf32, #tpu.memory_space<vmem>>, vector<16xf32>,
        tpu.vector_store %arg6[%swap3A_547], %sub3A_546 {strides = array<i32>} : memref<512xf32, #tpu.memory_space<vmem>>, vector<16xf32>,
        %convert_element_type3A_549 = arith.sitofp %min3A_532 : vector<16xi32> to vector<16xf32>
        %sub3A_550 = arith.subf %mul3A_480, %convert_element_type3A_549 : vector<16xf32>
        %swap3A_551 = arith.index_cast %mul3A_448 : i32 to index
        %swap3A_552 = tpu.vector_load %arg7[%swap3A_551] {strides = array<i32>} : memref<512xf32, #tpu.memory_space<vmem>>, vector<16xf32>,
        tpu.vector_store %arg7[%swap3A_551], %sub3A_550 {strides = array<i32>} : memref<512xf32, #tpu.memory_space<vmem>>, vector<16xf32>,
        %mul3A_553 = arith.constant 1024 : i32
        %mul3A_554 = vector.broadcast %mul3A_553 : i32 to vector<16xi32>
        %mul3A_555 = arith.muli %min3A_519, %mul3A_554 : vector<16xi32>
        %add3A_556 = vector.broadcast %mul3A_2 : i32 to vector<16xi32>
        %add3A_557 = arith.addi %add3A_556, %mul3A_555 : vector<16xi32>
        %mul3A_558 = arith.constant 1024 : i32
        %mul3A_559 = vector.broadcast %mul3A_558 : i32 to vector<16xi32>
        %mul3A_560 = arith.muli %min3A_510, %mul3A_559 : vector<16xi32>
        %add3A_561 = vector.broadcast %mul3A_2 : i32 to vector<16xi32>
        %add3A_562 = arith.addi %add3A_561, %mul3A_560 : vector<16xi32>
        %mul3A_563 = arith.constant 32 : i32
        %mul3A_564 = vector.broadcast %mul3A_563 : i32 to vector<16xi32>
        %mul3A_565 = arith.muli %min3A_488, %mul3A_564 : vector<16xi32>
        %mul3A_566 = arith.constant 32 : i32
        %mul3A_567 = vector.broadcast %mul3A_566 : i32 to vector<16xi32>
        %mul3A_568 = arith.muli %min3A_497, %mul3A_567 : vector<16xi32>
        %add3A_569 = arith.addi %add3A_557, %mul3A_565 : vector<16xi32>
        %add3A_570 = arith.addi %add3A_569, %min3A_532 : vector<16xi32>
        %swap3A_571 = arith.constant 0 : i32
        %swap3A_572 = arith.index_cast %swap3A_571 : i32 to index
        %swap3A_573 = arith.index_cast %mul3A_448 : i32 to index
        %swap3A_574 = tpu.vector_load %arg8[%swap3A_572, %swap3A_573] {strides = array<i32>} : memref<8x512xi32, #tpu.memory_space<vmem>>, vector<16xi32>,
        tpu.vector_store %arg8[%swap3A_572, %swap3A_573], %add3A_570 {strides = array<i32>} : memref<8x512xi32, #tpu.memory_space<vmem>>, vector<16xi32>,
        %add3A_575 = arith.addi %add3A_557, %mul3A_565 : vector<16xi32>
        %add3A_576 = arith.addi %add3A_575, %min3A_541 : vector<16xi32>
        %swap3A_577 = arith.constant 1 : i32
        %swap3A_578 = arith.index_cast %swap3A_577 : i32 to index
        %swap3A_579 = arith.index_cast %mul3A_448 : i32 to index
        %swap3A_580 = tpu.vector_load %arg8[%swap3A_578, %swap3A_579] {strides = array<i32>} : memref<8x512xi32, #tpu.memory_space<vmem>>, vector<16xi32>,
        tpu.vector_store %arg8[%swap3A_578, %swap3A_579], %add3A_576 {strides = array<i32>} : memref<8x512xi32, #tpu.memory_space<vmem>>, vector<16xi32>,
        %add3A_581 = arith.addi %add3A_562, %mul3A_565 : vector<16xi32>
        %add3A_582 = arith.addi %add3A_581, %min3A_532 : vector<16xi32>
        %swap3A_583 = arith.constant 2 : i32
        %swap3A_584 = arith.index_cast %swap3A_583 : i32 to index
        %swap3A_585 = arith.index_cast %mul3A_448 : i32 to index
        %swap3A_586 = tpu.vector_load %arg8[%swap3A_584, %swap3A_585] {strides = array<i32>} : memref<8x512xi32, #tpu.memory_space<vmem>>, vector<16xi32>,
        tpu.vector_store %arg8[%swap3A_584, %swap3A_585], %add3A_582 {strides = array<i32>} : memref<8x512xi32, #tpu.memory_space<vmem>>, vector<16xi32>,
        %add3A_587 = arith.addi %add3A_562, %mul3A_565 : vector<16xi32>
        %add3A_588 = arith.addi %add3A_587, %min3A_541 : vector<16xi32>
        %swap3A_589 = arith.constant 3 : i32
        %swap3A_590 = arith.index_cast %swap3A_589 : i32 to index
        %swap3A_591 = arith.index_cast %mul3A_448 : i32 to index
        %swap3A_592 = tpu.vector_load %arg8[%swap3A_590, %swap3A_591] {strides = array<i32>} : memref<8x512xi32, #tpu.memory_space<vmem>>, vector<16xi32>,
        tpu.vector_store %arg8[%swap3A_590, %swap3A_591], %add3A_588 {strides = array<i32>} : memref<8x512xi32, #tpu.memory_space<vmem>>, vector<16xi32>,
        %add3A_593 = arith.addi %add3A_557, %mul3A_568 : vector<16xi32>
        %add3A_594 = arith.addi %add3A_593, %min3A_532 : vector<16xi32>
        %swap3A_595 = arith.constant 4 : i32
        %swap3A_596 = arith.index_cast %swap3A_595 : i32 to index
        %swap3A_597 = arith.index_cast %mul3A_448 : i32 to index
        %swap3A_598 = tpu.vector_load %arg8[%swap3A_596, %swap3A_597] {strides = array<i32>} : memref<8x512xi32, #tpu.memory_space<vmem>>, vector<16xi32>,
        tpu.vector_store %arg8[%swap3A_596, %swap3A_597], %add3A_594 {strides = array<i32>} : memref<8x512xi32, #tpu.memory_space<vmem>>, vector<16xi32>,
        %add3A_599 = arith.addi %add3A_557, %mul3A_568 : vector<16xi32>
        %add3A_600 = arith.addi %add3A_599, %min3A_541 : vector<16xi32>
        %swap3A_601 = arith.constant 5 : i32
        %swap3A_602 = arith.index_cast %swap3A_601 : i32 to index
        %swap3A_603 = arith.index_cast %mul3A_448 : i32 to index
        %swap3A_604 = tpu.vector_load %arg8[%swap3A_602, %swap3A_603] {strides = array<i32>} : memref<8x512xi32, #tpu.memory_space<vmem>>, vector<16xi32>,
        tpu.vector_store %arg8[%swap3A_602, %swap3A_603], %add3A_600 {strides = array<i32>} : memref<8x512xi32, #tpu.memory_space<vmem>>, vector<16xi32>,
        %add3A_605 = arith.addi %add3A_562, %mul3A_568 : vector<16xi32>
        %add3A_606 = arith.addi %add3A_605, %min3A_532 : vector<16xi32>
        %swap3A_607 = arith.constant 6 : i32
        %swap3A_608 = arith.index_cast %swap3A_607 : i32 to index
        %swap3A_609 = arith.index_cast %mul3A_448 : i32 to index
        %swap3A_610 = tpu.vector_load %arg8[%swap3A_608, %swap3A_609] {strides = array<i32>} : memref<8x512xi32, #tpu.memory_space<vmem>>, vector<16xi32>,
        tpu.vector_store %arg8[%swap3A_608, %swap3A_609], %add3A_606 {strides = array<i32>} : memref<8x512xi32, #tpu.memory_space<vmem>>, vector<16xi32>,
        %add3A_611 = arith.addi %add3A_562, %mul3A_568 : vector<16xi32>
        %add3A_612 = arith.addi %add3A_611, %min3A_541 : vector<16xi32>
        %swap3A_613 = arith.constant 7 : i32
        %swap3A_614 = arith.index_cast %swap3A_613 : i32 to index
        %swap3A_615 = arith.index_cast %mul3A_448 : i32 to index
        %swap3A_616 = tpu.vector_load %arg8[%swap3A_614, %swap3A_615] {strides = array<i32>} : memref<8x512xi32, #tpu.memory_space<vmem>>, vector<16xi32>,
        tpu.vector_store %arg8[%swap3A_614, %swap3A_615], %add3A_612 {strides = array<i32>} : memref<8x512xi32, #tpu.memory_space<vmem>>, vector<16xi32>,
      }
      %scan3A_346 = arith.constant 32 : i32
      %dma_start3A_347 = arith.constant 0 : i32
      %dma_start3A_348 = arith.constant 0 : i32
      %dma_start3A_349 = arith.constant 0 : i32
      %dma_start3A_350 = tpu.memref_slice %arg9[%dma_start3A_348, %dma_start3A_349] : memref<4096x8xf32, #tpu.memory_space<vmem>> -> memref<512x8xf32, #tpu.memory_space<vmem>>
      %dma_start3A_351 = arith.constant 0 : i32
      %dma_start3A_352 = tpu.memref_slice %arg8[%dma_start3A_347, %dma_start3A_351] : memref<8x512xi32, #tpu.memory_space<vmem>> -> memref<1x512xi32, #tpu.memory_space<vmem>>
      %dma_start3A_353 = tpu.memref_squeeze %dma_start3A_352 : memref<1x512xi32, #tpu.memory_space<vmem>> -> memref<512xi32, #tpu.memory_space<vmem>>
      %dma_start3A_354 = arith.constant 0 : i32
      %dma_start3A_355 = arith.constant 0 : i32
      %dma_start3A_356 = tpu.memref_slice %arg2[%dma_start3A_354, %dma_start3A_355] : memref<1048576x8xf32, #tpu.memory_space<hbm>> -> memref<1048576x8xf32, #tpu.memory_space<hbm>>
      tpu.enqueue_indirect_dma source(%dma_start3A_356 : memref<1048576x8xf32, #tpu.memory_space<hbm>>) target(%dma_start3A_350 : memref<512x8xf32, #tpu.memory_space<vmem>>) offsets(%dma_start3A_353 : memref<512xi32, #tpu.memory_space<vmem>>) semaphore(%arg16 : memref<!tpu.dma_semaphore, #tpu.memory_space<semaphore_mem>>)
      %dma_start3A_357 = arith.constant 1 : i32
      %dma_start3A_358 = arith.constant 512 : i32
      %dma_start3A_359 = arith.constant 0 : i32
      %dma_start3A_360 = tpu.memref_slice %arg9[%dma_start3A_358, %dma_start3A_359] : memref<4096x8xf32, #tpu.memory_space<vmem>> -> memref<512x8xf32, #tpu.memory_space<vmem>>
      %dma_start3A_361 = arith.constant 0 : i32
      %dma_start3A_362 = tpu.memref_slice %arg8[%dma_start3A_357, %dma_start3A_361] : memref<8x512xi32, #tpu.memory_space<vmem>> -> memref<1x512xi32, #tpu.memory_space<vmem>>
      %dma_start3A_363 = tpu.memref_squeeze %dma_start3A_362 : memref<1x512xi32, #tpu.memory_space<vmem>> -> memref<512xi32, #tpu.memory_space<vmem>>
      %dma_start3A_364 = arith.constant 0 : i32
      %dma_start3A_365 = arith.constant 0 : i32
      %dma_start3A_366 = tpu.memref_slice %arg2[%dma_start3A_364, %dma_start3A_365] : memref<1048576x8xf32, #tpu.memory_space<hbm>> -> memref<1048576x8xf32, #tpu.memory_space<hbm>>
      tpu.enqueue_indirect_dma source(%dma_start3A_366 : memref<1048576x8xf32, #tpu.memory_space<hbm>>) target(%dma_start3A_360 : memref<512x8xf32, #tpu.memory_space<vmem>>) offsets(%dma_start3A_363 : memref<512xi32, #tpu.memory_space<vmem>>) semaphore(%arg16 : memref<!tpu.dma_semaphore, #tpu.memory_space<semaphore_mem>>)
      %dma_start3A_367 = arith.constant 2 : i32
      %dma_start3A_368 = arith.constant 1024 : i32
      %dma_start3A_369 = arith.constant 0 : i32
      %dma_start3A_370 = tpu.memref_slice %arg9[%dma_start3A_368, %dma_start3A_369] : memref<4096x8xf32, #tpu.memory_space<vmem>> -> memref<512x8xf32, #tpu.memory_space<vmem>>
      %dma_start3A_371 = arith.constant 0 : i32
      %dma_start3A_372 = tpu.memref_slice %arg8[%dma_start3A_367, %dma_start3A_371] : memref<8x512xi32, #tpu.memory_space<vmem>> -> memref<1x512xi32, #tpu.memory_space<vmem>>
      %dma_start3A_373 = tpu.memref_squeeze %dma_start3A_372 : memref<1x512xi32, #tpu.memory_space<vmem>> -> memref<512xi32, #tpu.memory_space<vmem>>
      %dma_start3A_374 = arith.constant 0 : i32
      %dma_start3A_375 = arith.constant 0 : i32
      %dma_start3A_376 = tpu.memref_slice %arg2[%dma_start3A_374, %dma_start3A_375] : memref<1048576x8xf32, #tpu.memory_space<hbm>> -> memref<1048576x8xf32, #tpu.memory_space<hbm>>
      tpu.enqueue_indirect_dma source(%dma_start3A_376 : memref<1048576x8xf32, #tpu.memory_space<hbm>>) target(%dma_start3A_370 : memref<512x8xf32, #tpu.memory_space<vmem>>) offsets(%dma_start3A_373 : memref<512xi32, #tpu.memory_space<vmem>>) semaphore(%arg16 : memref<!tpu.dma_semaphore, #tpu.memory_space<semaphore_mem>>)
      %dma_start3A_377 = arith.constant 3 : i32
      %dma_start3A_378 = arith.constant 1536 : i32
      %dma_start3A_379 = arith.constant 0 : i32
      %dma_start3A_380 = tpu.memref_slice %arg9[%dma_start3A_378, %dma_start3A_379] : memref<4096x8xf32, #tpu.memory_space<vmem>> -> memref<512x8xf32, #tpu.memory_space<vmem>>
      %dma_start3A_381 = arith.constant 0 : i32
      %dma_start3A_382 = tpu.memref_slice %arg8[%dma_start3A_377, %dma_start3A_381] : memref<8x512xi32, #tpu.memory_space<vmem>> -> memref<1x512xi32, #tpu.memory_space<vmem>>
      %dma_start3A_383 = tpu.memref_squeeze %dma_start3A_382 : memref<1x512xi32, #tpu.memory_space<vmem>> -> memref<512xi32, #tpu.memory_space<vmem>>
      %dma_start3A_384 = arith.constant 0 : i32
      %dma_start3A_385 = arith.constant 0 : i32
      %dma_start3A_386 = tpu.memref_slice %arg2[%dma_start3A_384, %dma_start3A_385] : memref<1048576x8xf32, #tpu.memory_space<hbm>> -> memref<1048576x8xf32, #tpu.memory_space<hbm>>
      tpu.enqueue_indirect_dma source(%dma_start3A_386 : memref<1048576x8xf32, #tpu.memory_space<hbm>>) target(%dma_start3A_380 : memref<512x8xf32, #tpu.memory_space<vmem>>) offsets(%dma_start3A_383 : memref<512xi32, #tpu.memory_space<vmem>>) semaphore(%arg16 : memref<!tpu.dma_semaphore, #tpu.memory_space<semaphore_mem>>)
      %dma_start3A_387 = arith.constant 4 : i32
      %dma_start3A_388 = arith.constant 2048 : i32
      %dma_start3A_389 = arith.constant 0 : i32
      %dma_start3A_390 = tpu.memref_slice %arg9[%dma_start3A_388, %dma_start3A_389] : memref<4096x8xf32, #tpu.memory_space<vmem>> -> memref<512x8xf32, #tpu.memory_space<vmem>>
      %dma_start3A_391 = arith.constant 0 : i32
      %dma_start3A_392 = tpu.memref_slice %arg8[%dma_start3A_387, %dma_start3A_391] : memref<8x512xi32, #tpu.memory_space<vmem>> -> memref<1x512xi32, #tpu.memory_space<vmem>>
      %dma_start3A_393 = tpu.memref_squeeze %dma_start3A_392 : memref<1x512xi32, #tpu.memory_space<vmem>> -> memref<512xi32, #tpu.memory_space<vmem>>
      %dma_start3A_394 = arith.constant 0 : i32
      %dma_start3A_395 = arith.constant 0 : i32
      %dma_start3A_396 = tpu.memref_slice %arg2[%dma_start3A_394, %dma_start3A_395] : memref<1048576x8xf32, #tpu.memory_space<hbm>> -> memref<1048576x8xf32, #tpu.memory_space<hbm>>
      tpu.enqueue_indirect_dma source(%dma_start3A_396 : memref<1048576x8xf32, #tpu.memory_space<hbm>>) target(%dma_start3A_390 : memref<512x8xf32, #tpu.memory_space<vmem>>) offsets(%dma_start3A_393 : memref<512xi32, #tpu.memory_space<vmem>>) semaphore(%arg16 : memref<!tpu.dma_semaphore, #tpu.memory_space<semaphore_mem>>)
      %dma_start3A_397 = arith.constant 5 : i32
      %dma_start3A_398 = arith.constant 2560 : i32
      %dma_start3A_399 = arith.constant 0 : i32
      %dma_start3A_400 = tpu.memref_slice %arg9[%dma_start3A_398, %dma_start3A_399] : memref<4096x8xf32, #tpu.memory_space<vmem>> -> memref<512x8xf32, #tpu.memory_space<vmem>>
      %dma_start3A_401 = arith.constant 0 : i32
      %dma_start3A_402 = tpu.memref_slice %arg8[%dma_start3A_397, %dma_start3A_401] : memref<8x512xi32, #tpu.memory_space<vmem>> -> memref<1x512xi32, #tpu.memory_space<vmem>>
      %dma_start3A_403 = tpu.memref_squeeze %dma_start3A_402 : memref<1x512xi32, #tpu.memory_space<vmem>> -> memref<512xi32, #tpu.memory_space<vmem>>
      %dma_start3A_404 = arith.constant 0 : i32
      %dma_start3A_405 = arith.constant 0 : i32
      %dma_start3A_406 = tpu.memref_slice %arg2[%dma_start3A_404, %dma_start3A_405] : memref<1048576x8xf32, #tpu.memory_space<hbm>> -> memref<1048576x8xf32, #tpu.memory_space<hbm>>
      tpu.enqueue_indirect_dma source(%dma_start3A_406 : memref<1048576x8xf32, #tpu.memory_space<hbm>>) target(%dma_start3A_400 : memref<512x8xf32, #tpu.memory_space<vmem>>) offsets(%dma_start3A_403 : memref<512xi32, #tpu.memory_space<vmem>>) semaphore(%arg16 : memref<!tpu.dma_semaphore, #tpu.memory_space<semaphore_mem>>)
      %dma_start3A_407 = arith.constant 6 : i32
      %dma_start3A_408 = arith.constant 3072 : i32
      %dma_start3A_409 = arith.constant 0 : i32
      %dma_start3A_410 = tpu.memref_slice %arg9[%dma_start3A_408, %dma_start3A_409] : memref<4096x8xf32, #tpu.memory_space<vmem>> -> memref<512x8xf32, #tpu.memory_space<vmem>>
      %dma_start3A_411 = arith.constant 0 : i32
      %dma_start3A_412 = tpu.memref_slice %arg8[%dma_start3A_407, %dma_start3A_411] : memref<8x512xi32, #tpu.memory_space<vmem>> -> memref<1x512xi32, #tpu.memory_space<vmem>>
      %dma_start3A_413 = tpu.memref_squeeze %dma_start3A_412 : memref<1x512xi32, #tpu.memory_space<vmem>> -> memref<512xi32, #tpu.memory_space<vmem>>
      %dma_start3A_414 = arith.constant 0 : i32
      %dma_start3A_415 = arith.constant 0 : i32
      %dma_start3A_416 = tpu.memref_slice %arg2[%dma_start3A_414, %dma_start3A_415] : memref<1048576x8xf32, #tpu.memory_space<hbm>> -> memref<1048576x8xf32, #tpu.memory_space<hbm>>
      tpu.enqueue_indirect_dma source(%dma_start3A_416 : memref<1048576x8xf32, #tpu.memory_space<hbm>>) target(%dma_start3A_410 : memref<512x8xf32, #tpu.memory_space<vmem>>) offsets(%dma_start3A_413 : memref<512xi32, #tpu.memory_space<vmem>>) semaphore(%arg16 : memref<!tpu.dma_semaphore, #tpu.memory_space<semaphore_mem>>)
      %dma_start3A_417 = arith.constant 7 : i32
      %dma_start3A_418 = arith.constant 3584 : i32
      %dma_start3A_419 = arith.constant 0 : i32
      %dma_start3A_420 = tpu.memref_slice %arg9[%dma_start3A_418, %dma_start3A_419] : memref<4096x8xf32, #tpu.memory_space<vmem>> -> memref<512x8xf32, #tpu.memory_space<vmem>>
      %dma_start3A_421 = arith.constant 0 : i32
      %dma_start3A_422 = tpu.memref_slice %arg8[%dma_start3A_417, %dma_start3A_421] : memref<8x512xi32, #tpu.memory_space<vmem>> -> memref<1x512xi32, #tpu.memory_space<vmem>>
      %dma_start3A_423 = tpu.memref_squeeze %dma_start3A_422 : memref<1x512xi32, #tpu.memory_space<vmem>> -> memref<512xi32, #tpu.memory_space<vmem>>
      %dma_start3A_424 = arith.constant 0 : i32
      %dma_start3A_425 = arith.constant 0 : i32
      %dma_start3A_426 = tpu.memref_slice %arg2[%dma_start3A_424, %dma_start3A_425] : memref<1048576x8xf32, #tpu.memory_space<hbm>> -> memref<1048576x8xf32, #tpu.memory_space<hbm>>
      tpu.enqueue_indirect_dma source(%dma_start3A_426 : memref<1048576x8xf32, #tpu.memory_space<hbm>>) target(%dma_start3A_420 : memref<512x8xf32, #tpu.memory_space<vmem>>) offsets(%dma_start3A_423 : memref<512xi32, #tpu.memory_space<vmem>>) semaphore(%arg16 : memref<!tpu.dma_semaphore, #tpu.memory_space<semaphore_mem>>)
      %dma_wait3A_427 = arith.constant 0 : i32
      %dma_wait3A_428 = arith.constant 0 : i32
      %dma_wait3A_429 = tpu.memref_slice %arg2[%dma_wait3A_427, %dma_wait3A_428] : memref<1048576x8xf32, #tpu.memory_space<hbm>> -> memref<4096x8xf32, #tpu.memory_space<hbm>>
      %dma_wait3A_430 = arith.constant 0 : i32
      %dma_wait3A_431 = arith.constant 0 : i32
      %dma_wait3A_432 = tpu.memref_slice %arg2[%dma_wait3A_430, %dma_wait3A_431] : memref<1048576x8xf32, #tpu.memory_space<hbm>> -> memref<4096x8xf32, #tpu.memory_space<hbm>>
      tpu.wait_dma2 semaphore(%arg17 : memref<!tpu.dma_semaphore, #tpu.memory_space<semaphore_mem>>) src(%dma_wait3A_432 : memref<4096x8xf32, #tpu.memory_space<hbm>>) dst(%arg14 : memref<4096x8xf32, #tpu.memory_space<vmem>>)
      %add3A_433 = arith.constant 1 : i32
      %add3A_434 = arith.addi %mul3A_223, %add3A_433 : i32
      %mul3A_435 = arith.constant 512 : i32
      %mul3A_436 = arith.muli %add3A_434, %mul3A_435 : i32
      %scan3A_437 = arith.constant 0 : i32
      %scan3A_438 = arith.constant 0 : i32
      %scan3A_439 = arith.constant 128 : i32
      %scan3A_440 = arith.addi %scan3A_438, %scan3A_439 : i32
      %scan3A_441 = arith.constant 1 : i32
      scf.for %scan3A_446 = %scan3A_438 to %scan3A_440 step %scan3A_441  : i32 {
        %mul3A_447 = arith.constant 2 : i32
        %mul3A_448 = arith.muli %mul3A_447, %scan3A_446 : i32
        %mul3A_449 = arith.constant 2 : i32
        %mul3A_450 = arith.muli %mul3A_449, %mul3A_448 : i32
        %add3A_451 = vector.broadcast %mul3A_450 : i32 to vector<16xi32>
        %add3A_452 = arith.addi %add3A_451, %select_n3A : vector<16xi32>
        %gather3A = tpu.vector_load_idx %arg10[%add3A_452] : memref<512xf32, #tpu.memory_space<vmem>>[vector<16xi32>], vector<16xf32>,
        %gather3A_453 = tpu.vector_load_idx %arg11[%add3A_452] : memref<512xf32, #tpu.memory_space<vmem>>[vector<16xi32>], vector<16xf32>,
        %gather3A_454 = tpu.vector_load_idx %arg12[%add3A_452] : memref<512xf32, #tpu.memory_space<vmem>>[vector<16xi32>], vector<16xf32>,
        %sub3A = arith.constant 1.000000e+00 : f32
        %sub3A_455 = vector.broadcast %sub3A : f32 to vector<16xf32>
        %sub3A_456 = arith.subf %sub3A_455, %gather3A_453 : vector<16xf32>
        %sub3A_457 = arith.constant 1.000000e+00 : f32
        %sub3A_458 = vector.broadcast %sub3A_457 : f32 to vector<16xf32>
        %sub3A_459 = arith.subf %sub3A_458, %gather3A_454 : vector<16xf32>
        %mul3A_460 = arith.mulf %sub3A_456, %sub3A_459 : vector<16xf32>
        %sub3A_461 = arith.constant 1.000000e+00 : f32
        %sub3A_462 = vector.broadcast %sub3A_461 : f32 to vector<16xf32>
        %sub3A_463 = arith.subf %sub3A_462, %gather3A_453 : vector<16xf32>
        %mul3A_464 = arith.mulf %sub3A_463, %gather3A_454 : vector<16xf32>
        %sub3A_465 = arith.constant 1.000000e+00 : f32
        %sub3A_466 = vector.broadcast %sub3A_465 : f32 to vector<16xf32>
        %sub3A_467 = arith.subf %sub3A_466, %gather3A_454 : vector<16xf32>
        %mul3A_468 = arith.mulf %gather3A_453, %sub3A_467 : vector<16xf32>
        %mul3A_469 = arith.mulf %gather3A_453, %gather3A_454 : vector<16xf32>
        %sub3A_470 = arith.constant 1.000000e+00 : f32
        %sub3A_471 = vector.broadcast %sub3A_470 : f32 to vector<16xf32>
        %sub3A_472 = arith.subf %sub3A_471, %gather3A : vector<16xf32>
        %gather3A_473 = tpu.vector_load_idx %arg14[%add3A_452, %and3A_8] : memref<4096x8xf32, #tpu.memory_space<vmem>>[vector<16xi32>, vector<16xi32>], vector<16xf32>,
        %add3A_474 = arith.constant 512 : i32
        %add3A_475 = vector.broadcast %add3A_474 : i32 to vector<16xi32>
        %add3A_476 = arith.addi %add3A_475, %add3A_452 : vector<16xi32>
        %gather3A_477 = tpu.vector_load_idx %arg14[%add3A_476, %and3A_8] : memref<4096x8xf32, #tpu.memory_space<vmem>>[vector<16xi32>, vector<16xi32>], vector<16xf32>,
        %add3A_478 = arith.constant 1024 : i32
        %add3A_479 = vector.broadcast %add3A_478 : i32 to vector<16xi32>
        %add3A_480 = arith.addi %add3A_479, %add3A_452 : vector<16xi32>
        %gather3A_481 = tpu.vector_load_idx %arg14[%add3A_480, %and3A_8] : memref<4096x8xf32, #tpu.memory_space<vmem>>[vector<16xi32>, vector<16xi32>], vector<16xf32>,
        %add3A_482 = arith.constant 1536 : i32
        %add3A_483 = vector.broadcast %add3A_482 : i32 to vector<16xi32>
        %add3A_484 = arith.addi %add3A_483, %add3A_452 : vector<16xi32>
        %gather3A_485 = tpu.vector_load_idx %arg14[%add3A_484, %and3A_8] : memref<4096x8xf32, #tpu.memory_space<vmem>>[vector<16xi32>, vector<16xi32>], vector<16xf32>,
        %add3A_486 = arith.constant 2048 : i32
        %add3A_487 = vector.broadcast %add3A_486 : i32 to vector<16xi32>
        %add3A_488 = arith.addi %add3A_487, %add3A_452 : vector<16xi32>
        %gather3A_489 = tpu.vector_load_idx %arg14[%add3A_488, %and3A_8] : memref<4096x8xf32, #tpu.memory_space<vmem>>[vector<16xi32>, vector<16xi32>], vector<16xf32>,
        %add3A_490 = arith.constant 2560 : i32
        %add3A_491 = vector.broadcast %add3A_490 : i32 to vector<16xi32>
        %add3A_492 = arith.addi %add3A_491, %add3A_452 : vector<16xi32>
        %gather3A_493 = tpu.vector_load_idx %arg14[%add3A_492, %and3A_8] : memref<4096x8xf32, #tpu.memory_space<vmem>>[vector<16xi32>, vector<16xi32>], vector<16xf32>,
        %add3A_494 = arith.constant 3072 : i32
        %add3A_495 = vector.broadcast %add3A_494 : i32 to vector<16xi32>
        %add3A_496 = arith.addi %add3A_495, %add3A_452 : vector<16xi32>
        %gather3A_497 = tpu.vector_load_idx %arg14[%add3A_496, %and3A_8] : memref<4096x8xf32, #tpu.memory_space<vmem>>[vector<16xi32>, vector<16xi32>], vector<16xf32>,
        %add3A_498 = arith.constant 3584 : i32
        %add3A_499 = vector.broadcast %add3A_498 : i32 to vector<16xi32>
        %add3A_500 = arith.addi %add3A_499, %add3A_452 : vector<16xi32>
        %gather3A_501 = tpu.vector_load_idx %arg14[%add3A_500, %and3A_8] : memref<4096x8xf32, #tpu.memory_space<vmem>>[vector<16xi32>, vector<16xi32>], vector<16xf32>,
        %mul3A_502 = arith.mulf %sub3A_472, %mul3A_460 : vector<16xf32>
        %mul3A_503 = arith.mulf %mul3A_502, %gather3A_473 : vector<16xf32>
        %mul3A_504 = arith.mulf %sub3A_472, %mul3A_464 : vector<16xf32>
        %mul3A_505 = arith.mulf %mul3A_504, %gather3A_477 : vector<16xf32>
        %add3A_506 = arith.addf %mul3A_503, %mul3A_505 : vector<16xf32>
        %mul3A_507 = arith.mulf %sub3A_472, %mul3A_468 : vector<16xf32>
        %mul3A_508 = arith.mulf %mul3A_507, %gather3A_481 : vector<16xf32>
        %mul3A_509 = arith.mulf %sub3A_472, %mul3A_469 : vector<16xf32>
        %mul3A_510 = arith.mulf %mul3A_509, %gather3A_485 : vector<16xf32>
        %add3A_511 = arith.addf %mul3A_508, %mul3A_510 : vector<16xf32>
        %mul3A_512 = arith.mulf %gather3A, %mul3A_460 : vector<16xf32>
        %mul3A_513 = arith.mulf %mul3A_512, %gather3A_489 : vector<16xf32>
        %mul3A_514 = arith.mulf %gather3A, %mul3A_464 : vector<16xf32>
        %mul3A_515 = arith.mulf %mul3A_514, %gather3A_493 : vector<16xf32>
        %add3A_516 = arith.addf %mul3A_513, %mul3A_515 : vector<16xf32>
        %mul3A_517 = arith.mulf %gather3A, %mul3A_468 : vector<16xf32>
        %mul3A_518 = arith.mulf %mul3A_517, %gather3A_497 : vector<16xf32>
        %mul3A_519 = arith.mulf %gather3A, %mul3A_469 : vector<16xf32>
        %mul3A_520 = arith.mulf %mul3A_519, %gather3A_501 : vector<16xf32>
        %add3A_521 = arith.addf %mul3A_518, %mul3A_520 : vector<16xf32>
        %add3A_522 = arith.addf %add3A_506, %add3A_511 : vector<16xf32>
        %add3A_523 = arith.addf %add3A_516, %add3A_521 : vector<16xf32>
        %add3A_524 = arith.addf %add3A_522, %add3A_523 : vector<16xf32>
        %mul3A_525 = arith.constant 16 : i32
        %mul3A_526 = arith.muli %mul3A_448, %mul3A_525 : i32
        %swap3A = arith.index_cast %mul3A_526 : i32 to index
        %swap3A_527 = tpu.vector_load %arg15[%swap3A] {strides = array<i32>} : memref<4096xf32, #tpu.memory_space<vmem>>, vector<16xf32>,
        tpu.vector_store %arg15[%swap3A], %add3A_524 {strides = array<i32>} : memref<4096xf32, #tpu.memory_space<vmem>>, vector<16xf32>,
        %mul3A_528 = arith.constant 2 : i32
        %mul3A_529 = arith.muli %mul3A_528, %scan3A_446 : i32
        %add3A_530 = arith.constant 1 : i32
        %add3A_531 = arith.addi %mul3A_529, %add3A_530 : i32
        %mul3A_532 = arith.constant 2 : i32
        %mul3A_533 = arith.muli %mul3A_532, %add3A_531 : i32
        %add3A_534 = vector.broadcast %mul3A_533 : i32 to vector<16xi32>
        %add3A_535 = arith.addi %add3A_534, %select_n3A : vector<16xi32>
        %gather3A_536 = tpu.vector_load_idx %arg10[%add3A_535] : memref<512xf32, #tpu.memory_space<vmem>>[vector<16xi32>], vector<16xf32>,
        %gather3A_537 = tpu.vector_load_idx %arg11[%add3A_535] : memref<512xf32, #tpu.memory_space<vmem>>[vector<16xi32>], vector<16xf32>,
        %gather3A_538 = tpu.vector_load_idx %arg12[%add3A_535] : memref<512xf32, #tpu.memory_space<vmem>>[vector<16xi32>], vector<16xf32>,
        %sub3A_539 = arith.constant 1.000000e+00 : f32
        %sub3A_540 = vector.broadcast %sub3A_539 : f32 to vector<16xf32>
        %sub3A_541 = arith.subf %sub3A_540, %gather3A_537 : vector<16xf32>
        %sub3A_542 = arith.constant 1.000000e+00 : f32
        %sub3A_543 = vector.broadcast %sub3A_542 : f32 to vector<16xf32>
        %sub3A_544 = arith.subf %sub3A_543, %gather3A_538 : vector<16xf32>
        %mul3A_545 = arith.mulf %sub3A_541, %sub3A_544 : vector<16xf32>
        %sub3A_546 = arith.constant 1.000000e+00 : f32
        %sub3A_547 = vector.broadcast %sub3A_546 : f32 to vector<16xf32>
        %sub3A_548 = arith.subf %sub3A_547, %gather3A_537 : vector<16xf32>
        %mul3A_549 = arith.mulf %sub3A_548, %gather3A_538 : vector<16xf32>
        %sub3A_550 = arith.constant 1.000000e+00 : f32
        %sub3A_551 = vector.broadcast %sub3A_550 : f32 to vector<16xf32>
        %sub3A_552 = arith.subf %sub3A_551, %gather3A_538 : vector<16xf32>
        %mul3A_553 = arith.mulf %gather3A_537, %sub3A_552 : vector<16xf32>
        %mul3A_554 = arith.mulf %gather3A_537, %gather3A_538 : vector<16xf32>
        %sub3A_555 = arith.constant 1.000000e+00 : f32
        %sub3A_556 = vector.broadcast %sub3A_555 : f32 to vector<16xf32>
        %sub3A_557 = arith.subf %sub3A_556, %gather3A_536 : vector<16xf32>
        %gather3A_558 = tpu.vector_load_idx %arg14[%add3A_535, %and3A_8] : memref<4096x8xf32, #tpu.memory_space<vmem>>[vector<16xi32>, vector<16xi32>], vector<16xf32>,
        %add3A_559 = arith.constant 512 : i32
        %add3A_560 = vector.broadcast %add3A_559 : i32 to vector<16xi32>
        %add3A_561 = arith.addi %add3A_560, %add3A_535 : vector<16xi32>
        %gather3A_562 = tpu.vector_load_idx %arg14[%add3A_561, %and3A_8] : memref<4096x8xf32, #tpu.memory_space<vmem>>[vector<16xi32>, vector<16xi32>], vector<16xf32>,
        %add3A_563 = arith.constant 1024 : i32
        %add3A_564 = vector.broadcast %add3A_563 : i32 to vector<16xi32>
        %add3A_565 = arith.addi %add3A_564, %add3A_535 : vector<16xi32>
        %gather3A_566 = tpu.vector_load_idx %arg14[%add3A_565, %and3A_8] : memref<4096x8xf32, #tpu.memory_space<vmem>>[vector<16xi32>, vector<16xi32>], vector<16xf32>,
        %add3A_567 = arith.constant 1536 : i32
        %add3A_568 = vector.broadcast %add3A_567 : i32 to vector<16xi32>
        %add3A_569 = arith.addi %add3A_568, %add3A_535 : vector<16xi32>
        %gather3A_570 = tpu.vector_load_idx %arg14[%add3A_569, %and3A_8] : memref<4096x8xf32, #tpu.memory_space<vmem>>[vector<16xi32>, vector<16xi32>], vector<16xf32>,
        %add3A_571 = arith.constant 2048 : i32
        %add3A_572 = vector.broadcast %add3A_571 : i32 to vector<16xi32>
        %add3A_573 = arith.addi %add3A_572, %add3A_535 : vector<16xi32>
        %gather3A_574 = tpu.vector_load_idx %arg14[%add3A_573, %and3A_8] : memref<4096x8xf32, #tpu.memory_space<vmem>>[vector<16xi32>, vector<16xi32>], vector<16xf32>,
        %add3A_575 = arith.constant 2560 : i32
        %add3A_576 = vector.broadcast %add3A_575 : i32 to vector<16xi32>
        %add3A_577 = arith.addi %add3A_576, %add3A_535 : vector<16xi32>
        %gather3A_578 = tpu.vector_load_idx %arg14[%add3A_577, %and3A_8] : memref<4096x8xf32, #tpu.memory_space<vmem>>[vector<16xi32>, vector<16xi32>], vector<16xf32>,
        %add3A_579 = arith.constant 3072 : i32
        %add3A_580 = vector.broadcast %add3A_579 : i32 to vector<16xi32>
        %add3A_581 = arith.addi %add3A_580, %add3A_535 : vector<16xi32>
        %gather3A_582 = tpu.vector_load_idx %arg14[%add3A_581, %and3A_8] : memref<4096x8xf32, #tpu.memory_space<vmem>>[vector<16xi32>, vector<16xi32>], vector<16xf32>,
        %add3A_583 = arith.constant 3584 : i32
        %add3A_584 = vector.broadcast %add3A_583 : i32 to vector<16xi32>
        %add3A_585 = arith.addi %add3A_584, %add3A_535 : vector<16xi32>
        %gather3A_586 = tpu.vector_load_idx %arg14[%add3A_585, %and3A_8] : memref<4096x8xf32, #tpu.memory_space<vmem>>[vector<16xi32>, vector<16xi32>], vector<16xf32>,
        %mul3A_587 = arith.mulf %sub3A_557, %mul3A_545 : vector<16xf32>
        %mul3A_588 = arith.mulf %mul3A_587, %gather3A_558 : vector<16xf32>
        %mul3A_589 = arith.mulf %sub3A_557, %mul3A_549 : vector<16xf32>
        %mul3A_590 = arith.mulf %mul3A_589, %gather3A_562 : vector<16xf32>
        %add3A_591 = arith.addf %mul3A_588, %mul3A_590 : vector<16xf32>
        %mul3A_592 = arith.mulf %sub3A_557, %mul3A_553 : vector<16xf32>
        %mul3A_593 = arith.mulf %mul3A_592, %gather3A_566 : vector<16xf32>
        %mul3A_594 = arith.mulf %sub3A_557, %mul3A_554 : vector<16xf32>
        %mul3A_595 = arith.mulf %mul3A_594, %gather3A_570 : vector<16xf32>
        %add3A_596 = arith.addf %mul3A_593, %mul3A_595 : vector<16xf32>
        %mul3A_597 = arith.mulf %gather3A_536, %mul3A_545 : vector<16xf32>
        %mul3A_598 = arith.mulf %mul3A_597, %gather3A_574 : vector<16xf32>
        %mul3A_599 = arith.mulf %gather3A_536, %mul3A_549 : vector<16xf32>
        %mul3A_600 = arith.mulf %mul3A_599, %gather3A_578 : vector<16xf32>
        %add3A_601 = arith.addf %mul3A_598, %mul3A_600 : vector<16xf32>
        %mul3A_602 = arith.mulf %gather3A_536, %mul3A_553 : vector<16xf32>
        %mul3A_603 = arith.mulf %mul3A_602, %gather3A_582 : vector<16xf32>
        %mul3A_604 = arith.mulf %gather3A_536, %mul3A_554 : vector<16xf32>
        %mul3A_605 = arith.mulf %mul3A_604, %gather3A_586 : vector<16xf32>
        %add3A_606 = arith.addf %mul3A_603, %mul3A_605 : vector<16xf32>
        %add3A_607 = arith.addf %add3A_591, %add3A_596 : vector<16xf32>
        %add3A_608 = arith.addf %add3A_601, %add3A_606 : vector<16xf32>
        %add3A_609 = arith.addf %add3A_607, %add3A_608 : vector<16xf32>
        %mul3A_610 = arith.constant 16 : i32
        %mul3A_611 = arith.muli %add3A_531, %mul3A_610 : i32
        %swap3A_612 = arith.index_cast %mul3A_611 : i32 to index
        %swap3A_613 = tpu.vector_load %arg15[%swap3A_612] {strides = array<i32>} : memref<4096xf32, #tpu.memory_space<vmem>>, vector<16xf32>,
        tpu.vector_store %arg15[%swap3A_612], %add3A_609 {strides = array<i32>} : memref<4096xf32, #tpu.memory_space<vmem>>, vector<16xf32>,
      }
      %scan3A_442 = arith.constant 128 : i32
      %add3A_443 = arith.addi %mul3A_2, %mul3A_436 : i32
      %mul3A_444 = arith.constant 8 : i32
      %mul3A_445 = arith.muli %add3A_443, %mul3A_444 : i32
      "tpu.region"() ({
        %run_scoped3A_446 = tpu.sem_alloc : memref<!tpu.dma_semaphore, #tpu.memory_space<semaphore_mem>>
        %dma_start3A_447 = tpu.memref_slice %arg4[%mul3A_445] : memref<8388608xf32, #tpu.memory_space<hbm>> -> memref<4096xf32, #tpu.memory_space<hbm>>
        %dma_start3A_448 = tpu.memref_slice %arg4[%mul3A_445] : memref<8388608xf32, #tpu.memory_space<hbm>> -> memref<4096xf32, #tpu.memory_space<hbm>>
        tpu.enqueue_dma source(%arg15 : memref<4096xf32, #tpu.memory_space<vmem>>) target(%dma_start3A_448 : memref<4096xf32, #tpu.memory_space<hbm>>) target_semaphore(%run_scoped3A_446 : memref<!tpu.dma_semaphore, #tpu.memory_space<semaphore_mem>>)
        %dma_wait3A_449 = tpu.memref_slice %arg4[%mul3A_445] : memref<8388608xf32, #tpu.memory_space<hbm>> -> memref<4096xf32, #tpu.memory_space<hbm>>
        %dma_wait3A_450 = tpu.memref_slice %arg4[%mul3A_445] : memref<8388608xf32, #tpu.memory_space<hbm>> -> memref<4096xf32, #tpu.memory_space<hbm>>
        tpu.wait_dma2 semaphore(%run_scoped3A_446 : memref<!tpu.dma_semaphore, #tpu.memory_space<semaphore_mem>>) src(%arg15 : memref<4096xf32, #tpu.memory_space<vmem>>) dst(%dma_wait3A_450 : memref<4096xf32, #tpu.memory_space<hbm>>)
        tpu.yield
      }) : () -> ()
    }
    %scan3A_100 = arith.constant 31 : i32
    %run_scoped3A_101 = arith.constant 0 : i32
    "tpu.region"() ({
      %run_scoped3A_221 = tpu.sem_alloc : memref<!tpu.dma_semaphore, #tpu.memory_space<semaphore_mem>>
      %dma_start3A_222 = arith.constant 32256 : i32
      %dma_start3A_223 = tpu.memref_slice %arg3[%add3A, %run_scoped3A_101, %dma_start3A_222] : memref<32x3x32768xf32, #tpu.memory_space<hbm>> -> memref<1x1x512xf32, #tpu.memory_space<hbm>>
      %dma_start3A_224 = tpu.memref_squeeze %dma_start3A_223 : memref<1x1x512xf32, #tpu.memory_space<hbm>> -> memref<512xf32, #tpu.memory_space<hbm>>
      %dma_start3A_225 = arith.constant 32256 : i32
      %dma_start3A_226 = tpu.memref_slice %arg3[%add3A, %run_scoped3A_101, %dma_start3A_225] : memref<32x3x32768xf32, #tpu.memory_space<hbm>> -> memref<1x1x512xf32, #tpu.memory_space<hbm>>
      %dma_start3A_227 = tpu.memref_squeeze %dma_start3A_226 : memref<1x1x512xf32, #tpu.memory_space<hbm>> -> memref<512xf32, #tpu.memory_space<hbm>>
      tpu.enqueue_dma source(%dma_start3A_227 : memref<512xf32, #tpu.memory_space<hbm>>) target(%arg10 : memref<512xf32, #tpu.memory_space<vmem>>) target_semaphore(%run_scoped3A_221 : memref<!tpu.dma_semaphore, #tpu.memory_space<semaphore_mem>>)
      %dma_wait3A_228 = arith.constant 32256 : i32
      %dma_wait3A_229 = tpu.memref_slice %arg3[%add3A, %run_scoped3A_101, %dma_wait3A_228] : memref<32x3x32768xf32, #tpu.memory_space<hbm>> -> memref<1x1x512xf32, #tpu.memory_space<hbm>>
      %dma_wait3A_230 = tpu.memref_squeeze %dma_wait3A_229 : memref<1x1x512xf32, #tpu.memory_space<hbm>> -> memref<512xf32, #tpu.memory_space<hbm>>
      %dma_wait3A_231 = arith.constant 32256 : i32
      %dma_wait3A_232 = tpu.memref_slice %arg3[%add3A, %run_scoped3A_101, %dma_wait3A_231] : memref<32x3x32768xf32, #tpu.memory_space<hbm>> -> memref<1x1x512xf32, #tpu.memory_space<hbm>>
      %dma_wait3A_233 = tpu.memref_squeeze %dma_wait3A_232 : memref<1x1x512xf32, #tpu.memory_space<hbm>> -> memref<512xf32, #tpu.memory_space<hbm>>
      tpu.wait_dma2 semaphore(%run_scoped3A_221 : memref<!tpu.dma_semaphore, #tpu.memory_space<semaphore_mem>>) src(%dma_wait3A_233 : memref<512xf32, #tpu.memory_space<hbm>>) dst(%arg10 : memref<512xf32, #tpu.memory_space<vmem>>)
      tpu.yield
    }) : () -> ()
    %run_scoped3A_102 = arith.constant 1 : i32
    "tpu.region"() ({
      %run_scoped3A_221 = tpu.sem_alloc : memref<!tpu.dma_semaphore, #tpu.memory_space<semaphore_mem>>
      %dma_start3A_222 = arith.constant 32256 : i32
      %dma_start3A_223 = tpu.memref_slice %arg3[%add3A, %run_scoped3A_102, %dma_start3A_222] : memref<32x3x32768xf32, #tpu.memory_space<hbm>> -> memref<1x1x512xf32, #tpu.memory_space<hbm>>
      %dma_start3A_224 = tpu.memref_squeeze %dma_start3A_223 : memref<1x1x512xf32, #tpu.memory_space<hbm>> -> memref<512xf32, #tpu.memory_space<hbm>>
      %dma_start3A_225 = arith.constant 32256 : i32
      %dma_start3A_226 = tpu.memref_slice %arg3[%add3A, %run_scoped3A_102, %dma_start3A_225] : memref<32x3x32768xf32, #tpu.memory_space<hbm>> -> memref<1x1x512xf32, #tpu.memory_space<hbm>>
      %dma_start3A_227 = tpu.memref_squeeze %dma_start3A_226 : memref<1x1x512xf32, #tpu.memory_space<hbm>> -> memref<512xf32, #tpu.memory_space<hbm>>
      tpu.enqueue_dma source(%dma_start3A_227 : memref<512xf32, #tpu.memory_space<hbm>>) target(%arg11 : memref<512xf32, #tpu.memory_space<vmem>>) target_semaphore(%run_scoped3A_221 : memref<!tpu.dma_semaphore, #tpu.memory_space<semaphore_mem>>)
      %dma_wait3A_228 = arith.constant 32256 : i32
      %dma_wait3A_229 = tpu.memref_slice %arg3[%add3A, %run_scoped3A_102, %dma_wait3A_228] : memref<32x3x32768xf32, #tpu.memory_space<hbm>> -> memref<1x1x512xf32, #tpu.memory_space<hbm>>
      %dma_wait3A_230 = tpu.memref_squeeze %dma_wait3A_229 : memref<1x1x512xf32, #tpu.memory_space<hbm>> -> memref<512xf32, #tpu.memory_space<hbm>>
      %dma_wait3A_231 = arith.constant 32256 : i32
      %dma_wait3A_232 = tpu.memref_slice %arg3[%add3A, %run_scoped3A_102, %dma_wait3A_231] : memref<32x3x32768xf32, #tpu.memory_space<hbm>> -> memref<1x1x512xf32, #tpu.memory_space<hbm>>
      %dma_wait3A_233 = tpu.memref_squeeze %dma_wait3A_232 : memref<1x1x512xf32, #tpu.memory_space<hbm>> -> memref<512xf32, #tpu.memory_space<hbm>>
      tpu.wait_dma2 semaphore(%run_scoped3A_221 : memref<!tpu.dma_semaphore, #tpu.memory_space<semaphore_mem>>) src(%dma_wait3A_233 : memref<512xf32, #tpu.memory_space<hbm>>) dst(%arg11 : memref<512xf32, #tpu.memory_space<vmem>>)
      tpu.yield
    }) : () -> ()
    %run_scoped3A_103 = arith.constant 2 : i32
    "tpu.region"() ({
      %run_scoped3A_221 = tpu.sem_alloc : memref<!tpu.dma_semaphore, #tpu.memory_space<semaphore_mem>>
      %dma_start3A_222 = arith.constant 32256 : i32
      %dma_start3A_223 = tpu.memref_slice %arg3[%add3A, %run_scoped3A_103, %dma_start3A_222] : memref<32x3x32768xf32, #tpu.memory_space<hbm>> -> memref<1x1x512xf32, #tpu.memory_space<hbm>>
      %dma_start3A_224 = tpu.memref_squeeze %dma_start3A_223 : memref<1x1x512xf32, #tpu.memory_space<hbm>> -> memref<512xf32, #tpu.memory_space<hbm>>
      %dma_start3A_225 = arith.constant 32256 : i32
      %dma_start3A_226 = tpu.memref_slice %arg3[%add3A, %run_scoped3A_103, %dma_start3A_225] : memref<32x3x32768xf32, #tpu.memory_space<hbm>> -> memref<1x1x512xf32, #tpu.memory_space<hbm>>
      %dma_start3A_227 = tpu.memref_squeeze %dma_start3A_226 : memref<1x1x512xf32, #tpu.memory_space<hbm>> -> memref<512xf32, #tpu.memory_space<hbm>>
      tpu.enqueue_dma source(%dma_start3A_227 : memref<512xf32, #tpu.memory_space<hbm>>) target(%arg12 : memref<512xf32, #tpu.memory_space<vmem>>) target_semaphore(%run_scoped3A_221 : memref<!tpu.dma_semaphore, #tpu.memory_space<semaphore_mem>>)
      %dma_wait3A_228 = arith.constant 32256 : i32
      %dma_wait3A_229 = tpu.memref_slice %arg3[%add3A, %run_scoped3A_103, %dma_wait3A_228] : memref<32x3x32768xf32, #tpu.memory_space<hbm>> -> memref<1x1x512xf32, #tpu.memory_space<hbm>>
      %dma_wait3A_230 = tpu.memref_squeeze %dma_wait3A_229 : memref<1x1x512xf32, #tpu.memory_space<hbm>> -> memref<512xf32, #tpu.memory_space<hbm>>
      %dma_wait3A_231 = arith.constant 32256 : i32
      %dma_wait3A_232 = tpu.memref_slice %arg3[%add3A, %run_scoped3A_103, %dma_wait3A_231] : memref<32x3x32768xf32, #tpu.memory_space<hbm>> -> memref<1x1x512xf32, #tpu.memory_space<hbm>>
      %dma_wait3A_233 = tpu.memref_squeeze %dma_wait3A_232 : memref<1x1x512xf32, #tpu.memory_space<hbm>> -> memref<512xf32, #tpu.memory_space<hbm>>
      tpu.wait_dma2 semaphore(%run_scoped3A_221 : memref<!tpu.dma_semaphore, #tpu.memory_space<semaphore_mem>>) src(%dma_wait3A_233 : memref<512xf32, #tpu.memory_space<hbm>>) dst(%arg12 : memref<512xf32, #tpu.memory_space<vmem>>)
      tpu.yield
    }) : () -> ()
    %scan3A_104 = arith.constant 0 : i32
    %scan3A_105 = arith.constant 0 : i32
    %scan3A_106 = arith.constant 32 : i32
    %scan3A_107 = arith.addi %scan3A_105, %scan3A_106 : i32
    %scan3A_108 = arith.constant 1 : i32
    scf.for %scan3A_221 = %scan3A_105 to %scan3A_107 step %scan3A_108  : i32 {
      %mul3A_222 = arith.constant 16 : i32
      %mul3A_223 = arith.muli %scan3A_221, %mul3A_222 : i32
      %get3A = arith.index_cast %mul3A_223 : i32 to index
      %get3A_224 = tpu.vector_load %arg10[%get3A] {strides = array<i32>} : memref<512xf32, #tpu.memory_space<vmem>>, vector<16xf32>,
      %add3A_225 = arith.constant 1.000000e+00 : f32
      %add3A_226 = vector.broadcast %add3A_225 : f32 to vector<16xf32>
      %add3A_227 = arith.addf %get3A_224, %add3A_226 : vector<16xf32>
      %mul3A_228 = arith.constant 3.000000e+01 : f32
      %mul3A_229 = vector.broadcast %mul3A_228 : f32 to vector<16xf32>
      %mul3A_230 = arith.mulf %add3A_227, %mul3A_229 : vector<16xf32>
      %mul3A_231 = arith.constant 5.000000e-01 : f32
      %mul3A_232 = vector.broadcast %mul3A_231 : f32 to vector<16xf32>
      %mul3A_233 = arith.mulf %mul3A_230, %mul3A_232 : vector<16xf32>
      %get3A_234 = arith.index_cast %mul3A_223 : i32 to index
      %get3A_235 = tpu.vector_load %arg11[%get3A_234] {strides = array<i32>} : memref<512xf32, #tpu.memory_space<vmem>>, vector<16xf32>,
      %add3A_236 = arith.constant 1.000000e+00 : f32
      %add3A_237 = vector.broadcast %add3A_236 : f32 to vector<16xf32>
      %add3A_238 = arith.addf %get3A_235, %add3A_237 : vector<16xf32>
      %mul3A_239 = arith.constant 3.000000e+01 : f32
      %mul3A_240 = vector.broadcast %mul3A_239 : f32 to vector<16xf32>
      %mul3A_241 = arith.mulf %add3A_238, %mul3A_240 : vector<16xf32>
      %mul3A_242 = arith.constant 5.000000e-01 : f32
      %mul3A_243 = vector.broadcast %mul3A_242 : f32 to vector<16xf32>
      %mul3A_244 = arith.mulf %mul3A_241, %mul3A_243 : vector<16xf32>
      %get3A_245 = arith.index_cast %mul3A_223 : i32 to index
      %get3A_246 = tpu.vector_load %arg12[%get3A_245] {strides = array<i32>} : memref<512xf32, #tpu.memory_space<vmem>>, vector<16xf32>,
      %add3A_247 = arith.constant 1.000000e+00 : f32
      %add3A_248 = vector.broadcast %add3A_247 : f32 to vector<16xf32>
      %add3A_249 = arith.addf %get3A_246, %add3A_248 : vector<16xf32>
      %mul3A_250 = arith.constant 3.000000e+01 : f32
      %mul3A_251 = vector.broadcast %mul3A_250 : f32 to vector<16xf32>
      %mul3A_252 = arith.mulf %add3A_249, %mul3A_251 : vector<16xf32>
      %mul3A_253 = arith.constant 5.000000e-01 : f32
      %mul3A_254 = vector.broadcast %mul3A_253 : f32 to vector<16xf32>
      %mul3A_255 = arith.mulf %mul3A_252, %mul3A_254 : vector<16xf32>
      %convert_element_type3A = arith.fptosi %mul3A_233 : vector<16xf32> to vector<16xi32>
      %convert_element_type3A_256 = arith.sitofp %convert_element_type3A : vector<16xi32> to vector<16xf32>
      %lt3A = arith.cmpf olt, %mul3A_233, %convert_element_type3A_256 : vector<16xf32>
      %sub3A = arith.constant 1 : i32
      %sub3A_257 = vector.broadcast %sub3A : i32 to vector<16xi32>
      %sub3A_258 = arith.subi %convert_element_type3A, %sub3A_257 : vector<16xi32>
      %select_n3A_259 = arith.select %lt3A, %sub3A_258, %convert_element_type3A : vector<16xi1>, vector<16xi32>
      %jit3A_260 = arith.constant 0 : i32
      %jit3A_261 = arith.constant 31 : i32
      %max3A = vector.broadcast %jit3A_260 : i32 to vector<16xi32>
      %max3A_262 = arith.maxsi %max3A, %select_n3A_259 : vector<16xi32>
      %min3A = vector.broadcast %jit3A_261 : i32 to vector<16xi32>
      %min3A_263 = arith.minsi %min3A, %max3A_262 : vector<16xi32>
      %add3A_264 = arith.constant 1 : i32
      %add3A_265 = vector.broadcast %add3A_264 : i32 to vector<16xi32>
      %add3A_266 = arith.addi %select_n3A_259, %add3A_265 : vector<16xi32>
      %jit3A_267 = arith.constant 0 : i32
      %jit3A_268 = arith.constant 31 : i32
      %max3A_269 = vector.broadcast %jit3A_267 : i32 to vector<16xi32>
      %max3A_270 = arith.maxsi %max3A_269, %add3A_266 : vector<16xi32>
      %min3A_271 = vector.broadcast %jit3A_268 : i32 to vector<16xi32>
      %min3A_272 = arith.minsi %min3A_271, %max3A_270 : vector<16xi32>
      %convert_element_type3A_273 = arith.fptosi %mul3A_244 : vector<16xf32> to vector<16xi32>
      %convert_element_type3A_274 = arith.sitofp %convert_element_type3A_273 : vector<16xi32> to vector<16xf32>
      %lt3A_275 = arith.cmpf olt, %mul3A_244, %convert_element_type3A_274 : vector<16xf32>
      %sub3A_276 = arith.constant 1 : i32
      %sub3A_277 = vector.broadcast %sub3A_276 : i32 to vector<16xi32>
      %sub3A_278 = arith.subi %convert_element_type3A_273, %sub3A_277 : vector<16xi32>
      %select_n3A_279 = arith.select %lt3A_275, %sub3A_278, %convert_element_type3A_273 : vector<16xi1>, vector<16xi32>
      %jit3A_280 = arith.constant 0 : i32
      %jit3A_281 = arith.constant 31 : i32
      %max3A_282 = vector.broadcast %jit3A_280 : i32 to vector<16xi32>
      %max3A_283 = arith.maxsi %max3A_282, %select_n3A_279 : vector<16xi32>
      %min3A_284 = vector.broadcast %jit3A_281 : i32 to vector<16xi32>
      %min3A_285 = arith.minsi %min3A_284, %max3A_283 : vector<16xi32>
      %add3A_286 = arith.constant 1 : i32
      %add3A_287 = vector.broadcast %add3A_286 : i32 to vector<16xi32>
      %add3A_288 = arith.addi %select_n3A_279, %add3A_287 : vector<16xi32>
      %jit3A_289 = arith.constant 0 : i32
      %jit3A_290 = arith.constant 31 : i32
      %max3A_291 = vector.broadcast %jit3A_289 : i32 to vector<16xi32>
      %max3A_292 = arith.maxsi %max3A_291, %add3A_288 : vector<16xi32>
      %min3A_293 = vector.broadcast %jit3A_290 : i32 to vector<16xi32>
      %min3A_294 = arith.minsi %min3A_293, %max3A_292 : vector<16xi32>
      %convert_element_type3A_295 = arith.fptosi %mul3A_255 : vector<16xf32> to vector<16xi32>
      %convert_element_type3A_296 = arith.sitofp %convert_element_type3A_295 : vector<16xi32> to vector<16xf32>
      %lt3A_297 = arith.cmpf olt, %mul3A_255, %convert_element_type3A_296 : vector<16xf32>
      %sub3A_298 = arith.constant 1 : i32
      %sub3A_299 = vector.broadcast %sub3A_298 : i32 to vector<16xi32>
      %sub3A_300 = arith.subi %convert_element_type3A_295, %sub3A_299 : vector<16xi32>
      %select_n3A_301 = arith.select %lt3A_297, %sub3A_300, %convert_element_type3A_295 : vector<16xi1>, vector<16xi32>
      %jit3A_302 = arith.constant 0 : i32
      %jit3A_303 = arith.constant 31 : i32
      %max3A_304 = vector.broadcast %jit3A_302 : i32 to vector<16xi32>
      %max3A_305 = arith.maxsi %max3A_304, %select_n3A_301 : vector<16xi32>
      %min3A_306 = vector.broadcast %jit3A_303 : i32 to vector<16xi32>
      %min3A_307 = arith.minsi %min3A_306, %max3A_305 : vector<16xi32>
      %add3A_308 = arith.constant 1 : i32
      %add3A_309 = vector.broadcast %add3A_308 : i32 to vector<16xi32>
      %add3A_310 = arith.addi %select_n3A_301, %add3A_309 : vector<16xi32>
      %jit3A_311 = arith.constant 0 : i32
      %jit3A_312 = arith.constant 31 : i32
      %max3A_313 = vector.broadcast %jit3A_311 : i32 to vector<16xi32>
      %max3A_314 = arith.maxsi %max3A_313, %add3A_310 : vector<16xi32>
      %min3A_315 = vector.broadcast %jit3A_312 : i32 to vector<16xi32>
      %min3A_316 = arith.minsi %min3A_315, %max3A_314 : vector<16xi32>
      %convert_element_type3A_317 = arith.sitofp %min3A_263 : vector<16xi32> to vector<16xf32>
      %sub3A_318 = arith.subf %mul3A_233, %convert_element_type3A_317 : vector<16xf32>
      %swap3A = arith.index_cast %mul3A_223 : i32 to index
      %swap3A_319 = tpu.vector_load %arg10[%swap3A] {strides = array<i32>} : memref<512xf32, #tpu.memory_space<vmem>>, vector<16xf32>,
      tpu.vector_store %arg10[%swap3A], %sub3A_318 {strides = array<i32>} : memref<512xf32, #tpu.memory_space<vmem>>, vector<16xf32>,
      %convert_element_type3A_320 = arith.sitofp %min3A_294 : vector<16xi32> to vector<16xf32>
      %sub3A_321 = arith.subf %convert_element_type3A_320, %mul3A_244 : vector<16xf32>
      %swap3A_322 = arith.index_cast %mul3A_223 : i32 to index
      %swap3A_323 = tpu.vector_load %arg11[%swap3A_322] {strides = array<i32>} : memref<512xf32, #tpu.memory_space<vmem>>, vector<16xf32>,
      tpu.vector_store %arg11[%swap3A_322], %sub3A_321 {strides = array<i32>} : memref<512xf32, #tpu.memory_space<vmem>>, vector<16xf32>,
      %convert_element_type3A_324 = arith.sitofp %min3A_307 : vector<16xi32> to vector<16xf32>
      %sub3A_325 = arith.subf %mul3A_255, %convert_element_type3A_324 : vector<16xf32>
      %swap3A_326 = arith.index_cast %mul3A_223 : i32 to index
      %swap3A_327 = tpu.vector_load %arg12[%swap3A_326] {strides = array<i32>} : memref<512xf32, #tpu.memory_space<vmem>>, vector<16xf32>,
      tpu.vector_store %arg12[%swap3A_326], %sub3A_325 {strides = array<i32>} : memref<512xf32, #tpu.memory_space<vmem>>, vector<16xf32>,
      %mul3A_328 = arith.constant 1024 : i32
      %mul3A_329 = vector.broadcast %mul3A_328 : i32 to vector<16xi32>
      %mul3A_330 = arith.muli %min3A_294, %mul3A_329 : vector<16xi32>
      %add3A_331 = vector.broadcast %mul3A_2 : i32 to vector<16xi32>
      %add3A_332 = arith.addi %add3A_331, %mul3A_330 : vector<16xi32>
      %mul3A_333 = arith.constant 1024 : i32
      %mul3A_334 = vector.broadcast %mul3A_333 : i32 to vector<16xi32>
      %mul3A_335 = arith.muli %min3A_285, %mul3A_334 : vector<16xi32>
      %add3A_336 = vector.broadcast %mul3A_2 : i32 to vector<16xi32>
      %add3A_337 = arith.addi %add3A_336, %mul3A_335 : vector<16xi32>
      %mul3A_338 = arith.constant 32 : i32
      %mul3A_339 = vector.broadcast %mul3A_338 : i32 to vector<16xi32>
      %mul3A_340 = arith.muli %min3A_263, %mul3A_339 : vector<16xi32>
      %mul3A_341 = arith.constant 32 : i32
      %mul3A_342 = vector.broadcast %mul3A_341 : i32 to vector<16xi32>
      %mul3A_343 = arith.muli %min3A_272, %mul3A_342 : vector<16xi32>
      %add3A_344 = arith.addi %add3A_332, %mul3A_340 : vector<16xi32>
      %add3A_345 = arith.addi %add3A_344, %min3A_307 : vector<16xi32>
      %swap3A_346 = arith.constant 0 : i32
      %swap3A_347 = arith.index_cast %swap3A_346 : i32 to index
      %swap3A_348 = arith.index_cast %mul3A_223 : i32 to index
      %swap3A_349 = tpu.vector_load %arg13[%swap3A_347, %swap3A_348] {strides = array<i32>} : memref<8x512xi32, #tpu.memory_space<vmem>>, vector<16xi32>,
      tpu.vector_store %arg13[%swap3A_347, %swap3A_348], %add3A_345 {strides = array<i32>} : memref<8x512xi32, #tpu.memory_space<vmem>>, vector<16xi32>,
      %add3A_350 = arith.addi %add3A_332, %mul3A_340 : vector<16xi32>
      %add3A_351 = arith.addi %add3A_350, %min3A_316 : vector<16xi32>
      %swap3A_352 = arith.constant 1 : i32
      %swap3A_353 = arith.index_cast %swap3A_352 : i32 to index
      %swap3A_354 = arith.index_cast %mul3A_223 : i32 to index
      %swap3A_355 = tpu.vector_load %arg13[%swap3A_353, %swap3A_354] {strides = array<i32>} : memref<8x512xi32, #tpu.memory_space<vmem>>, vector<16xi32>,
      tpu.vector_store %arg13[%swap3A_353, %swap3A_354], %add3A_351 {strides = array<i32>} : memref<8x512xi32, #tpu.memory_space<vmem>>, vector<16xi32>,
      %add3A_356 = arith.addi %add3A_337, %mul3A_340 : vector<16xi32>
      %add3A_357 = arith.addi %add3A_356, %min3A_307 : vector<16xi32>
      %swap3A_358 = arith.constant 2 : i32
      %swap3A_359 = arith.index_cast %swap3A_358 : i32 to index
      %swap3A_360 = arith.index_cast %mul3A_223 : i32 to index
      %swap3A_361 = tpu.vector_load %arg13[%swap3A_359, %swap3A_360] {strides = array<i32>} : memref<8x512xi32, #tpu.memory_space<vmem>>, vector<16xi32>,
      tpu.vector_store %arg13[%swap3A_359, %swap3A_360], %add3A_357 {strides = array<i32>} : memref<8x512xi32, #tpu.memory_space<vmem>>, vector<16xi32>,
      %add3A_362 = arith.addi %add3A_337, %mul3A_340 : vector<16xi32>
      %add3A_363 = arith.addi %add3A_362, %min3A_316 : vector<16xi32>
      %swap3A_364 = arith.constant 3 : i32
      %swap3A_365 = arith.index_cast %swap3A_364 : i32 to index
      %swap3A_366 = arith.index_cast %mul3A_223 : i32 to index
      %swap3A_367 = tpu.vector_load %arg13[%swap3A_365, %swap3A_366] {strides = array<i32>} : memref<8x512xi32, #tpu.memory_space<vmem>>, vector<16xi32>,
      tpu.vector_store %arg13[%swap3A_365, %swap3A_366], %add3A_363 {strides = array<i32>} : memref<8x512xi32, #tpu.memory_space<vmem>>, vector<16xi32>,
      %add3A_368 = arith.addi %add3A_332, %mul3A_343 : vector<16xi32>
      %add3A_369 = arith.addi %add3A_368, %min3A_307 : vector<16xi32>
      %swap3A_370 = arith.constant 4 : i32
      %swap3A_371 = arith.index_cast %swap3A_370 : i32 to index
      %swap3A_372 = arith.index_cast %mul3A_223 : i32 to index
      %swap3A_373 = tpu.vector_load %arg13[%swap3A_371, %swap3A_372] {strides = array<i32>} : memref<8x512xi32, #tpu.memory_space<vmem>>, vector<16xi32>,
      tpu.vector_store %arg13[%swap3A_371, %swap3A_372], %add3A_369 {strides = array<i32>} : memref<8x512xi32, #tpu.memory_space<vmem>>, vector<16xi32>,
      %add3A_374 = arith.addi %add3A_332, %mul3A_343 : vector<16xi32>
      %add3A_375 = arith.addi %add3A_374, %min3A_316 : vector<16xi32>
      %swap3A_376 = arith.constant 5 : i32
      %swap3A_377 = arith.index_cast %swap3A_376 : i32 to index
      %swap3A_378 = arith.index_cast %mul3A_223 : i32 to index
      %swap3A_379 = tpu.vector_load %arg13[%swap3A_377, %swap3A_378] {strides = array<i32>} : memref<8x512xi32, #tpu.memory_space<vmem>>, vector<16xi32>,
      tpu.vector_store %arg13[%swap3A_377, %swap3A_378], %add3A_375 {strides = array<i32>} : memref<8x512xi32, #tpu.memory_space<vmem>>, vector<16xi32>,
      %add3A_380 = arith.addi %add3A_337, %mul3A_343 : vector<16xi32>
      %add3A_381 = arith.addi %add3A_380, %min3A_307 : vector<16xi32>
      %swap3A_382 = arith.constant 6 : i32
      %swap3A_383 = arith.index_cast %swap3A_382 : i32 to index
      %swap3A_384 = arith.index_cast %mul3A_223 : i32 to index
      %swap3A_385 = tpu.vector_load %arg13[%swap3A_383, %swap3A_384] {strides = array<i32>} : memref<8x512xi32, #tpu.memory_space<vmem>>, vector<16xi32>,
      tpu.vector_store %arg13[%swap3A_383, %swap3A_384], %add3A_381 {strides = array<i32>} : memref<8x512xi32, #tpu.memory_space<vmem>>, vector<16xi32>,
      %add3A_386 = arith.addi %add3A_337, %mul3A_343 : vector<16xi32>
      %add3A_387 = arith.addi %add3A_386, %min3A_316 : vector<16xi32>
      %swap3A_388 = arith.constant 7 : i32
      %swap3A_389 = arith.index_cast %swap3A_388 : i32 to index
      %swap3A_390 = arith.index_cast %mul3A_223 : i32 to index
      %swap3A_391 = tpu.vector_load %arg13[%swap3A_389, %swap3A_390] {strides = array<i32>} : memref<8x512xi32, #tpu.memory_space<vmem>>, vector<16xi32>,
      tpu.vector_store %arg13[%swap3A_389, %swap3A_390], %add3A_387 {strides = array<i32>} : memref<8x512xi32, #tpu.memory_space<vmem>>, vector<16xi32>,
    }
    %scan3A_109 = arith.constant 32 : i32
    %dma_start3A_110 = arith.constant 0 : i32
    %dma_start3A_111 = arith.constant 0 : i32
    %dma_start3A_112 = arith.constant 0 : i32
    %dma_start3A_113 = tpu.memref_slice %arg14[%dma_start3A_111, %dma_start3A_112] : memref<4096x8xf32, #tpu.memory_space<vmem>> -> memref<512x8xf32, #tpu.memory_space<vmem>>
    %dma_start3A_114 = arith.constant 0 : i32
    %dma_start3A_115 = tpu.memref_slice %arg13[%dma_start3A_110, %dma_start3A_114] : memref<8x512xi32, #tpu.memory_space<vmem>> -> memref<1x512xi32, #tpu.memory_space<vmem>>
    %dma_start3A_116 = tpu.memref_squeeze %dma_start3A_115 : memref<1x512xi32, #tpu.memory_space<vmem>> -> memref<512xi32, #tpu.memory_space<vmem>>
    %dma_start3A_117 = arith.constant 0 : i32
    %dma_start3A_118 = arith.constant 0 : i32
    %dma_start3A_119 = tpu.memref_slice %arg2[%dma_start3A_117, %dma_start3A_118] : memref<1048576x8xf32, #tpu.memory_space<hbm>> -> memref<1048576x8xf32, #tpu.memory_space<hbm>>
    tpu.enqueue_indirect_dma source(%dma_start3A_119 : memref<1048576x8xf32, #tpu.memory_space<hbm>>) target(%dma_start3A_113 : memref<512x8xf32, #tpu.memory_space<vmem>>) offsets(%dma_start3A_116 : memref<512xi32, #tpu.memory_space<vmem>>) semaphore(%arg17 : memref<!tpu.dma_semaphore, #tpu.memory_space<semaphore_mem>>)
    %dma_start3A_120 = arith.constant 1 : i32
    %dma_start3A_121 = arith.constant 512 : i32
    %dma_start3A_122 = arith.constant 0 : i32
    %dma_start3A_123 = tpu.memref_slice %arg14[%dma_start3A_121, %dma_start3A_122] : memref<4096x8xf32, #tpu.memory_space<vmem>> -> memref<512x8xf32, #tpu.memory_space<vmem>>
    %dma_start3A_124 = arith.constant 0 : i32
    %dma_start3A_125 = tpu.memref_slice %arg13[%dma_start3A_120, %dma_start3A_124] : memref<8x512xi32, #tpu.memory_space<vmem>> -> memref<1x512xi32, #tpu.memory_space<vmem>>
    %dma_start3A_126 = tpu.memref_squeeze %dma_start3A_125 : memref<1x512xi32, #tpu.memory_space<vmem>> -> memref<512xi32, #tpu.memory_space<vmem>>
    %dma_start3A_127 = arith.constant 0 : i32
    %dma_start3A_128 = arith.constant 0 : i32
    %dma_start3A_129 = tpu.memref_slice %arg2[%dma_start3A_127, %dma_start3A_128] : memref<1048576x8xf32, #tpu.memory_space<hbm>> -> memref<1048576x8xf32, #tpu.memory_space<hbm>>
    tpu.enqueue_indirect_dma source(%dma_start3A_129 : memref<1048576x8xf32, #tpu.memory_space<hbm>>) target(%dma_start3A_123 : memref<512x8xf32, #tpu.memory_space<vmem>>) offsets(%dma_start3A_126 : memref<512xi32, #tpu.memory_space<vmem>>) semaphore(%arg17 : memref<!tpu.dma_semaphore, #tpu.memory_space<semaphore_mem>>)
    %dma_start3A_130 = arith.constant 2 : i32
    %dma_start3A_131 = arith.constant 1024 : i32
    %dma_start3A_132 = arith.constant 0 : i32
    %dma_start3A_133 = tpu.memref_slice %arg14[%dma_start3A_131, %dma_start3A_132] : memref<4096x8xf32, #tpu.memory_space<vmem>> -> memref<512x8xf32, #tpu.memory_space<vmem>>
    %dma_start3A_134 = arith.constant 0 : i32
    %dma_start3A_135 = tpu.memref_slice %arg13[%dma_start3A_130, %dma_start3A_134] : memref<8x512xi32, #tpu.memory_space<vmem>> -> memref<1x512xi32, #tpu.memory_space<vmem>>
    %dma_start3A_136 = tpu.memref_squeeze %dma_start3A_135 : memref<1x512xi32, #tpu.memory_space<vmem>> -> memref<512xi32, #tpu.memory_space<vmem>>
    %dma_start3A_137 = arith.constant 0 : i32
    %dma_start3A_138 = arith.constant 0 : i32
    %dma_start3A_139 = tpu.memref_slice %arg2[%dma_start3A_137, %dma_start3A_138] : memref<1048576x8xf32, #tpu.memory_space<hbm>> -> memref<1048576x8xf32, #tpu.memory_space<hbm>>
    tpu.enqueue_indirect_dma source(%dma_start3A_139 : memref<1048576x8xf32, #tpu.memory_space<hbm>>) target(%dma_start3A_133 : memref<512x8xf32, #tpu.memory_space<vmem>>) offsets(%dma_start3A_136 : memref<512xi32, #tpu.memory_space<vmem>>) semaphore(%arg17 : memref<!tpu.dma_semaphore, #tpu.memory_space<semaphore_mem>>)
    %dma_start3A_140 = arith.constant 3 : i32
    %dma_start3A_141 = arith.constant 1536 : i32
    %dma_start3A_142 = arith.constant 0 : i32
    %dma_start3A_143 = tpu.memref_slice %arg14[%dma_start3A_141, %dma_start3A_142] : memref<4096x8xf32, #tpu.memory_space<vmem>> -> memref<512x8xf32, #tpu.memory_space<vmem>>
    %dma_start3A_144 = arith.constant 0 : i32
    %dma_start3A_145 = tpu.memref_slice %arg13[%dma_start3A_140, %dma_start3A_144] : memref<8x512xi32, #tpu.memory_space<vmem>> -> memref<1x512xi32, #tpu.memory_space<vmem>>
    %dma_start3A_146 = tpu.memref_squeeze %dma_start3A_145 : memref<1x512xi32, #tpu.memory_space<vmem>> -> memref<512xi32, #tpu.memory_space<vmem>>
    %dma_start3A_147 = arith.constant 0 : i32
    %dma_start3A_148 = arith.constant 0 : i32
    %dma_start3A_149 = tpu.memref_slice %arg2[%dma_start3A_147, %dma_start3A_148] : memref<1048576x8xf32, #tpu.memory_space<hbm>> -> memref<1048576x8xf32, #tpu.memory_space<hbm>>
    tpu.enqueue_indirect_dma source(%dma_start3A_149 : memref<1048576x8xf32, #tpu.memory_space<hbm>>) target(%dma_start3A_143 : memref<512x8xf32, #tpu.memory_space<vmem>>) offsets(%dma_start3A_146 : memref<512xi32, #tpu.memory_space<vmem>>) semaphore(%arg17 : memref<!tpu.dma_semaphore, #tpu.memory_space<semaphore_mem>>)
    %dma_start3A_150 = arith.constant 4 : i32
    %dma_start3A_151 = arith.constant 2048 : i32
    %dma_start3A_152 = arith.constant 0 : i32
    %dma_start3A_153 = tpu.memref_slice %arg14[%dma_start3A_151, %dma_start3A_152] : memref<4096x8xf32, #tpu.memory_space<vmem>> -> memref<512x8xf32, #tpu.memory_space<vmem>>
    %dma_start3A_154 = arith.constant 0 : i32
    %dma_start3A_155 = tpu.memref_slice %arg13[%dma_start3A_150, %dma_start3A_154] : memref<8x512xi32, #tpu.memory_space<vmem>> -> memref<1x512xi32, #tpu.memory_space<vmem>>
    %dma_start3A_156 = tpu.memref_squeeze %dma_start3A_155 : memref<1x512xi32, #tpu.memory_space<vmem>> -> memref<512xi32, #tpu.memory_space<vmem>>
    %dma_start3A_157 = arith.constant 0 : i32
    %dma_start3A_158 = arith.constant 0 : i32
    %dma_start3A_159 = tpu.memref_slice %arg2[%dma_start3A_157, %dma_start3A_158] : memref<1048576x8xf32, #tpu.memory_space<hbm>> -> memref<1048576x8xf32, #tpu.memory_space<hbm>>
    tpu.enqueue_indirect_dma source(%dma_start3A_159 : memref<1048576x8xf32, #tpu.memory_space<hbm>>) target(%dma_start3A_153 : memref<512x8xf32, #tpu.memory_space<vmem>>) offsets(%dma_start3A_156 : memref<512xi32, #tpu.memory_space<vmem>>) semaphore(%arg17 : memref<!tpu.dma_semaphore, #tpu.memory_space<semaphore_mem>>)
    %dma_start3A_160 = arith.constant 5 : i32
    %dma_start3A_161 = arith.constant 2560 : i32
    %dma_start3A_162 = arith.constant 0 : i32
    %dma_start3A_163 = tpu.memref_slice %arg14[%dma_start3A_161, %dma_start3A_162] : memref<4096x8xf32, #tpu.memory_space<vmem>> -> memref<512x8xf32, #tpu.memory_space<vmem>>
    %dma_start3A_164 = arith.constant 0 : i32
    %dma_start3A_165 = tpu.memref_slice %arg13[%dma_start3A_160, %dma_start3A_164] : memref<8x512xi32, #tpu.memory_space<vmem>> -> memref<1x512xi32, #tpu.memory_space<vmem>>
    %dma_start3A_166 = tpu.memref_squeeze %dma_start3A_165 : memref<1x512xi32, #tpu.memory_space<vmem>> -> memref<512xi32, #tpu.memory_space<vmem>>
    %dma_start3A_167 = arith.constant 0 : i32
    %dma_start3A_168 = arith.constant 0 : i32
    %dma_start3A_169 = tpu.memref_slice %arg2[%dma_start3A_167, %dma_start3A_168] : memref<1048576x8xf32, #tpu.memory_space<hbm>> -> memref<1048576x8xf32, #tpu.memory_space<hbm>>
    tpu.enqueue_indirect_dma source(%dma_start3A_169 : memref<1048576x8xf32, #tpu.memory_space<hbm>>) target(%dma_start3A_163 : memref<512x8xf32, #tpu.memory_space<vmem>>) offsets(%dma_start3A_166 : memref<512xi32, #tpu.memory_space<vmem>>) semaphore(%arg17 : memref<!tpu.dma_semaphore, #tpu.memory_space<semaphore_mem>>)
    %dma_start3A_170 = arith.constant 6 : i32
    %dma_start3A_171 = arith.constant 3072 : i32
    %dma_start3A_172 = arith.constant 0 : i32
    %dma_start3A_173 = tpu.memref_slice %arg14[%dma_start3A_171, %dma_start3A_172] : memref<4096x8xf32, #tpu.memory_space<vmem>> -> memref<512x8xf32, #tpu.memory_space<vmem>>
    %dma_start3A_174 = arith.constant 0 : i32
    %dma_start3A_175 = tpu.memref_slice %arg13[%dma_start3A_170, %dma_start3A_174] : memref<8x512xi32, #tpu.memory_space<vmem>> -> memref<1x512xi32, #tpu.memory_space<vmem>>
    %dma_start3A_176 = tpu.memref_squeeze %dma_start3A_175 : memref<1x512xi32, #tpu.memory_space<vmem>> -> memref<512xi32, #tpu.memory_space<vmem>>
    %dma_start3A_177 = arith.constant 0 : i32
    %dma_start3A_178 = arith.constant 0 : i32
    %dma_start3A_179 = tpu.memref_slice %arg2[%dma_start3A_177, %dma_start3A_178] : memref<1048576x8xf32, #tpu.memory_space<hbm>> -> memref<1048576x8xf32, #tpu.memory_space<hbm>>
    tpu.enqueue_indirect_dma source(%dma_start3A_179 : memref<1048576x8xf32, #tpu.memory_space<hbm>>) target(%dma_start3A_173 : memref<512x8xf32, #tpu.memory_space<vmem>>) offsets(%dma_start3A_176 : memref<512xi32, #tpu.memory_space<vmem>>) semaphore(%arg17 : memref<!tpu.dma_semaphore, #tpu.memory_space<semaphore_mem>>)
    %dma_start3A_180 = arith.constant 7 : i32
    %dma_start3A_181 = arith.constant 3584 : i32
    %dma_start3A_182 = arith.constant 0 : i32
    %dma_start3A_183 = tpu.memref_slice %arg14[%dma_start3A_181, %dma_start3A_182] : memref<4096x8xf32, #tpu.memory_space<vmem>> -> memref<512x8xf32, #tpu.memory_space<vmem>>
    %dma_start3A_184 = arith.constant 0 : i32
    %dma_start3A_185 = tpu.memref_slice %arg13[%dma_start3A_180, %dma_start3A_184] : memref<8x512xi32, #tpu.memory_space<vmem>> -> memref<1x512xi32, #tpu.memory_space<vmem>>
    %dma_start3A_186 = tpu.memref_squeeze %dma_start3A_185 : memref<1x512xi32, #tpu.memory_space<vmem>> -> memref<512xi32, #tpu.memory_space<vmem>>
    %dma_start3A_187 = arith.constant 0 : i32
    %dma_start3A_188 = arith.constant 0 : i32
    %dma_start3A_189 = tpu.memref_slice %arg2[%dma_start3A_187, %dma_start3A_188] : memref<1048576x8xf32, #tpu.memory_space<hbm>> -> memref<1048576x8xf32, #tpu.memory_space<hbm>>
    tpu.enqueue_indirect_dma source(%dma_start3A_189 : memref<1048576x8xf32, #tpu.memory_space<hbm>>) target(%dma_start3A_183 : memref<512x8xf32, #tpu.memory_space<vmem>>) offsets(%dma_start3A_186 : memref<512xi32, #tpu.memory_space<vmem>>) semaphore(%arg17 : memref<!tpu.dma_semaphore, #tpu.memory_space<semaphore_mem>>)
    %dma_wait3A = arith.constant 0 : i32
    %dma_wait3A_190 = arith.constant 0 : i32
    %dma_wait3A_191 = tpu.memref_slice %arg2[%dma_wait3A, %dma_wait3A_190] : memref<1048576x8xf32, #tpu.memory_space<hbm>> -> memref<4096x8xf32, #tpu.memory_space<hbm>>
    %dma_wait3A_192 = arith.constant 0 : i32
    %dma_wait3A_193 = arith.constant 0 : i32
    %dma_wait3A_194 = tpu.memref_slice %arg2[%dma_wait3A_192, %dma_wait3A_193] : memref<1048576x8xf32, #tpu.memory_space<hbm>> -> memref<4096x8xf32, #tpu.memory_space<hbm>>
    tpu.wait_dma2 semaphore(%arg16 : memref<!tpu.dma_semaphore, #tpu.memory_space<semaphore_mem>>) src(%dma_wait3A_194 : memref<4096x8xf32, #tpu.memory_space<hbm>>) dst(%arg9 : memref<4096x8xf32, #tpu.memory_space<vmem>>)
    %scan3A_195 = arith.constant 0 : i32
    %scan3A_196 = arith.constant 0 : i32
    %scan3A_197 = arith.constant 128 : i32
    %scan3A_198 = arith.addi %scan3A_196, %scan3A_197 : i32
    %scan3A_199 = arith.constant 1 : i32
    scf.for %scan3A_221 = %scan3A_196 to %scan3A_198 step %scan3A_199  : i32 {
      %mul3A_222 = arith.constant 2 : i32
      %mul3A_223 = arith.muli %mul3A_222, %scan3A_221 : i32
      %mul3A_224 = arith.constant 2 : i32
      %mul3A_225 = arith.muli %mul3A_224, %mul3A_223 : i32
      %add3A_226 = vector.broadcast %mul3A_225 : i32 to vector<16xi32>
      %add3A_227 = arith.addi %add3A_226, %select_n3A : vector<16xi32>
      %gather3A = tpu.vector_load_idx %arg5[%add3A_227] : memref<512xf32, #tpu.memory_space<vmem>>[vector<16xi32>], vector<16xf32>,
      %gather3A_228 = tpu.vector_load_idx %arg6[%add3A_227] : memref<512xf32, #tpu.memory_space<vmem>>[vector<16xi32>], vector<16xf32>,
      %gather3A_229 = tpu.vector_load_idx %arg7[%add3A_227] : memref<512xf32, #tpu.memory_space<vmem>>[vector<16xi32>], vector<16xf32>,
      %sub3A = arith.constant 1.000000e+00 : f32
      %sub3A_230 = vector.broadcast %sub3A : f32 to vector<16xf32>
      %sub3A_231 = arith.subf %sub3A_230, %gather3A_228 : vector<16xf32>
      %sub3A_232 = arith.constant 1.000000e+00 : f32
      %sub3A_233 = vector.broadcast %sub3A_232 : f32 to vector<16xf32>
      %sub3A_234 = arith.subf %sub3A_233, %gather3A_229 : vector<16xf32>
      %mul3A_235 = arith.mulf %sub3A_231, %sub3A_234 : vector<16xf32>
      %sub3A_236 = arith.constant 1.000000e+00 : f32
      %sub3A_237 = vector.broadcast %sub3A_236 : f32 to vector<16xf32>
      %sub3A_238 = arith.subf %sub3A_237, %gather3A_228 : vector<16xf32>
      %mul3A_239 = arith.mulf %sub3A_238, %gather3A_229 : vector<16xf32>
      %sub3A_240 = arith.constant 1.000000e+00 : f32
      %sub3A_241 = vector.broadcast %sub3A_240 : f32 to vector<16xf32>
      %sub3A_242 = arith.subf %sub3A_241, %gather3A_229 : vector<16xf32>
      %mul3A_243 = arith.mulf %gather3A_228, %sub3A_242 : vector<16xf32>
      %mul3A_244 = arith.mulf %gather3A_228, %gather3A_229 : vector<16xf32>
      %sub3A_245 = arith.constant 1.000000e+00 : f32
      %sub3A_246 = vector.broadcast %sub3A_245 : f32 to vector<16xf32>
      %sub3A_247 = arith.subf %sub3A_246, %gather3A : vector<16xf32>
      %gather3A_248 = tpu.vector_load_idx %arg9[%add3A_227, %and3A_8] : memref<4096x8xf32, #tpu.memory_space<vmem>>[vector<16xi32>, vector<16xi32>], vector<16xf32>,
      %add3A_249 = arith.constant 512 : i32
      %add3A_250 = vector.broadcast %add3A_249 : i32 to vector<16xi32>
      %add3A_251 = arith.addi %add3A_250, %add3A_227 : vector<16xi32>
      %gather3A_252 = tpu.vector_load_idx %arg9[%add3A_251, %and3A_8] : memref<4096x8xf32, #tpu.memory_space<vmem>>[vector<16xi32>, vector<16xi32>], vector<16xf32>,
      %add3A_253 = arith.constant 1024 : i32
      %add3A_254 = vector.broadcast %add3A_253 : i32 to vector<16xi32>
      %add3A_255 = arith.addi %add3A_254, %add3A_227 : vector<16xi32>
      %gather3A_256 = tpu.vector_load_idx %arg9[%add3A_255, %and3A_8] : memref<4096x8xf32, #tpu.memory_space<vmem>>[vector<16xi32>, vector<16xi32>], vector<16xf32>,
      %add3A_257 = arith.constant 1536 : i32
      %add3A_258 = vector.broadcast %add3A_257 : i32 to vector<16xi32>
      %add3A_259 = arith.addi %add3A_258, %add3A_227 : vector<16xi32>
      %gather3A_260 = tpu.vector_load_idx %arg9[%add3A_259, %and3A_8] : memref<4096x8xf32, #tpu.memory_space<vmem>>[vector<16xi32>, vector<16xi32>], vector<16xf32>,
      %add3A_261 = arith.constant 2048 : i32
      %add3A_262 = vector.broadcast %add3A_261 : i32 to vector<16xi32>
      %add3A_263 = arith.addi %add3A_262, %add3A_227 : vector<16xi32>
      %gather3A_264 = tpu.vector_load_idx %arg9[%add3A_263, %and3A_8] : memref<4096x8xf32, #tpu.memory_space<vmem>>[vector<16xi32>, vector<16xi32>], vector<16xf32>,
      %add3A_265 = arith.constant 2560 : i32
      %add3A_266 = vector.broadcast %add3A_265 : i32 to vector<16xi32>
      %add3A_267 = arith.addi %add3A_266, %add3A_227 : vector<16xi32>
      %gather3A_268 = tpu.vector_load_idx %arg9[%add3A_267, %and3A_8] : memref<4096x8xf32, #tpu.memory_space<vmem>>[vector<16xi32>, vector<16xi32>], vector<16xf32>,
      %add3A_269 = arith.constant 3072 : i32
      %add3A_270 = vector.broadcast %add3A_269 : i32 to vector<16xi32>
      %add3A_271 = arith.addi %add3A_270, %add3A_227 : vector<16xi32>
      %gather3A_272 = tpu.vector_load_idx %arg9[%add3A_271, %and3A_8] : memref<4096x8xf32, #tpu.memory_space<vmem>>[vector<16xi32>, vector<16xi32>], vector<16xf32>,
      %add3A_273 = arith.constant 3584 : i32
      %add3A_274 = vector.broadcast %add3A_273 : i32 to vector<16xi32>
      %add3A_275 = arith.addi %add3A_274, %add3A_227 : vector<16xi32>
      %gather3A_276 = tpu.vector_load_idx %arg9[%add3A_275, %and3A_8] : memref<4096x8xf32, #tpu.memory_space<vmem>>[vector<16xi32>, vector<16xi32>], vector<16xf32>,
      %mul3A_277 = arith.mulf %sub3A_247, %mul3A_235 : vector<16xf32>
      %mul3A_278 = arith.mulf %mul3A_277, %gather3A_248 : vector<16xf32>
      %mul3A_279 = arith.mulf %sub3A_247, %mul3A_239 : vector<16xf32>
      %mul3A_280 = arith.mulf %mul3A_279, %gather3A_252 : vector<16xf32>
      %add3A_281 = arith.addf %mul3A_278, %mul3A_280 : vector<16xf32>
      %mul3A_282 = arith.mulf %sub3A_247, %mul3A_243 : vector<16xf32>
      %mul3A_283 = arith.mulf %mul3A_282, %gather3A_256 : vector<16xf32>
      %mul3A_284 = arith.mulf %sub3A_247, %mul3A_244 : vector<16xf32>
      %mul3A_285 = arith.mulf %mul3A_284, %gather3A_260 : vector<16xf32>
      %add3A_286 = arith.addf %mul3A_283, %mul3A_285 : vector<16xf32>
      %mul3A_287 = arith.mulf %gather3A, %mul3A_235 : vector<16xf32>
      %mul3A_288 = arith.mulf %mul3A_287, %gather3A_264 : vector<16xf32>
      %mul3A_289 = arith.mulf %gather3A, %mul3A_239 : vector<16xf32>
      %mul3A_290 = arith.mulf %mul3A_289, %gather3A_268 : vector<16xf32>
      %add3A_291 = arith.addf %mul3A_288, %mul3A_290 : vector<16xf32>
      %mul3A_292 = arith.mulf %gather3A, %mul3A_243 : vector<16xf32>
      %mul3A_293 = arith.mulf %mul3A_292, %gather3A_272 : vector<16xf32>
      %mul3A_294 = arith.mulf %gather3A, %mul3A_244 : vector<16xf32>
      %mul3A_295 = arith.mulf %mul3A_294, %gather3A_276 : vector<16xf32>
      %add3A_296 = arith.addf %mul3A_293, %mul3A_295 : vector<16xf32>
      %add3A_297 = arith.addf %add3A_281, %add3A_286 : vector<16xf32>
      %add3A_298 = arith.addf %add3A_291, %add3A_296 : vector<16xf32>
      %add3A_299 = arith.addf %add3A_297, %add3A_298 : vector<16xf32>
      %mul3A_300 = arith.constant 16 : i32
      %mul3A_301 = arith.muli %mul3A_223, %mul3A_300 : i32
      %swap3A = arith.index_cast %mul3A_301 : i32 to index
      %swap3A_302 = tpu.vector_load %arg15[%swap3A] {strides = array<i32>} : memref<4096xf32, #tpu.memory_space<vmem>>, vector<16xf32>,
      tpu.vector_store %arg15[%swap3A], %add3A_299 {strides = array<i32>} : memref<4096xf32, #tpu.memory_space<vmem>>, vector<16xf32>,
      %mul3A_303 = arith.constant 2 : i32
      %mul3A_304 = arith.muli %mul3A_303, %scan3A_221 : i32
      %add3A_305 = arith.constant 1 : i32
      %add3A_306 = arith.addi %mul3A_304, %add3A_305 : i32
      %mul3A_307 = arith.constant 2 : i32
      %mul3A_308 = arith.muli %mul3A_307, %add3A_306 : i32
      %add3A_309 = vector.broadcast %mul3A_308 : i32 to vector<16xi32>
      %add3A_310 = arith.addi %add3A_309, %select_n3A : vector<16xi32>
      %gather3A_311 = tpu.vector_load_idx %arg5[%add3A_310] : memref<512xf32, #tpu.memory_space<vmem>>[vector<16xi32>], vector<16xf32>,
      %gather3A_312 = tpu.vector_load_idx %arg6[%add3A_310] : memref<512xf32, #tpu.memory_space<vmem>>[vector<16xi32>], vector<16xf32>,
      %gather3A_313 = tpu.vector_load_idx %arg7[%add3A_310] : memref<512xf32, #tpu.memory_space<vmem>>[vector<16xi32>], vector<16xf32>,
      %sub3A_314 = arith.constant 1.000000e+00 : f32
      %sub3A_315 = vector.broadcast %sub3A_314 : f32 to vector<16xf32>
      %sub3A_316 = arith.subf %sub3A_315, %gather3A_312 : vector<16xf32>
      %sub3A_317 = arith.constant 1.000000e+00 : f32
      %sub3A_318 = vector.broadcast %sub3A_317 : f32 to vector<16xf32>
      %sub3A_319 = arith.subf %sub3A_318, %gather3A_313 : vector<16xf32>
      %mul3A_320 = arith.mulf %sub3A_316, %sub3A_319 : vector<16xf32>
      %sub3A_321 = arith.constant 1.000000e+00 : f32
      %sub3A_322 = vector.broadcast %sub3A_321 : f32 to vector<16xf32>
      %sub3A_323 = arith.subf %sub3A_322, %gather3A_312 : vector<16xf32>
      %mul3A_324 = arith.mulf %sub3A_323, %gather3A_313 : vector<16xf32>
      %sub3A_325 = arith.constant 1.000000e+00 : f32
      %sub3A_326 = vector.broadcast %sub3A_325 : f32 to vector<16xf32>
      %sub3A_327 = arith.subf %sub3A_326, %gather3A_313 : vector<16xf32>
      %mul3A_328 = arith.mulf %gather3A_312, %sub3A_327 : vector<16xf32>
      %mul3A_329 = arith.mulf %gather3A_312, %gather3A_313 : vector<16xf32>
      %sub3A_330 = arith.constant 1.000000e+00 : f32
      %sub3A_331 = vector.broadcast %sub3A_330 : f32 to vector<16xf32>
      %sub3A_332 = arith.subf %sub3A_331, %gather3A_311 : vector<16xf32>
      %gather3A_333 = tpu.vector_load_idx %arg9[%add3A_310, %and3A_8] : memref<4096x8xf32, #tpu.memory_space<vmem>>[vector<16xi32>, vector<16xi32>], vector<16xf32>,
      %add3A_334 = arith.constant 512 : i32
      %add3A_335 = vector.broadcast %add3A_334 : i32 to vector<16xi32>
      %add3A_336 = arith.addi %add3A_335, %add3A_310 : vector<16xi32>
      %gather3A_337 = tpu.vector_load_idx %arg9[%add3A_336, %and3A_8] : memref<4096x8xf32, #tpu.memory_space<vmem>>[vector<16xi32>, vector<16xi32>], vector<16xf32>,
      %add3A_338 = arith.constant 1024 : i32
      %add3A_339 = vector.broadcast %add3A_338 : i32 to vector<16xi32>
      %add3A_340 = arith.addi %add3A_339, %add3A_310 : vector<16xi32>
      %gather3A_341 = tpu.vector_load_idx %arg9[%add3A_340, %and3A_8] : memref<4096x8xf32, #tpu.memory_space<vmem>>[vector<16xi32>, vector<16xi32>], vector<16xf32>,
      %add3A_342 = arith.constant 1536 : i32
      %add3A_343 = vector.broadcast %add3A_342 : i32 to vector<16xi32>
      %add3A_344 = arith.addi %add3A_343, %add3A_310 : vector<16xi32>
      %gather3A_345 = tpu.vector_load_idx %arg9[%add3A_344, %and3A_8] : memref<4096x8xf32, #tpu.memory_space<vmem>>[vector<16xi32>, vector<16xi32>], vector<16xf32>,
      %add3A_346 = arith.constant 2048 : i32
      %add3A_347 = vector.broadcast %add3A_346 : i32 to vector<16xi32>
      %add3A_348 = arith.addi %add3A_347, %add3A_310 : vector<16xi32>
      %gather3A_349 = tpu.vector_load_idx %arg9[%add3A_348, %and3A_8] : memref<4096x8xf32, #tpu.memory_space<vmem>>[vector<16xi32>, vector<16xi32>], vector<16xf32>,
      %add3A_350 = arith.constant 2560 : i32
      %add3A_351 = vector.broadcast %add3A_350 : i32 to vector<16xi32>
      %add3A_352 = arith.addi %add3A_351, %add3A_310 : vector<16xi32>
      %gather3A_353 = tpu.vector_load_idx %arg9[%add3A_352, %and3A_8] : memref<4096x8xf32, #tpu.memory_space<vmem>>[vector<16xi32>, vector<16xi32>], vector<16xf32>,
      %add3A_354 = arith.constant 3072 : i32
      %add3A_355 = vector.broadcast %add3A_354 : i32 to vector<16xi32>
      %add3A_356 = arith.addi %add3A_355, %add3A_310 : vector<16xi32>
      %gather3A_357 = tpu.vector_load_idx %arg9[%add3A_356, %and3A_8] : memref<4096x8xf32, #tpu.memory_space<vmem>>[vector<16xi32>, vector<16xi32>], vector<16xf32>,
      %add3A_358 = arith.constant 3584 : i32
      %add3A_359 = vector.broadcast %add3A_358 : i32 to vector<16xi32>
      %add3A_360 = arith.addi %add3A_359, %add3A_310 : vector<16xi32>
      %gather3A_361 = tpu.vector_load_idx %arg9[%add3A_360, %and3A_8] : memref<4096x8xf32, #tpu.memory_space<vmem>>[vector<16xi32>, vector<16xi32>], vector<16xf32>,
      %mul3A_362 = arith.mulf %sub3A_332, %mul3A_320 : vector<16xf32>
      %mul3A_363 = arith.mulf %mul3A_362, %gather3A_333 : vector<16xf32>
      %mul3A_364 = arith.mulf %sub3A_332, %mul3A_324 : vector<16xf32>
      %mul3A_365 = arith.mulf %mul3A_364, %gather3A_337 : vector<16xf32>
      %add3A_366 = arith.addf %mul3A_363, %mul3A_365 : vector<16xf32>
      %mul3A_367 = arith.mulf %sub3A_332, %mul3A_328 : vector<16xf32>
      %mul3A_368 = arith.mulf %mul3A_367, %gather3A_341 : vector<16xf32>
      %mul3A_369 = arith.mulf %sub3A_332, %mul3A_329 : vector<16xf32>
      %mul3A_370 = arith.mulf %mul3A_369, %gather3A_345 : vector<16xf32>
      %add3A_371 = arith.addf %mul3A_368, %mul3A_370 : vector<16xf32>
      %mul3A_372 = arith.mulf %gather3A_311, %mul3A_320 : vector<16xf32>
      %mul3A_373 = arith.mulf %mul3A_372, %gather3A_349 : vector<16xf32>
      %mul3A_374 = arith.mulf %gather3A_311, %mul3A_324 : vector<16xf32>
      %mul3A_375 = arith.mulf %mul3A_374, %gather3A_353 : vector<16xf32>
      %add3A_376 = arith.addf %mul3A_373, %mul3A_375 : vector<16xf32>
      %mul3A_377 = arith.mulf %gather3A_311, %mul3A_328 : vector<16xf32>
      %mul3A_378 = arith.mulf %mul3A_377, %gather3A_357 : vector<16xf32>
      %mul3A_379 = arith.mulf %gather3A_311, %mul3A_329 : vector<16xf32>
      %mul3A_380 = arith.mulf %mul3A_379, %gather3A_361 : vector<16xf32>
      %add3A_381 = arith.addf %mul3A_378, %mul3A_380 : vector<16xf32>
      %add3A_382 = arith.addf %add3A_366, %add3A_371 : vector<16xf32>
      %add3A_383 = arith.addf %add3A_376, %add3A_381 : vector<16xf32>
      %add3A_384 = arith.addf %add3A_382, %add3A_383 : vector<16xf32>
      %mul3A_385 = arith.constant 16 : i32
      %mul3A_386 = arith.muli %add3A_306, %mul3A_385 : i32
      %swap3A_387 = arith.index_cast %mul3A_386 : i32 to index
      %swap3A_388 = tpu.vector_load %arg15[%swap3A_387] {strides = array<i32>} : memref<4096xf32, #tpu.memory_space<vmem>>, vector<16xf32>,
      tpu.vector_store %arg15[%swap3A_387], %add3A_384 {strides = array<i32>} : memref<4096xf32, #tpu.memory_space<vmem>>, vector<16xf32>,
    }
    %scan3A_200 = arith.constant 128 : i32
    %add3A_201 = arith.constant 31744 : i32
    %add3A_202 = arith.addi %mul3A_2, %add3A_201 : i32
    %mul3A_203 = arith.constant 8 : i32
    %mul3A_204 = arith.muli %add3A_202, %mul3A_203 : i32
    "tpu.region"() ({
      %run_scoped3A_221 = tpu.sem_alloc : memref<!tpu.dma_semaphore, #tpu.memory_space<semaphore_mem>>
      %dma_start3A_222 = tpu.memref_slice %arg4[%mul3A_204] : memref<8388608xf32, #tpu.memory_space<hbm>> -> memref<4096xf32, #tpu.memory_space<hbm>>
      %dma_start3A_223 = tpu.memref_slice %arg4[%mul3A_204] : memref<8388608xf32, #tpu.memory_space<hbm>> -> memref<4096xf32, #tpu.memory_space<hbm>>
      tpu.enqueue_dma source(%arg15 : memref<4096xf32, #tpu.memory_space<vmem>>) target(%dma_start3A_223 : memref<4096xf32, #tpu.memory_space<hbm>>) target_semaphore(%run_scoped3A_221 : memref<!tpu.dma_semaphore, #tpu.memory_space<semaphore_mem>>)
      %dma_wait3A_224 = tpu.memref_slice %arg4[%mul3A_204] : memref<8388608xf32, #tpu.memory_space<hbm>> -> memref<4096xf32, #tpu.memory_space<hbm>>
      %dma_wait3A_225 = tpu.memref_slice %arg4[%mul3A_204] : memref<8388608xf32, #tpu.memory_space<hbm>> -> memref<4096xf32, #tpu.memory_space<hbm>>
      tpu.wait_dma2 semaphore(%run_scoped3A_221 : memref<!tpu.dma_semaphore, #tpu.memory_space<semaphore_mem>>) src(%arg15 : memref<4096xf32, #tpu.memory_space<vmem>>) dst(%dma_wait3A_225 : memref<4096xf32, #tpu.memory_space<hbm>>)
      tpu.yield
    }) : () -> ()
    %dma_wait3A_205 = arith.constant 0 : i32
    %dma_wait3A_206 = arith.constant 0 : i32
    %dma_wait3A_207 = tpu.memref_slice %arg2[%dma_wait3A_205, %dma_wait3A_206] : memref<1048576x8xf32, #tpu.memory_space<hbm>> -> memref<4096x8xf32, #tpu.memory_space<hbm>>
    %dma_wait3A_208 = arith.constant 0 : i32
    %dma_wait3A_209 = arith.constant 0 : i32
    %dma_wait3A_210 = tpu.memref_slice %arg2[%dma_wait3A_208, %dma_wait3A_209] : memref<1048576x8xf32, #tpu.memory_space<hbm>> -> memref<4096x8xf32, #tpu.memory_space<hbm>>
    tpu.wait_dma2 semaphore(%arg17 : memref<!tpu.dma_semaphore, #tpu.memory_space<semaphore_mem>>) src(%dma_wait3A_210 : memref<4096x8xf32, #tpu.memory_space<hbm>>) dst(%arg14 : memref<4096x8xf32, #tpu.memory_space<vmem>>)
    %scan3A_211 = arith.constant 0 : i32
    %scan3A_212 = arith.constant 0 : i32
    %scan3A_213 = arith.constant 128 : i32
    %scan3A_214 = arith.addi %scan3A_212, %scan3A_213 : i32
    %scan3A_215 = arith.constant 1 : i32
    scf.for %scan3A_221 = %scan3A_212 to %scan3A_214 step %scan3A_215  : i32 {
      %mul3A_222 = arith.constant 2 : i32
      %mul3A_223 = arith.muli %mul3A_222, %scan3A_221 : i32
      %mul3A_224 = arith.constant 2 : i32
      %mul3A_225 = arith.muli %mul3A_224, %mul3A_223 : i32
      %add3A_226 = vector.broadcast %mul3A_225 : i32 to vector<16xi32>
      %add3A_227 = arith.addi %add3A_226, %select_n3A : vector<16xi32>
      %gather3A = tpu.vector_load_idx %arg10[%add3A_227] : memref<512xf32, #tpu.memory_space<vmem>>[vector<16xi32>], vector<16xf32>,
      %gather3A_228 = tpu.vector_load_idx %arg11[%add3A_227] : memref<512xf32, #tpu.memory_space<vmem>>[vector<16xi32>], vector<16xf32>,
      %gather3A_229 = tpu.vector_load_idx %arg12[%add3A_227] : memref<512xf32, #tpu.memory_space<vmem>>[vector<16xi32>], vector<16xf32>,
      %sub3A = arith.constant 1.000000e+00 : f32
      %sub3A_230 = vector.broadcast %sub3A : f32 to vector<16xf32>
      %sub3A_231 = arith.subf %sub3A_230, %gather3A_228 : vector<16xf32>
      %sub3A_232 = arith.constant 1.000000e+00 : f32
      %sub3A_233 = vector.broadcast %sub3A_232 : f32 to vector<16xf32>
      %sub3A_234 = arith.subf %sub3A_233, %gather3A_229 : vector<16xf32>
      %mul3A_235 = arith.mulf %sub3A_231, %sub3A_234 : vector<16xf32>
      %sub3A_236 = arith.constant 1.000000e+00 : f32
      %sub3A_237 = vector.broadcast %sub3A_236 : f32 to vector<16xf32>
      %sub3A_238 = arith.subf %sub3A_237, %gather3A_228 : vector<16xf32>
      %mul3A_239 = arith.mulf %sub3A_238, %gather3A_229 : vector<16xf32>
      %sub3A_240 = arith.constant 1.000000e+00 : f32
      %sub3A_241 = vector.broadcast %sub3A_240 : f32 to vector<16xf32>
      %sub3A_242 = arith.subf %sub3A_241, %gather3A_229 : vector<16xf32>
      %mul3A_243 = arith.mulf %gather3A_228, %sub3A_242 : vector<16xf32>
      %mul3A_244 = arith.mulf %gather3A_228, %gather3A_229 : vector<16xf32>
      %sub3A_245 = arith.constant 1.000000e+00 : f32
      %sub3A_246 = vector.broadcast %sub3A_245 : f32 to vector<16xf32>
      %sub3A_247 = arith.subf %sub3A_246, %gather3A : vector<16xf32>
      %gather3A_248 = tpu.vector_load_idx %arg14[%add3A_227, %and3A_8] : memref<4096x8xf32, #tpu.memory_space<vmem>>[vector<16xi32>, vector<16xi32>], vector<16xf32>,
      %add3A_249 = arith.constant 512 : i32
      %add3A_250 = vector.broadcast %add3A_249 : i32 to vector<16xi32>
      %add3A_251 = arith.addi %add3A_250, %add3A_227 : vector<16xi32>
      %gather3A_252 = tpu.vector_load_idx %arg14[%add3A_251, %and3A_8] : memref<4096x8xf32, #tpu.memory_space<vmem>>[vector<16xi32>, vector<16xi32>], vector<16xf32>,
      %add3A_253 = arith.constant 1024 : i32
      %add3A_254 = vector.broadcast %add3A_253 : i32 to vector<16xi32>
      %add3A_255 = arith.addi %add3A_254, %add3A_227 : vector<16xi32>
      %gather3A_256 = tpu.vector_load_idx %arg14[%add3A_255, %and3A_8] : memref<4096x8xf32, #tpu.memory_space<vmem>>[vector<16xi32>, vector<16xi32>], vector<16xf32>,
      %add3A_257 = arith.constant 1536 : i32
      %add3A_258 = vector.broadcast %add3A_257 : i32 to vector<16xi32>
      %add3A_259 = arith.addi %add3A_258, %add3A_227 : vector<16xi32>
      %gather3A_260 = tpu.vector_load_idx %arg14[%add3A_259, %and3A_8] : memref<4096x8xf32, #tpu.memory_space<vmem>>[vector<16xi32>, vector<16xi32>], vector<16xf32>,
      %add3A_261 = arith.constant 2048 : i32
      %add3A_262 = vector.broadcast %add3A_261 : i32 to vector<16xi32>
      %add3A_263 = arith.addi %add3A_262, %add3A_227 : vector<16xi32>
      %gather3A_264 = tpu.vector_load_idx %arg14[%add3A_263, %and3A_8] : memref<4096x8xf32, #tpu.memory_space<vmem>>[vector<16xi32>, vector<16xi32>], vector<16xf32>,
      %add3A_265 = arith.constant 2560 : i32
      %add3A_266 = vector.broadcast %add3A_265 : i32 to vector<16xi32>
      %add3A_267 = arith.addi %add3A_266, %add3A_227 : vector<16xi32>
      %gather3A_268 = tpu.vector_load_idx %arg14[%add3A_267, %and3A_8] : memref<4096x8xf32, #tpu.memory_space<vmem>>[vector<16xi32>, vector<16xi32>], vector<16xf32>,
      %add3A_269 = arith.constant 3072 : i32
      %add3A_270 = vector.broadcast %add3A_269 : i32 to vector<16xi32>
      %add3A_271 = arith.addi %add3A_270, %add3A_227 : vector<16xi32>
      %gather3A_272 = tpu.vector_load_idx %arg14[%add3A_271, %and3A_8] : memref<4096x8xf32, #tpu.memory_space<vmem>>[vector<16xi32>, vector<16xi32>], vector<16xf32>,
      %add3A_273 = arith.constant 3584 : i32
      %add3A_274 = vector.broadcast %add3A_273 : i32 to vector<16xi32>
      %add3A_275 = arith.addi %add3A_274, %add3A_227 : vector<16xi32>
      %gather3A_276 = tpu.vector_load_idx %arg14[%add3A_275, %and3A_8] : memref<4096x8xf32, #tpu.memory_space<vmem>>[vector<16xi32>, vector<16xi32>], vector<16xf32>,
      %mul3A_277 = arith.mulf %sub3A_247, %mul3A_235 : vector<16xf32>
      %mul3A_278 = arith.mulf %mul3A_277, %gather3A_248 : vector<16xf32>
      %mul3A_279 = arith.mulf %sub3A_247, %mul3A_239 : vector<16xf32>
      %mul3A_280 = arith.mulf %mul3A_279, %gather3A_252 : vector<16xf32>
      %add3A_281 = arith.addf %mul3A_278, %mul3A_280 : vector<16xf32>
      %mul3A_282 = arith.mulf %sub3A_247, %mul3A_243 : vector<16xf32>
      %mul3A_283 = arith.mulf %mul3A_282, %gather3A_256 : vector<16xf32>
      %mul3A_284 = arith.mulf %sub3A_247, %mul3A_244 : vector<16xf32>
      %mul3A_285 = arith.mulf %mul3A_284, %gather3A_260 : vector<16xf32>
      %add3A_286 = arith.addf %mul3A_283, %mul3A_285 : vector<16xf32>
      %mul3A_287 = arith.mulf %gather3A, %mul3A_235 : vector<16xf32>
      %mul3A_288 = arith.mulf %mul3A_287, %gather3A_264 : vector<16xf32>
      %mul3A_289 = arith.mulf %gather3A, %mul3A_239 : vector<16xf32>
      %mul3A_290 = arith.mulf %mul3A_289, %gather3A_268 : vector<16xf32>
      %add3A_291 = arith.addf %mul3A_288, %mul3A_290 : vector<16xf32>
      %mul3A_292 = arith.mulf %gather3A, %mul3A_243 : vector<16xf32>
      %mul3A_293 = arith.mulf %mul3A_292, %gather3A_272 : vector<16xf32>
      %mul3A_294 = arith.mulf %gather3A, %mul3A_244 : vector<16xf32>
      %mul3A_295 = arith.mulf %mul3A_294, %gather3A_276 : vector<16xf32>
      %add3A_296 = arith.addf %mul3A_293, %mul3A_295 : vector<16xf32>
      %add3A_297 = arith.addf %add3A_281, %add3A_286 : vector<16xf32>
      %add3A_298 = arith.addf %add3A_291, %add3A_296 : vector<16xf32>
      %add3A_299 = arith.addf %add3A_297, %add3A_298 : vector<16xf32>
      %mul3A_300 = arith.constant 16 : i32
      %mul3A_301 = arith.muli %mul3A_223, %mul3A_300 : i32
      %swap3A = arith.index_cast %mul3A_301 : i32 to index
      %swap3A_302 = tpu.vector_load %arg15[%swap3A] {strides = array<i32>} : memref<4096xf32, #tpu.memory_space<vmem>>, vector<16xf32>,
      tpu.vector_store %arg15[%swap3A], %add3A_299 {strides = array<i32>} : memref<4096xf32, #tpu.memory_space<vmem>>, vector<16xf32>,
      %mul3A_303 = arith.constant 2 : i32
      %mul3A_304 = arith.muli %mul3A_303, %scan3A_221 : i32
      %add3A_305 = arith.constant 1 : i32
      %add3A_306 = arith.addi %mul3A_304, %add3A_305 : i32
      %mul3A_307 = arith.constant 2 : i32
      %mul3A_308 = arith.muli %mul3A_307, %add3A_306 : i32
      %add3A_309 = vector.broadcast %mul3A_308 : i32 to vector<16xi32>
      %add3A_310 = arith.addi %add3A_309, %select_n3A : vector<16xi32>
      %gather3A_311 = tpu.vector_load_idx %arg10[%add3A_310] : memref<512xf32, #tpu.memory_space<vmem>>[vector<16xi32>], vector<16xf32>,
      %gather3A_312 = tpu.vector_load_idx %arg11[%add3A_310] : memref<512xf32, #tpu.memory_space<vmem>>[vector<16xi32>], vector<16xf32>,
      %gather3A_313 = tpu.vector_load_idx %arg12[%add3A_310] : memref<512xf32, #tpu.memory_space<vmem>>[vector<16xi32>], vector<16xf32>,
      %sub3A_314 = arith.constant 1.000000e+00 : f32
      %sub3A_315 = vector.broadcast %sub3A_314 : f32 to vector<16xf32>
      %sub3A_316 = arith.subf %sub3A_315, %gather3A_312 : vector<16xf32>
      %sub3A_317 = arith.constant 1.000000e+00 : f32
      %sub3A_318 = vector.broadcast %sub3A_317 : f32 to vector<16xf32>
      %sub3A_319 = arith.subf %sub3A_318, %gather3A_313 : vector<16xf32>
      %mul3A_320 = arith.mulf %sub3A_316, %sub3A_319 : vector<16xf32>
      %sub3A_321 = arith.constant 1.000000e+00 : f32
      %sub3A_322 = vector.broadcast %sub3A_321 : f32 to vector<16xf32>
      %sub3A_323 = arith.subf %sub3A_322, %gather3A_312 : vector<16xf32>
      %mul3A_324 = arith.mulf %sub3A_323, %gather3A_313 : vector<16xf32>
      %sub3A_325 = arith.constant 1.000000e+00 : f32
      %sub3A_326 = vector.broadcast %sub3A_325 : f32 to vector<16xf32>
      %sub3A_327 = arith.subf %sub3A_326, %gather3A_313 : vector<16xf32>
      %mul3A_328 = arith.mulf %gather3A_312, %sub3A_327 : vector<16xf32>
      %mul3A_329 = arith.mulf %gather3A_312, %gather3A_313 : vector<16xf32>
      %sub3A_330 = arith.constant 1.000000e+00 : f32
      %sub3A_331 = vector.broadcast %sub3A_330 : f32 to vector<16xf32>
      %sub3A_332 = arith.subf %sub3A_331, %gather3A_311 : vector<16xf32>
      %gather3A_333 = tpu.vector_load_idx %arg14[%add3A_310, %and3A_8] : memref<4096x8xf32, #tpu.memory_space<vmem>>[vector<16xi32>, vector<16xi32>], vector<16xf32>,
      %add3A_334 = arith.constant 512 : i32
      %add3A_335 = vector.broadcast %add3A_334 : i32 to vector<16xi32>
      %add3A_336 = arith.addi %add3A_335, %add3A_310 : vector<16xi32>
      %gather3A_337 = tpu.vector_load_idx %arg14[%add3A_336, %and3A_8] : memref<4096x8xf32, #tpu.memory_space<vmem>>[vector<16xi32>, vector<16xi32>], vector<16xf32>,
      %add3A_338 = arith.constant 1024 : i32
      %add3A_339 = vector.broadcast %add3A_338 : i32 to vector<16xi32>
      %add3A_340 = arith.addi %add3A_339, %add3A_310 : vector<16xi32>
      %gather3A_341 = tpu.vector_load_idx %arg14[%add3A_340, %and3A_8] : memref<4096x8xf32, #tpu.memory_space<vmem>>[vector<16xi32>, vector<16xi32>], vector<16xf32>,
      %add3A_342 = arith.constant 1536 : i32
      %add3A_343 = vector.broadcast %add3A_342 : i32 to vector<16xi32>
      %add3A_344 = arith.addi %add3A_343, %add3A_310 : vector<16xi32>
      %gather3A_345 = tpu.vector_load_idx %arg14[%add3A_344, %and3A_8] : memref<4096x8xf32, #tpu.memory_space<vmem>>[vector<16xi32>, vector<16xi32>], vector<16xf32>,
      %add3A_346 = arith.constant 2048 : i32
      %add3A_347 = vector.broadcast %add3A_346 : i32 to vector<16xi32>
      %add3A_348 = arith.addi %add3A_347, %add3A_310 : vector<16xi32>
      %gather3A_349 = tpu.vector_load_idx %arg14[%add3A_348, %and3A_8] : memref<4096x8xf32, #tpu.memory_space<vmem>>[vector<16xi32>, vector<16xi32>], vector<16xf32>,
      %add3A_350 = arith.constant 2560 : i32
      %add3A_351 = vector.broadcast %add3A_350 : i32 to vector<16xi32>
      %add3A_352 = arith.addi %add3A_351, %add3A_310 : vector<16xi32>
      %gather3A_353 = tpu.vector_load_idx %arg14[%add3A_352, %and3A_8] : memref<4096x8xf32, #tpu.memory_space<vmem>>[vector<16xi32>, vector<16xi32>], vector<16xf32>,
      %add3A_354 = arith.constant 3072 : i32
      %add3A_355 = vector.broadcast %add3A_354 : i32 to vector<16xi32>
      %add3A_356 = arith.addi %add3A_355, %add3A_310 : vector<16xi32>
      %gather3A_357 = tpu.vector_load_idx %arg14[%add3A_356, %and3A_8] : memref<4096x8xf32, #tpu.memory_space<vmem>>[vector<16xi32>, vector<16xi32>], vector<16xf32>,
      %add3A_358 = arith.constant 3584 : i32
      %add3A_359 = vector.broadcast %add3A_358 : i32 to vector<16xi32>
      %add3A_360 = arith.addi %add3A_359, %add3A_310 : vector<16xi32>
      %gather3A_361 = tpu.vector_load_idx %arg14[%add3A_360, %and3A_8] : memref<4096x8xf32, #tpu.memory_space<vmem>>[vector<16xi32>, vector<16xi32>], vector<16xf32>,
      %mul3A_362 = arith.mulf %sub3A_332, %mul3A_320 : vector<16xf32>
      %mul3A_363 = arith.mulf %mul3A_362, %gather3A_333 : vector<16xf32>
      %mul3A_364 = arith.mulf %sub3A_332, %mul3A_324 : vector<16xf32>
      %mul3A_365 = arith.mulf %mul3A_364, %gather3A_337 : vector<16xf32>
      %add3A_366 = arith.addf %mul3A_363, %mul3A_365 : vector<16xf32>
      %mul3A_367 = arith.mulf %sub3A_332, %mul3A_328 : vector<16xf32>
      %mul3A_368 = arith.mulf %mul3A_367, %gather3A_341 : vector<16xf32>
      %mul3A_369 = arith.mulf %sub3A_332, %mul3A_329 : vector<16xf32>
      %mul3A_370 = arith.mulf %mul3A_369, %gather3A_345 : vector<16xf32>
      %add3A_371 = arith.addf %mul3A_368, %mul3A_370 : vector<16xf32>
      %mul3A_372 = arith.mulf %gather3A_311, %mul3A_320 : vector<16xf32>
      %mul3A_373 = arith.mulf %mul3A_372, %gather3A_349 : vector<16xf32>
      %mul3A_374 = arith.mulf %gather3A_311, %mul3A_324 : vector<16xf32>
      %mul3A_375 = arith.mulf %mul3A_374, %gather3A_353 : vector<16xf32>
      %add3A_376 = arith.addf %mul3A_373, %mul3A_375 : vector<16xf32>
      %mul3A_377 = arith.mulf %gather3A_311, %mul3A_328 : vector<16xf32>
      %mul3A_378 = arith.mulf %mul3A_377, %gather3A_357 : vector<16xf32>
      %mul3A_379 = arith.mulf %gather3A_311, %mul3A_329 : vector<16xf32>
      %mul3A_380 = arith.mulf %mul3A_379, %gather3A_361 : vector<16xf32>
      %add3A_381 = arith.addf %mul3A_378, %mul3A_380 : vector<16xf32>
      %add3A_382 = arith.addf %add3A_366, %add3A_371 : vector<16xf32>
      %add3A_383 = arith.addf %add3A_376, %add3A_381 : vector<16xf32>
      %add3A_384 = arith.addf %add3A_382, %add3A_383 : vector<16xf32>
      %mul3A_385 = arith.constant 16 : i32
      %mul3A_386 = arith.muli %add3A_306, %mul3A_385 : i32
      %swap3A_387 = arith.index_cast %mul3A_386 : i32 to index
      %swap3A_388 = tpu.vector_load %arg15[%swap3A_387] {strides = array<i32>} : memref<4096xf32, #tpu.memory_space<vmem>>, vector<16xf32>,
      tpu.vector_store %arg15[%swap3A_387], %add3A_384 {strides = array<i32>} : memref<4096xf32, #tpu.memory_space<vmem>>, vector<16xf32>,
    }
    %scan3A_216 = arith.constant 128 : i32
    %add3A_217 = arith.constant 32256 : i32
    %add3A_218 = arith.addi %mul3A_2, %add3A_217 : i32
    %mul3A_219 = arith.constant 8 : i32
    %mul3A_220 = arith.muli %add3A_218, %mul3A_219 : i32
    "tpu.region"() ({
      %run_scoped3A_221 = tpu.sem_alloc : memref<!tpu.dma_semaphore, #tpu.memory_space<semaphore_mem>>
      %dma_start3A_222 = tpu.memref_slice %arg4[%mul3A_220] : memref<8388608xf32, #tpu.memory_space<hbm>> -> memref<4096xf32, #tpu.memory_space<hbm>>
      %dma_start3A_223 = tpu.memref_slice %arg4[%mul3A_220] : memref<8388608xf32, #tpu.memory_space<hbm>> -> memref<4096xf32, #tpu.memory_space<hbm>>
      tpu.enqueue_dma source(%arg15 : memref<4096xf32, #tpu.memory_space<vmem>>) target(%dma_start3A_223 : memref<4096xf32, #tpu.memory_space<hbm>>) target_semaphore(%run_scoped3A_221 : memref<!tpu.dma_semaphore, #tpu.memory_space<semaphore_mem>>)
      %dma_wait3A_224 = tpu.memref_slice %arg4[%mul3A_220] : memref<8388608xf32, #tpu.memory_space<hbm>> -> memref<4096xf32, #tpu.memory_space<hbm>>
      %dma_wait3A_225 = tpu.memref_slice %arg4[%mul3A_220] : memref<8388608xf32, #tpu.memory_space<hbm>> -> memref<4096xf32, #tpu.memory_space<hbm>>
      tpu.wait_dma2 semaphore(%run_scoped3A_221 : memref<!tpu.dma_semaphore, #tpu.memory_space<semaphore_mem>>) src(%arg15 : memref<4096xf32, #tpu.memory_space<vmem>>) dst(%dma_wait3A_225 : memref<4096xf32, #tpu.memory_space<hbm>>)
      tpu.yield
    }) : () -> ()
    return
  }
}

</mosaic_0001>

<sc_bundles>
// kernel: kernel.3.cloned.1.call-start
scs
__scs_entry_jumppad:
0x0: {  	(pc) =	sbr.rel $0x88, $3  }
0x1: {  	(tag) =	ssettag $0x0;
	lr =	simm.s32 $0x1  }
0x2: {  	[smem:$0x3F9F] =	sst lr;
	_ =	strace $0xD0000000  }
0x3: {  	_ = 	snop  }
0x4: {  	_ = 	snop  }
0x5: {  	_ = 	snop  }
0x6: {  	_ = 	snop  }
0x7: {  	_ = 	snop  }
__scs_overlays_trampoline_lowered:
0x8: {  	[smem:$0x3FAE] =	sst s0  }
0x9: {  	[smem:$0x3FAF] =	sst s1  }
0xa: {  	[smem:$0x3FB0] =	sst s2  }
0xb: {  	[smem:$0x3FB1] =	sst s3  }
0xc: {  	[smem:$0x3FB2] =	sst s4  }
0xd: {  	[smem:$0x3FB3] =	sst s5  }
0xe: {  	[smem:$0x3FB4] =	sst s6  }
0xf: {  	[smem:$0x3FB5] =	sst s7  }
0x10: {  	[smem:$0x3FB6] =	sst s8  }
0x11: {  	[smem:$0x3FB7] =	sst s9;
	s0 =	simm.s32 @!p0 $0x0  }
0x12: {  	s1 =	sld [smem:$0x3F9D];
	s0 =	simm.s32 @p0 $0x1  }
0x13: {  	[smem:$0x3FB8] =	sst s0;
	s0 =	simm.s32 @!p1 $0x0  }
0x14: {  	s2 =	sld [smem:$0x3F9C];
	s0 =	simm.s32 @p1 $0x1  }
0x15: {  	[smem:$0x3FB9] =	sst s0;
	s0 =	simm.s32 @!p2 $0x0  }
0x16: {  	s3 =	sld [smem:$0x3FDB];
	s0 =	simm.s32 @p2 $0x1  }
0x17: {  	s4 =	simm.s32 $0x1BF5;
	[smem:$0x3FBB] =	sst s0  }
0x18: {  	s0 =	sld [smem:$0x3F9E];
	_ =	swait.ge [sflag:s4], $0x0  }
0x19: {  	s7 =	sld [smem:$0x3F9F]  }
0x1a: {  	s8 =	sadd.s32 $0xFFFFE003, lr  }
0x1b: {  	s9 =	sadd.s32 $0xFFFFFEF7, lr;
	s5 =	simm.s32 $0xFFFFFFFF;
	p2 =	slt.u32 s8, $0xFFFFF086  }
0x1c: {  	p1 =	slt.u32 s9, $0xF7A;
	s5 =	simm.s32 @!p2 $0x0  }
0x1d: {  	s5 =	simm.s32 @p1 $0x1;
	p0 =	seq.s32 s7, s2  }
0x1e: {  	s7 =	smul.u32 @!p0 $0xF7A, s2;
	p2 =	seq.s32 @!p0 s5, $0x0  }
0x1f: {  	s9 =	smul.u32 $0xF7A, s1;
	s8 =	simm.s32 @!p0 $0x1BF5;
	p2 =	por !p2, p0  }
0x20: {  	[sflag:s8] =	ssyncset.s32 @!p0 $0xFFFFF086;
	s6 =	sadd.s32 @!p0 s3, s7;
	s7 =	simm.s32 @!p0 $0x108  }
0x21: {  	s3 =	sadd.s32 s3, s9;
	s6 =	sadd.s32 @!p0 $0x88, s6;
	s7 =	simm.s32 @p2 $0x1082  }
0x22: {  	[simem:s7], [sflag:s8] =	dma.local @!p0 [hbm:s6], $0xF7A  }
0x23: {  	s9 =	sor.u32 $0xD0000000, s2;
	s6 =	simm.s32 $0x108;
	_ =	swait.ge @!p0 [sflag:s8], $0x0  }
0x24: {  	s3 =	sadd.s32 $0x88, s3;
	s6 =	simm.s32 @!p1 $0x1082;
	[sflag:s4] =	ssyncset.s32 $0xFFFFF086  }
0x25: {  	[simem:s6], [sflag:s4] =	dma.local [hbm:s3], $0xF7A  }
0x26: {  	[smem:$0x3F9F] =	sst s1;
	(tag) =	ssettag s2;
	_ =	strace s9  }
0x27: {  	s1 =	sld [smem:$0x3FAF]  }
0x28: {  	s2 =	sld [smem:$0x3FB0]  }
0x29: {  	s4 =	sld [smem:$0x3FB2]  }
0x2a: {  	p0 =	seq.s32 s5, $0x0;
	s5 =	sld [smem:$0x3FB3]  }
0x2b: {  	s6 =	sld [smem:$0x3FB4]  }
0x2c: {  	s7 =	sld [smem:$0x3FB5]  }
0x2d: {  	s3 =	simm.s32 $0x108;
	s8 =	sld [smem:$0x3FB6]  }
0x2e: {  	s3 =	simm.s32 @!p0 $0x1082;
	s9 =	sld [smem:$0x3FB7]  }
0x2f: {  	lr =	sadd.s32 s0, s3;
	s0 =	sld [smem:$0x3FAE]  }
0x30: {  	s3 =	sld [smem:$0x3FB1]  }
0x31: {  	[smem:$0x3FBA] =	sst s10  }
0x32: {  	s10 =	sld [smem:$0x3FB8];
	_ =	sdelay $0x3  }
0x33: {  	p0 =	seq.s32 s10, $0x1;
	s10 =	sld [smem:$0x3FBA];
	_ =	sdelay $0x3  }
0x34: {  	[smem:$0x3FBA] =	sst s10  }
0x35: {  	s10 =	sld [smem:$0x3FB9];
	_ =	sdelay $0x3  }
0x36: {  	p1 =	seq.s32 s10, $0x1;
	s10 =	sld [smem:$0x3FBA];
	_ =	sdelay $0x3  }
0x37: {  	[smem:$0x3FBA] =	sst s10  }
0x38: {  	s10 =	sld [smem:$0x3FBB]  }
0x39: {  	_ = 	snop;
	(pc) =	sbr.ind lr, $3  }
0x3a: {  	_ = 	snop  }
0x3b: {  	_ = 	snop  }
0x3c: {  	p2 =	seq.s32 s10, $0x1;
	s10 =	sld [smem:$0x3FBA]  }
0x3d: {  	_ =	shalt  }
0x3e: {  	_ =	shalt  }
0x3f: {  	_ =	shalt  }
0x40: {  	_ =	shalt  }
0x41: {  	_ =	shalt  }
0x42: {  	_ =	shalt  }
0x43: {  	_ =	shalt  }
0x44: {  	_ =	shalt  }
0x45: {  	_ =	shalt  }
0x46: {  	_ =	shalt  }
0x47: {  	_ =	shalt  }
0x48: {  	_ =	shalt  }
0x49: {  	_ =	shalt  }
0x4a: {  	_ =	shalt  }
0x4b: {  	_ =	shalt  }
0x4c: {  	_ =	shalt  }
0x4d: {  	_ =	shalt  }
0x4e: {  	_ =	shalt  }
0x4f: {  	_ =	shalt  }
0x50: {  	_ =	shalt  }
0x51: {  	_ =	shalt  }
0x52: {  	_ =	shalt  }
0x53: {  	_ =	shalt  }
0x54: {  	_ =	shalt  }
0x55: {  	_ =	shalt  }
0x56: {  	_ =	shalt  }
0x57: {  	_ =	shalt  }
0x58: {  	_ =	shalt  }
0x59: {  	_ =	shalt  }
0x5a: {  	_ =	shalt  }
0x5b: {  	_ =	shalt  }
0x5c: {  	_ =	shalt  }
0x5d: {  	_ =	shalt  }
0x5e: {  	_ =	shalt  }
0x5f: {  	_ =	shalt  }
0x60: {  	_ =	shalt  }
0x61: {  	_ =	shalt  }
0x62: {  	_ =	shalt  }
0x63: {  	_ =	shalt  }
0x64: {  	_ =	shalt  }
0x65: {  	_ =	shalt  }
0x66: {  	_ =	shalt  }
0x67: {  	_ =	shalt  }
0x68: {  	_ =	shalt  }
0x69: {  	_ =	shalt  }
0x6a: {  	_ =	shalt  }
0x6b: {  	_ =	shalt  }
0x6c: {  	_ =	shalt  }
0x6d: {  	_ =	shalt  }
0x6e: {  	_ =	shalt  }
0x6f: {  	_ =	shalt  }
0x70: {  	_ =	shalt  }
0x71: {  	_ =	shalt  }
0x72: {  	_ =	shalt  }
0x73: {  	_ =	shalt  }
0x74: {  	_ =	shalt  }
0x75: {  	_ =	shalt  }
0x76: {  	_ =	shalt  }
0x77: {  	_ =	shalt  }
0x78: {  	_ =	shalt  }
0x79: {  	_ =	shalt  }
0x7a: {  	_ =	shalt  }
0x7b: {  	_ =	shalt  }
0x7c: {  	_ =	shalt  }
0x7d: {  	_ =	shalt  }
0x7e: {  	_ =	shalt  }
0x7f: {  	_ =	shalt  }
0x80: {  	_ =	shalt  }
0x81: {  	_ =	shalt  }
0x82: {  	_ =	shalt  }
0x83: {  	_ =	shalt  }
0x84: {  	_ =	shalt  }
0x85: {  	_ =	shalt  }
0x86: {  	_ =	shalt  }
0x87: {  	_ =	shalt  }
.Lfunc_end0:
.L_simem_size_0:
called_computation.1_lowered:
.L_overlay_start_0:
0x88: {  	s2 =	sld [smem:$0x3FD9]  }
0x89: {  	s3 =	sld [smem:$0x3FFE];
	_ =	sdelay $0x1  }
0x8a: {  	s1 =	srdreg.scid  }
0x8b: {  	s0 =	sand.u32 $0x1, s1  }
0x8c: {  	s17 =	sshll.u32 s0, $0xA;
	s2 =	sadd.s32 s3, s2  }
0x8d: {  	s2 =	sadd.s32 s2, s17  }
0x8e: {  	[smem:$0x3FC6] =	sst s2  }
0x8f: {  	_ = 	snop  }
0x90: {  	s2 =	sld [smem:$0x3FD0];
	(tm) =	ssettm $0x1  }
0x91: {  	s18 =	sld [smem:$0x3FFB];
	_ =	sdelay $0x3  }
0x92: {  	_ =	strace s18  }
0x93: {  	s3 =	sld [smem:$0x3FFC];
	_ =	sdelay $0x3  }
0x94: {  	_ =	strace s3  }
0x95: {  	s3 =	sld [smem:$0x3FFD];
	_ =	sdelay $0x3  }
0x96: {  	_ =	strace s3  }
0x97: {  	_ =	strace $0x8FFFFFFF  }
0x98: {  	s19 =	sld [smem:$0x3FDB];
	_ =	sdelay $0x1  }
0x99: {  	s4 =	simm.s32 $_scs_section_size  }
0x9a: {  	s5 =	simm.s32 $_size__tile_overlayer_lowered;
	s6 =	simm.s32 $_tile_overlayer_lowered  }
0x9b: {  	s22 =	simm.s32 $0x1BFF;
	s21 =	sshll.u32 s6, $0x1;
	s3 =	sadd.s32 s4, s19  }
0x9c: {  	s7 =	simm.s32 $0x0;
	s20 =	sshll.u32 s5, $0x1;
	s5 =	sadd.s32 s21, s3  }
0x9d: {  	[timem:s7], [sflag:s22] =	dma.local [hbm:s5], s20  }
0x9e: {  	_ =	swait.ge [sflag:s22], s20  }
0x9f: {  	s4 =	ssub.s32 $0x0, s20;
	[sflag:s22] =	ssyncset.done $0x0  }
0xa0: {  	[sflag:s22] =	ssyncadd.s32 s4;
	_ =	sdelay $0x1  }
0xa1: {  	s23 =	simm.s32 $0x1B8B  }
0xa2: {  	_ =	swait.ge [sflag:s23], $0x1  }
0xa3: {  	[sflag:s23] =	ssyncset.done $0x0  }
0xa4: {  	s25 =	simm.s32 $0x1B8E;
	s24 =	sld [smem:$0x3FFE];
	[sflag:s23] =	ssyncadd.s32 $0xFFFFFFFF  }
0xa5: {  	s26 =	simm.s32 $execute0_lowered;
	[smem:$0x3FD2] =	sst s25  }
0xa6: {  	s5 =	sshll.u32 s26, $0x1;
	_ =	strace $0x80000046;
	[dreg:$0x1] =	wrdreg $0xFFFFFFFF  }
0xa7: {  	s28 =	simm.s32 $_size_execute0_lowered;
	s3 =	sadd.s32 s3, s5;
	[dreg:$0x0] =	wrdreg $0x0  }
0xa8: {  	s5 =	sshll.u32 s28, $0x1;
	[dreg:$0x2] =	wrdreg s3  }
0xa9: {  	[dreg:$0x3] =	wrdreg s5  }
0xaa: {  	[dreg:$0x4] =	wrdreg $0xC0  }
0xab: {  	_ =	task [dreg:s7], $0x5FFFF  }
0xac: {  	[dreg:$0x1] =	wrdreg $0xFFFFFFFF  }
0xad: {  	[dreg:$0x0] =	wrdreg $0x60  }
0xae: {  	[dreg:$0x2] =	wrdreg s2  }
0xaf: {  	[dreg:$0x3] =	wrdreg s24  }
0xb0: {  	[dreg:$0x4] =	wrdreg $0x9  }
0xb1: {  	_ =	task.clear_ibuf [dreg:s7], $0x5FFFF;
	_ =	strace $0x90000046  }
0xb2: {  	s29 =	simm.s32 $0x9;
	_ =	strace $0x80000048  }
0xb3: {  	_ =	swait.ge [sflag:s29], $0x1  }
0xb4: {  	[sflag:s29] =	ssyncadd.s32 $0xFFFFFFFF  }
0xb5: {  	_ =	strace $0x90000048  }
0xb6: {  	_ =	sfence  }
0xb7: {  	s30 =	sld [smem:$0x0];
	_ =	sdelay $0x2  }
0xb8: {  	s31 =	sshll.u32 s1, $0xD;
	s1 =	sshrl.u32 s1, $0x2  }
0xb9: {  	s3 =	sand.u32 $0x4000, s31;
	s1 =	sadd.s32 s1, s30  }
0xba: {  	s0 =	sor.u32 s3, s0;
	s1 =	sshll.u32 s1, $0x11  }
0xbb: {  	s0 =	sor.u32 s1, s0  }
0xbc: {  	s0 =	sadd.s32 $0x8F2B, s0  }
0xbd: {  	[sflag:s0] =	ssyncadd.remote.s32 $0x1  }
0xbe: {  	_ =	sfence.sel $0xFFFF  }
0xbf: {  	[dreg:$0x0] =	wrdreg $0xFFFFFFFF;
	(pc) =	sbr.abs _section_cstart, $3  }
0xc0: {  	[dreg:$0x1] =	wrdreg $0xFFFFFFFF  }
0xc1: {  	_ =	task.clear_ibuf [dreg:s7], $0x2FFFF;
	_ =	strace $0x9FFFFFFF  }
0xc2: {  	(tm) =	ssettm $0x7FFFFFFF  }
0xc3: {  	_ =	shalt  }
tec
execute0_lowered:
.L_overlay_start_1:
0x0: {  	(tag) =	ssettag $0x1  }
0x1: {  	s2 =	rddreg [dreg:$0x0];
	s0 =	srdreg.scid  }
0x2: {  	s3 =	stileid.u32;
	s1 =	rddreg [dreg:$0x1];
	s17 =	simm.s32 $0x3  }
0x3: {  	s18 =	simm.s32 $0x200;
	s19 =	simm.s32 $0x400;
	s21 =	simm.s32 $0x1600  }
0x4: {  	s12 =	simm.s32 $0x9600;
	s13 =	simm.s32 $0x9800;
	s14 =	simm.s32 $0x9A00  }
0x5: {  	s16 =	simm.s32 $0xAC00;
	s29 =	simm.s32 $0xA600;
	s30 =	simm.s32 $0xFC00  }
0x6: {  	s31 =	simm.s32 $0xA800;
	s0 =	sand.u32 $0x1, s0;
	s4 =	sshll.u32 s3, $0x1  }
0x7: {  	s3 =	simm.s32 $0x0;
	s5 =	sadd.s32 $0x800, s1;
	s6 =	sor.u32 s0, s4  }
0x8: {  	s0 =	ssub.s32 $0x2, s0;
	s4 =	smul.u32 $0x18000, s6;
	s6 =	sshll.u32 s6, $0xF  }
0x9: {  	[smem:$0x7FF] =	sst s3;
	s8 =	sshrl.u32 s0, $0x1;
	s1 =	sadd.s32 s6, s1  }
0xa: {  	_ =	strace $0x80000047;
	s0 =	ssub.s32 s0, s8;
	s28 =	sadd.s32 $0x68400, s1  }
0xb: {  	s9 =	sadd.s32 $0x60800, s1;
	s1 =	sadd.s32 $0x68600, s1;
	[dreg:$0x9] =	wrdreg s28  }
0xc: {  	s7 =	sshrl.u32 s4, $0x3;
	s0 =	smax.u32 s0, $0x1;
	[dreg:$0xa] =	wrdreg s1  }
0xd: {  	v10 =	vlaneseq.u32;
	s11 =	simm.s32 $0x12C00;
	s7 =	sadd.s32 s5, s7;
	[dreg:$0xb] =	wrdreg s0  }
0xe: {  	s15 =	simm.s32 $0x2;
	v0 =	vshrl.u32 v10, $0x3;
	s23 =	sadd.s32 $0x1000, s7;
	[dreg:$0x3] =	wrdreg s7  }
0xf: {  	s20 =	simm.s32 $0x0;
	v9 =	vmul.u32 $0x8, v0;
	s24 =	sadd.s32 $0x2000, s7;
	[dreg:$0x4] =	wrdreg s23  }
0x10: {  	v2 =	vimm.s32 $0x0;
	s8 =	simm.s32 $0x1;
	s25 =	sadd.s32 $0xFC0, s7;
	[dreg:$0x5] =	wrdreg s24  }
0x11: {  	v10 =	vand.u32 $0x7, v10;
	v1 =	vmov s6;
	v3 =	vor.u32 $0x7000, v9;
	s10 =	sor.u32 $0x400, s4;
	s26 =	sadd.s32 $0x1FC0, s7;
	[dreg:$0x6] =	wrdreg s25  }
0x12: {  	v4 =	vor.u32 $0x6000, v9;
	v5 =	vor.u32 $0x5000, v9;
	v6 =	vor.u32 $0x4000, v9;
	s1 =	simm.s32 $0x10C00;
	s7 =	sadd.s32 $0x2FC0, s7;
	[dreg:$0x7] =	wrdreg s26  }
0x13: {  	v7 =	vor.u32 $0x3000, v9;
	v8 =	vor.u32 $0x2000, v9;
	v9 =	vor.u32 $0x1000, v9;
	s0 =	simm.s32 $0xAA00;
	[dreg:$0x8] =	wrdreg s7;
	s7 =	simm.s32 $0x11C00  }
.LBB2_1:
0x14: {  	[dreg:$0xc] =	wrdreg s20  }
0x15: {  	s6 =	rddreg [dreg:$0x3]  }
0x16: {  	[tilespmem:s3], [sflag:$0x3] =	stream.linear.gather [hbm4b:s6+s3], $0x200, $0x38;
	[tilespmem:$0x13C00] =	vst v63  }
0x17: {  	_ =	swait.ge [sflag:s17], $0x200  }
0x18: {  	[sflag:s17] =	ssyncset.done $0x0  }
0x19: {  	s26 =	rddreg [dreg:$0x4];
	[sflag:s17] =	ssyncadd.s32 $0xFFFFFE00  }
0x1a: {  	[tilespmem:s18], [sflag:$0x3] =	stream.linear.gather [hbm4b:s26+s3], $0x200, $0x38;
	[tilespmem:$0x13C00] =	vst v63  }
0x1b: {  	_ =	swait.ge [sflag:s17], $0x200  }
0x1c: {  	[sflag:s17] =	ssyncset.done $0x0  }
0x1d: {  	s28 =	rddreg [dreg:$0x5];
	[sflag:s17] =	ssyncadd.s32 $0xFFFFFE00  }
0x1e: {  	[tilespmem:s19], [sflag:$0x3] =	stream.linear.gather [hbm4b:s28+s3], $0x200, $0x38;
	[tilespmem:$0x13C00] =	vst v63  }
0x1f: {  	_ =	swait.ge [sflag:s17], $0x200  }
0x20: {  	[sflag:s17] =	ssyncset.done $0x0  }
0x21: {  	s6 =	simm.s32 $0x0;
	[sflag:s17] =	ssyncadd.s32 $0xFFFFFE00  }
0x22: {  	v11 =	vld [tilespmem:s6+$0x0]  }
0x23: {  	v12 =	vld [tilespmem:s6+$0x400]  }
0x24: {  	v13 =	vld [tilespmem:s6+$0x200];
	_ =	sdelay $0x2  }
0x25: {  	v11 =	vadd.f32 $1.000000000e+00, v11  }
0x26: {  	v12 =	vadd.f32 $1.000000000e+00, v12  }
0x27: {  	v13 =	vadd.f32 $1.000000000e+00, v13;
	v11 =	vmul.f32 $3.000000000e+01, v11  }
0x28: {  	v12 =	vmul.f32 $3.000000000e+01, v12  }
0x29: {  	v14 =	vmul.f32 $5.000000000e-01, v11;
	v11 =	vmul.f32 $3.000000000e+01, v13  }
0x2a: {  	v13 =	vmul.f32 $5.000000000e-01, v12  }
0x2b: {  	v15 =	vmul.f32 $5.000000000e-01, v11;
	v11 =	vtrunc.f32 v14  }
0x2c: {  	v12 =	vcvt.f32.s32 v11;
	vm0 =	vlt.f32 v14, v11;
	v11 =	vtrunc.f32 v13  }
0x2d: {  	v16 =	vsel vm0, $0xFFFFFFFF, v2;
	v17 =	vtrunc.f32 v15;
	v18 =	vcvt.f32.s32 v11  }
0x2e: {  	vm0 =	vlt.f32 v13, v11;
	v19 =	vcvt.f32.s32 v17;
	vm1 =	vlt.f32 v15, v17  }
0x2f: {  	v16 =	vadd.s32 v12, v16;
	v11 =	vsel vm0, $0xFFFFFFFF, v2;
	v12 =	vsel vm1, $0xFFFFFFFF, v2  }
0x30: {  	vm0 =	vgt.s32 v16, $0x0;
	v17 =	vadd.s32 v18, v11;
	v18 =	vadd.s32 v19, v12  }
0x31: {  	v11 =	vnsel vm0, $0x0, v16;
	vm0 =	vgt.s32 v17, $0x0;
	v19 =	vadd.s32 $0x1, v18  }
0x32: {  	v12 =	vmin.u32 v11, $0x1F;
	v11 =	vnsel vm0, $0x0, v17;
	vm0 =	vgt.s32 v19, $0x0  }
0x33: {  	v20 =	vcvt.s32.f32 v12;
	v11 =	vmin.u32 v11, $0x1F;
	v19 =	vnsel vm0, $0x0, v19  }
0x34: {  	v16 =	vadd.s32 $0x1, v16;
	v21 =	vcvt.s32.f32 v11;
	v19 =	vmin.u32 v19, $0x1F  }
0x35: {  	vm1 =	vgt.s32 v16, $0x0;
	v14 =	vsub.f32 v14, v20;
	v20 =	vcvt.s32.f32 v19  }
0x36: {  	v16 =	vnsel vm1, $0x0, v16;
	vm0 =	vgt.s32 v18, $0x0;
	v21 =	vsub.f32 v13, v21  }
0x37: {  	s20 =	simm.s32 $0x10;
	v16 =	vmin.u32 v16, $0x1F;
	[tilespmem:s6+$0x0] =	vst v14;
	v14 =	vnsel vm0, $0x0, v18;
	v20 =	vsub.f32 v20, v15  }
0x38: {  	v13 =	vld [tilespmem:s20+$0x0];
	v18 =	vmin.u32 v14, $0x1F;
	[tilespmem:s6+$0x400] =	vst v21;
	v15 =	vadd.s32 $0x1, v17;
	v17 =	vshll.u32 v19, $0xA  }
0x39: {  	s22 =	simm.s32 $0x80;
	v14 =	vld [tilespmem:s20+$0x400];
	vm0 =	vgt.s32 v15, $0x0;
	v17 =	vor.u32 v1, v17;
	v18 =	vshll.u32 v18, $0xA;
	[tilespmem:s6+$0x200] =	vst v20  }
.LBB2_2:
0x3a: {  	p0 =	sne.s32 s22, $0x7C0;
	v19 =	vld [tilespmem:s20+$0x200];
	v18 =	vor.u32 v1, v18;
	v12 =	vshll.u32 v12, $0x5;
	v16 =	vshll.u32 v16, $0x5  }
0x3b: {  	v15 =	vnsel vm0, $0x0, v15;
	v20 =	vor.u32 v12, v17;
	v17 =	vor.u32 v16, v17  }
0x3c: {  	v15 =	vmin.u32 v15, $0x1F;
	v12 =	vor.u32 v12, v18;
	v16 =	vor.u32 v16, v18  }
0x3d: {  	v18 =	vor.u32 v11, v20;
	v20 =	vor.u32 v15, v20;
	v13 =	vadd.f32 $1.000000000e+00, v13  }
0x3e: {  	v14 =	vadd.f32 $1.000000000e+00, v14;
	[tilespmem:s6+$0x600] =	vst v18;
	v18 =	vor.u32 v11, v17;
	v17 =	vor.u32 v15, v17  }
0x3f: {  	v13 =	vmul.f32 $3.000000000e+01, v13;
	v19 =	vadd.f32 $1.000000000e+00, v19;
	[tilespmem:s6+$0x800] =	vst v20;
	v20 =	vor.u32 v11, v12  }
0x40: {  	v12 =	vor.u32 v15, v12;
	v11 =	vor.u32 v11, v16;
	v14 =	vmul.f32 $3.000000000e+01, v14;
	[tilespmem:s6+$0xE00] =	vst v18  }
0x41: {  	v15 =	vor.u32 v15, v16;
	v13 =	vmul.f32 $5.000000000e-01, v13;
	v18 =	vmul.f32 $3.000000000e+01, v19;
	[tilespmem:s6+$0x1000] =	vst v17  }
0x42: {  	v14 =	vmul.f32 $5.000000000e-01, v14;
	[tilespmem:s6+$0xA00] =	vst v20  }
0x43: {  	v16 =	vmul.f32 $5.000000000e-01, v18;
	v17 =	vtrunc.f32 v13;
	[tilespmem:s6+$0xC00] =	vst v12  }
0x44: {  	v12 =	vcvt.f32.s32 v17;
	vm0 =	vlt.f32 v13, v17;
	v17 =	vtrunc.f32 v14;
	[tilespmem:s6+$0x1200] =	vst v11  }
0x45: {  	v11 =	vsel vm0, $0xFFFFFFFF, v2;
	v18 =	vtrunc.f32 v16;
	v19 =	vcvt.f32.s32 v17;
	[tilespmem:s6+$0x1400] =	vst v15;
	s6 =	smov.u32 s20  }
0x46: {  	vm1 =	vlt.f32 v14, v17;
	v15 =	vcvt.f32.s32 v18;
	vm0 =	vlt.f32 v16, v18  }
0x47: {  	v17 =	vadd.s32 v12, v11;
	v12 =	vsel vm1, $0xFFFFFFFF, v2;
	v11 =	vsel vm0, $0xFFFFFFFF, v2  }
0x48: {  	vm0 =	vgt.s32 v17, $0x0;
	v18 =	vadd.s32 v19, v12;
	v15 =	vadd.s32 v15, v11  }
0x49: {  	v11 =	vnsel vm0, $0x0, v17;
	vm0 =	vgt.s32 v18, $0x0;
	v19 =	vadd.s32 $0x1, v15  }
0x4a: {  	v12 =	vmin.u32 v11, $0x1F;
	v11 =	vnsel vm0, $0x0, v18;
	vm1 =	vgt.s32 v19, $0x0  }
0x4b: {  	v11 =	vmin.u32 v11, $0x1F;
	v20 =	vcvt.s32.f32 v12;
	v19 =	vnsel vm1, $0x0, v19  }
0x4c: {  	v17 =	vadd.s32 $0x1, v17;
	v21 =	vcvt.s32.f32 v11;
	v19 =	vmin.u32 v19, $0x1F  }
.Ltmp0:
0x4d: {  	vm0 =	vgt.s32 v15, $0x0;
	v13 =	vsub.f32 v13, v20;
	v20 =	vcvt.s32.f32 v19;
	(pc) =	sbr.rel @p0 .LBB2_2-.Ltmp0, $4  }
0x4e: {  	v15 =	vnsel vm0, $0x0, v15;
	vm1 =	vgt.s32 v17, $0x0;
	v14 =	vsub.f32 v14, v21  }
0x4f: {  	s20 =	sshra.s32 s22, $0x2;
	v17 =	vnsel vm1, $0x0, v17;
	v21 =	vmin.u32 v15, $0x1F;
	[tilespmem:s6+$0x0] =	vst v13;
	v20 =	vsub.f32 v20, v16  }
0x50: {  	v15 =	vadd.s32 $0x1, v18;
	v16 =	vmin.u32 v17, $0x1F;
	v17 =	vshll.u32 v19, $0xA;
	v13 =	vld [tilespmem:s20+$0x0];
	[tilespmem:s6+$0x400] =	vst v14  }
0x51: {  	s22 =	sadd.s32 $0x40, s22;
	vm0 =	vgt.s32 v15, $0x0;
	v18 =	vshll.u32 v21, $0xA;
	v17 =	vor.u32 v1, v17;
	v14 =	vld [tilespmem:s20+$0x400];
	[tilespmem:s6+$0x200] =	vst v20  }
0x52: {  	v19 =	vld [tilespmem:s20+$0x200]  }
0x53: {  	v18 =	vor.u32 v1, v18;
	v12 =	vshll.u32 v12, $0x5;
	v16 =	vshll.u32 v16, $0x5  }
0x54: {  	v15 =	vnsel vm0, $0x0, v15;
	v20 =	vor.u32 v12, v17;
	v32 =	vor.u32 v16, v17  }
0x55: {  	v15 =	vmin.u32 v15, $0x1F;
	v12 =	vor.u32 v12, v18;
	v13 =	vadd.f32 $1.000000000e+00, v13  }
0x56: {  	v16 =	vor.u32 v16, v18;
	v33 =	vor.u32 v11, v20;
	v14 =	vadd.f32 $1.000000000e+00, v14  }
0x57: {  	v20 =	vor.u32 v15, v20;
	v13 =	vmul.f32 $3.000000000e+01, v13;
	v19 =	vadd.f32 $1.000000000e+00, v19  }
0x58: {  	v21 =	vor.u32 v11, v32;
	v17 =	vor.u32 v15, v32;
	v14 =	vmul.f32 $3.000000000e+01, v14  }
0x59: {  	v22 =	vor.u32 v11, v12;
	v13 =	vmul.f32 $5.000000000e-01, v13;
	v19 =	vmul.f32 $3.000000000e+01, v19  }
0x5a: {  	v12 =	vor.u32 v15, v12;
	v11 =	vor.u32 v11, v16;
	v14 =	vmul.f32 $5.000000000e-01, v14  }
0x5b: {  	v15 =	vor.u32 v15, v16;
	v19 =	vmul.f32 $5.000000000e-01, v19;
	v23 =	vtrunc.f32 v13  }
0x5c: {  	v34 =	vcvt.f32.s32 v23;
	vm8 =	vlt.f32 v13, v23;
	v35 =	vtrunc.f32 v14  }
0x5d: {  	v24 =	vsel vm8, $0xFFFFFFFF, v2;
	v25 =	vtrunc.f32 v19;
	v36 =	vcvt.f32.s32 v35  }
0x5e: {  	vm1 =	vlt.f32 v14, v35;
	vm9 =	vlt.f32 v19, v25;
	v25 =	vcvt.f32.s32 v25  }
0x5f: {  	v16 =	vadd.s32 v34, v24;
	v38 =	vsel vm1, $0xFFFFFFFF, v2;
	v37 =	vsel vm9, $0xFFFFFFFF, v2  }
0x60: {  	vm10 =	vgt.s32 v16, $0x0;
	v39 =	vadd.s32 v36, v38;
	v23 =	vadd.s32 v25, v37  }
0x61: {  	[tilespmem:s6+$0x600] =	vst v33;
	v40 =	vnsel vm10, $0x0, v16;
	vm11 =	vgt.s32 v39, $0x0;
	v16 =	vadd.s32 $0x1, v16  }
0x62: {  	[tilespmem:s6+$0x800] =	vst v20;
	v52 =	vadd.s32 $0x1, v39;
	v41 =	vadd.s32 $0x1, v23;
	v42 =	vmin.u32 v40, $0x1F  }
0x63: {  	[tilespmem:s6+$0xE00] =	vst v21;
	v43 =	vnsel vm11, $0x0, v39;
	vm13 =	vgt.s32 v23, $0x0;
	vm14 =	vgt.s32 v16, $0x0  }
0x64: {  	[tilespmem:s6+$0x1000] =	vst v17;
	vm12 =	vgt.s32 v41, $0x0;
	v45 =	vcvt.s32.f32 v42;
	v46 =	vmin.u32 v43, $0x1F  }
0x65: {  	[tilespmem:s6+$0xA00] =	vst v22;
	v23 =	vnsel vm13, $0x0, v23;
	v50 =	vnsel vm14, $0x0, v16;
	v55 =	vshll.u32 v42, $0x5  }
0x66: {  	[tilespmem:s6+$0xC00] =	vst v12;
	v44 =	vnsel vm12, $0x0, v41;
	v48 =	vcvt.s32.f32 v46;
	v51 =	vmin.u32 v23, $0x1F  }
0x67: {  	[tilespmem:s6+$0x1200] =	vst v11;
	v47 =	vmin.u32 v44, $0x1F;
	v13 =	vsub.f32 v13, v45;
	v16 =	vshll.u32 v51, $0xA  }
0x68: {  	[tilespmem:s6+$0x1400] =	vst v15;
	v49 =	vcvt.s32.f32 v47;
	v11 =	vsub.f32 v14, v48;
	v59 =	vor.u32 v1, v16  }
0x69: {  	v53 =	vshll.u32 v47, $0xA;
	v14 =	vmin.u32 v50, $0x1F;
	[tilespmem:s20+$0x0] =	vst v13;
	v61 =	vor.u32 v55, v59  }
0x6a: {  	v54 =	vor.u32 v1, v53;
	v12 =	vsub.f32 v49, v19;
	[tilespmem:s20+$0x400] =	vst v11;
	v62 =	vor.u32 v46, v61  }
0x6b: {  	vm15 =	vgt.s32 v52, $0x0;
	v57 =	vshll.u32 v14, $0x5;
	v56 =	vor.u32 v55, v54;
	[tilespmem:s20+$0xA00] =	vst v62  }
0x6c: {  	v11 =	vnsel vm15, $0x0, v52;
	v13 =	vor.u32 v57, v54;
	v58 =	vor.u32 v46, v56;
	[tilespmem:s20+$0x200] =	vst v12  }
0x6d: {  	v11 =	vmin.u32 v11, $0x1F;
	v60 =	vor.u32 v46, v13;
	[tilespmem:s20+$0x600] =	vst v58  }
0x6e: {  	v15 =	vor.u32 v11, v56;
	[tilespmem:s20+$0xE00] =	vst v60  }
0x6f: {  	v13 =	vor.u32 v11, v13;
	[tilespmem:s20+$0x800] =	vst v15  }
0x70: {  	v12 =	vor.u32 v57, v59;
	v63 =	vor.u32 v11, v61;
	[tilespmem:s20+$0x1000] =	vst v13  }
0x71: {  	v14 =	vor.u32 v46, v12;
	[tilespmem:s20+$0xC00] =	vst v63  }
0x72: {  	v11 =	vor.u32 v11, v12;
	[tilespmem:s20+$0x1200] =	vst v14  }
0x73: {  	s25 =	simm.s32 $0x600;
	[tilespmem:s20+$0x1400] =	vst v11  }
0x74: {  	[tilespmem:s21], [sflag:$0x1] =	stream.indirect.gather [hbm4b:s2+s18], $0x8, s25, s18, $0xb8;
	[tilespmem:$0x13C00] =	vst v63  }
0x75: {  	s26 =	simm.s32 $0x800;
	s28 =	simm.s32 $0x2600  }
0x76: {  	[tilespmem:s28], [sflag:$0x1] =	stream.indirect.gather [hbm4b:s2+s18], $0x8, s26, s18, $0xb8;
	[tilespmem:$0x13C00] =	vst v63  }
0x77: {  	s22 =	simm.s32 $0xA00;
	s23 =	simm.s32 $0x3600  }
0x78: {  	[tilespmem:s23], [sflag:$0x1] =	stream.indirect.gather [hbm4b:s2+s18], $0x8, s22, s18, $0xb8;
	[tilespmem:$0x13C00] =	vst v63  }
0x79: {  	s24 =	simm.s32 $0xC00;
	s25 =	simm.s32 $0x4600  }
0x7a: {  	[tilespmem:s25], [sflag:$0x1] =	stream.indirect.gather [hbm4b:s2+s18], $0x8, s24, s18, $0xb8;
	[tilespmem:$0x13C00] =	vst v63  }
0x7b: {  	s26 =	simm.s32 $0xE00;
	s28 =	simm.s32 $0x5600  }
0x7c: {  	[tilespmem:s28], [sflag:$0x1] =	stream.indirect.gather [hbm4b:s2+s18], $0x8, s26, s18, $0xb8;
	[tilespmem:$0x13C00] =	vst v63  }
0x7d: {  	s22 =	simm.s32 $0x1000;
	s23 =	simm.s32 $0x6600  }
0x7e: {  	[tilespmem:s23], [sflag:$0x1] =	stream.indirect.gather [hbm4b:s2+s18], $0x8, s22, s18, $0xb8;
	[tilespmem:$0x13C00] =	vst v63  }
0x7f: {  	s6 =	simm.s32 $0x0;
	s24 =	simm.s32 $0x1200;
	s25 =	simm.s32 $0x7600  }
0x80: {  	[tilespmem:s25], [sflag:$0x1] =	stream.indirect.gather [hbm4b:s2+s18], $0x8, s24, s18, $0xb8;
	[tilespmem:$0x13C00] =	vst v63  }
0x81: {  	s20 =	simm.s32 $0x0;
	s26 =	simm.s32 $0x1400;
	s28 =	simm.s32 $0x8600  }
0x82: {  	[tilespmem:s28], [sflag:$0x1] =	stream.indirect.gather [hbm4b:s2+s18], $0x8, s26, s18, $0xb8;
	[tilespmem:$0x13C00] =	vst v63  }
.LBB2_4:
0x83: {  	s23 =	sshll.u32 s20, $0xA  }
0x84: {  	s22 =	sor.u32 $0x200, s23  }
0x85: {  	s24 =	sor.u32 s4, s22  }
0x86: {  	s24 =	sshrl.u32 s24, $0x3  }
0x87: {  	s24 =	sadd.s32 s5, s24  }
0x88: {  	[tilespmem:s12], [sflag:$0x3] =	stream.linear.gather [hbm4b:s24+s6], $0x200, $0x38;
	[tilespmem:$0x13C00] =	vst v63  }
0x89: {  	_ =	swait.ge [sflag:s17], $0x200  }
0x8a: {  	[sflag:s17] =	ssyncset.done $0x0  }
0x8b: {  	s25 =	sadd.s32 $0x1000, s24;
	[sflag:s17] =	ssyncadd.s32 $0xFFFFFE00  }
0x8c: {  	[tilespmem:s13], [sflag:$0x3] =	stream.linear.gather [hbm4b:s25+s6], $0x200, $0x38;
	[tilespmem:$0x13C00] =	vst v63  }
0x8d: {  	_ =	swait.ge [sflag:s17], $0x200  }
0x8e: {  	[sflag:s17] =	ssyncset.done $0x0  }
0x8f: {  	s24 =	sadd.s32 $0x2000, s24;
	[sflag:s17] =	ssyncadd.s32 $0xFFFFFE00  }
0x90: {  	[tilespmem:s14], [sflag:$0x3] =	stream.linear.gather [hbm4b:s24+s6], $0x200, $0x38;
	[tilespmem:$0x13C00] =	vst v63  }
0x91: {  	_ =	swait.ge [sflag:s17], $0x200  }
0x92: {  	[sflag:s17] =	ssyncset.done $0x0  }
0x93: {  	s24 =	simm.s32 $0x0;
	[sflag:s17] =	ssyncadd.s32 $0xFFFFFE00  }
0x94: {  	v11 =	vld [tilespmem:s24+$0x9600]  }
0x95: {  	v12 =	vld [tilespmem:s24+$0x9A00]  }
0x96: {  	v13 =	vld [tilespmem:s24+$0x9800];
	_ =	sdelay $0x2  }
0x97: {  	v11 =	vadd.f32 $1.000000000e+00, v11  }
0x98: {  	v12 =	vadd.f32 $1.000000000e+00, v12  }
0x99: {  	v13 =	vadd.f32 $1.000000000e+00, v13;
	v11 =	vmul.f32 $3.000000000e+01, v11  }
0x9a: {  	v12 =	vmul.f32 $3.000000000e+01, v12  }
0x9b: {  	v14 =	vmul.f32 $5.000000000e-01, v11;
	v11 =	vmul.f32 $3.000000000e+01, v13  }
0x9c: {  	v13 =	vmul.f32 $5.000000000e-01, v12  }
0x9d: {  	v15 =	vmul.f32 $5.000000000e-01, v11;
	v11 =	vtrunc.f32 v14  }
0x9e: {  	v12 =	vcvt.f32.s32 v11;
	vm0 =	vlt.f32 v14, v11;
	v11 =	vtrunc.f32 v13  }
0x9f: {  	v16 =	vsel vm0, $0xFFFFFFFF, v2;
	v17 =	vtrunc.f32 v15;
	v18 =	vcvt.f32.s32 v11  }
0xa0: {  	vm0 =	vlt.f32 v13, v11;
	v19 =	vcvt.f32.s32 v17;
	vm1 =	vlt.f32 v15, v17  }
0xa1: {  	v16 =	vadd.s32 v12, v16;
	v11 =	vsel vm0, $0xFFFFFFFF, v2;
	v12 =	vsel vm1, $0xFFFFFFFF, v2  }
0xa2: {  	vm0 =	vgt.s32 v16, $0x0;
	v17 =	vadd.s32 v18, v11;
	v18 =	vadd.s32 v19, v12  }
0xa3: {  	v11 =	vnsel vm0, $0x0, v16;
	vm0 =	vgt.s32 v17, $0x0;
	v19 =	vadd.s32 $0x1, v18  }
0xa4: {  	v12 =	vmin.u32 v11, $0x1F;
	v11 =	vnsel vm0, $0x0, v17;
	vm0 =	vgt.s32 v19, $0x0  }
0xa5: {  	v20 =	vcvt.s32.f32 v12;
	v11 =	vmin.u32 v11, $0x1F;
	v19 =	vnsel vm0, $0x0, v19  }
0xa6: {  	v16 =	vadd.s32 $0x1, v16;
	v21 =	vcvt.s32.f32 v11;
	v19 =	vmin.u32 v19, $0x1F  }
0xa7: {  	vm1 =	vgt.s32 v16, $0x0;
	v14 =	vsub.f32 v14, v20;
	v20 =	vcvt.s32.f32 v19  }
0xa8: {  	v16 =	vnsel vm1, $0x0, v16;
	vm0 =	vgt.s32 v18, $0x0;
	v21 =	vsub.f32 v13, v21  }
0xa9: {  	s25 =	simm.s32 $0x10;
	v16 =	vmin.u32 v16, $0x1F;
	[tilespmem:s24+$0x9600] =	vst v14;
	v14 =	vnsel vm0, $0x0, v18;
	v20 =	vsub.f32 v20, v15  }
0xaa: {  	v13 =	vld [tilespmem:s25+$0x9600];
	v18 =	vmin.u32 v14, $0x1F;
	[tilespmem:s24+$0x9A00] =	vst v21;
	v15 =	vadd.s32 $0x1, v17;
	v17 =	vshll.u32 v19, $0xA  }
0xab: {  	s26 =	simm.s32 $0x80;
	v14 =	vld [tilespmem:s25+$0x9A00];
	vm0 =	vgt.s32 v15, $0x0;
	v17 =	vor.u32 v1, v17;
	v18 =	vshll.u32 v18, $0xA;
	[tilespmem:s24+$0x9800] =	vst v20  }
.LBB2_5:
0xac: {  	p0 =	sne.s32 s26, $0x7C0;
	v19 =	vld [tilespmem:s25+$0x9800];
	v18 =	vor.u32 v1, v18;
	v12 =	vshll.u32 v12, $0x5;
	v16 =	vshll.u32 v16, $0x5  }
0xad: {  	v15 =	vnsel vm0, $0x0, v15;
	v20 =	vor.u32 v12, v17;
	v17 =	vor.u32 v16, v17  }
0xae: {  	v15 =	vmin.u32 v15, $0x1F;
	v12 =	vor.u32 v12, v18;
	v16 =	vor.u32 v16, v18  }
0xaf: {  	v18 =	vor.u32 v11, v20;
	v20 =	vor.u32 v15, v20;
	v13 =	vadd.f32 $1.000000000e+00, v13  }
0xb0: {  	v14 =	vadd.f32 $1.000000000e+00, v14;
	[tilespmem:s24+$0x9C00] =	vst v18;
	v18 =	vor.u32 v11, v17;
	v17 =	vor.u32 v15, v17  }
0xb1: {  	v13 =	vmul.f32 $3.000000000e+01, v13;
	v19 =	vadd.f32 $1.000000000e+00, v19;
	[tilespmem:s24+$0x9E00] =	vst v20;
	v20 =	vor.u32 v11, v12  }
0xb2: {  	v12 =	vor.u32 v15, v12;
	v11 =	vor.u32 v11, v16;
	v14 =	vmul.f32 $3.000000000e+01, v14;
	[tilespmem:s24+$0xA400] =	vst v18  }
0xb3: {  	v15 =	vor.u32 v15, v16;
	v13 =	vmul.f32 $5.000000000e-01, v13;
	v18 =	vmul.f32 $3.000000000e+01, v19;
	[tilespmem:s24+$0xA600] =	vst v17  }
0xb4: {  	v14 =	vmul.f32 $5.000000000e-01, v14;
	[tilespmem:s24+$0xA000] =	vst v20  }
0xb5: {  	v16 =	vmul.f32 $5.000000000e-01, v18;
	v17 =	vtrunc.f32 v13;
	[tilespmem:s24+$0xA200] =	vst v12  }
0xb6: {  	v12 =	vcvt.f32.s32 v17;
	vm0 =	vlt.f32 v13, v17;
	v17 =	vtrunc.f32 v14;
	[tilespmem:s24+$0xA800] =	vst v11  }
0xb7: {  	v11 =	vsel vm0, $0xFFFFFFFF, v2;
	v18 =	vtrunc.f32 v16;
	v19 =	vcvt.f32.s32 v17;
	[tilespmem:s24+$0xAA00] =	vst v15;
	s24 =	smov.u32 s25  }
0xb8: {  	vm1 =	vlt.f32 v14, v17;
	v15 =	vcvt.f32.s32 v18;
	vm0 =	vlt.f32 v16, v18  }
0xb9: {  	v17 =	vadd.s32 v12, v11;
	v12 =	vsel vm1, $0xFFFFFFFF, v2;
	v11 =	vsel vm0, $0xFFFFFFFF, v2  }
0xba: {  	vm0 =	vgt.s32 v17, $0x0;
	v18 =	vadd.s32 v19, v12;
	v15 =	vadd.s32 v15, v11  }
0xbb: {  	v11 =	vnsel vm0, $0x0, v17;
	vm0 =	vgt.s32 v18, $0x0;
	v19 =	vadd.s32 $0x1, v15  }
0xbc: {  	v12 =	vmin.u32 v11, $0x1F;
	v11 =	vnsel vm0, $0x0, v18;
	vm1 =	vgt.s32 v19, $0x0  }
0xbd: {  	v11 =	vmin.u32 v11, $0x1F;
	v20 =	vcvt.s32.f32 v12;
	v19 =	vnsel vm1, $0x0, v19  }
0xbe: {  	v17 =	vadd.s32 $0x1, v17;
	v21 =	vcvt.s32.f32 v11;
	v19 =	vmin.u32 v19, $0x1F  }
.Ltmp1:
0xbf: {  	vm0 =	vgt.s32 v15, $0x0;
	v13 =	vsub.f32 v13, v20;
	v20 =	vcvt.s32.f32 v19;
	(pc) =	sbr.rel @p0 .LBB2_5-.Ltmp1, $4  }
0xc0: {  	v15 =	vnsel vm0, $0x0, v15;
	vm1 =	vgt.s32 v17, $0x0;
	v14 =	vsub.f32 v14, v21  }
0xc1: {  	s25 =	sshra.s32 s26, $0x2;
	v17 =	vnsel vm1, $0x0, v17;
	v21 =	vmin.u32 v15, $0x1F;
	[tilespmem:s24+$0x9600] =	vst v13;
	v20 =	vsub.f32 v20, v16  }
0xc2: {  	v15 =	vadd.s32 $0x1, v18;
	v16 =	vmin.u32 v17, $0x1F;
	v17 =	vshll.u32 v19, $0xA;
	v13 =	vld [tilespmem:s25+$0x9600];
	[tilespmem:s24+$0x9A00] =	vst v14  }
0xc3: {  	s26 =	sadd.s32 $0x40, s26;
	vm0 =	vgt.s32 v15, $0x0;
	v18 =	vshll.u32 v21, $0xA;
	v17 =	vor.u32 v1, v17;
	v14 =	vld [tilespmem:s25+$0x9A00];
	[tilespmem:s24+$0x9800] =	vst v20  }
0xc4: {  	v19 =	vld [tilespmem:s25+$0x9800]  }
0xc5: {  	v18 =	vor.u32 v1, v18;
	v12 =	vshll.u32 v12, $0x5  }
0xc6: {  	v16 =	vshll.u32 v16, $0x5;
	v15 =	vnsel vm0, $0x0, v15;
	v20 =	vor.u32 v12, v17  }
0xc7: {  	v62 =	vor.u32 v16, v17;
	v15 =	vmin.u32 v15, $0x1F;
	v13 =	vadd.f32 $1.000000000e+00, v13  }
0xc8: {  	v12 =	vor.u32 v12, v18;
	v16 =	vor.u32 v16, v18;
	v14 =	vadd.f32 $1.000000000e+00, v14  }
0xc9: {  	v63 =	vor.u32 v11, v20;
	v13 =	vmul.f32 $3.000000000e+01, v13;
	v19 =	vadd.f32 $1.000000000e+00, v19  }
0xca: {  	v20 =	vor.u32 v15, v20;
	v21 =	vor.u32 v11, v62;
	v14 =	vmul.f32 $3.000000000e+01, v14  }
0xcb: {  	v17 =	vor.u32 v15, v62;
	v13 =	vmul.f32 $5.000000000e-01, v13;
	v19 =	vmul.f32 $3.000000000e+01, v19  }
0xcc: {  	v22 =	vor.u32 v11, v12;
	v12 =	vor.u32 v15, v12;
	v14 =	vmul.f32 $5.000000000e-01, v14  }
0xcd: {  	v11 =	vor.u32 v11, v16;
	v19 =	vmul.f32 $5.000000000e-01, v19;
	v23 =	vtrunc.f32 v13  }
0xce: {  	v15 =	vor.u32 v15, v16;
	v30 =	vcvt.f32.s32 v23;
	vm8 =	vlt.f32 v13, v23  }
0xcf: {  	v31 =	vtrunc.f32 v14;
	v24 =	vsel vm8, $0xFFFFFFFF, v2;
	v25 =	vtrunc.f32 v19  }
0xd0: {  	v26 =	vcvt.f32.s32 v31;
	vm1 =	vlt.f32 v14, v31;
	v27 =	vcvt.f32.s32 v25  }
0xd1: {  	vm9 =	vlt.f32 v19, v25;
	v16 =	vadd.s32 v30, v24;
	v33 =	vsel vm1, $0xFFFFFFFF, v2  }
0xd2: {  	v32 =	vsel vm9, $0xFFFFFFFF, v2;
	vm10 =	vgt.s32 v16, $0x0;
	v34 =	vadd.s32 v26, v33  }
0xd3: {  	[tilespmem:s24+$0x9C00] =	vst v63;
	v23 =	vadd.s32 v27, v32;
	v35 =	vnsel vm10, $0x0, v16;
	vm11 =	vgt.s32 v34, $0x0  }
0xd4: {  	[tilespmem:s24+$0xAA00] =	vst v15;
	v16 =	vadd.s32 $0x1, v16;
	v15 =	vadd.s32 $0x1, v34;
	v36 =	vadd.s32 $0x1, v23  }
0xd5: {  	[tilespmem:s24+$0x9E00] =	vst v20;
	v37 =	vmin.u32 v35, $0x1F;
	v38 =	vnsel vm11, $0x0, v34;
	vm13 =	vgt.s32 v23, $0x0  }
0xd6: {  	[tilespmem:s24+$0xA400] =	vst v21;
	vm14 =	vgt.s32 v16, $0x0;
	vm15 =	vgt.s32 v15, $0x0;
	vm12 =	vgt.s32 v36, $0x0  }
0xd7: {  	[tilespmem:s24+$0xA600] =	vst v17;
	v40 =	vcvt.s32.f32 v37;
	v41 =	vmin.u32 v38, $0x1F;
	v39 =	vnsel vm12, $0x0, v36  }
0xd8: {  	[tilespmem:s24+$0xA000] =	vst v22;
	v23 =	vnsel vm13, $0x0, v23;
	v43 =	vcvt.s32.f32 v41;
	v42 =	vmin.u32 v39, $0x1F  }
0xd9: {  	[tilespmem:s24+$0xA200] =	vst v12;
	v46 =	vshll.u32 v37, $0x5;
	v13 =	vsub.f32 v13, v40;
	v12 =	vcvt.s32.f32 v42  }
0xda: {  	[tilespmem:s24+$0xA800] =	vst v11;
	v44 =	vmin.u32 v23, $0x1F;
	v11 =	vsub.f32 v14, v43;
	v45 =	vshll.u32 v42, $0xA  }
0xdb: {  	v14 =	vnsel vm14, $0x0, v16;
	[tilespmem:s25+$0x9600] =	vst v13;
	v13 =	vor.u32 v1, v45;
	v12 =	vsub.f32 v12, v19  }
0xdc: {  	v14 =	vmin.u32 v14, $0x1F;
	[tilespmem:s25+$0x9A00] =	vst v11;
	v11 =	vnsel vm15, $0x0, v15;
	v15 =	vor.u32 v46, v13  }
0xdd: {  	v11 =	vmin.u32 v11, $0x1F;
	[tilespmem:s25+$0x9800] =	vst v12;
	v12 =	vshll.u32 v14, $0x5;
	v14 =	vor.u32 v41, v15  }
0xde: {  	v16 =	vshll.u32 v44, $0xA;
	v15 =	vor.u32 v11, v15;
	v13 =	vor.u32 v12, v13;
	[tilespmem:s25+$0x9C00] =	vst v14  }
0xdf: {  	v14 =	vor.u32 v1, v16;
	[tilespmem:s25+$0x9E00] =	vst v15;
	v47 =	vor.u32 v41, v13  }
0xe0: {  	v15 =	vor.u32 v46, v14;
	v13 =	vor.u32 v11, v13;
	[tilespmem:s25+$0xA400] =	vst v47  }
0xe1: {  	v48 =	vor.u32 v41, v15;
	[tilespmem:s25+$0xA600] =	vst v13  }
0xe2: {  	v12 =	vor.u32 v12, v14;
	v13 =	vor.u32 v11, v15;
	[tilespmem:s25+$0xA000] =	vst v48  }
0xe3: {  	v14 =	vor.u32 v41, v12;
	[tilespmem:s25+$0xA200] =	vst v13  }
0xe4: {  	v11 =	vor.u32 v11, v12;
	[tilespmem:s25+$0xA800] =	vst v14  }
0xe5: {  	s26 =	simm.s32 $0x9C00;
	[tilespmem:s25+$0xAA00] =	vst v11  }
0xe6: {  	[tilespmem:s16], [sflag:$0x2] =	stream.indirect.gather [hbm4b:s2+s18], $0x8, s26, s18, $0xb8;
	[tilespmem:$0x13C00] =	vst v63  }
0xe7: {  	s25 =	simm.s32 $0x9E00;
	s26 =	simm.s32 $0xBC00  }
0xe8: {  	[tilespmem:s26], [sflag:$0x2] =	stream.indirect.gather [hbm4b:s2+s18], $0x8, s25, s18, $0xb8;
	[tilespmem:$0x13C00] =	vst v63  }
0xe9: {  	s25 =	simm.s32 $0xA000;
	s26 =	simm.s32 $0xCC00  }
0xea: {  	[tilespmem:s26], [sflag:$0x2] =	stream.indirect.gather [hbm4b:s2+s18], $0x8, s25, s18, $0xb8;
	[tilespmem:$0x13C00] =	vst v63  }
0xeb: {  	s25 =	simm.s32 $0xA200;
	s26 =	simm.s32 $0xDC00  }
0xec: {  	[tilespmem:s26], [sflag:$0x2] =	stream.indirect.gather [hbm4b:s2+s18], $0x8, s25, s18, $0xb8;
	[tilespmem:$0x13C00] =	vst v63  }
0xed: {  	s25 =	simm.s32 $0xA400;
	s26 =	simm.s32 $0xEC00  }
0xee: {  	[tilespmem:s26], [sflag:$0x2] =	stream.indirect.gather [hbm4b:s2+s18], $0x8, s25, s18, $0xb8;
	[tilespmem:$0x13C00] =	vst v63  }
0xef: {  	_ = 	snop  }
0xf0: {  	[tilespmem:s30], [sflag:$0x2] =	stream.indirect.gather [hbm4b:s2+s18], $0x8, s29, s18, $0xb8;
	[tilespmem:$0x13C00] =	vst v63  }
0xf1: {  	s26 =	simm.s32 $0x0  }
0xf2: {  	[tilespmem:s1], [sflag:$0x2] =	stream.indirect.gather [hbm4b:s2+s18], $0x8, s31, s18, $0xb8;
	[tilespmem:$0x13C00] =	vst v63  }
0xf3: {  	v11 =	vor.u32 s26, v0  }
0xf4: {  	v12 =	vmov s26;
	[tilespmem:s7], [sflag:$0x2] =	stream.indirect.gather [hbm4b:s2+s18], $0x8, s0, s18, $0xb8;
	[tilespmem:$0x13C00] =	vst v63  }
0xf5: {  	v12 =	vshll.u32 v12, $0x3;
	_ =	swait.ge [sflag:s8], $0x8000  }
0xf6: {  	v13 =	vadd.s32 v5, v12;
	[sflag:s8] =	ssyncset.done $0x0  }
0xf7: {  	v14 =	vadd.s32 v6, v12;
	v13 =	vor.u32 v10, v13;
	[sflag:s8] =	ssyncadd.s32 $0xFFFF8000  }
0xf8: {  	v15 =	vadd.s32 v8, v12;
	v14 =	vor.u32 v10, v14;
	v49 =	vld.idx.msk [tilespmem:v11+s19+$0x0], $0xffff  }
0xf9: {  	v52 =	vadd.s32 v7, v12;
	v15 =	vor.u32 v10, v15;
	v51 =	vld.idx.msk [tilespmem:v11+s18+$0x0], $0xffff  }
0xfa: {  	v50 =	vshll.u32 v11, $0x3;
	v53 =	vadd.s32 v3, v12;
	v19 =	vor.u32 v10, v52;
	v11 =	vld.idx.msk [tilespmem:v11+s3+$0x0], $0xffff  }
0xfb: {  	v20 =	vor.u32 v10, v53  }
0xfc: {  	v17 =	vor.u32 v10, v50;
	v54 =	vadd.s32 v4, v12;
	v13 =	vld.idx.msk [tilespmem:v13+s21+$0x0], $0xffff  }
0xfd: {  	v12 =	vadd.s32 v9, v12;
	v21 =	vor.u32 v10, v54;
	v14 =	vld.idx.msk [tilespmem:v14+s21+$0x0], $0xffff;
	v55 =	vsub.f32 $1.000000000e+00, v49  }
0xfe: {  	v12 =	vor.u32 v10, v12;
	v15 =	vld.idx.msk [tilespmem:v15+s21+$0x0], $0xffff;
	v56 =	vsub.f32 $1.000000000e+00, v51  }
0xff: {  	v19 =	vld.idx.msk [tilespmem:v19+s21+$0x0], $0xffff;
	v57 =	vmul.f32 v49, v51;
	v58 =	vsub.f32 $1.000000000e+00, v11;
	v18 =	vmul.f32 v55, v51  }
0x100: {  	v20 =	vld.idx.msk [tilespmem:v20+s21+$0x0], $0xffff;
	v22 =	vmul.f32 v55, v56;
	v16 =	vmul.f32 v49, v56  }
0x101: {  	v17 =	vld.idx.msk [tilespmem:v17+s21+$0x0], $0xffff;
	v60 =	vmul.f32 v57, v11;
	v24 =	vmul.f32 v57, v58  }
0x102: {  	v21 =	vld.idx.msk [tilespmem:v21+s21+$0x0], $0xffff;
	v59 =	vmul.f32 v18, v11;
	v61 =	vmul.f32 v22, v58  }
0x103: {  	v12 =	vld.idx.msk [tilespmem:v12+s21+$0x0], $0xffff;
	v22 =	vmul.f32 v22, v11;
	v18 =	vmul.f32 v18, v58  }
0x104: {  	v11 =	vmul.f32 v16, v11;
	v16 =	vmul.f32 v16, v58  }
0x105: {  	v62 =	vmul.f32 v20, v60;
	v63 =	vmul.f32 v19, v24  }
0x106: {  	v17 =	vmul.f32 v61, v17;
	v14 =	vmul.f32 v14, v22  }
0x107: {  	v11 =	vmul.f32 v13, v11;
	v13 =	vmul.f32 v21, v59  }
0x108: {  	v15 =	vmul.f32 v15, v18;
	v12 =	vmul.f32 v12, v16  }
0x109: {  	v11 =	vadd.f32 v11, v14;
	v13 =	vadd.f32 v62, v13  }
0x10a: {  	v12 =	vadd.f32 v17, v12;
	v14 =	vadd.f32 v63, v15  }
0x10b: {  	s28 =	simm.s32 $0x2  }
0x10c: {  	s24 =	simm.s32 $0x12C10;
	s25 =	simm.s32 $0x12C10;
	s26 =	simm.s32 $0x4;
	v12 =	vadd.f32 v14, v12;
	v13 =	vadd.f32 v13, v11;
	v11 =	vor.u32 s28, v0  }
.LBB2_7:
0x10d: {  	p0 =	sne.s32 s26, $0x1FC  }
0x10e: {  	v14 =	vmov s28;
	s25 =	sadd.s32 $0x20, s25;
	s28 =	smov.u32 s26;
	s26 =	sadd.s32 $0x4, s26  }
0x10f: {  	v12 =	vadd.f32 v13, v12;
	v13 =	vshll.u32 v14, $0x3  }
0x110: {  	v14 =	vadd.s32 v9, v13;
	v15 =	vadd.s32 v4, v13;
	v16 =	vadd.s32 v3, v13  }
0x111: {  	v17 =	vadd.s32 v5, v13;
	[tilespmem:s24+$0xFFFFFFF0] =	vst v12;
	v12 =	vor.u32 v10, v14;
	v14 =	vadd.s32 v8, v13  }
0x112: {  	v19 =	vadd.s32 v6, v13;
	v15 =	vor.u32 v10, v15;
	v18 =	vld.idx.msk [tilespmem:v11+s18+$0x0], $0xffff  }
0x113: {  	v16 =	vor.u32 v10, v16;
	v20 =	vld.idx.msk [tilespmem:v11+s19+$0x0], $0xffff  }
0x114: {  	v21 =	vor.u32 s28, v0;
	v13 =	vadd.s32 v7, v13;
	v17 =	vor.u32 v10, v17  }
0x115: {  	v22 =	vshll.u32 v21, $0x3;
	v13 =	vor.u32 v10, v13;
	v23 =	vld.idx.msk [tilespmem:v11+s3+$0x0], $0xffff  }
0x116: {  	v22 =	vor.u32 v10, v22;
	v14 =	vor.u32 v10, v14;
	v12 =	vld.idx.msk [tilespmem:v12+s21+$0x0], $0xffff  }
0x117: {  	v19 =	vor.u32 v10, v19;
	v11 =	vshll.u32 v11, $0x3;
	v15 =	vld.idx.msk [tilespmem:v15+s21+$0x0], $0xffff  }
0x118: {  	v11 =	vor.u32 v10, v11;
	v24 =	vsub.f32 $1.000000000e+00, v18;
	v16 =	vld.idx.msk [tilespmem:v16+s21+$0x0], $0xffff  }
0x119: {  	v25 =	vsub.f32 $1.000000000e+00, v20;
	v26 =	vmul.f32 v20, v18;
	v17 =	vld.idx.msk [tilespmem:v17+s21+$0x0], $0xffff  }
0x11a: {  	v20 =	vmul.f32 v20, v24;
	v13 =	vld.idx.msk [tilespmem:v13+s21+$0x0], $0xffff  }
0x11b: {  	v24 =	vmul.f32 v25, v24;
	v18 =	vmul.f32 v25, v18;
	v25 =	vsub.f32 $1.000000000e+00, v23;
	v14 =	vld.idx.msk [tilespmem:v14+s21+$0x0], $0xffff  }
0x11c: {  	v28 =	vmul.f32 v26, v23;
	v27 =	vmul.f32 v20, v23;
	v19 =	vld.idx.msk [tilespmem:v19+s21+$0x0], $0xffff  }
0x11d: {  	v26 =	vmul.f32 v26, v25;
	v29 =	vmul.f32 v18, v23;
	v11 =	vld.idx.msk [tilespmem:v11+s21+$0x0], $0xffff  }
0x11e: {  	v30 =	vmul.f32 v24, v25;
	v16 =	vmul.f32 v16, v28  }
0x11f: {  	v18 =	vmul.f32 v18, v25;
	v17 =	vmul.f32 v17, v27  }
0x120: {  	v20 =	vmul.f32 v20, v25;
	v23 =	vmul.f32 v24, v23  }
0x121: {  	v13 =	vmul.f32 v13, v26;
	v14 =	vmul.f32 v14, v18  }
0x122: {  	v15 =	vmul.f32 v15, v29;
	v18 =	vmul.f32 v19, v23  }
0x123: {  	v12 =	vmul.f32 v12, v20;
	v11 =	vmul.f32 v30, v11;
	v13 =	vadd.f32 v13, v14  }
0x124: {  	v15 =	vadd.f32 v16, v15;
	v14 =	vadd.f32 v17, v18  }
0x125: {  	v11 =	vadd.f32 v11, v12  }
0x126: {  	v12 =	vadd.f32 v15, v14  }
0x127: {  	v14 =	vmov s28;
	v11 =	vadd.f32 v13, v11  }
0x128: {  	v13 =	vshll.u32 v14, $0x3  }
0x129: {  	v14 =	vadd.s32 v6, v13;
	v15 =	vadd.s32 v5, v13;
	v11 =	vadd.f32 v12, v11  }
0x12a: {  	v16 =	vadd.s32 v7, v13;
	v12 =	vadd.s32 v8, v13;
	v15 =	vor.u32 v10, v15  }
0x12b: {  	v17 =	vadd.s32 v9, v13;
	v18 =	vadd.s32 v3, v13;
	v14 =	vor.u32 v10, v14;
	[tilespmem:s24+$0x0] =	vst v11;
	s24 =	smov.u32 s25  }
0x12c: {  	v12 =	vor.u32 v10, v12;
	v11 =	vld.idx.msk [tilespmem:v21+s19+$0x0], $0xffff  }
0x12d: {  	v19 =	vld.idx.msk [tilespmem:v21+s18+$0x0], $0xffff  }
0x12e: {  	v20 =	vld.idx.msk [tilespmem:v21+s3+$0x0], $0xffff  }
0x12f: {  	v16 =	vor.u32 v10, v16;
	v15 =	vld.idx.msk [tilespmem:v15+s21+$0x0], $0xffff  }
0x130: {  	v13 =	vadd.s32 v4, v13;
	v18 =	vor.u32 v10, v18;
	v14 =	vld.idx.msk [tilespmem:v14+s21+$0x0], $0xffff  }
0x131: {  	v13 =	vor.u32 v10, v13;
	v12 =	vld.idx.msk [tilespmem:v12+s21+$0x0], $0xffff  }
0x132: {  	v17 =	vor.u32 v10, v17;
	v21 =	vsub.f32 $1.000000000e+00, v11  }
0x133: {  	v23 =	vsub.f32 $1.000000000e+00, v19;
	v24 =	vmul.f32 v11, v19;
	v22 =	vld.idx.msk [tilespmem:v22+s21+$0x0], $0xffff  }
0x134: {  	v19 =	vmul.f32 v21, v19;
	v16 =	vld.idx.msk [tilespmem:v16+s21+$0x0], $0xffff  }
0x135: {  	v21 =	vmul.f32 v21, v23;
	v11 =	vmul.f32 v11, v23;
	v23 =	vsub.f32 $1.000000000e+00, v20;
	v18 =	vld.idx.msk [tilespmem:v18+s21+$0x0], $0xffff  }
0x136: {  	v26 =	vmul.f32 v24, v20;
	v25 =	vmul.f32 v19, v20;
	v13 =	vld.idx.msk [tilespmem:v13+s21+$0x0], $0xffff  }
0x137: {  	v27 =	vmul.f32 v21, v23;
	v21 =	vmul.f32 v21, v20;
	v17 =	vld.idx.msk [tilespmem:v17+s21+$0x0], $0xffff  }
0x138: {  	v19 =	vmul.f32 v19, v23;
	v24 =	vmul.f32 v24, v23  }
0x139: {  	v20 =	vmul.f32 v11, v20;
	v22 =	vmul.f32 v27, v22  }
0x13a: {  	v12 =	vmul.f32 v12, v19;
	v14 =	vmul.f32 v14, v21  }
0x13b: {  	v11 =	vmul.f32 v11, v23;
	v15 =	vmul.f32 v15, v20  }
0x13c: {  	v18 =	vmul.f32 v18, v26;
	v13 =	vmul.f32 v13, v25  }
.Ltmp2:
0x13d: {  	v16 =	vmul.f32 v16, v24;
	v11 =	vmul.f32 v17, v11;
	(pc) =	sbr.rel @p0 .LBB2_7-.Ltmp2, $4  }
0x13e: {  	v14 =	vadd.f32 v15, v14;
	v13 =	vadd.f32 v18, v13  }
0x13f: {  	v12 =	vadd.f32 v16, v12;
	v11 =	vadd.f32 v22, v11  }
0x140: {  	s28 =	sadd.s32 $0x2, s28  }
0x141: {  	v13 =	vadd.f32 v13, v14;
	v12 =	vadd.f32 v12, v11;
	v11 =	vor.u32 s28, v0  }
0x142: {  	v14 =	vmov s28  }
0x143: {  	v12 =	vadd.f32 v13, v12;
	v13 =	vshll.u32 v14, $0x3  }
0x144: {  	v14 =	vadd.s32 v9, v13  }
0x145: {  	v15 =	vadd.s32 v4, v13;
	[tilespmem:s24+$0xFFFFFFF0] =	vst v12;
	v12 =	vor.u32 v10, v14  }
0x146: {  	v17 =	vadd.s32 v5, v13;
	v15 =	vor.u32 v10, v15;
	v16 =	vld.idx.msk [tilespmem:v11+s18+$0x0], $0xffff  }
0x147: {  	v19 =	vadd.s32 v7, v13;
	v17 =	vor.u32 v10, v17;
	v18 =	vld.idx.msk [tilespmem:v11+s19+$0x0], $0xffff  }
0x148: {  	v14 =	vadd.s32 v3, v13;
	v19 =	vor.u32 v10, v19;
	v21 =	vld.idx.msk [tilespmem:v11+s3+$0x0], $0xffff  }
0x149: {  	v20 =	vadd.s32 v8, v13;
	v14 =	vor.u32 v10, v14  }
0x14a: {  	v13 =	vadd.s32 v6, v13;
	v20 =	vor.u32 v10, v20;
	v12 =	vld.idx.msk [tilespmem:v12+s21+$0x0], $0xffff  }
0x14b: {  	v11 =	vshll.u32 v11, $0x3;
	v13 =	vor.u32 v10, v13;
	v15 =	vld.idx.msk [tilespmem:v15+s21+$0x0], $0xffff;
	v22 =	vsub.f32 $1.000000000e+00, v16  }
0x14c: {  	v11 =	vor.u32 v10, v11;
	v17 =	vld.idx.msk [tilespmem:v17+s21+$0x0], $0xffff;
	v23 =	vsub.f32 $1.000000000e+00, v18  }
0x14d: {  	v19 =	vld.idx.msk [tilespmem:v19+s21+$0x0], $0xffff;
	v24 =	vmul.f32 v18, v16;
	v62 =	vsub.f32 $1.000000000e+00, v21;
	v18 =	vmul.f32 v18, v22  }
0x14e: {  	v14 =	vld.idx.msk [tilespmem:v14+s21+$0x0], $0xffff;
	v22 =	vmul.f32 v23, v22;
	v16 =	vmul.f32 v23, v16  }
0x14f: {  	v20 =	vld.idx.msk [tilespmem:v20+s21+$0x0], $0xffff;
	v26 =	vmul.f32 v24, v21;
	v24 =	vmul.f32 v24, v62  }
0x150: {  	v13 =	vld.idx.msk [tilespmem:v13+s21+$0x0], $0xffff;
	v25 =	vmul.f32 v18, v21;
	v27 =	vmul.f32 v16, v21  }
0x151: {  	v11 =	vld.idx.msk [tilespmem:v11+s21+$0x0], $0xffff;
	v28 =	vmul.f32 v22, v62;
	v16 =	vmul.f32 v16, v62  }
0x152: {  	v18 =	vmul.f32 v18, v62;
	v21 =	vmul.f32 v22, v21  }
0x153: {  	v19 =	vmul.f32 v19, v24;
	v14 =	vmul.f32 v14, v26  }
0x154: {  	v17 =	vmul.f32 v17, v25;
	v16 =	vmul.f32 v20, v16  }
0x155: {  	v13 =	vmul.f32 v13, v21;
	v15 =	vmul.f32 v15, v27  }
0x156: {  	v11 =	vmul.f32 v28, v11;
	v12 =	vmul.f32 v12, v18  }
0x157: {  	v16 =	vadd.f32 v19, v16;
	v13 =	vadd.f32 v17, v13  }
0x158: {  	v14 =	vadd.f32 v14, v15;
	v11 =	vadd.f32 v11, v12;
	_ =	sdelay $0x1  }
0x159: {  	v12 =	vadd.f32 v14, v13;
	v11 =	vadd.f32 v16, v11;
	_ =	sdelay $0x1  }
0x15a: {  	v11 =	vadd.f32 v12, v11;
	_ =	sdelay $0x1  }
0x15b: {  	s28 =	sadd.s32 s23, s9;
	s25 =	simm.s32 $0x0;
	[tilespmem:s24+$0x0] =	vst v11  }
0x15c: {  	[hbm4b:s28+s25] =	stream.linear.scatter [tilespmem:s11], [sflag:$0x3], $0x1000, $0x38;
	[tilespmem:$0x13C00] =	vst v63  }
0x15d: {  	s26 =	sadd.s32 s23, s10;
	_ =	swait.ge [sflag:s17], $0x1000  }
0x15e: {  	s23 =	sshrl.u32 s26, $0x3;
	[sflag:s17] =	ssyncset.done $0x0  }
0x15f: {  	s23 =	sadd.s32 s5, s23;
	[sflag:s17] =	ssyncadd.s32 $0xFFFFF000  }
0x160: {  	[tilespmem:s25], [sflag:$0x3] =	stream.linear.gather [hbm4b:s23+s25], $0x200, $0x38;
	[tilespmem:$0x13C00] =	vst v63  }
0x161: {  	_ =	swait.ge [sflag:s17], $0x200  }
0x162: {  	[sflag:s17] =	ssyncset.done $0x0  }
0x163: {  	s28 =	sadd.s32 $0x1000, s23;
	[sflag:s17] =	ssyncadd.s32 $0xFFFFFE00  }
0x164: {  	[tilespmem:s18], [sflag:$0x3] =	stream.linear.gather [hbm4b:s28+s25], $0x200, $0x38;
	[tilespmem:$0x13C00] =	vst v63  }
0x165: {  	_ =	swait.ge [sflag:s17], $0x200  }
0x166: {  	[sflag:s17] =	ssyncset.done $0x0  }
0x167: {  	s23 =	sadd.s32 $0x2000, s23;
	[sflag:s17] =	ssyncadd.s32 $0xFFFFFE00  }
0x168: {  	[tilespmem:s19], [sflag:$0x3] =	stream.linear.gather [hbm4b:s23+s25], $0x200, $0x38;
	[tilespmem:$0x13C00] =	vst v63  }
0x169: {  	_ =	swait.ge [sflag:s17], $0x200  }
0x16a: {  	[sflag:s17] =	ssyncset.done $0x0  }
0x16b: {  	s23 =	simm.s32 $0x0;
	[sflag:s17] =	ssyncadd.s32 $0xFFFFFE00  }
0x16c: {  	v11 =	vld [tilespmem:s23+$0x0]  }
0x16d: {  	v12 =	vld [tilespmem:s23+$0x400]  }
0x16e: {  	v13 =	vld [tilespmem:s23+$0x200];
	_ =	sdelay $0x2  }
0x16f: {  	v11 =	vadd.f32 $1.000000000e+00, v11  }
0x170: {  	v12 =	vadd.f32 $1.000000000e+00, v12  }
0x171: {  	v13 =	vadd.f32 $1.000000000e+00, v13;
	v11 =	vmul.f32 $3.000000000e+01, v11  }
0x172: {  	v12 =	vmul.f32 $3.000000000e+01, v12  }
0x173: {  	v14 =	vmul.f32 $5.000000000e-01, v11;
	v11 =	vmul.f32 $3.000000000e+01, v13  }
0x174: {  	v13 =	vmul.f32 $5.000000000e-01, v12  }
0x175: {  	v15 =	vmul.f32 $5.000000000e-01, v11;
	v11 =	vtrunc.f32 v14  }
0x176: {  	v12 =	vcvt.f32.s32 v11;
	vm0 =	vlt.f32 v14, v11;
	v11 =	vtrunc.f32 v13  }
0x177: {  	v16 =	vsel vm0, $0xFFFFFFFF, v2;
	v17 =	vtrunc.f32 v15;
	v18 =	vcvt.f32.s32 v11  }
0x178: {  	vm0 =	vlt.f32 v13, v11;
	v19 =	vcvt.f32.s32 v17;
	vm1 =	vlt.f32 v15, v17  }
0x179: {  	v16 =	vadd.s32 v12, v16;
	v11 =	vsel vm0, $0xFFFFFFFF, v2;
	v12 =	vsel vm1, $0xFFFFFFFF, v2  }
0x17a: {  	vm0 =	vgt.s32 v16, $0x0;
	v17 =	vadd.s32 v18, v11;
	v18 =	vadd.s32 v19, v12  }
0x17b: {  	v11 =	vnsel vm0, $0x0, v16;
	vm0 =	vgt.s32 v17, $0x0;
	v19 =	vadd.s32 $0x1, v18  }
0x17c: {  	v12 =	vmin.u32 v11, $0x1F;
	v11 =	vnsel vm0, $0x0, v17;
	vm0 =	vgt.s32 v19, $0x0  }
0x17d: {  	v20 =	vcvt.s32.f32 v12;
	v11 =	vmin.u32 v11, $0x1F;
	v19 =	vnsel vm0, $0x0, v19  }
0x17e: {  	v16 =	vadd.s32 $0x1, v16;
	v63 =	vcvt.s32.f32 v11;
	v19 =	vmin.u32 v19, $0x1F  }
0x17f: {  	vm1 =	vgt.s32 v16, $0x0;
	v14 =	vsub.f32 v14, v20;
	v20 =	vcvt.s32.f32 v19  }
0x180: {  	v16 =	vnsel vm1, $0x0, v16;
	vm0 =	vgt.s32 v18, $0x0;
	v21 =	vsub.f32 v13, v63  }
0x181: {  	s24 =	simm.s32 $0x10;
	v16 =	vmin.u32 v16, $0x1F;
	[tilespmem:s23+$0x0] =	vst v14;
	v14 =	vnsel vm0, $0x0, v18;
	v20 =	vsub.f32 v20, v15  }
0x182: {  	v13 =	vld [tilespmem:s24+$0x0];
	v18 =	vmin.u32 v14, $0x1F;
	[tilespmem:s23+$0x400] =	vst v21;
	v15 =	vadd.s32 $0x1, v17;
	v17 =	vshll.u32 v19, $0xA  }
0x183: {  	s25 =	simm.s32 $0x80;
	v14 =	vld [tilespmem:s24+$0x400];
	vm0 =	vgt.s32 v15, $0x0;
	v17 =	vor.u32 v1, v17;
	v18 =	vshll.u32 v18, $0xA;
	[tilespmem:s23+$0x200] =	vst v20  }
.LBB2_9:
0x184: {  	p0 =	sne.s32 s25, $0x7C0;
	v19 =	vld [tilespmem:s24+$0x200];
	v18 =	vor.u32 v1, v18;
	v12 =	vshll.u32 v12, $0x5;
	v16 =	vshll.u32 v16, $0x5  }
0x185: {  	v15 =	vnsel vm0, $0x0, v15;
	v20 =	vor.u32 v12, v17;
	v17 =	vor.u32 v16, v17  }
0x186: {  	v15 =	vmin.u32 v15, $0x1F;
	v12 =	vor.u32 v12, v18;
	v16 =	vor.u32 v16, v18  }
0x187: {  	v18 =	vor.u32 v11, v20;
	v20 =	vor.u32 v15, v20;
	v13 =	vadd.f32 $1.000000000e+00, v13  }
0x188: {  	v14 =	vadd.f32 $1.000000000e+00, v14;
	[tilespmem:s23+$0x600] =	vst v18;
	v18 =	vor.u32 v11, v17;
	v17 =	vor.u32 v15, v17  }
0x189: {  	v13 =	vmul.f32 $3.000000000e+01, v13;
	v19 =	vadd.f32 $1.000000000e+00, v19;
	[tilespmem:s23+$0x800] =	vst v20;
	v20 =	vor.u32 v11, v12  }
0x18a: {  	v12 =	vor.u32 v15, v12;
	v11 =	vor.u32 v11, v16;
	v14 =	vmul.f32 $3.000000000e+01, v14;
	[tilespmem:s23+$0xE00] =	vst v18  }
0x18b: {  	v15 =	vor.u32 v15, v16;
	v13 =	vmul.f32 $5.000000000e-01, v13;
	v18 =	vmul.f32 $3.000000000e+01, v19;
	[tilespmem:s23+$0x1000] =	vst v17  }
0x18c: {  	v14 =	vmul.f32 $5.000000000e-01, v14;
	[tilespmem:s23+$0xA00] =	vst v20  }
0x18d: {  	v16 =	vmul.f32 $5.000000000e-01, v18;
	v17 =	vtrunc.f32 v13;
	[tilespmem:s23+$0xC00] =	vst v12  }
0x18e: {  	v12 =	vcvt.f32.s32 v17;
	vm0 =	vlt.f32 v13, v17;
	v17 =	vtrunc.f32 v14;
	[tilespmem:s23+$0x1200] =	vst v11  }
0x18f: {  	v11 =	vsel vm0, $0xFFFFFFFF, v2;
	v18 =	vtrunc.f32 v16;
	v19 =	vcvt.f32.s32 v17;
	[tilespmem:s23+$0x1400] =	vst v15;
	s23 =	smov.u32 s24  }
0x190: {  	vm1 =	vlt.f32 v14, v17;
	v15 =	vcvt.f32.s32 v18;
	vm0 =	vlt.f32 v16, v18  }
0x191: {  	v17 =	vadd.s32 v12, v11;
	v12 =	vsel vm1, $0xFFFFFFFF, v2;
	v11 =	vsel vm0, $0xFFFFFFFF, v2  }
0x192: {  	vm0 =	vgt.s32 v17, $0x0;
	v18 =	vadd.s32 v19, v12;
	v15 =	vadd.s32 v15, v11  }
0x193: {  	v11 =	vnsel vm0, $0x0, v17;
	vm0 =	vgt.s32 v18, $0x0;
	v19 =	vadd.s32 $0x1, v15  }
0x194: {  	v12 =	vmin.u32 v11, $0x1F;
	v11 =	vnsel vm0, $0x0, v18;
	vm1 =	vgt.s32 v19, $0x0  }
0x195: {  	v11 =	vmin.u32 v11, $0x1F;
	v20 =	vcvt.s32.f32 v12;
	v19 =	vnsel vm1, $0x0, v19  }
0x196: {  	v17 =	vadd.s32 $0x1, v17;
	v21 =	vcvt.s32.f32 v11;
	v19 =	vmin.u32 v19, $0x1F  }
.Ltmp3:
0x197: {  	vm0 =	vgt.s32 v15, $0x0;
	v13 =	vsub.f32 v13, v20;
	v20 =	vcvt.s32.f32 v19;
	(pc) =	sbr.rel @p0 .LBB2_9-.Ltmp3, $4  }
0x198: {  	v15 =	vnsel vm0, $0x0, v15;
	vm1 =	vgt.s32 v17, $0x0;
	v14 =	vsub.f32 v14, v21  }
0x199: {  	s24 =	sshra.s32 s25, $0x2;
	v17 =	vnsel vm1, $0x0, v17;
	v21 =	vmin.u32 v15, $0x1F;
	[tilespmem:s23+$0x0] =	vst v13;
	v20 =	vsub.f32 v20, v16  }
0x19a: {  	v15 =	vadd.s32 $0x1, v18;
	v16 =	vmin.u32 v17, $0x1F;
	v17 =	vshll.u32 v19, $0xA;
	v13 =	vld [tilespmem:s24+$0x0];
	[tilespmem:s23+$0x400] =	vst v14  }
0x19b: {  	s25 =	sadd.s32 $0x40, s25;
	vm0 =	vgt.s32 v15, $0x0;
	v18 =	vshll.u32 v21, $0xA;
	v17 =	vor.u32 v1, v17;
	v14 =	vld [tilespmem:s24+$0x400];
	[tilespmem:s23+$0x200] =	vst v20  }
0x19c: {  	v19 =	vld [tilespmem:s24+$0x200]  }
0x19d: {  	v18 =	vor.u32 v1, v18;
	v12 =	vshll.u32 v12, $0x5  }
0x19e: {  	v16 =	vshll.u32 v16, $0x5;
	v15 =	vnsel vm0, $0x0, v15;
	v20 =	vor.u32 v12, v17  }
0x19f: {  	v62 =	vor.u32 v16, v17;
	v15 =	vmin.u32 v15, $0x1F;
	v13 =	vadd.f32 $1.000000000e+00, v13  }
0x1a0: {  	v12 =	vor.u32 v12, v18;
	v16 =	vor.u32 v16, v18;
	v14 =	vadd.f32 $1.000000000e+00, v14  }
0x1a1: {  	v63 =	vor.u32 v11, v20;
	v13 =	vmul.f32 $3.000000000e+01, v13;
	v19 =	vadd.f32 $1.000000000e+00, v19  }
0x1a2: {  	v20 =	vor.u32 v15, v20;
	v21 =	vor.u32 v11, v62;
	v14 =	vmul.f32 $3.000000000e+01, v14  }
0x1a3: {  	v17 =	vor.u32 v15, v62;
	v13 =	vmul.f32 $5.000000000e-01, v13;
	v19 =	vmul.f32 $3.000000000e+01, v19  }
0x1a4: {  	v22 =	vor.u32 v11, v12;
	v12 =	vor.u32 v15, v12;
	v14 =	vmul.f32 $5.000000000e-01, v14  }
0x1a5: {  	v11 =	vor.u32 v11, v16;
	v19 =	vmul.f32 $5.000000000e-01, v19;
	v23 =	vtrunc.f32 v13  }
0x1a6: {  	v15 =	vor.u32 v15, v16;
	v30 =	vcvt.f32.s32 v23;
	vm8 =	vlt.f32 v13, v23  }
0x1a7: {  	v31 =	vtrunc.f32 v14;
	v24 =	vsel vm8, $0xFFFFFFFF, v2;
	v25 =	vtrunc.f32 v19  }
0x1a8: {  	v26 =	vcvt.f32.s32 v31;
	vm1 =	vlt.f32 v14, v31;
	v27 =	vcvt.f32.s32 v25  }
0x1a9: {  	vm9 =	vlt.f32 v19, v25;
	v16 =	vadd.s32 v30, v24;
	v33 =	vsel vm1, $0xFFFFFFFF, v2  }
0x1aa: {  	v32 =	vsel vm9, $0xFFFFFFFF, v2;
	vm10 =	vgt.s32 v16, $0x0;
	v34 =	vadd.s32 v26, v33  }
0x1ab: {  	[tilespmem:s23+$0x600] =	vst v63;
	v23 =	vadd.s32 v27, v32;
	v35 =	vnsel vm10, $0x0, v16;
	vm11 =	vgt.s32 v34, $0x0  }
0x1ac: {  	[tilespmem:s23+$0x1400] =	vst v15;
	v16 =	vadd.s32 $0x1, v16;
	v15 =	vadd.s32 $0x1, v34;
	v36 =	vadd.s32 $0x1, v23  }
0x1ad: {  	[tilespmem:s23+$0x800] =	vst v20;
	v37 =	vmin.u32 v35, $0x1F;
	v38 =	vnsel vm11, $0x0, v34;
	vm13 =	vgt.s32 v23, $0x0  }
0x1ae: {  	[tilespmem:s23+$0xE00] =	vst v21;
	vm14 =	vgt.s32 v16, $0x0;
	vm15 =	vgt.s32 v15, $0x0;
	vm12 =	vgt.s32 v36, $0x0  }
0x1af: {  	[tilespmem:s23+$0x1000] =	vst v17;
	v40 =	vcvt.s32.f32 v37;
	v41 =	vmin.u32 v38, $0x1F;
	v39 =	vnsel vm12, $0x0, v36  }
0x1b0: {  	[tilespmem:s23+$0xA00] =	vst v22;
	v23 =	vnsel vm13, $0x0, v23;
	v43 =	vcvt.s32.f32 v41;
	v42 =	vmin.u32 v39, $0x1F  }
0x1b1: {  	[tilespmem:s23+$0xC00] =	vst v12;
	v46 =	vshll.u32 v37, $0x5;
	v13 =	vsub.f32 v13, v40;
	v12 =	vcvt.s32.f32 v42  }
0x1b2: {  	[tilespmem:s23+$0x1200] =	vst v11;
	v44 =	vmin.u32 v23, $0x1F;
	v11 =	vsub.f32 v14, v43;
	v45 =	vshll.u32 v42, $0xA  }
0x1b3: {  	v14 =	vnsel vm14, $0x0, v16;
	[tilespmem:s24+$0x0] =	vst v13;
	v13 =	vor.u32 v1, v45;
	v12 =	vsub.f32 v12, v19  }
0x1b4: {  	v14 =	vmin.u32 v14, $0x1F;
	[tilespmem:s24+$0x400] =	vst v11;
	v11 =	vnsel vm15, $0x0, v15;
	v15 =	vor.u32 v46, v13  }
0x1b5: {  	v11 =	vmin.u32 v11, $0x1F;
	[tilespmem:s24+$0x200] =	vst v12;
	v12 =	vshll.u32 v14, $0x5;
	v14 =	vor.u32 v41, v15  }
0x1b6: {  	v16 =	vshll.u32 v44, $0xA;
	v15 =	vor.u32 v11, v15;
	v13 =	vor.u32 v12, v13;
	[tilespmem:s24+$0x600] =	vst v14  }
0x1b7: {  	v14 =	vor.u32 v1, v16;
	[tilespmem:s24+$0x800] =	vst v15;
	v47 =	vor.u32 v41, v13  }
0x1b8: {  	v15 =	vor.u32 v46, v14;
	v13 =	vor.u32 v11, v13;
	[tilespmem:s24+$0xE00] =	vst v47  }
0x1b9: {  	v48 =	vor.u32 v41, v15;
	[tilespmem:s24+$0x1000] =	vst v13  }
0x1ba: {  	v12 =	vor.u32 v12, v14;
	v13 =	vor.u32 v11, v15;
	[tilespmem:s24+$0xA00] =	vst v48  }
0x1bb: {  	v14 =	vor.u32 v41, v12;
	[tilespmem:s24+$0xC00] =	vst v13  }
0x1bc: {  	v11 =	vor.u32 v11, v12;
	[tilespmem:s24+$0x1200] =	vst v14  }
0x1bd: {  	s25 =	simm.s32 $0x600;
	[tilespmem:s24+$0x1400] =	vst v11  }
0x1be: {  	[tilespmem:s21], [sflag:$0x1] =	stream.indirect.gather [hbm4b:s2+s18], $0x8, s25, s18, $0xb8;
	[tilespmem:$0x13C00] =	vst v63  }
0x1bf: {  	s26 =	simm.s32 $0x800;
	s28 =	simm.s32 $0x2600  }
0x1c0: {  	[tilespmem:s28], [sflag:$0x1] =	stream.indirect.gather [hbm4b:s2+s18], $0x8, s26, s18, $0xb8;
	[tilespmem:$0x13C00] =	vst v63  }
0x1c1: {  	s24 =	simm.s32 $0xA00;
	s25 =	simm.s32 $0x3600  }
0x1c2: {  	[tilespmem:s25], [sflag:$0x1] =	stream.indirect.gather [hbm4b:s2+s18], $0x8, s24, s18, $0xb8;
	[tilespmem:$0x13C00] =	vst v63  }
0x1c3: {  	s26 =	simm.s32 $0xC00;
	s28 =	simm.s32 $0x4600  }
0x1c4: {  	[tilespmem:s28], [sflag:$0x1] =	stream.indirect.gather [hbm4b:s2+s18], $0x8, s26, s18, $0xb8;
	[tilespmem:$0x13C00] =	vst v63  }
0x1c5: {  	s24 =	simm.s32 $0xE00;
	s25 =	simm.s32 $0x5600  }
0x1c6: {  	[tilespmem:s25], [sflag:$0x1] =	stream.indirect.gather [hbm4b:s2+s18], $0x8, s24, s18, $0xb8;
	[tilespmem:$0x13C00] =	vst v63  }
0x1c7: {  	s26 =	simm.s32 $0x1000;
	s28 =	simm.s32 $0x6600  }
0x1c8: {  	[tilespmem:s28], [sflag:$0x1] =	stream.indirect.gather [hbm4b:s2+s18], $0x8, s26, s18, $0xb8;
	[tilespmem:$0x13C00] =	vst v63  }
0x1c9: {  	s24 =	simm.s32 $0x1200;
	s25 =	simm.s32 $0x7600;
	s26 =	simm.s32 $0x0  }
0x1ca: {  	[tilespmem:s25], [sflag:$0x1] =	stream.indirect.gather [hbm4b:s2+s18], $0x8, s24, s18, $0xb8;
	[tilespmem:$0x13C00] =	vst v63  }
0x1cb: {  	s28 =	simm.s32 $0x1400;
	v11 =	vor.u32 s26, v0;
	s25 =	simm.s32 $0x8600  }
0x1cc: {  	[tilespmem:s25], [sflag:$0x1] =	stream.indirect.gather [hbm4b:s2+s18], $0x8, s28, s18, $0xb8;
	[tilespmem:$0x13C00] =	vst v63  }
0x1cd: {  	v12 =	vmov s26;
	_ =	swait.ge [sflag:s15], $0x8000  }
0x1ce: {  	v12 =	vshll.u32 v12, $0x3;
	v50 =	vshll.u32 v11, $0x3;
	[sflag:s15] =	ssyncset.done $0x0  }
0x1cf: {  	v13 =	vadd.s32 v5, v12;
	v17 =	vor.u32 v10, v50;
	[sflag:s15] =	ssyncadd.s32 $0xFFFF8000  }
0x1d0: {  	v14 =	vadd.s32 v6, v12;
	v13 =	vor.u32 v10, v13;
	v49 =	vld.idx.msk [tilespmem:v11+s14+$0x0], $0xffff  }
0x1d1: {  	v52 =	vadd.s32 v7, v12;
	v14 =	vor.u32 v10, v14;
	v51 =	vld.idx.msk [tilespmem:v11+s13+$0x0], $0xffff  }
0x1d2: {  	v53 =	vadd.s32 v3, v12;
	v19 =	vor.u32 v10, v52;
	v11 =	vld.idx.msk [tilespmem:v11+s12+$0x0], $0xffff  }
0x1d3: {  	v15 =	vadd.s32 v8, v12;
	v20 =	vor.u32 v10, v53  }
0x1d4: {  	v54 =	vadd.s32 v4, v12;
	v15 =	vor.u32 v10, v15;
	v17 =	vld.idx.msk [tilespmem:v17+s16+$0x0], $0xffff  }
0x1d5: {  	v12 =	vadd.s32 v9, v12;
	v21 =	vor.u32 v10, v54;
	v13 =	vld.idx.msk [tilespmem:v13+s16+$0x0], $0xffff;
	v55 =	vsub.f32 $1.000000000e+00, v49  }
0x1d6: {  	v12 =	vor.u32 v10, v12;
	v14 =	vld.idx.msk [tilespmem:v14+s16+$0x0], $0xffff;
	v56 =	vsub.f32 $1.000000000e+00, v51  }
0x1d7: {  	v19 =	vld.idx.msk [tilespmem:v19+s16+$0x0], $0xffff;
	v57 =	vmul.f32 v49, v51;
	v58 =	vsub.f32 $1.000000000e+00, v11;
	v18 =	vmul.f32 v55, v51  }
0x1d8: {  	v20 =	vld.idx.msk [tilespmem:v20+s16+$0x0], $0xffff;
	v22 =	vmul.f32 v55, v56;
	v16 =	vmul.f32 v49, v56  }
0x1d9: {  	v15 =	vld.idx.msk [tilespmem:v15+s16+$0x0], $0xffff;
	v60 =	vmul.f32 v57, v11;
	v24 =	vmul.f32 v57, v58  }
0x1da: {  	v21 =	vld.idx.msk [tilespmem:v21+s16+$0x0], $0xffff;
	v59 =	vmul.f32 v18, v11;
	v61 =	vmul.f32 v22, v58  }
0x1db: {  	v12 =	vld.idx.msk [tilespmem:v12+s16+$0x0], $0xffff;
	v22 =	vmul.f32 v22, v11;
	v18 =	vmul.f32 v18, v58  }
0x1dc: {  	v11 =	vmul.f32 v16, v11;
	v16 =	vmul.f32 v16, v58  }
0x1dd: {  	v62 =	vmul.f32 v20, v60;
	v63 =	vmul.f32 v19, v24  }
0x1de: {  	v17 =	vmul.f32 v61, v17;
	v14 =	vmul.f32 v14, v22  }
0x1df: {  	v11 =	vmul.f32 v13, v11;
	v13 =	vmul.f32 v21, v59  }
0x1e0: {  	v15 =	vmul.f32 v15, v18;
	v12 =	vmul.f32 v12, v16  }
0x1e1: {  	v11 =	vadd.f32 v11, v14;
	v13 =	vadd.f32 v62, v13  }
0x1e2: {  	v12 =	vadd.f32 v17, v12;
	v14 =	vadd.f32 v63, v15  }
0x1e3: {  	s26 =	simm.s32 $0x2  }
0x1e4: {  	s23 =	simm.s32 $0x12C10;
	s24 =	simm.s32 $0x12C10;
	s25 =	simm.s32 $0x4;
	v12 =	vadd.f32 v14, v12;
	v13 =	vadd.f32 v13, v11;
	v11 =	vor.u32 s26, v0  }
.LBB2_11:
0x1e5: {  	p0 =	sne.s32 s25, $0x1FC  }
0x1e6: {  	v14 =	vmov s26;
	s24 =	sadd.s32 $0x20, s24;
	s26 =	smov.u32 s25;
	s25 =	sadd.s32 $0x4, s25  }
0x1e7: {  	v12 =	vadd.f32 v13, v12;
	v13 =	vshll.u32 v14, $0x3  }
0x1e8: {  	v14 =	vadd.s32 v9, v13;
	v15 =	vadd.s32 v4, v13;
	v16 =	vadd.s32 v3, v13  }
0x1e9: {  	v17 =	vadd.s32 v5, v13;
	[tilespmem:s23+$0xFFFFFFF0] =	vst v12;
	v12 =	vor.u32 v10, v14;
	v14 =	vadd.s32 v8, v13  }
0x1ea: {  	v19 =	vadd.s32 v6, v13;
	v15 =	vor.u32 v10, v15;
	v18 =	vld.idx.msk [tilespmem:v11+s13+$0x0], $0xffff  }
0x1eb: {  	v16 =	vor.u32 v10, v16;
	v20 =	vld.idx.msk [tilespmem:v11+s14+$0x0], $0xffff  }
0x1ec: {  	v21 =	vor.u32 s26, v0;
	v13 =	vadd.s32 v7, v13;
	v17 =	vor.u32 v10, v17  }
0x1ed: {  	v22 =	vshll.u32 v21, $0x3;
	v13 =	vor.u32 v10, v13;
	v23 =	vld.idx.msk [tilespmem:v11+s12+$0x0], $0xffff  }
0x1ee: {  	v22 =	vor.u32 v10, v22;
	v14 =	vor.u32 v10, v14;
	v12 =	vld.idx.msk [tilespmem:v12+s16+$0x0], $0xffff  }
0x1ef: {  	v19 =	vor.u32 v10, v19;
	v11 =	vshll.u32 v11, $0x3;
	v15 =	vld.idx.msk [tilespmem:v15+s16+$0x0], $0xffff  }
0x1f0: {  	v11 =	vor.u32 v10, v11;
	v24 =	vsub.f32 $1.000000000e+00, v18;
	v16 =	vld.idx.msk [tilespmem:v16+s16+$0x0], $0xffff  }
0x1f1: {  	v25 =	vsub.f32 $1.000000000e+00, v20;
	v26 =	vmul.f32 v20, v18;
	v17 =	vld.idx.msk [tilespmem:v17+s16+$0x0], $0xffff  }
0x1f2: {  	v20 =	vmul.f32 v20, v24;
	v13 =	vld.idx.msk [tilespmem:v13+s16+$0x0], $0xffff  }
0x1f3: {  	v24 =	vmul.f32 v25, v24;
	v18 =	vmul.f32 v25, v18;
	v25 =	vsub.f32 $1.000000000e+00, v23;
	v14 =	vld.idx.msk [tilespmem:v14+s16+$0x0], $0xffff  }
0x1f4: {  	v28 =	vmul.f32 v26, v23;
	v27 =	vmul.f32 v20, v23;
	v19 =	vld.idx.msk [tilespmem:v19+s16+$0x0], $0xffff  }
0x1f5: {  	v26 =	vmul.f32 v26, v25;
	v29 =	vmul.f32 v18, v23;
	v11 =	vld.idx.msk [tilespmem:v11+s16+$0x0], $0xffff  }
0x1f6: {  	v30 =	vmul.f32 v24, v25;
	v16 =	vmul.f32 v16, v28  }
0x1f7: {  	v18 =	vmul.f32 v18, v25;
	v17 =	vmul.f32 v17, v27  }
0x1f8: {  	v20 =	vmul.f32 v20, v25;
	v23 =	vmul.f32 v24, v23  }
0x1f9: {  	v13 =	vmul.f32 v13, v26;
	v14 =	vmul.f32 v14, v18  }
0x1fa: {  	v15 =	vmul.f32 v15, v29;
	v18 =	vmul.f32 v19, v23  }
0x1fb: {  	v12 =	vmul.f32 v12, v20;
	v11 =	vmul.f32 v30, v11;
	v13 =	vadd.f32 v13, v14  }
0x1fc: {  	v15 =	vadd.f32 v16, v15;
	v14 =	vadd.f32 v17, v18  }
0x1fd: {  	v11 =	vadd.f32 v11, v12  }
0x1fe: {  	v12 =	vadd.f32 v15, v14  }
0x1ff: {  	v14 =	vmov s26;
	v11 =	vadd.f32 v13, v11  }
0x200: {  	v13 =	vshll.u32 v14, $0x3  }
0x201: {  	v14 =	vadd.s32 v6, v13;
	v15 =	vadd.s32 v5, v13;
	v11 =	vadd.f32 v12, v11  }
0x202: {  	v16 =	vadd.s32 v7, v13;
	v12 =	vadd.s32 v8, v13;
	v15 =	vor.u32 v10, v15  }
0x203: {  	v17 =	vadd.s32 v9, v13;
	v18 =	vadd.s32 v3, v13;
	v14 =	vor.u32 v10, v14;
	[tilespmem:s23+$0x0] =	vst v11;
	s23 =	smov.u32 s24  }
0x204: {  	v12 =	vor.u32 v10, v12;
	v11 =	vld.idx.msk [tilespmem:v21+s14+$0x0], $0xffff  }
0x205: {  	v19 =	vld.idx.msk [tilespmem:v21+s13+$0x0], $0xffff  }
0x206: {  	v20 =	vld.idx.msk [tilespmem:v21+s12+$0x0], $0xffff  }
0x207: {  	v16 =	vor.u32 v10, v16;
	v15 =	vld.idx.msk [tilespmem:v15+s16+$0x0], $0xffff  }
0x208: {  	v13 =	vadd.s32 v4, v13;
	v18 =	vor.u32 v10, v18;
	v14 =	vld.idx.msk [tilespmem:v14+s16+$0x0], $0xffff  }
0x209: {  	v13 =	vor.u32 v10, v13;
	v12 =	vld.idx.msk [tilespmem:v12+s16+$0x0], $0xffff  }
0x20a: {  	v17 =	vor.u32 v10, v17;
	v21 =	vsub.f32 $1.000000000e+00, v11  }
0x20b: {  	v23 =	vsub.f32 $1.000000000e+00, v19;
	v24 =	vmul.f32 v11, v19;
	v22 =	vld.idx.msk [tilespmem:v22+s16+$0x0], $0xffff  }
0x20c: {  	v19 =	vmul.f32 v21, v19;
	v16 =	vld.idx.msk [tilespmem:v16+s16+$0x0], $0xffff  }
0x20d: {  	v21 =	vmul.f32 v21, v23;
	v11 =	vmul.f32 v11, v23;
	v23 =	vsub.f32 $1.000000000e+00, v20;
	v18 =	vld.idx.msk [tilespmem:v18+s16+$0x0], $0xffff  }
0x20e: {  	v26 =	vmul.f32 v24, v20;
	v25 =	vmul.f32 v19, v20;
	v13 =	vld.idx.msk [tilespmem:v13+s16+$0x0], $0xffff  }
0x20f: {  	v27 =	vmul.f32 v21, v23;
	v21 =	vmul.f32 v21, v20;
	v17 =	vld.idx.msk [tilespmem:v17+s16+$0x0], $0xffff  }
0x210: {  	v19 =	vmul.f32 v19, v23;
	v24 =	vmul.f32 v24, v23  }
0x211: {  	v20 =	vmul.f32 v11, v20;
	v22 =	vmul.f32 v27, v22  }
0x212: {  	v12 =	vmul.f32 v12, v19;
	v14 =	vmul.f32 v14, v21  }
0x213: {  	v11 =	vmul.f32 v11, v23;
	v15 =	vmul.f32 v15, v20  }
0x214: {  	v18 =	vmul.f32 v18, v26;
	v13 =	vmul.f32 v13, v25  }
.Ltmp4:
0x215: {  	v16 =	vmul.f32 v16, v24;
	v11 =	vmul.f32 v17, v11;
	(pc) =	sbr.rel @p0 .LBB2_11-.Ltmp4, $4  }
0x216: {  	v14 =	vadd.f32 v15, v14;
	v13 =	vadd.f32 v18, v13  }
0x217: {  	v12 =	vadd.f32 v16, v12;
	v11 =	vadd.f32 v22, v11  }
0x218: {  	s26 =	sadd.s32 $0x2, s26  }
0x219: {  	v13 =	vadd.f32 v13, v14;
	v12 =	vadd.f32 v12, v11;
	v11 =	vor.u32 s26, v0  }
0x21a: {  	v14 =	vmov s26  }
0x21b: {  	v12 =	vadd.f32 v13, v12;
	v59 =	vshll.u32 v14, $0x3  }
0x21c: {  	v14 =	vadd.s32 v9, v59  }
0x21d: {  	v15 =	vadd.s32 v4, v59;
	[tilespmem:s23+$0xFFFFFFF0] =	vst v12;
	v60 =	vor.u32 v10, v14  }
0x21e: {  	v61 =	vadd.s32 v3, v59;
	v15 =	vor.u32 v10, v15;
	v16 =	vld.idx.msk [tilespmem:v11+s13+$0x0], $0xffff  }
0x21f: {  	v17 =	vadd.s32 v5, v59;
	v14 =	vor.u32 v10, v61;
	v18 =	vld.idx.msk [tilespmem:v11+s14+$0x0], $0xffff  }
0x220: {  	v19 =	vadd.s32 v7, v59;
	v17 =	vor.u32 v10, v17;
	v21 =	vld.idx.msk [tilespmem:v11+s12+$0x0], $0xffff  }
0x221: {  	v20 =	vadd.s32 v8, v59;
	v19 =	vor.u32 v10, v19  }
0x222: {  	v13 =	vadd.s32 v6, v59;
	v20 =	vor.u32 v10, v20;
	v12 =	vld.idx.msk [tilespmem:v60+s16+$0x0], $0xffff  }
0x223: {  	v13 =	vor.u32 v10, v13;
	v11 =	vshll.u32 v11, $0x3;
	v15 =	vld.idx.msk [tilespmem:v15+s16+$0x0], $0xffff;
	v22 =	vsub.f32 $1.000000000e+00, v16  }
0x224: {  	v11 =	vor.u32 v10, v11;
	v14 =	vld.idx.msk [tilespmem:v14+s16+$0x0], $0xffff;
	v23 =	vsub.f32 $1.000000000e+00, v18  }
0x225: {  	v17 =	vld.idx.msk [tilespmem:v17+s16+$0x0], $0xffff;
	v24 =	vmul.f32 v18, v16;
	v62 =	vsub.f32 $1.000000000e+00, v21;
	v18 =	vmul.f32 v18, v22  }
0x226: {  	v19 =	vld.idx.msk [tilespmem:v19+s16+$0x0], $0xffff;
	v22 =	vmul.f32 v23, v22;
	v16 =	vmul.f32 v23, v16  }
0x227: {  	v20 =	vld.idx.msk [tilespmem:v20+s16+$0x0], $0xffff;
	v26 =	vmul.f32 v24, v21;
	v24 =	vmul.f32 v24, v62  }
0x228: {  	v13 =	vld.idx.msk [tilespmem:v13+s16+$0x0], $0xffff;
	v25 =	vmul.f32 v18, v21;
	v27 =	vmul.f32 v16, v21  }
0x229: {  	v11 =	vld.idx.msk [tilespmem:v11+s16+$0x0], $0xffff;
	v28 =	vmul.f32 v22, v62;
	v14 =	vmul.f32 v14, v26  }
0x22a: {  	v16 =	vmul.f32 v16, v62;
	v18 =	vmul.f32 v18, v62  }
0x22b: {  	v21 =	vmul.f32 v22, v21;
	v19 =	vmul.f32 v19, v24  }
0x22c: {  	v17 =	vmul.f32 v17, v25;
	v16 =	vmul.f32 v20, v16  }
0x22d: {  	v13 =	vmul.f32 v13, v21;
	v15 =	vmul.f32 v15, v27  }
0x22e: {  	v11 =	vmul.f32 v28, v11;
	v12 =	vmul.f32 v12, v18  }
0x22f: {  	v16 =	vadd.f32 v19, v16;
	v13 =	vadd.f32 v17, v13  }
0x230: {  	v14 =	vadd.f32 v14, v15;
	v11 =	vadd.f32 v11, v12;
	_ =	sdelay $0x1  }
0x231: {  	v63 =	vadd.f32 v14, v13;
	v11 =	vadd.f32 v16, v11;
	_ =	sdelay $0x1  }
0x232: {  	s20 =	sadd.s32 $0x1, s20;
	v11 =	vadd.f32 v63, v11  }
0x233: {  	p0 =	sne.s32 s20, $0x1F  }
.Ltmp5:
0x234: {  	s22 =	sadd.s32 s22, s9;
	[tilespmem:s23+$0x0] =	vst v11;
	(pc) =	sbr.rel @p0 .LBB2_4-.Ltmp5, $4  }
0x235: {  	[hbm4b:s22+s3] =	stream.linear.scatter [tilespmem:s11], [sflag:$0x3], $0x1000, $0x38;
	[tilespmem:$0x13C00] =	vst v63  }
0x236: {  	_ =	swait.ge [sflag:s17], $0x1000  }
0x237: {  	[sflag:s17] =	ssyncset.done $0x0  }
0x238: {  	[sflag:s17] =	ssyncadd.s32 $0xFFFFF000  }
0x239: {  	s6 =	simm.s32 $0x0;
	s20 =	rddreg [dreg:$0x6]  }
0x23a: {  	[tilespmem:s12], [sflag:$0x3] =	stream.linear.gather [hbm4b:s20+s6], $0x200, $0x38;
	[tilespmem:$0x13C00] =	vst v63  }
0x23b: {  	_ =	swait.ge [sflag:s17], $0x200  }
0x23c: {  	[sflag:s17] =	ssyncset.done $0x0  }
0x23d: {  	s26 =	rddreg [dreg:$0x7];
	[sflag:s17] =	ssyncadd.s32 $0xFFFFFE00  }
0x23e: {  	[tilespmem:s13], [sflag:$0x3] =	stream.linear.gather [hbm4b:s26+s6], $0x200, $0x38;
	[tilespmem:$0x13C00] =	vst v63  }
0x23f: {  	_ =	swait.ge [sflag:s17], $0x200  }
0x240: {  	[sflag:s17] =	ssyncset.done $0x0  }
0x241: {  	s28 =	rddreg [dreg:$0x8];
	[sflag:s17] =	ssyncadd.s32 $0xFFFFFE00  }
0x242: {  	[tilespmem:s14], [sflag:$0x3] =	stream.linear.gather [hbm4b:s28+s6], $0x200, $0x38;
	[tilespmem:$0x13C00] =	vst v63  }
0x243: {  	_ =	swait.ge [sflag:s17], $0x200  }
0x244: {  	[sflag:s17] =	ssyncset.done $0x0  }
0x245: {  	s6 =	simm.s32 $0x0;
	[sflag:s17] =	ssyncadd.s32 $0xFFFFFE00  }
0x246: {  	v11 =	vld [tilespmem:s6+$0x9600]  }
0x247: {  	v12 =	vld [tilespmem:s6+$0x9A00]  }
0x248: {  	v13 =	vld [tilespmem:s6+$0x9800];
	_ =	sdelay $0x2  }
0x249: {  	v11 =	vadd.f32 $1.000000000e+00, v11  }
0x24a: {  	v12 =	vadd.f32 $1.000000000e+00, v12  }
0x24b: {  	v13 =	vadd.f32 $1.000000000e+00, v13;
	v11 =	vmul.f32 $3.000000000e+01, v11  }
0x24c: {  	v12 =	vmul.f32 $3.000000000e+01, v12  }
0x24d: {  	v14 =	vmul.f32 $5.000000000e-01, v11;
	v11 =	vmul.f32 $3.000000000e+01, v13  }
0x24e: {  	v13 =	vmul.f32 $5.000000000e-01, v12  }
0x24f: {  	v15 =	vmul.f32 $5.000000000e-01, v11;
	v11 =	vtrunc.f32 v14  }
0x250: {  	v12 =	vcvt.f32.s32 v11;
	vm0 =	vlt.f32 v14, v11;
	v11 =	vtrunc.f32 v13  }
0x251: {  	v16 =	vsel vm0, $0xFFFFFFFF, v2;
	v17 =	vtrunc.f32 v15;
	v18 =	vcvt.f32.s32 v11  }
0x252: {  	vm0 =	vlt.f32 v13, v11;
	v19 =	vcvt.f32.s32 v17;
	vm1 =	vlt.f32 v15, v17  }
0x253: {  	v16 =	vadd.s32 v12, v16;
	v11 =	vsel vm0, $0xFFFFFFFF, v2;
	v12 =	vsel vm1, $0xFFFFFFFF, v2  }
0x254: {  	vm0 =	vgt.s32 v16, $0x0;
	v17 =	vadd.s32 v18, v11;
	v18 =	vadd.s32 v19, v12  }
0x255: {  	v11 =	vnsel vm0, $0x0, v16;
	vm0 =	vgt.s32 v17, $0x0;
	v19 =	vadd.s32 $0x1, v18  }
0x256: {  	v12 =	vmin.u32 v11, $0x1F;
	v11 =	vnsel vm0, $0x0, v17;
	vm0 =	vgt.s32 v19, $0x0  }
0x257: {  	v20 =	vcvt.s32.f32 v12;
	v11 =	vmin.u32 v11, $0x1F;
	v19 =	vnsel vm0, $0x0, v19  }
0x258: {  	v16 =	vadd.s32 $0x1, v16;
	v21 =	vcvt.s32.f32 v11;
	v19 =	vmin.u32 v19, $0x1F  }
0x259: {  	vm1 =	vgt.s32 v16, $0x0;
	v14 =	vsub.f32 v14, v20;
	v20 =	vcvt.s32.f32 v19  }
0x25a: {  	v16 =	vnsel vm1, $0x0, v16;
	vm0 =	vgt.s32 v18, $0x0;
	v21 =	vsub.f32 v13, v21  }
0x25b: {  	s20 =	simm.s32 $0x10;
	v16 =	vmin.u32 v16, $0x1F;
	[tilespmem:s6+$0x9600] =	vst v14;
	v14 =	vnsel vm0, $0x0, v18;
	v20 =	vsub.f32 v20, v15  }
0x25c: {  	v13 =	vld [tilespmem:s20+$0x9600];
	v18 =	vmin.u32 v14, $0x1F;
	[tilespmem:s6+$0x9A00] =	vst v21;
	v15 =	vadd.s32 $0x1, v17;
	v17 =	vshll.u32 v19, $0xA  }
0x25d: {  	s22 =	simm.s32 $0x80;
	v14 =	vld [tilespmem:s20+$0x9A00];
	vm0 =	vgt.s32 v15, $0x0;
	v17 =	vor.u32 v1, v17;
	v18 =	vshll.u32 v18, $0xA;
	[tilespmem:s6+$0x9800] =	vst v20  }
.LBB2_14:
0x25e: {  	p0 =	sne.s32 s22, $0x7C0;
	v19 =	vld [tilespmem:s20+$0x9800];
	v18 =	vor.u32 v1, v18;
	v12 =	vshll.u32 v12, $0x5;
	v16 =	vshll.u32 v16, $0x5  }
0x25f: {  	v15 =	vnsel vm0, $0x0, v15;
	v20 =	vor.u32 v12, v17;
	v17 =	vor.u32 v16, v17  }
0x260: {  	v15 =	vmin.u32 v15, $0x1F;
	v12 =	vor.u32 v12, v18;
	v16 =	vor.u32 v16, v18  }
0x261: {  	v18 =	vor.u32 v11, v20;
	v20 =	vor.u32 v15, v20;
	v13 =	vadd.f32 $1.000000000e+00, v13  }
0x262: {  	v14 =	vadd.f32 $1.000000000e+00, v14;
	[tilespmem:s6+$0x9C00] =	vst v18;
	v18 =	vor.u32 v11, v17;
	v17 =	vor.u32 v15, v17  }
0x263: {  	v13 =	vmul.f32 $3.000000000e+01, v13;
	v19 =	vadd.f32 $1.000000000e+00, v19;
	[tilespmem:s6+$0x9E00] =	vst v20;
	v20 =	vor.u32 v11, v12  }
0x264: {  	v12 =	vor.u32 v15, v12;
	v11 =	vor.u32 v11, v16;
	v14 =	vmul.f32 $3.000000000e+01, v14;
	[tilespmem:s6+$0xA400] =	vst v18  }
0x265: {  	v15 =	vor.u32 v15, v16;
	v13 =	vmul.f32 $5.000000000e-01, v13;
	v18 =	vmul.f32 $3.000000000e+01, v19;
	[tilespmem:s6+$0xA600] =	vst v17  }
0x266: {  	v14 =	vmul.f32 $5.000000000e-01, v14;
	[tilespmem:s6+$0xA000] =	vst v20  }
0x267: {  	v16 =	vmul.f32 $5.000000000e-01, v18;
	v17 =	vtrunc.f32 v13;
	[tilespmem:s6+$0xA200] =	vst v12  }
0x268: {  	v12 =	vcvt.f32.s32 v17;
	vm0 =	vlt.f32 v13, v17;
	v17 =	vtrunc.f32 v14;
	[tilespmem:s6+$0xA800] =	vst v11  }
0x269: {  	v11 =	vsel vm0, $0xFFFFFFFF, v2;
	v18 =	vtrunc.f32 v16;
	v19 =	vcvt.f32.s32 v17;
	[tilespmem:s6+$0xAA00] =	vst v15;
	s6 =	smov.u32 s20  }
0x26a: {  	vm1 =	vlt.f32 v14, v17;
	v15 =	vcvt.f32.s32 v18;
	vm0 =	vlt.f32 v16, v18  }
0x26b: {  	v17 =	vadd.s32 v12, v11;
	v12 =	vsel vm1, $0xFFFFFFFF, v2;
	v11 =	vsel vm0, $0xFFFFFFFF, v2  }
0x26c: {  	vm0 =	vgt.s32 v17, $0x0;
	v18 =	vadd.s32 v19, v12;
	v15 =	vadd.s32 v15, v11  }
0x26d: {  	v11 =	vnsel vm0, $0x0, v17;
	vm0 =	vgt.s32 v18, $0x0;
	v19 =	vadd.s32 $0x1, v15  }
0x26e: {  	v12 =	vmin.u32 v11, $0x1F;
	v11 =	vnsel vm0, $0x0, v18;
	vm1 =	vgt.s32 v19, $0x0  }
0x26f: {  	v11 =	vmin.u32 v11, $0x1F;
	v20 =	vcvt.s32.f32 v12;
	v19 =	vnsel vm1, $0x0, v19  }
0x270: {  	v17 =	vadd.s32 $0x1, v17;
	v21 =	vcvt.s32.f32 v11;
	v19 =	vmin.u32 v19, $0x1F  }
.Ltmp6:
0x271: {  	vm0 =	vgt.s32 v15, $0x0;
	v13 =	vsub.f32 v13, v20;
	v20 =	vcvt.s32.f32 v19;
	(pc) =	sbr.rel @p0 .LBB2_14-.Ltmp6, $4  }
0x272: {  	v15 =	vnsel vm0, $0x0, v15;
	vm1 =	vgt.s32 v17, $0x0;
	v14 =	vsub.f32 v14, v21  }
0x273: {  	s20 =	sshra.s32 s22, $0x2;
	v17 =	vnsel vm1, $0x0, v17;
	v21 =	vmin.u32 v15, $0x1F;
	[tilespmem:s6+$0x9600] =	vst v13;
	v20 =	vsub.f32 v20, v16  }
0x274: {  	v15 =	vadd.s32 $0x1, v18;
	v16 =	vmin.u32 v17, $0x1F;
	v17 =	vshll.u32 v19, $0xA;
	v13 =	vld [tilespmem:s20+$0x9600];
	[tilespmem:s6+$0x9A00] =	vst v14  }
0x275: {  	s22 =	sadd.s32 $0x40, s22;
	vm0 =	vgt.s32 v15, $0x0;
	v18 =	vshll.u32 v21, $0xA;
	v17 =	vor.u32 v1, v17;
	v14 =	vld [tilespmem:s20+$0x9A00];
	[tilespmem:s6+$0x9800] =	vst v20  }
0x276: {  	v19 =	vld [tilespmem:s20+$0x9800]  }
0x277: {  	v18 =	vor.u32 v1, v18;
	v12 =	vshll.u32 v12, $0x5  }
0x278: {  	v16 =	vshll.u32 v16, $0x5;
	v15 =	vnsel vm0, $0x0, v15;
	v20 =	vor.u32 v12, v17  }
0x279: {  	v62 =	vor.u32 v16, v17;
	v15 =	vmin.u32 v15, $0x1F;
	v13 =	vadd.f32 $1.000000000e+00, v13  }
0x27a: {  	v12 =	vor.u32 v12, v18;
	v16 =	vor.u32 v16, v18;
	v14 =	vadd.f32 $1.000000000e+00, v14  }
0x27b: {  	v63 =	vor.u32 v11, v20;
	v13 =	vmul.f32 $3.000000000e+01, v13;
	v19 =	vadd.f32 $1.000000000e+00, v19  }
0x27c: {  	v20 =	vor.u32 v15, v20;
	v21 =	vor.u32 v11, v62;
	v14 =	vmul.f32 $3.000000000e+01, v14  }
0x27d: {  	v17 =	vor.u32 v15, v62;
	v13 =	vmul.f32 $5.000000000e-01, v13;
	v19 =	vmul.f32 $3.000000000e+01, v19  }
0x27e: {  	v22 =	vor.u32 v11, v12;
	v12 =	vor.u32 v15, v12;
	v14 =	vmul.f32 $5.000000000e-01, v14  }
0x27f: {  	v11 =	vor.u32 v11, v16;
	v19 =	vmul.f32 $5.000000000e-01, v19;
	v23 =	vtrunc.f32 v13  }
0x280: {  	v15 =	vor.u32 v15, v16;
	v30 =	vcvt.f32.s32 v23;
	vm8 =	vlt.f32 v13, v23  }
0x281: {  	v31 =	vtrunc.f32 v14;
	v24 =	vsel vm8, $0xFFFFFFFF, v2;
	v25 =	vtrunc.f32 v19  }
0x282: {  	v26 =	vcvt.f32.s32 v31;
	vm1 =	vlt.f32 v14, v31;
	v27 =	vcvt.f32.s32 v25  }
0x283: {  	vm9 =	vlt.f32 v19, v25;
	v16 =	vadd.s32 v30, v24;
	v33 =	vsel vm1, $0xFFFFFFFF, v2  }
0x284: {  	v32 =	vsel vm9, $0xFFFFFFFF, v2;
	vm10 =	vgt.s32 v16, $0x0;
	v34 =	vadd.s32 v26, v33  }
0x285: {  	[tilespmem:s6+$0x9C00] =	vst v63;
	v23 =	vadd.s32 v27, v32;
	v35 =	vnsel vm10, $0x0, v16;
	vm11 =	vgt.s32 v34, $0x0  }
0x286: {  	[tilespmem:s6+$0xAA00] =	vst v15;
	v16 =	vadd.s32 $0x1, v16;
	v15 =	vadd.s32 $0x1, v34;
	v36 =	vadd.s32 $0x1, v23  }
0x287: {  	[tilespmem:s6+$0x9E00] =	vst v20;
	v37 =	vmin.u32 v35, $0x1F;
	v38 =	vnsel vm11, $0x0, v34;
	vm13 =	vgt.s32 v23, $0x0  }
0x288: {  	[tilespmem:s6+$0xA400] =	vst v21;
	vm14 =	vgt.s32 v16, $0x0;
	vm15 =	vgt.s32 v15, $0x0;
	vm12 =	vgt.s32 v36, $0x0  }
0x289: {  	[tilespmem:s6+$0xA600] =	vst v17;
	v40 =	vcvt.s32.f32 v37;
	v41 =	vmin.u32 v38, $0x1F;
	v39 =	vnsel vm12, $0x0, v36  }
0x28a: {  	[tilespmem:s6+$0xA000] =	vst v22;
	v23 =	vnsel vm13, $0x0, v23;
	v43 =	vcvt.s32.f32 v41;
	v42 =	vmin.u32 v39, $0x1F  }
0x28b: {  	[tilespmem:s6+$0xA200] =	vst v12;
	v46 =	vshll.u32 v37, $0x5;
	v13 =	vsub.f32 v13, v40;
	v12 =	vcvt.s32.f32 v42  }
0x28c: {  	[tilespmem:s6+$0xA800] =	vst v11;
	v44 =	vmin.u32 v23, $0x1F;
	v11 =	vsub.f32 v14, v43;
	v45 =	vshll.u32 v42, $0xA  }
0x28d: {  	v14 =	vnsel vm14, $0x0, v16;
	[tilespmem:s20+$0x9600] =	vst v13;
	v13 =	vor.u32 v1, v45;
	v12 =	vsub.f32 v12, v19  }
0x28e: {  	v14 =	vmin.u32 v14, $0x1F;
	[tilespmem:s20+$0x9A00] =	vst v11;
	v11 =	vnsel vm15, $0x0, v15;
	v15 =	vor.u32 v46, v13  }
0x28f: {  	v11 =	vmin.u32 v11, $0x1F;
	[tilespmem:s20+$0x9800] =	vst v12;
	v12 =	vshll.u32 v14, $0x5;
	v14 =	vor.u32 v41, v15  }
0x290: {  	v16 =	vshll.u32 v44, $0xA;
	v15 =	vor.u32 v11, v15;
	v13 =	vor.u32 v12, v13;
	[tilespmem:s20+$0x9C00] =	vst v14  }
0x291: {  	v14 =	vor.u32 v1, v16;
	[tilespmem:s20+$0x9E00] =	vst v15;
	v47 =	vor.u32 v41, v13  }
0x292: {  	v15 =	vor.u32 v46, v14;
	v13 =	vor.u32 v11, v13;
	[tilespmem:s20+$0xA400] =	vst v47  }
0x293: {  	v48 =	vor.u32 v41, v15;
	[tilespmem:s20+$0xA600] =	vst v13  }
0x294: {  	v12 =	vor.u32 v12, v14;
	v13 =	vor.u32 v11, v15;
	[tilespmem:s20+$0xA000] =	vst v48  }
0x295: {  	v14 =	vor.u32 v41, v12;
	[tilespmem:s20+$0xA200] =	vst v13  }
0x296: {  	v11 =	vor.u32 v11, v12;
	[tilespmem:s20+$0xA800] =	vst v14  }
0x297: {  	s25 =	simm.s32 $0x9C00;
	[tilespmem:s20+$0xAA00] =	vst v11  }
0x298: {  	[tilespmem:s16], [sflag:$0x2] =	stream.indirect.gather [hbm4b:s2+s18], $0x8, s25, s18, $0xb8;
	[tilespmem:$0x13C00] =	vst v63  }
0x299: {  	s26 =	simm.s32 $0x9E00;
	s28 =	simm.s32 $0xBC00  }
0x29a: {  	[tilespmem:s28], [sflag:$0x2] =	stream.indirect.gather [hbm4b:s2+s18], $0x8, s26, s18, $0xb8;
	[tilespmem:$0x13C00] =	vst v63  }
0x29b: {  	s22 =	simm.s32 $0xCC00;
	s20 =	simm.s32 $0xA000  }
0x29c: {  	[tilespmem:s22], [sflag:$0x2] =	stream.indirect.gather [hbm4b:s2+s18], $0x8, s20, s18, $0xb8;
	[tilespmem:$0x13C00] =	vst v63  }
0x29d: {  	s23 =	simm.s32 $0xA200;
	s24 =	simm.s32 $0xDC00  }
0x29e: {  	[tilespmem:s24], [sflag:$0x2] =	stream.indirect.gather [hbm4b:s2+s18], $0x8, s23, s18, $0xb8;
	[tilespmem:$0x13C00] =	vst v63  }
0x29f: {  	s25 =	simm.s32 $0xA400;
	s26 =	simm.s32 $0xEC00  }
0x2a0: {  	[tilespmem:s26], [sflag:$0x2] =	stream.indirect.gather [hbm4b:s2+s18], $0x8, s25, s18, $0xb8;
	[tilespmem:$0x13C00] =	vst v63  }
0x2a1: {  	_ = 	snop  }
0x2a2: {  	[tilespmem:s30], [sflag:$0x2] =	stream.indirect.gather [hbm4b:s2+s18], $0x8, s29, s18, $0xb8;
	[tilespmem:$0x13C00] =	vst v63  }
0x2a3: {  	s28 =	simm.s32 $0x0  }
0x2a4: {  	[tilespmem:s1], [sflag:$0x2] =	stream.indirect.gather [hbm4b:s2+s18], $0x8, s31, s18, $0xb8;
	[tilespmem:$0x13C00] =	vst v63  }
0x2a5: {  	v11 =	vor.u32 s28, v0  }
0x2a6: {  	v12 =	vmov s28;
	[tilespmem:s7], [sflag:$0x2] =	stream.indirect.gather [hbm4b:s2+s18], $0x8, s0, s18, $0xb8;
	[tilespmem:$0x13C00] =	vst v63  }
0x2a7: {  	v12 =	vshll.u32 v12, $0x3;
	_ =	swait.ge [sflag:s8], $0x8000  }
0x2a8: {  	v13 =	vadd.s32 v5, v12;
	[sflag:s8] =	ssyncset.done $0x0  }
0x2a9: {  	v14 =	vadd.s32 v6, v12;
	v13 =	vor.u32 v10, v13;
	[sflag:s8] =	ssyncadd.s32 $0xFFFF8000  }
0x2aa: {  	v15 =	vadd.s32 v8, v12;
	v14 =	vor.u32 v10, v14;
	v49 =	vld.idx.msk [tilespmem:v11+s19+$0x0], $0xffff  }
0x2ab: {  	v52 =	vadd.s32 v7, v12;
	v15 =	vor.u32 v10, v15;
	v51 =	vld.idx.msk [tilespmem:v11+s18+$0x0], $0xffff  }
0x2ac: {  	v50 =	vshll.u32 v11, $0x3;
	v53 =	vadd.s32 v3, v12;
	v19 =	vor.u32 v10, v52;
	v11 =	vld.idx.msk [tilespmem:v11+s3+$0x0], $0xffff  }
0x2ad: {  	v20 =	vor.u32 v10, v53  }
0x2ae: {  	v17 =	vor.u32 v10, v50;
	v54 =	vadd.s32 v4, v12;
	v13 =	vld.idx.msk [tilespmem:v13+s21+$0x0], $0xffff  }
0x2af: {  	v12 =	vadd.s32 v9, v12;
	v21 =	vor.u32 v10, v54;
	v14 =	vld.idx.msk [tilespmem:v14+s21+$0x0], $0xffff;
	v55 =	vsub.f32 $1.000000000e+00, v49  }
0x2b0: {  	v12 =	vor.u32 v10, v12;
	v15 =	vld.idx.msk [tilespmem:v15+s21+$0x0], $0xffff;
	v56 =	vsub.f32 $1.000000000e+00, v51  }
0x2b1: {  	v19 =	vld.idx.msk [tilespmem:v19+s21+$0x0], $0xffff;
	v57 =	vmul.f32 v49, v51;
	v58 =	vsub.f32 $1.000000000e+00, v11;
	v18 =	vmul.f32 v55, v51  }
0x2b2: {  	v20 =	vld.idx.msk [tilespmem:v20+s21+$0x0], $0xffff;
	v22 =	vmul.f32 v55, v56;
	v16 =	vmul.f32 v49, v56  }
0x2b3: {  	v17 =	vld.idx.msk [tilespmem:v17+s21+$0x0], $0xffff;
	v60 =	vmul.f32 v57, v11;
	v24 =	vmul.f32 v57, v58  }
0x2b4: {  	v21 =	vld.idx.msk [tilespmem:v21+s21+$0x0], $0xffff;
	v59 =	vmul.f32 v18, v11;
	v61 =	vmul.f32 v22, v58  }
0x2b5: {  	v12 =	vld.idx.msk [tilespmem:v12+s21+$0x0], $0xffff;
	v22 =	vmul.f32 v22, v11;
	v18 =	vmul.f32 v18, v58  }
0x2b6: {  	v11 =	vmul.f32 v16, v11;
	v16 =	vmul.f32 v16, v58  }
0x2b7: {  	v62 =	vmul.f32 v20, v60;
	v63 =	vmul.f32 v19, v24  }
0x2b8: {  	v17 =	vmul.f32 v61, v17;
	v14 =	vmul.f32 v14, v22  }
0x2b9: {  	v11 =	vmul.f32 v13, v11;
	v13 =	vmul.f32 v21, v59  }
0x2ba: {  	v15 =	vmul.f32 v15, v18;
	v12 =	vmul.f32 v12, v16  }
0x2bb: {  	v11 =	vadd.f32 v11, v14;
	v13 =	vadd.f32 v62, v13  }
0x2bc: {  	v12 =	vadd.f32 v17, v12;
	v14 =	vadd.f32 v63, v15  }
0x2bd: {  	s23 =	simm.s32 $0x2  }
0x2be: {  	s6 =	simm.s32 $0x12C10;
	s20 =	simm.s32 $0x12C10;
	s22 =	simm.s32 $0x4;
	v12 =	vadd.f32 v14, v12;
	v13 =	vadd.f32 v13, v11;
	v11 =	vor.u32 s23, v0  }
.LBB2_16:
0x2bf: {  	p0 =	sne.s32 s22, $0x1FC  }
0x2c0: {  	v14 =	vmov s23;
	s20 =	sadd.s32 $0x20, s20;
	s23 =	smov.u32 s22;
	s22 =	sadd.s32 $0x4, s22  }
0x2c1: {  	v12 =	vadd.f32 v13, v12;
	v13 =	vshll.u32 v14, $0x3  }
0x2c2: {  	v14 =	vadd.s32 v9, v13;
	v15 =	vadd.s32 v4, v13;
	v16 =	vadd.s32 v3, v13  }
0x2c3: {  	v17 =	vadd.s32 v5, v13;
	[tilespmem:s6+$0xFFFFFFF0] =	vst v12;
	v12 =	vor.u32 v10, v14;
	v14 =	vadd.s32 v8, v13  }
0x2c4: {  	v19 =	vadd.s32 v6, v13;
	v15 =	vor.u32 v10, v15;
	v18 =	vld.idx.msk [tilespmem:v11+s18+$0x0], $0xffff  }
0x2c5: {  	v16 =	vor.u32 v10, v16;
	v20 =	vld.idx.msk [tilespmem:v11+s19+$0x0], $0xffff  }
0x2c6: {  	v21 =	vor.u32 s23, v0;
	v13 =	vadd.s32 v7, v13;
	v17 =	vor.u32 v10, v17  }
0x2c7: {  	v22 =	vshll.u32 v21, $0x3;
	v13 =	vor.u32 v10, v13;
	v23 =	vld.idx.msk [tilespmem:v11+s3+$0x0], $0xffff  }
0x2c8: {  	v22 =	vor.u32 v10, v22;
	v14 =	vor.u32 v10, v14;
	v12 =	vld.idx.msk [tilespmem:v12+s21+$0x0], $0xffff  }
0x2c9: {  	v19 =	vor.u32 v10, v19;
	v11 =	vshll.u32 v11, $0x3;
	v15 =	vld.idx.msk [tilespmem:v15+s21+$0x0], $0xffff  }
0x2ca: {  	v11 =	vor.u32 v10, v11;
	v24 =	vsub.f32 $1.000000000e+00, v18;
	v16 =	vld.idx.msk [tilespmem:v16+s21+$0x0], $0xffff  }
0x2cb: {  	v25 =	vsub.f32 $1.000000000e+00, v20;
	v26 =	vmul.f32 v20, v18;
	v17 =	vld.idx.msk [tilespmem:v17+s21+$0x0], $0xffff  }
0x2cc: {  	v20 =	vmul.f32 v20, v24;
	v13 =	vld.idx.msk [tilespmem:v13+s21+$0x0], $0xffff  }
0x2cd: {  	v24 =	vmul.f32 v25, v24;
	v18 =	vmul.f32 v25, v18;
	v25 =	vsub.f32 $1.000000000e+00, v23;
	v14 =	vld.idx.msk [tilespmem:v14+s21+$0x0], $0xffff  }
0x2ce: {  	v28 =	vmul.f32 v26, v23;
	v27 =	vmul.f32 v20, v23;
	v19 =	vld.idx.msk [tilespmem:v19+s21+$0x0], $0xffff  }
0x2cf: {  	v26 =	vmul.f32 v26, v25;
	v29 =	vmul.f32 v18, v23;
	v11 =	vld.idx.msk [tilespmem:v11+s21+$0x0], $0xffff  }
0x2d0: {  	v30 =	vmul.f32 v24, v25;
	v16 =	vmul.f32 v16, v28  }
0x2d1: {  	v18 =	vmul.f32 v18, v25;
	v17 =	vmul.f32 v17, v27  }
0x2d2: {  	v20 =	vmul.f32 v20, v25;
	v23 =	vmul.f32 v24, v23  }
0x2d3: {  	v13 =	vmul.f32 v13, v26;
	v14 =	vmul.f32 v14, v18  }
0x2d4: {  	v15 =	vmul.f32 v15, v29;
	v18 =	vmul.f32 v19, v23  }
0x2d5: {  	v12 =	vmul.f32 v12, v20;
	v11 =	vmul.f32 v30, v11;
	v13 =	vadd.f32 v13, v14  }
0x2d6: {  	v15 =	vadd.f32 v16, v15;
	v14 =	vadd.f32 v17, v18  }
0x2d7: {  	v11 =	vadd.f32 v11, v12  }
0x2d8: {  	v12 =	vadd.f32 v15, v14  }
0x2d9: {  	v14 =	vmov s23;
	v11 =	vadd.f32 v13, v11  }
0x2da: {  	v13 =	vshll.u32 v14, $0x3  }
0x2db: {  	v14 =	vadd.s32 v6, v13;
	v15 =	vadd.s32 v5, v13;
	v11 =	vadd.f32 v12, v11  }
0x2dc: {  	v16 =	vadd.s32 v7, v13;
	v12 =	vadd.s32 v8, v13;
	v15 =	vor.u32 v10, v15  }
0x2dd: {  	v17 =	vadd.s32 v9, v13;
	v18 =	vadd.s32 v3, v13;
	v14 =	vor.u32 v10, v14;
	[tilespmem:s6+$0x0] =	vst v11;
	s6 =	smov.u32 s20  }
0x2de: {  	v12 =	vor.u32 v10, v12;
	v11 =	vld.idx.msk [tilespmem:v21+s19+$0x0], $0xffff  }
0x2df: {  	v19 =	vld.idx.msk [tilespmem:v21+s18+$0x0], $0xffff  }
0x2e0: {  	v20 =	vld.idx.msk [tilespmem:v21+s3+$0x0], $0xffff  }
0x2e1: {  	v16 =	vor.u32 v10, v16;
	v15 =	vld.idx.msk [tilespmem:v15+s21+$0x0], $0xffff  }
0x2e2: {  	v13 =	vadd.s32 v4, v13;
	v18 =	vor.u32 v10, v18;
	v14 =	vld.idx.msk [tilespmem:v14+s21+$0x0], $0xffff  }
0x2e3: {  	v13 =	vor.u32 v10, v13;
	v12 =	vld.idx.msk [tilespmem:v12+s21+$0x0], $0xffff  }
0x2e4: {  	v17 =	vor.u32 v10, v17;
	v21 =	vsub.f32 $1.000000000e+00, v11  }
0x2e5: {  	v23 =	vsub.f32 $1.000000000e+00, v19;
	v24 =	vmul.f32 v11, v19;
	v22 =	vld.idx.msk [tilespmem:v22+s21+$0x0], $0xffff  }
0x2e6: {  	v19 =	vmul.f32 v21, v19;
	v16 =	vld.idx.msk [tilespmem:v16+s21+$0x0], $0xffff  }
0x2e7: {  	v21 =	vmul.f32 v21, v23;
	v11 =	vmul.f32 v11, v23;
	v23 =	vsub.f32 $1.000000000e+00, v20;
	v18 =	vld.idx.msk [tilespmem:v18+s21+$0x0], $0xffff  }
0x2e8: {  	v26 =	vmul.f32 v24, v20;
	v25 =	vmul.f32 v19, v20;
	v13 =	vld.idx.msk [tilespmem:v13+s21+$0x0], $0xffff  }
0x2e9: {  	v27 =	vmul.f32 v21, v23;
	v21 =	vmul.f32 v21, v20;
	v17 =	vld.idx.msk [tilespmem:v17+s21+$0x0], $0xffff  }
0x2ea: {  	v19 =	vmul.f32 v19, v23;
	v24 =	vmul.f32 v24, v23  }
0x2eb: {  	v20 =	vmul.f32 v11, v20;
	v22 =	vmul.f32 v27, v22  }
0x2ec: {  	v12 =	vmul.f32 v12, v19;
	v14 =	vmul.f32 v14, v21  }
0x2ed: {  	v11 =	vmul.f32 v11, v23;
	v15 =	vmul.f32 v15, v20  }
0x2ee: {  	v18 =	vmul.f32 v18, v26;
	v13 =	vmul.f32 v13, v25  }
.Ltmp7:
0x2ef: {  	v16 =	vmul.f32 v16, v24;
	v11 =	vmul.f32 v17, v11;
	(pc) =	sbr.rel @p0 .LBB2_16-.Ltmp7, $4  }
0x2f0: {  	v14 =	vadd.f32 v15, v14;
	v13 =	vadd.f32 v18, v13  }
0x2f1: {  	v12 =	vadd.f32 v16, v12;
	v11 =	vadd.f32 v22, v11  }
0x2f2: {  	s23 =	sadd.s32 $0x2, s23  }
0x2f3: {  	v13 =	vadd.f32 v13, v14;
	v12 =	vadd.f32 v12, v11;
	v11 =	vor.u32 s23, v0  }
0x2f4: {  	v14 =	vmov s23  }
0x2f5: {  	v12 =	vadd.f32 v13, v12;
	v13 =	vshll.u32 v14, $0x3  }
0x2f6: {  	v14 =	vadd.s32 v9, v13  }
0x2f7: {  	v15 =	vadd.s32 v4, v13;
	[tilespmem:s6+$0xFFFFFFF0] =	vst v12;
	v12 =	vor.u32 v10, v14  }
0x2f8: {  	v17 =	vadd.s32 v5, v13;
	v15 =	vor.u32 v10, v15;
	v16 =	vld.idx.msk [tilespmem:v11+s18+$0x0], $0xffff  }
0x2f9: {  	v19 =	vadd.s32 v7, v13;
	v17 =	vor.u32 v10, v17;
	v18 =	vld.idx.msk [tilespmem:v11+s19+$0x0], $0xffff  }
0x2fa: {  	v14 =	vadd.s32 v3, v13;
	v19 =	vor.u32 v10, v19;
	v21 =	vld.idx.msk [tilespmem:v11+s3+$0x0], $0xffff  }
0x2fb: {  	v20 =	vadd.s32 v8, v13;
	v14 =	vor.u32 v10, v14  }
0x2fc: {  	v13 =	vadd.s32 v6, v13;
	v20 =	vor.u32 v10, v20;
	v12 =	vld.idx.msk [tilespmem:v12+s21+$0x0], $0xffff  }
0x2fd: {  	v11 =	vshll.u32 v11, $0x3;
	v13 =	vor.u32 v10, v13;
	v15 =	vld.idx.msk [tilespmem:v15+s21+$0x0], $0xffff;
	v22 =	vsub.f32 $1.000000000e+00, v16  }
0x2fe: {  	v11 =	vor.u32 v10, v11;
	v17 =	vld.idx.msk [tilespmem:v17+s21+$0x0], $0xffff;
	v23 =	vsub.f32 $1.000000000e+00, v18  }
0x2ff: {  	v19 =	vld.idx.msk [tilespmem:v19+s21+$0x0], $0xffff;
	v24 =	vmul.f32 v18, v16;
	v48 =	vsub.f32 $1.000000000e+00, v21;
	v18 =	vmul.f32 v18, v22  }
0x300: {  	v14 =	vld.idx.msk [tilespmem:v14+s21+$0x0], $0xffff;
	v22 =	vmul.f32 v23, v22;
	v16 =	vmul.f32 v23, v16  }
0x301: {  	v20 =	vld.idx.msk [tilespmem:v20+s21+$0x0], $0xffff;
	v26 =	vmul.f32 v24, v21;
	v24 =	vmul.f32 v24, v48  }
0x302: {  	v13 =	vld.idx.msk [tilespmem:v13+s21+$0x0], $0xffff;
	v25 =	vmul.f32 v18, v21;
	v27 =	vmul.f32 v16, v21  }
0x303: {  	v11 =	vld.idx.msk [tilespmem:v11+s21+$0x0], $0xffff;
	v28 =	vmul.f32 v22, v48;
	v16 =	vmul.f32 v16, v48  }
0x304: {  	v18 =	vmul.f32 v18, v48;
	v21 =	vmul.f32 v22, v21  }
0x305: {  	v19 =	vmul.f32 v19, v24;
	v14 =	vmul.f32 v14, v26  }
0x306: {  	v17 =	vmul.f32 v17, v25;
	v16 =	vmul.f32 v20, v16  }
0x307: {  	v13 =	vmul.f32 v13, v21;
	v15 =	vmul.f32 v15, v27  }
0x308: {  	v11 =	vmul.f32 v28, v11;
	v12 =	vmul.f32 v12, v18  }
0x309: {  	v16 =	vadd.f32 v19, v16;
	v13 =	vadd.f32 v17, v13  }
0x30a: {  	v14 =	vadd.f32 v14, v15;
	v11 =	vadd.f32 v11, v12;
	_ =	sdelay $0x1  }
0x30b: {  	v12 =	vadd.f32 v14, v13;
	v11 =	vadd.f32 v16, v11;
	_ =	sdelay $0x1  }
0x30c: {  	v11 =	vadd.f32 v12, v11;
	_ =	sdelay $0x1  }
0x30d: {  	s28 =	simm.s32 $0x0;
	s20 =	rddreg [dreg:$0x9];
	[tilespmem:s6+$0x0] =	vst v11  }
0x30e: {  	[hbm4b:s20+s28] =	stream.linear.scatter [tilespmem:s11], [sflag:$0x3], $0x1000, $0x38;
	[tilespmem:$0x13C00] =	vst v63  }
0x30f: {  	_ =	swait.ge [sflag:s17], $0x1000  }
0x310: {  	v11 =	vor.u32 s28, v0;
	[sflag:s17] =	ssyncset.done $0x0  }
0x311: {  	v12 =	vmov s28;
	[sflag:s17] =	ssyncadd.s32 $0xFFFFF000  }
0x312: {  	v12 =	vshll.u32 v12, $0x3;
	_ =	swait.ge [sflag:s15], $0x8000  }
0x313: {  	v13 =	vadd.s32 v5, v12;
	[sflag:s15] =	ssyncset.done $0x0  }
0x314: {  	v14 =	vadd.s32 v6, v12;
	v13 =	vor.u32 v10, v13;
	[sflag:s15] =	ssyncadd.s32 $0xFFFF8000  }
0x315: {  	v15 =	vadd.s32 v8, v12;
	v14 =	vor.u32 v10, v14;
	v49 =	vld.idx.msk [tilespmem:v11+s14+$0x0], $0xffff  }
0x316: {  	v52 =	vadd.s32 v7, v12;
	v15 =	vor.u32 v10, v15;
	v51 =	vld.idx.msk [tilespmem:v11+s13+$0x0], $0xffff  }
0x317: {  	v53 =	vadd.s32 v3, v12;
	v50 =	vshll.u32 v11, $0x3;
	v19 =	vor.u32 v10, v52;
	v11 =	vld.idx.msk [tilespmem:v11+s12+$0x0], $0xffff  }
0x318: {  	v20 =	vor.u32 v10, v53  }
0x319: {  	v54 =	vadd.s32 v4, v12;
	v17 =	vor.u32 v10, v50;
	v13 =	vld.idx.msk [tilespmem:v13+s16+$0x0], $0xffff  }
0x31a: {  	v12 =	vadd.s32 v9, v12;
	v21 =	vor.u32 v10, v54;
	v14 =	vld.idx.msk [tilespmem:v14+s16+$0x0], $0xffff;
	v55 =	vsub.f32 $1.000000000e+00, v49  }
0x31b: {  	v12 =	vor.u32 v10, v12;
	v15 =	vld.idx.msk [tilespmem:v15+s16+$0x0], $0xffff;
	v56 =	vsub.f32 $1.000000000e+00, v51  }
0x31c: {  	v19 =	vld.idx.msk [tilespmem:v19+s16+$0x0], $0xffff;
	v57 =	vmul.f32 v49, v51;
	v58 =	vsub.f32 $1.000000000e+00, v11;
	v18 =	vmul.f32 v55, v51  }
0x31d: {  	v20 =	vld.idx.msk [tilespmem:v20+s16+$0x0], $0xffff;
	v22 =	vmul.f32 v55, v56;
	v16 =	vmul.f32 v49, v56  }
0x31e: {  	v17 =	vld.idx.msk [tilespmem:v17+s16+$0x0], $0xffff;
	v60 =	vmul.f32 v57, v11;
	v24 =	vmul.f32 v57, v58  }
0x31f: {  	v21 =	vld.idx.msk [tilespmem:v21+s16+$0x0], $0xffff;
	v59 =	vmul.f32 v18, v11;
	v61 =	vmul.f32 v22, v58  }
0x320: {  	v12 =	vld.idx.msk [tilespmem:v12+s16+$0x0], $0xffff;
	v22 =	vmul.f32 v22, v11;
	v18 =	vmul.f32 v18, v58  }
0x321: {  	v11 =	vmul.f32 v16, v11;
	v16 =	vmul.f32 v16, v58  }
0x322: {  	v62 =	vmul.f32 v20, v60;
	v63 =	vmul.f32 v19, v24  }
0x323: {  	v17 =	vmul.f32 v61, v17;
	v14 =	vmul.f32 v14, v22  }
0x324: {  	v11 =	vmul.f32 v13, v11;
	v13 =	vmul.f32 v21, v59  }
0x325: {  	v15 =	vmul.f32 v15, v18;
	v12 =	vmul.f32 v12, v16  }
0x326: {  	v11 =	vadd.f32 v11, v14;
	v13 =	vadd.f32 v62, v13  }
0x327: {  	v12 =	vadd.f32 v17, v12;
	v14 =	vadd.f32 v63, v15  }
0x328: {  	s23 =	simm.s32 $0x2  }
0x329: {  	s22 =	simm.s32 $0x4;
	s6 =	simm.s32 $0x12C10;
	s20 =	simm.s32 $0x12C10;
	v12 =	vadd.f32 v14, v12;
	v13 =	vadd.f32 v13, v11;
	v11 =	vor.u32 s23, v0  }
.LBB2_18:
0x32a: {  	p0 =	sne.s32 s22, $0x1FC  }
0x32b: {  	v14 =	vmov s23;
	s20 =	sadd.s32 $0x20, s20;
	s23 =	smov.u32 s22;
	s22 =	sadd.s32 $0x4, s22  }
0x32c: {  	v12 =	vadd.f32 v13, v12;
	v13 =	vshll.u32 v14, $0x3  }
0x32d: {  	v14 =	vadd.s32 v9, v13;
	v15 =	vadd.s32 v4, v13;
	v16 =	vadd.s32 v3, v13  }
0x32e: {  	v17 =	vadd.s32 v5, v13;
	[tilespmem:s6+$0xFFFFFFF0] =	vst v12;
	v12 =	vor.u32 v10, v14;
	v14 =	vadd.s32 v8, v13  }
0x32f: {  	v19 =	vadd.s32 v6, v13;
	v15 =	vor.u32 v10, v15;
	v18 =	vld.idx.msk [tilespmem:v11+s13+$0x0], $0xffff  }
0x330: {  	v16 =	vor.u32 v10, v16;
	v20 =	vld.idx.msk [tilespmem:v11+s14+$0x0], $0xffff  }
0x331: {  	v21 =	vor.u32 s23, v0;
	v13 =	vadd.s32 v7, v13;
	v17 =	vor.u32 v10, v17  }
0x332: {  	v22 =	vshll.u32 v21, $0x3;
	v13 =	vor.u32 v10, v13;
	v23 =	vld.idx.msk [tilespmem:v11+s12+$0x0], $0xffff  }
0x333: {  	v22 =	vor.u32 v10, v22;
	v14 =	vor.u32 v10, v14;
	v12 =	vld.idx.msk [tilespmem:v12+s16+$0x0], $0xffff  }
0x334: {  	v19 =	vor.u32 v10, v19;
	v11 =	vshll.u32 v11, $0x3;
	v15 =	vld.idx.msk [tilespmem:v15+s16+$0x0], $0xffff  }
0x335: {  	v11 =	vor.u32 v10, v11;
	v24 =	vsub.f32 $1.000000000e+00, v18;
	v16 =	vld.idx.msk [tilespmem:v16+s16+$0x0], $0xffff  }
0x336: {  	v25 =	vsub.f32 $1.000000000e+00, v20;
	v26 =	vmul.f32 v20, v18;
	v17 =	vld.idx.msk [tilespmem:v17+s16+$0x0], $0xffff  }
0x337: {  	v20 =	vmul.f32 v20, v24;
	v13 =	vld.idx.msk [tilespmem:v13+s16+$0x0], $0xffff  }
0x338: {  	v24 =	vmul.f32 v25, v24;
	v18 =	vmul.f32 v25, v18;
	v25 =	vsub.f32 $1.000000000e+00, v23;
	v14 =	vld.idx.msk [tilespmem:v14+s16+$0x0], $0xffff  }
0x339: {  	v28 =	vmul.f32 v26, v23;
	v27 =	vmul.f32 v20, v23;
	v19 =	vld.idx.msk [tilespmem:v19+s16+$0x0], $0xffff  }
0x33a: {  	v26 =	vmul.f32 v26, v25;
	v29 =	vmul.f32 v18, v23;
	v11 =	vld.idx.msk [tilespmem:v11+s16+$0x0], $0xffff  }
0x33b: {  	v30 =	vmul.f32 v24, v25;
	v16 =	vmul.f32 v16, v28  }
0x33c: {  	v18 =	vmul.f32 v18, v25;
	v17 =	vmul.f32 v17, v27  }
0x33d: {  	v20 =	vmul.f32 v20, v25;
	v23 =	vmul.f32 v24, v23  }
0x33e: {  	v13 =	vmul.f32 v13, v26;
	v14 =	vmul.f32 v14, v18  }
0x33f: {  	v15 =	vmul.f32 v15, v29;
	v18 =	vmul.f32 v19, v23  }
0x340: {  	v12 =	vmul.f32 v12, v20;
	v11 =	vmul.f32 v30, v11;
	v13 =	vadd.f32 v13, v14  }
0x341: {  	v15 =	vadd.f32 v16, v15;
	v14 =	vadd.f32 v17, v18  }
0x342: {  	v11 =	vadd.f32 v11, v12  }
0x343: {  	v12 =	vadd.f32 v15, v14  }
0x344: {  	v14 =	vmov s23;
	v11 =	vadd.f32 v13, v11  }
0x345: {  	v13 =	vshll.u32 v14, $0x3  }
0x346: {  	v14 =	vadd.s32 v6, v13;
	v15 =	vadd.s32 v5, v13;
	v11 =	vadd.f32 v12, v11  }
0x347: {  	v16 =	vadd.s32 v7, v13;
	v12 =	vadd.s32 v8, v13;
	v15 =	vor.u32 v10, v15  }
0x348: {  	v17 =	vadd.s32 v9, v13;
	v18 =	vadd.s32 v3, v13;
	v14 =	vor.u32 v10, v14;
	[tilespmem:s6+$0x0] =	vst v11;
	s6 =	smov.u32 s20  }
0x349: {  	v12 =	vor.u32 v10, v12;
	v11 =	vld.idx.msk [tilespmem:v21+s14+$0x0], $0xffff  }
0x34a: {  	v19 =	vld.idx.msk [tilespmem:v21+s13+$0x0], $0xffff  }
0x34b: {  	v20 =	vld.idx.msk [tilespmem:v21+s12+$0x0], $0xffff  }
0x34c: {  	v16 =	vor.u32 v10, v16;
	v15 =	vld.idx.msk [tilespmem:v15+s16+$0x0], $0xffff  }
0x34d: {  	v13 =	vadd.s32 v4, v13;
	v18 =	vor.u32 v10, v18;
	v14 =	vld.idx.msk [tilespmem:v14+s16+$0x0], $0xffff  }
0x34e: {  	v13 =	vor.u32 v10, v13;
	v12 =	vld.idx.msk [tilespmem:v12+s16+$0x0], $0xffff  }
0x34f: {  	v17 =	vor.u32 v10, v17;
	v21 =	vsub.f32 $1.000000000e+00, v11  }
0x350: {  	v23 =	vsub.f32 $1.000000000e+00, v19;
	v24 =	vmul.f32 v11, v19;
	v22 =	vld.idx.msk [tilespmem:v22+s16+$0x0], $0xffff  }
0x351: {  	v19 =	vmul.f32 v21, v19;
	v16 =	vld.idx.msk [tilespmem:v16+s16+$0x0], $0xffff  }
0x352: {  	v21 =	vmul.f32 v21, v23;
	v11 =	vmul.f32 v11, v23;
	v23 =	vsub.f32 $1.000000000e+00, v20;
	v18 =	vld.idx.msk [tilespmem:v18+s16+$0x0], $0xffff  }
0x353: {  	v26 =	vmul.f32 v24, v20;
	v25 =	vmul.f32 v19, v20;
	v13 =	vld.idx.msk [tilespmem:v13+s16+$0x0], $0xffff  }
0x354: {  	v27 =	vmul.f32 v21, v23;
	v21 =	vmul.f32 v21, v20;
	v17 =	vld.idx.msk [tilespmem:v17+s16+$0x0], $0xffff  }
0x355: {  	v19 =	vmul.f32 v19, v23;
	v24 =	vmul.f32 v24, v23  }
0x356: {  	v20 =	vmul.f32 v11, v20;
	v22 =	vmul.f32 v27, v22  }
0x357: {  	v12 =	vmul.f32 v12, v19;
	v14 =	vmul.f32 v14, v21  }
0x358: {  	v11 =	vmul.f32 v11, v23;
	v15 =	vmul.f32 v15, v20  }
0x359: {  	v18 =	vmul.f32 v18, v26;
	v13 =	vmul.f32 v13, v25  }
.Ltmp8:
0x35a: {  	v16 =	vmul.f32 v16, v24;
	v11 =	vmul.f32 v17, v11;
	(pc) =	sbr.rel @p0 .LBB2_18-.Ltmp8, $4  }
0x35b: {  	v14 =	vadd.f32 v15, v14;
	v13 =	vadd.f32 v18, v13  }
0x35c: {  	v12 =	vadd.f32 v16, v12;
	v11 =	vadd.f32 v22, v11  }
0x35d: {  	s23 =	sadd.s32 $0x2, s23  }
0x35e: {  	v13 =	vadd.f32 v13, v14;
	v12 =	vadd.f32 v12, v11;
	v11 =	vor.u32 s23, v0  }
0x35f: {  	v14 =	vmov s23  }
0x360: {  	v12 =	vadd.f32 v13, v12;
	v59 =	vshll.u32 v14, $0x3  }
0x361: {  	v14 =	vadd.s32 v9, v59  }
0x362: {  	v15 =	vadd.s32 v4, v59;
	[tilespmem:s6+$0xFFFFFFF0] =	vst v12;
	v60 =	vor.u32 v10, v14  }
0x363: {  	v61 =	vadd.s32 v3, v59;
	v15 =	vor.u32 v10, v15;
	v16 =	vld.idx.msk [tilespmem:v11+s13+$0x0], $0xffff  }
0x364: {  	v17 =	vadd.s32 v5, v59;
	v14 =	vor.u32 v10, v61;
	v18 =	vld.idx.msk [tilespmem:v11+s14+$0x0], $0xffff  }
0x365: {  	v19 =	vadd.s32 v7, v59;
	v17 =	vor.u32 v10, v17;
	v21 =	vld.idx.msk [tilespmem:v11+s12+$0x0], $0xffff  }
0x366: {  	v20 =	vadd.s32 v8, v59;
	v19 =	vor.u32 v10, v19  }
0x367: {  	v13 =	vadd.s32 v6, v59;
	v20 =	vor.u32 v10, v20;
	v12 =	vld.idx.msk [tilespmem:v60+s16+$0x0], $0xffff  }
0x368: {  	v13 =	vor.u32 v10, v13;
	v11 =	vshll.u32 v11, $0x3;
	v15 =	vld.idx.msk [tilespmem:v15+s16+$0x0], $0xffff;
	v22 =	vsub.f32 $1.000000000e+00, v16  }
0x369: {  	v11 =	vor.u32 v10, v11;
	v14 =	vld.idx.msk [tilespmem:v14+s16+$0x0], $0xffff;
	v23 =	vsub.f32 $1.000000000e+00, v18  }
0x36a: {  	v17 =	vld.idx.msk [tilespmem:v17+s16+$0x0], $0xffff;
	v24 =	vmul.f32 v18, v16;
	v62 =	vsub.f32 $1.000000000e+00, v21;
	v18 =	vmul.f32 v18, v22  }
0x36b: {  	v19 =	vld.idx.msk [tilespmem:v19+s16+$0x0], $0xffff;
	v22 =	vmul.f32 v23, v22;
	v16 =	vmul.f32 v23, v16  }
0x36c: {  	v20 =	vld.idx.msk [tilespmem:v20+s16+$0x0], $0xffff;
	v26 =	vmul.f32 v24, v21;
	v24 =	vmul.f32 v24, v62  }
0x36d: {  	v13 =	vld.idx.msk [tilespmem:v13+s16+$0x0], $0xffff;
	v25 =	vmul.f32 v18, v21;
	v27 =	vmul.f32 v16, v21  }
0x36e: {  	v11 =	vld.idx.msk [tilespmem:v11+s16+$0x0], $0xffff;
	v28 =	vmul.f32 v22, v62;
	v14 =	vmul.f32 v14, v26  }
0x36f: {  	v16 =	vmul.f32 v16, v62;
	v18 =	vmul.f32 v18, v62  }
0x370: {  	v21 =	vmul.f32 v22, v21;
	v19 =	vmul.f32 v19, v24  }
0x371: {  	v17 =	vmul.f32 v17, v25;
	v16 =	vmul.f32 v20, v16  }
0x372: {  	v13 =	vmul.f32 v13, v21;
	v15 =	vmul.f32 v15, v27  }
0x373: {  	v11 =	vmul.f32 v28, v11;
	v12 =	vmul.f32 v12, v18  }
0x374: {  	v16 =	vadd.f32 v19, v16;
	v13 =	vadd.f32 v17, v13  }
0x375: {  	v14 =	vadd.f32 v14, v15;
	v11 =	vadd.f32 v11, v12;
	_ =	sdelay $0x1  }
0x376: {  	v63 =	vadd.f32 v14, v13;
	v11 =	vadd.f32 v16, v11;
	_ =	sdelay $0x1  }
0x377: {  	v11 =	vadd.f32 v63, v11;
	_ =	sdelay $0x1  }
0x378: {  	s26 =	rddreg [dreg:$0xa];
	[tilespmem:s6+$0x0] =	vst v11  }
0x379: {  	[hbm4b:s26+s3] =	stream.linear.scatter [tilespmem:s11], [sflag:$0x3], $0x1000, $0x38;
	[tilespmem:$0x13C00] =	vst v63  }
0x37a: {  	_ =	swait.ge [sflag:s17], $0x1000  }
0x37b: {  	s20 =	rddreg [dreg:$0xc]  }
0x37c: {  	s28 =	rddreg [dreg:$0xb];
	s20 =	sadd.s32 $0x1, s20  }
0x37d: {  	p0 =	sne.s32 s20, s28  }
.Ltmp9:
0x37e: {  	_ = 	snop;
	(pc) =	sbr.rel @p0 .LBB2_1-.Ltmp9, $3  }
0x37f: {  	_ =	sdelay $0x1  }
0x380: {  	[sflag:s17] =	ssyncset.done $0x0  }
0x381: {  	[sflag:s17] =	ssyncadd.s32 $0xFFFFF000  }
0x382: {  	_ =	sfence.sel $0x180000  }
0x383: {  	[bflag:$0x0] =	sbarrier.arrive $0xFFFF  }
0x384: {  	_ =	strace $0x90000047  }
0x385: {  	s0 =	stileid.u32;
	[bflag:$0x2] =	sbarrier.arrive $0xFFFF  }
0x386: {  	p0 =	sne.s32 s0, $0x0;
	s0 =	rddreg [dreg:$0x2]  }
0x387: {  	s0 =	sadd.s32 @!p0 $0x100000, s0  }
0x388: {  	[sflag:s0] =	ssyncadd.tile.s32 @!p0 $0x1;
	_ =	shalt  }
.Lfunc_end2:
_tile_overlayer_lowered:
.L_overlay_start_2:
0x389: {  	(tag) =	ssettag $0x2  }
0x38a: {  	s0 =	rddreg [dreg:$0x0];
	s2 =	stileid.u32  }
0x38b: {  	s1 =	rddreg [dreg:$0x1];
	p0 =	sne.s32 s2, $0x0  }
0x38c: {  	s3 =	rddreg [dreg:$0x2];
	[bflag:$0x3] =	sbarrier.arrive $0xFFFF;
	s2 =	simm.s32 @!p0 $0x1C03  }
0x38d: {  	[timem:s3], [sflag:s2] =	dma.local @!p0 [hbm:s0], s1  }
0x38e: {  	s0 =	simm.s32 @!p0 $0x3  }
0x38f: {  	_ =	swait.ge @!p0 [sflag:s0], s1  }
0x390: {  	s1 =	ssub.s32 @!p0 $0x0, s1;
	[sflag:s0] =	ssyncset.done @!p0 $0x0  }
0x391: {  	[sflag:s0] =	ssyncadd.s32 @!p0 s1  }
0x392: {  	[bflag:$0x3] =	sbarrier.arrive $0xFFFF  }
0x393: {  	_ =	shalt  }

// kernel: sparse-core-data-format-call.cloned.1.call-start
scs
called_computation_lowered:
.L_overlay_start_0:
0x0: {  	s2 =	sld [smem:$0x3FD9]  }
0x1: {  	s3 =	sld [smem:$0x3FFE];
	_ =	sdelay $0x1  }
0x2: {  	s1 =	srdreg.scid  }
0x3: {  	s0 =	sand.u32 $0x1, s1  }
0x4: {  	s18 =	sshll.u32 s0, $0xA;
	s2 =	sadd.s32 s3, s2  }
0x5: {  	s2 =	sadd.s32 s2, s18  }
0x6: {  	[smem:$0x3FC6] =	sst s2  }
0x7: {  	_ = 	snop  }
0x8: {  	s2 =	sld [smem:$0x3FD0];
	(tm) =	ssettm $0x1  }
0x9: {  	s19 =	sld [smem:$0x3FFB];
	_ =	sdelay $0x3  }
0xa: {  	_ =	strace s19  }
0xb: {  	s3 =	sld [smem:$0x3FFC];
	_ =	sdelay $0x3  }
0xc: {  	_ =	strace s3  }
0xd: {  	s3 =	sld [smem:$0x3FFD];
	_ =	sdelay $0x3  }
0xe: {  	_ =	strace s3  }
0xf: {  	_ =	strace $0x8FFFFFFF  }
0x10: {  	s20 =	sld [smem:$0x3FDB];
	_ =	sdelay $0x1  }
0x11: {  	s4 =	simm.s32 $_scs_section_size  }
0x12: {  	s5 =	simm.s32 $_size__tile_overlayer_lowered;
	s6 =	simm.s32 $_tile_overlayer_lowered  }
0x13: {  	s23 =	simm.s32 $0x1BFF;
	s22 =	sshll.u32 s6, $0x1;
	s3 =	sadd.s32 s4, s20  }
0x14: {  	s7 =	simm.s32 $0x0;
	s21 =	sshll.u32 s5, $0x1;
	s5 =	sadd.s32 s22, s3  }
0x15: {  	[timem:s7], [sflag:s23] =	dma.local [hbm:s5], s21  }
0x16: {  	_ =	swait.ge [sflag:s23], s21  }
0x17: {  	s4 =	ssub.s32 $0x0, s21;
	[sflag:s23] =	ssyncset.done $0x0  }
0x18: {  	[sflag:s23] =	ssyncadd.s32 s4;
	_ =	sdelay $0x1  }
0x19: {  	s24 =	simm.s32 $0x1B8B  }
0x1a: {  	_ =	swait.ge [sflag:s24], $0x1  }
0x1b: {  	[sflag:s24] =	ssyncset.done $0x0  }
0x1c: {  	s26 =	simm.s32 $0x1B8E;
	s25 =	sld [smem:$0x3FFE];
	[sflag:s24] =	ssyncadd.s32 $0xFFFFFFFF  }
0x1d: {  	s27 =	simm.s32 $execute0_lowered;
	[smem:$0x3FD2] =	sst s26  }
0x1e: {  	s5 =	sshll.u32 s27, $0x1;
	_ =	strace $0x80000049;
	[dreg:$0x1] =	wrdreg $0xFFFFFFFF  }
0x1f: {  	s28 =	simm.s32 $_size_execute0_lowered;
	s3 =	sadd.s32 s3, s5;
	[dreg:$0x0] =	wrdreg $0x0  }
0x20: {  	s5 =	sshll.u32 s28, $0x1;
	[dreg:$0x2] =	wrdreg s3  }
0x21: {  	[dreg:$0x3] =	wrdreg s5  }
0x22: {  	[dreg:$0x4] =	wrdreg $0xC0  }
0x23: {  	_ =	task [dreg:s7], $0x5FFFF  }
0x24: {  	[dreg:$0x1] =	wrdreg $0xFFFFFFFF  }
0x25: {  	[dreg:$0x0] =	wrdreg $0x60  }
0x26: {  	[dreg:$0x2] =	wrdreg s25  }
0x27: {  	[dreg:$0x3] =	wrdreg s2  }
0x28: {  	[dreg:$0x4] =	wrdreg $0x9  }
0x29: {  	_ =	task.clear_ibuf [dreg:s7], $0x5FFFF;
	_ =	strace $0x90000049  }
0x2a: {  	s29 =	simm.s32 $0x9;
	_ =	strace $0x8000004B  }
0x2b: {  	_ =	swait.ge [sflag:s29], $0x1  }
0x2c: {  	[sflag:s29] =	ssyncadd.s32 $0xFFFFFFFF  }
0x2d: {  	_ =	strace $0x9000004B  }
0x2e: {  	_ =	sfence  }
0x2f: {  	s30 =	sld [smem:$0x0];
	_ =	sdelay $0x2  }
0x30: {  	s31 =	sshll.u32 s1, $0xD;
	s1 =	sshrl.u32 s1, $0x2  }
0x31: {  	s3 =	sand.u32 $0x4000, s31;
	s1 =	sadd.s32 s1, s30  }
0x32: {  	s0 =	sor.u32 s3, s0;
	s1 =	sshll.u32 s1, $0x11  }
0x33: {  	s0 =	sor.u32 s1, s0  }
0x34: {  	s0 =	sadd.s32 $0x8F2B, s0  }
0x35: {  	[sflag:s0] =	ssyncadd.remote.s32 $0x1  }
0x36: {  	_ =	sfence.sel $0xFFFF  }
0x37: {  	[dreg:$0x0] =	wrdreg $0xFFFFFFFF;
	(pc) =	sbr.abs _section_cstart, $3  }
0x38: {  	[dreg:$0x1] =	wrdreg $0xFFFFFFFF  }
0x39: {  	_ =	task.clear_ibuf [dreg:s7], $0x2FFFF;
	_ =	strace $0x9FFFFFFF  }
0x3a: {  	(tm) =	ssettm $0x7FFFFFFF  }
0x3b: {  	_ =	shalt  }
tec
execute0_lowered:
.L_overlay_start_1:
0x0: {  	(tag) =	ssettag $0x1  }
0x1: {  	s1 =	rddreg [dreg:$0x0]  }
0x2: {  	s2 =	rddreg [dreg:$0x1]  }
0x3: {  	s0 =	rddreg [dreg:$0x2]  }
0x4: {  	s3 =	srdreg.scid;
	_ =	strace $0x8000004A;
	s5 =	simm.s32 $0x1  }
0x5: {  	s7 =	simm.s32 $0x2;
	s13 =	simm.s32 $0x0;
	p0 =	por $0x0, $0x0  }
0x6: {  	s8 =	simm.s32 $0x80;
	s14 =	simm.s32 $0x0;
	s15 =	simm.s32 $0x0  }
.Ltmp0:
0x7: {  	s10 =	simm.s32 $0x0;
	s4 =	sshll.u32 s3, $0x4;
	(pc) =	sbr.rel .LBB1_1-.Ltmp0, $4  }
0x8: {  	s3 =	sadd.s32 $0x160800, s1;
	s1 =	stileid.u32;
	s4 =	sand.u32 $0x10, s4  }
0x9: {  	s9 =	simm.s32 $0x0;
	[sflag:s5] =	ssyncpa.u1 $0x0;
	s6 =	sor.u32 s1, s4  }
0xa: {  	[sflag:s7] =	ssyncpa.u1 $0x0;
	s4 =	sand.u32 $0x3, s1;
	s6 =	sshrl.u32 s6, $0x2  }
0xb: {  	s7 =	simm.s32 $0x20;
	s12 =	smov.u32 s4;
	s11 =	smov.u32 s6  }
.LBB1_9:
0xc: {  	s16 =	sadd.s32 $0x2, s10  }
0xd: {  	s13 =	sadd.s32 $0x8, s11;
	s17 =	smov.u32 s11;
	p2 =	sgt.s32 s16, $0x1F  }
0xe: {  	s17 =	smov.u32 @p2 s13  }
0xf: {  	s19 =	smov.u32 s12;
	s13 =	sadd.s32 $0x4, s12;
	p3 =	sgt.s32 s17, $0x7  }
0x10: {  	p1 =	slt.u32 s9, $0x2;
	s19 =	smov.u32 @p3 s13  }
0x11: {  	s9 =	sadd.s32 $0x1, s9;
	s16 =	simm.s32 @p2 $0x0;
	p2 =	sgt.s32 s19, $0x3  }
0x12: {  	s19 =	smov.u32 @p2 s4;
	p2 =	sne.s32 s9, $0x12  }
.Ltmp1:
0x13: {  	s18 =	simm.s32 @!p1 $0x2;
	(pc) =	sbr.rel @!p2 .LBB1_10-.Ltmp1, $4  }
0x14: {  	s14 =	smov.u32 s11;
	_ =	swait.ge @!p1 [sflag:s18], $0x4000  }
0x15: {  	s15 =	smov.u32 s12;
	p0 =	por !p0, !p0;
	[sflag:s18] =	ssyncset.done @!p1 $0x0  }
0x16: {  	s17 =	smov.u32 @p3 s6;
	s13 =	smov.u32 s10;
	[sflag:s18] =	ssyncadd.s32 @!p1 $0xFFFFC000  }
0x17: {  	s10 =	smov.u32 s16;
	s11 =	smov.u32 s17;
	s12 =	smov.u32 s19  }
.LBB1_1:
0x18: {  	p1 =	sgt.u32 s9, $0xF  }
0x19: {  	s16 =	sxor.u32 @!p1 $0xFFFFFFFF, s9;
	s17 =	sshll.u32 @!p1 s12, $0x16  }
0x1a: {  	s18 =	sshll.u32 @!p1 s11, $0x13;
	s16 =	sshll.u32 @!p1 s16, $0xE;
	s17 =	sadd.s32 @!p1 s3, s17  }
0x1b: {  	s19 =	sshll.u32 @!p1 s10, $0xE;
	s16 =	sand.u32 @!p1 $0x4000, s16;
	s17 =	sadd.s32 @!p1 s18, s17  }
0x1c: {  	s18 =	simm.s32 @!p1 $0x8;
	s17 =	sadd.s32 @!p1 s19, s17;
	s19 =	simm.s32 @!p1 $0x80  }
0x1d: {  	[tilespmem:s16], [sflag:$0x1] =	stream.strided.gather @!p1 [hbm4b:s17+s18], $0x4000, s19, s18, $0x38;
	[tilespmem:$0x10400] =	vst v63  }
0x1e: {  	p1 =	seq.s32 s9, $0x0  }
0x1f: {  	p2 =	seq.s32 @!p1 s9, $0x11  }
0x20: {  	p1 =	por p1, p2  }
.Ltmp2:
0x21: {  	_ = 	snop;
	(pc) =	sbr.rel @p1 .LBB1_9-.Ltmp2, $1  }
0x22: {  	_ =	sdelay $0x3  }
0x23: {  	s16 =	simm.s32 $0x1;
	s18 =	sand.u32 $0x1, s9  }
0x24: {  	_ =	swait.ge [sflag:s5], $0x4000;
	s16 =	simm.s32 @!p0 $0x0;
	s18 =	smul.u32 $0x10800, s18  }
0x25: {  	p2 =	por $0x1, $0x1;
	[sflag:s5] =	ssyncset.done $0x0;
	s17 =	smul.u32 $0x10800, s16  }
0x26: {  	s19 =	sshll.u32 s16, $0x10;
	[sflag:s5] =	ssyncadd.s32 $0xFFFFC000;
	s30 =	sshrl.u32 s18, $0x2  }
0x27: {  	s31 =	sshrl.u32 s19, $0x2;
	s19 =	simm.s32 $0x0;
	s17 =	sshrl.u32 s17, $0x2  }
0x28: {  	s16 =	sor.u32 $0x8000, s30;
	s18 =	sadd.s32 $0x20, s31;
	s17 =	sadd.s32 $0x8007, s17  }
.LBB1_3:
0x29: {  	s20 =	smul.u32 $0x8400, s19  }
0x2a: {  	s31 =	sshll.u32 s19, $0xF  }
0x2b: {  	p1 =	por p2, p2;
	s21 =	sshra.s32 s31, $0x2;
	s20 =	sshra.s32 s20, $0x2  }
0x2c: {  	s19 =	sadd.s32 s20, s17;
	s20 =	sadd.s32 s21, s18;
	s21 =	simm.s32 $0x0  }
.LBB1_4:
0x2d: {  	v0 =	vld.msk [tilespmem:s20+$0xFFFFFFE0], $0xff;
	_ =	sdelay $0x4  }
0x2e: {  	[tilespmem:s19+$0xFFFFFFF9 ss:$0x21] =	vst.msk $0xff, v0  }
0x2f: {  	v0 =	vld.msk [tilespmem:s20+$0xFFFFFFE8], $0xff;
	_ =	sdelay $0x4  }
0x30: {  	[tilespmem:s19+$0xFFFFFFFA ss:$0x21] =	vst.msk $0xff, v0  }
0x31: {  	s23 =	sadd.s32 $0x40, s20;
	v0 =	vld.msk [tilespmem:s20+$0xFFFFFFF0], $0xff  }
0x32: {  	v1 =	vld.msk [tilespmem:s23+$0xFFFFFFE0], $0xff;
	_ =	sdelay $0x3  }
0x33: {  	s22 =	sadd.s32 $0x8, s19;
	[tilespmem:s19+$0xFFFFFFFB ss:$0x21] =	vst.msk $0xff, v0  }
0x34: {  	[tilespmem:s22+$0xFFFFFFF9 ss:$0x21] =	vst.msk $0xff, v1;
	v0 =	vld.msk [tilespmem:s20+$0xFFFFFFF8], $0xff  }
0x35: {  	v1 =	vld.msk [tilespmem:s23+$0xFFFFFFE8], $0xff;
	_ =	sdelay $0x3  }
0x36: {  	[tilespmem:s19+$0xFFFFFFFC ss:$0x21] =	vst.msk $0xff, v0  }
0x37: {  	[tilespmem:s22+$0xFFFFFFFA ss:$0x21] =	vst.msk $0xff, v1;
	v0 =	vld.msk [tilespmem:s20+$0x0], $0xff  }
0x38: {  	s24 =	sadd.s32 $0x40, s23;
	v1 =	vld.msk [tilespmem:s23+$0xFFFFFFF0], $0xff  }
0x39: {  	v2 =	vld.msk [tilespmem:s24+$0xFFFFFFE0], $0xff;
	_ =	sdelay $0x2  }
0x3a: {  	[tilespmem:s19+$0xFFFFFFFD ss:$0x21] =	vst.msk $0xff, v0  }
0x3b: {  	s25 =	sadd.s32 $0x8, s22;
	[tilespmem:s22+$0xFFFFFFFB ss:$0x21] =	vst.msk $0xff, v1;
	v0 =	vld.msk [tilespmem:s20+$0x8], $0xff  }
0x3c: {  	[tilespmem:s25+$0xFFFFFFF9 ss:$0x21] =	vst.msk $0xff, v2;
	v1 =	vld.msk [tilespmem:s23+$0xFFFFFFF8], $0xff  }
0x3d: {  	v2 =	vld.msk [tilespmem:s24+$0xFFFFFFE8], $0xff;
	_ =	sdelay $0x2  }
0x3e: {  	[tilespmem:s19+$0xFFFFFFFE ss:$0x21] =	vst.msk $0xff, v0  }
0x3f: {  	[tilespmem:s22+$0xFFFFFFFC ss:$0x21] =	vst.msk $0xff, v1;
	v0 =	vld.msk [tilespmem:s20+$0x10], $0xff  }
0x40: {  	s28 =	simm.s32 $0x10;
	s26 =	smov.u32 s19;
	[tilespmem:s25+$0xFFFFFFFA ss:$0x21] =	vst.msk $0xff, v2;
	v1 =	vld.msk [tilespmem:s23+$0x0], $0xff  }
0x41: {  	s27 =	smov.u32 s20;
	s29 =	sadd.s32 $0x40, s24;
	s30 =	smov.u32 s25;
	v2 =	vld.msk [tilespmem:s24+$0xFFFFFFF0], $0xff  }
.LBB1_5:
0x42: {  	v3 =	vld.msk [tilespmem:s29+$0xFFFFFFE0], $0xff;
	s28 =	sadd.s32 $0x8, s28  }
0x43: {  	p2 =	slt.u32 s28, $0x18  }
0x44: {  	[tilespmem:s26+$0xFFFFFFFF ss:$0x21] =	vst.msk $0xff, v0  }
0x45: {  	[tilespmem:s22+$0xFFFFFFFD ss:$0x21] =	vst.msk $0xff, v1;
	v0 =	vld.msk [tilespmem:s27+$0x18], $0xff;
	s27 =	smov.u32 s23;
	s23 =	smov.u32 s24;
	s24 =	smov.u32 s29  }
0x46: {  	s30 =	sadd.s32 $0x8, s30;
	[tilespmem:s25+$0xFFFFFFFB ss:$0x21] =	vst.msk $0xff, v2;
	v1 =	vld.msk [tilespmem:s27+$0x8], $0xff  }
0x47: {  	[tilespmem:s30+$0xFFFFFFF9 ss:$0x21] =	vst.msk $0xff, v3;
	v2 =	vld.msk [tilespmem:s23+$0xFFFFFFF8], $0xff  }
0x48: {  	v3 =	vld.msk [tilespmem:s29+$0xFFFFFFE8], $0xff;
	_ =	sdelay $0x1  }
.Ltmp3:
0x49: {  	[tilespmem:s26+$0x0 ss:$0x21] =	vst.msk $0xff, v0;
	s26 =	smov.u32 s22;
	s22 =	smov.u32 s25;
	(pc) =	sbr.rel @p2 .LBB1_5-.Ltmp3, $4  }
0x4a: {  	s25 =	smov.u32 s30;
	[tilespmem:s26+$0xFFFFFFFE ss:$0x21] =	vst.msk $0xff, v1  }
0x4b: {  	[tilespmem:s22+$0xFFFFFFFC ss:$0x21] =	vst.msk $0xff, v2;
	v0 =	vld.msk [tilespmem:s27+$0x10], $0xff  }
0x4c: {  	[tilespmem:s30+$0xFFFFFFFA ss:$0x21] =	vst.msk $0xff, v3;
	v1 =	vld.msk [tilespmem:s23+$0x0], $0xff  }
0x4d: {  	s29 =	sadd.s32 $0x40, s29;
	v2 =	vld.msk [tilespmem:s24+$0xFFFFFFF0], $0xff  }
0x4e: {  	_ =	sdelay $0x3  }
0x4f: {  	[tilespmem:s25+$0xFFFFFFFB ss:$0x21] =	vst.msk $0xff, v2  }
0x50: {  	v2 =	vld.msk [tilespmem:s24+$0xFFFFFFF8], $0xff;
	_ =	sdelay $0x4  }
0x51: {  	[tilespmem:s25+$0xFFFFFFFC ss:$0x21] =	vst.msk $0xff, v2  }
0x52: {  	v2 =	vld.msk [tilespmem:s24+$0x0], $0xff;
	_ =	sdelay $0x3  }
0x53: {  	[tilespmem:s22+$0xFFFFFFFD ss:$0x21] =	vst.msk $0xff, v1  }
0x54: {  	v1 =	vld.msk [tilespmem:s23+$0x8], $0xff;
	[tilespmem:s25+$0xFFFFFFFD ss:$0x21] =	vst.msk $0xff, v2  }
0x55: {  	v2 =	vld.msk [tilespmem:s24+$0x8], $0xff;
	_ =	sdelay $0x3  }
0x56: {  	[tilespmem:s22+$0xFFFFFFFE ss:$0x21] =	vst.msk $0xff, v1  }
0x57: {  	v1 =	vld.msk [tilespmem:s23+$0x10], $0xff;
	[tilespmem:s25+$0xFFFFFFFE ss:$0x21] =	vst.msk $0xff, v2  }
0x58: {  	v2 =	vld.msk [tilespmem:s24+$0x10], $0xff;
	_ =	sdelay $0x2  }
0x59: {  	[tilespmem:s26+$0xFFFFFFFF ss:$0x21] =	vst.msk $0xff, v0  }
0x5a: {  	v0 =	vld.msk [tilespmem:s27+$0x18], $0xff;
	[tilespmem:s22+$0xFFFFFFFF ss:$0x21] =	vst.msk $0xff, v1  }
0x5b: {  	s21 =	sadd.s32 $0x1, s21;
	v1 =	vld.msk [tilespmem:s23+$0x18], $0xff;
	[tilespmem:s25+$0xFFFFFFFF ss:$0x21] =	vst.msk $0xff, v2  }
0x5c: {  	p2 =	sne.s32 s21, $0x20;
	v2 =	vld.msk [tilespmem:s24+$0x18], $0xff  }
.Ltmp4:
0x5d: {  	_ = 	snop;
	(pc) =	sbr.rel @p2 .LBB1_4-.Ltmp4, $4  }
0x5e: {  	_ = 	snop  }
0x5f: {  	[tilespmem:s26+$0x0 ss:$0x21] =	vst.msk $0xff, v0  }
0x60: {  	[tilespmem:s22+$0x0 ss:$0x21] =	vst.msk $0xff, v1  }
0x61: {  	s19 =	sadd.s32 $0x108, s19;
	s20 =	sadd.s32 $0x100, s20;
	[tilespmem:s25+$0x0 ss:$0x21] =	vst.msk $0xff, v2  }
.Ltmp5:
0x62: {  	(pc) =	sbr.rel @p1 .LBB1_3-.Ltmp5, $2  }
0x63: {  	_ =	sdelay $0x2  }
0x64: {  	s19 =	simm.s32 $0x1;
	p2 =	por $0x0, $0x0  }
.Ltmp6:
0x65: {  	s15 =	sshll.u32 s15, $0x14;
	(pc) =	sbr.rel .LBB1_9-.Ltmp6, $4  }
0x66: {  	s14 =	sshll.u32 s14, $0x11;
	s15 =	sadd.s32 s2, s15  }
0x67: {  	s13 =	sshll.u32 s13, $0xC;
	s14 =	sadd.s32 s14, s15  }
0x68: {  	s13 =	sadd.s32 s13, s14  }
0x69: {  	[hbm4b:s13+s7] =	stream.strided.scatter [tilespmem:s16], [sflag:$0x2], $0x4000, s8, s7, $0x10;
	[tilespmem:$0x10400] =	vst v63  }
.LBB1_10:
0x6a: {  	_ =	sfence.sel $0x180000  }
0x6b: {  	s2 =	simm.s32 $0x1;
	[bflag:$0x0] =	sbarrier.arrive $0xFFFF  }
0x6c: {  	s31 =	simm.s32 $0x2;
	[sflag:s2] =	ssyncpa.u1 $0x1  }
0x6d: {  	[sflag:s31] =	ssyncpa.u1 $0x1  }
0x6e: {  	p0 =	sne.s32 s1, $0x0;
	_ =	strace $0x9000004A  }
0x6f: {  	s0 =	sadd.s32 @!p0 $0x100000, s0;
	[bflag:$0x2] =	sbarrier.arrive $0xFFFF  }
0x70: {  	[sflag:s0] =	ssyncadd.tile.s32 @!p0 $0x1;
	_ =	shalt  }
.Lfunc_end1:
_tile_overlayer_lowered:
.L_overlay_start_2:
0x71: {  	(tag) =	ssettag $0x2  }
0x72: {  	s0 =	rddreg [dreg:$0x0];
	s2 =	stileid.u32  }
0x73: {  	s1 =	rddreg [dreg:$0x1];
	p0 =	sne.s32 s2, $0x0  }
0x74: {  	s3 =	rddreg [dreg:$0x2];
	[bflag:$0x3] =	sbarrier.arrive $0xFFFF;
	s2 =	simm.s32 @!p0 $0x1C01  }
0x75: {  	[timem:s3], [sflag:s2] =	dma.local @!p0 [hbm:s0], s1  }
0x76: {  	s0 =	simm.s32 @!p0 $0x1  }
0x77: {  	_ =	swait.ge @!p0 [sflag:s0], s1  }
0x78: {  	s1 =	ssub.s32 @!p0 $0x0, s1;
	[sflag:s0] =	ssyncset.done @!p0 $0x0  }
0x79: {  	[sflag:s0] =	ssyncadd.s32 @!p0 s1  }
0x7a: {  	[bflag:$0x3] =	sbarrier.arrive $0xFFFF  }
0x7b: {  	_ =	shalt  }

</sc_bundles>
